<compile_context>
chip_gen: v7x
topology: tpu7x:2x2x1
jax: 0.10.2.dev20260603
libtpu: 0.0.44.dev20260713+nightly
codegen_flags: <defaults>
</compile_context>

<pallas_src>
import jax
import jax.numpy as jnp
from jax import lax
from jax.experimental import pallas as pl
from jax.experimental.pallas import tpu as pltpu
from jax.experimental.pallas import tpu_sc as plsc

BASE_RATIO = 0.25
FINAL_RATIO = 0.5
EPOCHS_TOTAL = 100

B0, N0, C0, L = 8, 16, 32, 8192
R = B0 * N0 * C0
NLANE = 16
NCH = L // NLANE
NCORES = 2
NSUB = 16
NW = NCORES * NSUB
RPW = R // NW

MASK31 = 0x7FFFFFFF


def _suffix(v):
    incl = lax.rev(plsc.cumsum(lax.rev(v, (0,))), (0,))
    return incl, incl - v


def _scan_stage(fine_ref, k, iota16):
    tvec = plsc.load_gather(fine_ref, [iota16 * NLANE])
    for j in range(1, NLANE):
        tvec = tvec + plsc.load_gather(fine_ref, [iota16 * NLANE + j])
    incl, excl = _suffix(tvec)
    hit = (excl < k) & (incl >= k)
    c1 = jnp.max(jnp.where(hit, excl * NLANE + iota16, -1))
    istar = c1 & (NLANE - 1)
    k2 = k - (c1 >> 4)
    v = fine_ref[pl.ds(istar * NLANE, NLANE)]
    incl2, excl2 = _suffix(v)
    hit2 = (excl2 < k2) & (incl2 >= k2)
    c2 = jnp.max(jnp.where(hit2, excl2 * NLANE + iota16, -1))
    return istar * NLANE + (c2 & (NLANE - 1)), k2 - (c2 >> 4)


def _sc_body(x_hbm, k_hbm, out_hbm,
             xin0, xin1, mout0, mout1, bits, kvm,
             fine_a, fine_b, fine_c, fine_d,
             insem0, insem1, outsem0, outsem1):
    wid = lax.axis_index("s") * NCORES + lax.axis_index("c")
    base = wid * RPW
    pltpu.sync_copy(k_hbm, kvm)
    k0 = jnp.max(kvm[...])
    k0 = jnp.minimum(jnp.maximum(k0, jnp.int32(1)), jnp.int32(L))
    iota16 = lax.iota(jnp.int32, NLANE)
    ones16 = jnp.ones((NLANE,), jnp.int32)
    zeros16 = jnp.zeros((NLANE,), jnp.int32)
    insems = (insem0, insem1)
    outsems = (outsem0, outsem1)
    xins = (xin0, xin1)
    mouts = (mout0, mout1)

    pltpu.async_copy(x_hbm.at[base], xin0, insem0)

    def row_pair(r2, carry):
        for s in range(2):
            r = r2 * 2 + s

            @pl.when(r + 1 < RPW)
            def _start_next():
                pltpu.async_copy(
                    x_hbm.at[base + r + 1], xins[1 - s], insems[1 - s])

            pltpu.make_async_copy(
                x_hbm.at[base + r], xins[s], insems[s]).wait()

            @pl.when(r >= 2)
            def _drain_out():
                pltpu.make_async_copy(
                    mouts[s], out_hbm.at[base + r - 2], outsems[s]).wait()

            xrow = xins[s]
            mrow = mouts[s]

            for i in range(16):
                fine_a[pl.ds(i * NLANE, NLANE)] = zeros16
                fine_b[pl.ds(i * NLANE, NLANE)] = zeros16
                fine_c[pl.ds(i * NLANE, NLANE)] = zeros16
                fine_d[pl.ds(i * NLANE, NLANE)] = zeros16

            @plsc.parallel_loop(0, NCH, unroll=8)
            def p1(c):
                v = xrow[pl.ds(c * NLANE, NLANE)]
                b = plsc.bitcast(v, jnp.int32) & MASK31
                bits[pl.ds(c * NLANE, NLANE)] = b
                e = b >> 23
                occ, last = plsc.scan_count(e)
                plsc.addupdate_scatter(fine_a, [e], occ, mask=last)

            estar, k1 = _scan_stage(fine_a, k0, iota16)

            @plsc.parallel_loop(0, NCH, unroll=8)
            def p2(c):
                b = bits[pl.ds(c * NLANE, NLANE)]
                bkt = (b >> 15) - (estar << 8)
                m = plsc.bitcast(bkt, jnp.uint32) < 256
                plsc.addupdate_scatter(fine_b, [bkt], ones16, mask=m)

            b2star, k2 = _scan_stage(fine_b, k1, iota16)
            p16 = (estar << 8) | b2star

            @plsc.parallel_loop(0, NCH, unroll=8)
            def p3(c):
                b = bits[pl.ds(c * NLANE, NLANE)]
                bkt = (b >> 7) - (p16 << 8)
                m = plsc.bitcast(bkt, jnp.uint32) < 256
                plsc.addupdate_scatter(fine_c, [bkt], ones16, mask=m)

            b3star, k3 = _scan_stage(fine_c, k2, iota16)
            p24 = (p16 << 8) | b3star

            @plsc.parallel_loop(0, NCH, unroll=8)
            def p4(c):
                b = bits[pl.ds(c * NLANE, NLANE)]
                bkt = b - (p24 << 7)
                m = plsc.bitcast(bkt, jnp.uint32) < 128
                plsc.addupdate_scatter(fine_d, [bkt], ones16, mask=m)

            b4star, _k4 = _scan_stage(fine_d, k3, iota16)
            tbits = (p24 << 7) | b4star

            @plsc.parallel_loop(0, NCH, unroll=8)
            def pm(c):
                b = bits[pl.ds(c * NLANE, NLANE)]
                mrow[pl.ds(c * NLANE, NLANE)] = jnp.where(
                    b >= tbits, jnp.float32(1.0), jnp.float32(0.0))

            pltpu.async_copy(mrow, out_hbm.at[base + r], outsems[s])
        return carry

    lax.fori_loop(0, RPW // 2, row_pair, 0)
    pltpu.make_async_copy(
        mout0, out_hbm.at[base + RPW - 2], outsems[0]).wait()
    pltpu.make_async_copy(
        mout1, out_hbm.at[base + RPW - 1], outsems[1]).wait()


_sc_kernel = pl.kernel(
    _sc_body,
    out_type=jax.ShapeDtypeStruct((R, L), jnp.float32),
    mesh=plsc.VectorSubcoreMesh(core_axis_name="c", subcore_axis_name="s"),
    scratch_types=[
        pltpu.VMEM((L,), jnp.float32),
        pltpu.VMEM((L,), jnp.float32),
        pltpu.VMEM((L,), jnp.float32),
        pltpu.VMEM((L,), jnp.float32),
        pltpu.VMEM((L,), jnp.int32),
        pltpu.VMEM((NLANE,), jnp.int32),
        pltpu.VMEM((256,), jnp.int32),
        pltpu.VMEM((256,), jnp.int32),
        pltpu.VMEM((256,), jnp.int32),
        pltpu.VMEM((256,), jnp.int32),
        pltpu.SemaphoreType.DMA,
        pltpu.SemaphoreType.DMA,
        pltpu.SemaphoreType.DMA,
        pltpu.SemaphoreType.DMA,
    ],
    compiler_params=pltpu.CompilerParams(needs_layout_passes=False),
)


def kernel(x, epoch):
    ratio = BASE_RATIO + (FINAL_RATIO - BASE_RATIO) * jnp.minimum(
        1.0, epoch / (EPOCHS_TOTAL * 0.8))
    num_mask = jnp.minimum(jnp.floor(L * ratio).astype(jnp.int32), L)
    karr = jnp.full((NLANE,), 1, jnp.int32) * num_mask
    out = _sc_kernel(x.reshape(R, L), karr)
    return out.reshape(x.shape)

# --- scband reference (transcript-rebuilt; emitter-appended) ---
"""Pipeline reference for scband-adaptive-progressive-mask-generator-8392366096623 (READ-ONLY COPY).

The authoritative reference and input builder live on the scoring server;
editing this copy changes nothing except your own understanding.
"""

import jax, jax.numpy as jnp
import numpy as np

BASE_MASK_RATIO = 0.25
FINAL_MASK_RATIO = 0.5
TOTAL_EPOCHS = 100


def setup_inputs(seed: int = 0) -> dict:
    key = jax.random.key(seed)
    x = jax.random.normal(key, (8, 16, 32, 8192), dtype=jnp.float32)
    epoch = 50
    return {"x": x, "epoch": epoch}


def reference(x, epoch):
    current_ratio = BASE_MASK_RATIO + (FINAL_MASK_RATIO - BASE_MASK_RATIO) * jnp.minimum(1.0, epoch / (TOTAL_EPOCHS * 0.8))
    B, N, C, L = x.shape
    num_mask = jnp.minimum(jnp.floor(L * current_ratio).astype(jnp.int32), L)
    scores = jnp.abs(x)
    _, indices = jax.lax.top_k(scores, L)
    flat_idx = indices.reshape(-1, L)
    rows = jnp.arange(flat_idx.shape[0])[:, None]
    valid = (jnp.arange(L) < num_mask).astype(x.dtype)
    mask_flat = jnp.zeros((flat_idx.shape[0], L), dtype=x.dtype).at[rows, flat_idx].set(jnp.broadcast_to(valid, (flat_idx.shape[0], L)))
    mask = mask_flat.reshape(B, N, C, L)
    return mask

if __name__ == "__main__":
    import jax
    _d = setup_inputs()
    print(jax.jit(kernel)(*tuple(_d.values())))

</pallas_src>

<mosaic_0001>
#map = affine_map<(d0, d1) -> (0, 0)>
#map1 = affine_map<(d0, d1) -> (0)>
module attributes {stable_mosaic.version = 14 : i64} {
  func.func @_sc_body(%arg0: i32, %arg1: i32, %arg2: memref<4096x8192xf32, #tpu.memory_space<hbm>>, %arg3: memref<16xi32, #tpu.memory_space<hbm>>, %arg4: memref<4096x8192xf32, #tpu.memory_space<hbm>>, %arg5: memref<8192xf32, #tpu.memory_space<vmem>>, %arg6: memref<8192xf32, #tpu.memory_space<vmem>>, %arg7: memref<8192xf32, #tpu.memory_space<vmem>>, %arg8: memref<8192xf32, #tpu.memory_space<vmem>>, %arg9: memref<8192xi32, #tpu.memory_space<vmem>>, %arg10: memref<16xi32, #tpu.memory_space<vmem>>, %arg11: memref<256xi32, #tpu.memory_space<vmem>>, %arg12: memref<256xi32, #tpu.memory_space<vmem>>, %arg13: memref<256xi32, #tpu.memory_space<vmem>>, %arg14: memref<256xi32, #tpu.memory_space<vmem>>, %arg15: memref<!tpu.dma_semaphore, #tpu.memory_space<semaphore_mem>>, %arg16: memref<!tpu.dma_semaphore, #tpu.memory_space<semaphore_mem>>, %arg17: memref<!tpu.dma_semaphore, #tpu.memory_space<semaphore_mem>>, %arg18: memref<!tpu.dma_semaphore, #tpu.memory_space<semaphore_mem>>) attributes {dimension_semantics = [#tpu.dimension_semantics<core_parallel>, #tpu.dimension_semantics<subcore_parallel>], iteration_bounds = array<i64: 2, 16>, scalar_prefetch = 0 : i64, scratch_operands = 14 : i64, tpu.core_type = #tpu.core_type<sc_vector_subcore>, window_params = [{transform_indices = #map}, {transform_indices = #map1}, {transform_indices = #map}]} {
    %mul3A = arith.constant 2 : i32
    %mul3A_0 = arith.muli %arg1, %mul3A : i32
    %add3A = arith.addi %mul3A_0, %arg0 : i32
    %mul3A_1 = arith.constant 128 : i32
    %mul3A_2 = arith.muli %add3A, %mul3A_1 : i32
    "tpu.region"() ({
      %run_scoped3A = tpu.sem_alloc : memref<!tpu.dma_semaphore, #tpu.memory_space<semaphore_mem>>
      tpu.enqueue_dma source(%arg3 : memref<16xi32, #tpu.memory_space<hbm>>) target(%arg10 : memref<16xi32, #tpu.memory_space<vmem>>) target_semaphore(%run_scoped3A : memref<!tpu.dma_semaphore, #tpu.memory_space<semaphore_mem>>)
      tpu.wait_dma2 semaphore(%run_scoped3A : memref<!tpu.dma_semaphore, #tpu.memory_space<semaphore_mem>>) src(%arg3 : memref<16xi32, #tpu.memory_space<hbm>>) dst(%arg10 : memref<16xi32, #tpu.memory_space<vmem>>)
      tpu.yield
    }) : () -> ()
    %get3A = arith.constant 0 : index
    %get3A_3 = tpu.vector_load %arg10[%get3A] {strides = array<i32>} : memref<16xi32, #tpu.memory_space<vmem>>, vector<16xi32>,
    %reduce_max3A = arith.constant true
    %reduce_max3A_4 = vector.broadcast %reduce_max3A : i1 to vector<16xi1>
    %reduce_max3A_5 = arith.constant -2147483648 : i32
    %reduce_max3A_6 = vector.broadcast %reduce_max3A_5 : i32 to vector<16xi32>
    %reduce_max3A_7 = arith.xori %get3A_3, %reduce_max3A_6 : vector<16xi32>
    %reduce_max3A_8 = tpu.scan <max>, %reduce_max3A_7 masked %reduce_max3A_4 : vector<16xi32>, vector<16xi1> -> vector<16xi32>
    %reduce_max3A_9 = arith.xori %reduce_max3A_8, %reduce_max3A_6 : vector<16xi32>
    %reduce_max3A_10 = vector.extract %reduce_max3A_9[15] : i32 from vector<16xi32>
    %max3A = arith.constant 1 : i32
    %max3A_11 = arith.maxsi %reduce_max3A_10, %max3A : i32
    %min3A = arith.constant 8192 : i32
    %min3A_12 = arith.minsi %max3A_11, %min3A : i32
    %iota3A = tpu.iota {dimensions = array<i32: 0>} : vector<16xi32>
    %broadcast_in_dim3A = arith.constant 1 : i32
    %broadcast_in_dim3A_13 = vector.broadcast %broadcast_in_dim3A : i32 to vector<16xi32>
    %broadcast_in_dim3A_14 = arith.constant 0 : i32
    %broadcast_in_dim3A_15 = vector.broadcast %broadcast_in_dim3A_14 : i32 to vector<16xi32>
    %dma_start3A = arith.constant 0 : i32
    %dma_start3A_16 = tpu.memref_slice %arg2[%mul3A_2, %dma_start3A] : memref<4096x8192xf32, #tpu.memory_space<hbm>> -> memref<1x8192xf32, #tpu.memory_space<hbm>>
    %dma_start3A_17 = tpu.memref_squeeze %dma_start3A_16 : memref<1x8192xf32, #tpu.memory_space<hbm>> -> memref<8192xf32, #tpu.memory_space<hbm>>
    %dma_start3A_18 = arith.constant 0 : i32
    %dma_start3A_19 = tpu.memref_slice %arg2[%mul3A_2, %dma_start3A_18] : memref<4096x8192xf32, #tpu.memory_space<hbm>> -> memref<1x8192xf32, #tpu.memory_space<hbm>>
    %dma_start3A_20 = tpu.memref_squeeze %dma_start3A_19 : memref<1x8192xf32, #tpu.memory_space<hbm>> -> memref<8192xf32, #tpu.memory_space<hbm>>
    tpu.enqueue_dma source(%dma_start3A_20 : memref<8192xf32, #tpu.memory_space<hbm>>) target(%arg5 : memref<8192xf32, #tpu.memory_space<vmem>>) target_semaphore(%arg15 : memref<!tpu.dma_semaphore, #tpu.memory_space<semaphore_mem>>)
    %scan3A = arith.constant 0 : i32
    %scan3A_21 = arith.constant 0 : i32
    %scan3A_22 = arith.constant 64 : i32
    %scan3A_23 = arith.addi %scan3A_21, %scan3A_22 : i32
    %scan3A_24 = arith.constant 1 : i32
    scf.for %scan3A_44 = %scan3A_21 to %scan3A_23 step %scan3A_24  : i32 {
      %mul3A_45 = arith.constant 2 : i32
      %mul3A_46 = arith.muli %scan3A_44, %mul3A_45 : i32
      %add3A_47 = arith.constant 0 : i32
      %add3A_48 = arith.addi %mul3A_46, %add3A_47 : i32
      %add3A_49 = arith.constant 1 : i32
      %add3A_50 = arith.addi %add3A_48, %add3A_49 : i32
      %lt3A = arith.constant 128 : i32
      %lt3A_51 = arith.cmpi slt, %add3A_50, %lt3A : i32
      %convert_element_type3A = arith.extui %lt3A_51 : i1 to i32
      %cond3A = arith.constant 0 : i32
      %cond3A_52 = arith.cmpi ne, %convert_element_type3A, %cond3A : i32
      scf.if %cond3A_52 {
        %add3A_2066 = arith.addi %mul3A_2, %add3A_48 : i32
        %add3A_2067 = arith.constant 1 : i32
        %add3A_2068 = arith.addi %add3A_2066, %add3A_2067 : i32
        %dma_start3A_2069 = arith.constant 0 : i32
        %dma_start3A_2070 = tpu.memref_slice %arg2[%add3A_2068, %dma_start3A_2069] : memref<4096x8192xf32, #tpu.memory_space<hbm>> -> memref<1x8192xf32, #tpu.memory_space<hbm>>
        %dma_start3A_2071 = tpu.memref_squeeze %dma_start3A_2070 : memref<1x8192xf32, #tpu.memory_space<hbm>> -> memref<8192xf32, #tpu.memory_space<hbm>>
        %dma_start3A_2072 = arith.constant 0 : i32
        %dma_start3A_2073 = tpu.memref_slice %arg2[%add3A_2068, %dma_start3A_2072] : memref<4096x8192xf32, #tpu.memory_space<hbm>> -> memref<1x8192xf32, #tpu.memory_space<hbm>>
        %dma_start3A_2074 = tpu.memref_squeeze %dma_start3A_2073 : memref<1x8192xf32, #tpu.memory_space<hbm>> -> memref<8192xf32, #tpu.memory_space<hbm>>
        tpu.enqueue_dma source(%dma_start3A_2074 : memref<8192xf32, #tpu.memory_space<hbm>>) target(%arg6 : memref<8192xf32, #tpu.memory_space<vmem>>) target_semaphore(%arg16 : memref<!tpu.dma_semaphore, #tpu.memory_space<semaphore_mem>>)
      } else {
      }
      %add3A_53 = arith.addi %mul3A_2, %add3A_48 : i32
      %dma_wait3A_54 = arith.constant 0 : i32
      %dma_wait3A_55 = tpu.memref_slice %arg2[%add3A_53, %dma_wait3A_54] : memref<4096x8192xf32, #tpu.memory_space<hbm>> -> memref<1x8192xf32, #tpu.memory_space<hbm>>
      %dma_wait3A_56 = tpu.memref_squeeze %dma_wait3A_55 : memref<1x8192xf32, #tpu.memory_space<hbm>> -> memref<8192xf32, #tpu.memory_space<hbm>>
      %dma_wait3A_57 = arith.constant 0 : i32
      %dma_wait3A_58 = tpu.memref_slice %arg2[%add3A_53, %dma_wait3A_57] : memref<4096x8192xf32, #tpu.memory_space<hbm>> -> memref<1x8192xf32, #tpu.memory_space<hbm>>
      %dma_wait3A_59 = tpu.memref_squeeze %dma_wait3A_58 : memref<1x8192xf32, #tpu.memory_space<hbm>> -> memref<8192xf32, #tpu.memory_space<hbm>>
      tpu.wait_dma2 semaphore(%arg15 : memref<!tpu.dma_semaphore, #tpu.memory_space<semaphore_mem>>) src(%dma_wait3A_59 : memref<8192xf32, #tpu.memory_space<hbm>>) dst(%arg5 : memref<8192xf32, #tpu.memory_space<vmem>>)
      %ge3A = arith.constant 2 : i32
      %ge3A_60 = arith.cmpi sge, %add3A_48, %ge3A : i32
      %convert_element_type3A_61 = arith.extui %ge3A_60 : i1 to i32
      %cond3A_62 = arith.constant 0 : i32
      %cond3A_63 = arith.cmpi ne, %convert_element_type3A_61, %cond3A_62 : i32
      scf.if %cond3A_63 {
        %add3A_2066 = arith.addi %mul3A_2, %add3A_48 : i32
        %sub3A_2067 = arith.constant 2 : i32
        %sub3A_2068 = arith.subi %add3A_2066, %sub3A_2067 : i32
        %dma_wait3A_2069 = arith.constant 0 : i32
        %dma_wait3A_2070 = tpu.memref_slice %arg4[%sub3A_2068, %dma_wait3A_2069] : memref<4096x8192xf32, #tpu.memory_space<hbm>> -> memref<1x8192xf32, #tpu.memory_space<hbm>>
        %dma_wait3A_2071 = tpu.memref_squeeze %dma_wait3A_2070 : memref<1x8192xf32, #tpu.memory_space<hbm>> -> memref<8192xf32, #tpu.memory_space<hbm>>
        %dma_wait3A_2072 = arith.constant 0 : i32
        %dma_wait3A_2073 = tpu.memref_slice %arg4[%sub3A_2068, %dma_wait3A_2072] : memref<4096x8192xf32, #tpu.memory_space<hbm>> -> memref<1x8192xf32, #tpu.memory_space<hbm>>
        %dma_wait3A_2074 = tpu.memref_squeeze %dma_wait3A_2073 : memref<1x8192xf32, #tpu.memory_space<hbm>> -> memref<8192xf32, #tpu.memory_space<hbm>>
        tpu.wait_dma2 semaphore(%arg17 : memref<!tpu.dma_semaphore, #tpu.memory_space<semaphore_mem>>) src(%arg7 : memref<8192xf32, #tpu.memory_space<vmem>>) dst(%dma_wait3A_2074 : memref<8192xf32, #tpu.memory_space<hbm>>)
      } else {
      }
      %swap3A = arith.constant 0 : index
      %swap3A_64 = tpu.vector_load %arg11[%swap3A] {strides = array<i32>} : memref<256xi32, #tpu.memory_space<vmem>>, vector<16xi32>,
      tpu.vector_store %arg11[%swap3A], %broadcast_in_dim3A_15 {strides = array<i32>} : memref<256xi32, #tpu.memory_space<vmem>>, vector<16xi32>,
      %swap3A_65 = arith.constant 0 : index
      %swap3A_66 = tpu.vector_load %arg12[%swap3A_65] {strides = array<i32>} : memref<256xi32, #tpu.memory_space<vmem>>, vector<16xi32>,
      tpu.vector_store %arg12[%swap3A_65], %broadcast_in_dim3A_15 {strides = array<i32>} : memref<256xi32, #tpu.memory_space<vmem>>, vector<16xi32>,
      %swap3A_67 = arith.constant 0 : index
      %swap3A_68 = tpu.vector_load %arg13[%swap3A_67] {strides = array<i32>} : memref<256xi32, #tpu.memory_space<vmem>>, vector<16xi32>,
      tpu.vector_store %arg13[%swap3A_67], %broadcast_in_dim3A_15 {strides = array<i32>} : memref<256xi32, #tpu.memory_space<vmem>>, vector<16xi32>,
      %swap3A_69 = arith.constant 0 : index
      %swap3A_70 = tpu.vector_load %arg14[%swap3A_69] {strides = array<i32>} : memref<256xi32, #tpu.memory_space<vmem>>, vector<16xi32>,
      tpu.vector_store %arg14[%swap3A_69], %broadcast_in_dim3A_15 {strides = array<i32>} : memref<256xi32, #tpu.memory_space<vmem>>, vector<16xi32>,
      %swap3A_71 = arith.constant 16 : index
      %swap3A_72 = tpu.vector_load %arg11[%swap3A_71] {strides = array<i32>} : memref<256xi32, #tpu.memory_space<vmem>>, vector<16xi32>,
      tpu.vector_store %arg11[%swap3A_71], %broadcast_in_dim3A_15 {strides = array<i32>} : memref<256xi32, #tpu.memory_space<vmem>>, vector<16xi32>,
      %swap3A_73 = arith.constant 16 : index
      %swap3A_74 = tpu.vector_load %arg12[%swap3A_73] {strides = array<i32>} : memref<256xi32, #tpu.memory_space<vmem>>, vector<16xi32>,
      tpu.vector_store %arg12[%swap3A_73], %broadcast_in_dim3A_15 {strides = array<i32>} : memref<256xi32, #tpu.memory_space<vmem>>, vector<16xi32>,
      %swap3A_75 = arith.constant 16 : index
      %swap3A_76 = tpu.vector_load %arg13[%swap3A_75] {strides = array<i32>} : memref<256xi32, #tpu.memory_space<vmem>>, vector<16xi32>,
      tpu.vector_store %arg13[%swap3A_75], %broadcast_in_dim3A_15 {strides = array<i32>} : memref<256xi32, #tpu.memory_space<vmem>>, vector<16xi32>,
      %swap3A_77 = arith.constant 16 : index
      %swap3A_78 = tpu.vector_load %arg14[%swap3A_77] {strides = array<i32>} : memref<256xi32, #tpu.memory_space<vmem>>, vector<16xi32>,
      tpu.vector_store %arg14[%swap3A_77], %broadcast_in_dim3A_15 {strides = array<i32>} : memref<256xi32, #tpu.memory_space<vmem>>, vector<16xi32>,
      %swap3A_79 = arith.constant 32 : index
      %swap3A_80 = tpu.vector_load %arg11[%swap3A_79] {strides = array<i32>} : memref<256xi32, #tpu.memory_space<vmem>>, vector<16xi32>,
      tpu.vector_store %arg11[%swap3A_79], %broadcast_in_dim3A_15 {strides = array<i32>} : memref<256xi32, #tpu.memory_space<vmem>>, vector<16xi32>,
      %swap3A_81 = arith.constant 32 : index
      %swap3A_82 = tpu.vector_load %arg12[%swap3A_81] {strides = array<i32>} : memref<256xi32, #tpu.memory_space<vmem>>, vector<16xi32>,
      tpu.vector_store %arg12[%swap3A_81], %broadcast_in_dim3A_15 {strides = array<i32>} : memref<256xi32, #tpu.memory_space<vmem>>, vector<16xi32>,
      %swap3A_83 = arith.constant 32 : index
      %swap3A_84 = tpu.vector_load %arg13[%swap3A_83] {strides = array<i32>} : memref<256xi32, #tpu.memory_space<vmem>>, vector<16xi32>,
      tpu.vector_store %arg13[%swap3A_83], %broadcast_in_dim3A_15 {strides = array<i32>} : memref<256xi32, #tpu.memory_space<vmem>>, vector<16xi32>,
      %swap3A_85 = arith.constant 32 : index
      %swap3A_86 = tpu.vector_load %arg14[%swap3A_85] {strides = array<i32>} : memref<256xi32, #tpu.memory_space<vmem>>, vector<16xi32>,
      tpu.vector_store %arg14[%swap3A_85], %broadcast_in_dim3A_15 {strides = array<i32>} : memref<256xi32, #tpu.memory_space<vmem>>, vector<16xi32>,
      %swap3A_87 = arith.constant 48 : index
      %swap3A_88 = tpu.vector_load %arg11[%swap3A_87] {strides = array<i32>} : memref<256xi32, #tpu.memory_space<vmem>>, vector<16xi32>,
      tpu.vector_store %arg11[%swap3A_87], %broadcast_in_dim3A_15 {strides = array<i32>} : memref<256xi32, #tpu.memory_space<vmem>>, vector<16xi32>,
      %swap3A_89 = arith.constant 48 : index
      %swap3A_90 = tpu.vector_load %arg12[%swap3A_89] {strides = array<i32>} : memref<256xi32, #tpu.memory_space<vmem>>, vector<16xi32>,
      tpu.vector_store %arg12[%swap3A_89], %broadcast_in_dim3A_15 {strides = array<i32>} : memref<256xi32, #tpu.memory_space<vmem>>, vector<16xi32>,
      %swap3A_91 = arith.constant 48 : index
      %swap3A_92 = tpu.vector_load %arg13[%swap3A_91] {strides = array<i32>} : memref<256xi32, #tpu.memory_space<vmem>>, vector<16xi32>,
      tpu.vector_store %arg13[%swap3A_91], %broadcast_in_dim3A_15 {strides = array<i32>} : memref<256xi32, #tpu.memory_space<vmem>>, vector<16xi32>,
      %swap3A_93 = arith.constant 48 : index
      %swap3A_94 = tpu.vector_load %arg14[%swap3A_93] {strides = array<i32>} : memref<256xi32, #tpu.memory_space<vmem>>, vector<16xi32>,
      tpu.vector_store %arg14[%swap3A_93], %broadcast_in_dim3A_15 {strides = array<i32>} : memref<256xi32, #tpu.memory_space<vmem>>, vector<16xi32>,
      %swap3A_95 = arith.constant 64 : index
      %swap3A_96 = tpu.vector_load %arg11[%swap3A_95] {strides = array<i32>} : memref<256xi32, #tpu.memory_space<vmem>>, vector<16xi32>,
      tpu.vector_store %arg11[%swap3A_95], %broadcast_in_dim3A_15 {strides = array<i32>} : memref<256xi32, #tpu.memory_space<vmem>>, vector<16xi32>,
      %swap3A_97 = arith.constant 64 : index
      %swap3A_98 = tpu.vector_load %arg12[%swap3A_97] {strides = array<i32>} : memref<256xi32, #tpu.memory_space<vmem>>, vector<16xi32>,
      tpu.vector_store %arg12[%swap3A_97], %broadcast_in_dim3A_15 {strides = array<i32>} : memref<256xi32, #tpu.memory_space<vmem>>, vector<16xi32>,
      %swap3A_99 = arith.constant 64 : index
      %swap3A_100 = tpu.vector_load %arg13[%swap3A_99] {strides = array<i32>} : memref<256xi32, #tpu.memory_space<vmem>>, vector<16xi32>,
      tpu.vector_store %arg13[%swap3A_99], %broadcast_in_dim3A_15 {strides = array<i32>} : memref<256xi32, #tpu.memory_space<vmem>>, vector<16xi32>,
      %swap3A_101 = arith.constant 64 : index
      %swap3A_102 = tpu.vector_load %arg14[%swap3A_101] {strides = array<i32>} : memref<256xi32, #tpu.memory_space<vmem>>, vector<16xi32>,
      tpu.vector_store %arg14[%swap3A_101], %broadcast_in_dim3A_15 {strides = array<i32>} : memref<256xi32, #tpu.memory_space<vmem>>, vector<16xi32>,
      %swap3A_103 = arith.constant 80 : index
      %swap3A_104 = tpu.vector_load %arg11[%swap3A_103] {strides = array<i32>} : memref<256xi32, #tpu.memory_space<vmem>>, vector<16xi32>,
      tpu.vector_store %arg11[%swap3A_103], %broadcast_in_dim3A_15 {strides = array<i32>} : memref<256xi32, #tpu.memory_space<vmem>>, vector<16xi32>,
      %swap3A_105 = arith.constant 80 : index
      %swap3A_106 = tpu.vector_load %arg12[%swap3A_105] {strides = array<i32>} : memref<256xi32, #tpu.memory_space<vmem>>, vector<16xi32>,
      tpu.vector_store %arg12[%swap3A_105], %broadcast_in_dim3A_15 {strides = array<i32>} : memref<256xi32, #tpu.memory_space<vmem>>, vector<16xi32>,
      %swap3A_107 = arith.constant 80 : index
      %swap3A_108 = tpu.vector_load %arg13[%swap3A_107] {strides = array<i32>} : memref<256xi32, #tpu.memory_space<vmem>>, vector<16xi32>,
      tpu.vector_store %arg13[%swap3A_107], %broadcast_in_dim3A_15 {strides = array<i32>} : memref<256xi32, #tpu.memory_space<vmem>>, vector<16xi32>,
      %swap3A_109 = arith.constant 80 : index
      %swap3A_110 = tpu.vector_load %arg14[%swap3A_109] {strides = array<i32>} : memref<256xi32, #tpu.memory_space<vmem>>, vector<16xi32>,
      tpu.vector_store %arg14[%swap3A_109], %broadcast_in_dim3A_15 {strides = array<i32>} : memref<256xi32, #tpu.memory_space<vmem>>, vector<16xi32>,
      %swap3A_111 = arith.constant 96 : index
      %swap3A_112 = tpu.vector_load %arg11[%swap3A_111] {strides = array<i32>} : memref<256xi32, #tpu.memory_space<vmem>>, vector<16xi32>,
      tpu.vector_store %arg11[%swap3A_111], %broadcast_in_dim3A_15 {strides = array<i32>} : memref<256xi32, #tpu.memory_space<vmem>>, vector<16xi32>,
      %swap3A_113 = arith.constant 96 : index
      %swap3A_114 = tpu.vector_load %arg12[%swap3A_113] {strides = array<i32>} : memref<256xi32, #tpu.memory_space<vmem>>, vector<16xi32>,
      tpu.vector_store %arg12[%swap3A_113], %broadcast_in_dim3A_15 {strides = array<i32>} : memref<256xi32, #tpu.memory_space<vmem>>, vector<16xi32>,
      %swap3A_115 = arith.constant 96 : index
      %swap3A_116 = tpu.vector_load %arg13[%swap3A_115] {strides = array<i32>} : memref<256xi32, #tpu.memory_space<vmem>>, vector<16xi32>,
      tpu.vector_store %arg13[%swap3A_115], %broadcast_in_dim3A_15 {strides = array<i32>} : memref<256xi32, #tpu.memory_space<vmem>>, vector<16xi32>,
      %swap3A_117 = arith.constant 96 : index
      %swap3A_118 = tpu.vector_load %arg14[%swap3A_117] {strides = array<i32>} : memref<256xi32, #tpu.memory_space<vmem>>, vector<16xi32>,
      tpu.vector_store %arg14[%swap3A_117], %broadcast_in_dim3A_15 {strides = array<i32>} : memref<256xi32, #tpu.memory_space<vmem>>, vector<16xi32>,
      %swap3A_119 = arith.constant 112 : index
      %swap3A_120 = tpu.vector_load %arg11[%swap3A_119] {strides = array<i32>} : memref<256xi32, #tpu.memory_space<vmem>>, vector<16xi32>,
      tpu.vector_store %arg11[%swap3A_119], %broadcast_in_dim3A_15 {strides = array<i32>} : memref<256xi32, #tpu.memory_space<vmem>>, vector<16xi32>,
      %swap3A_121 = arith.constant 112 : index
      %swap3A_122 = tpu.vector_load %arg12[%swap3A_121] {strides = array<i32>} : memref<256xi32, #tpu.memory_space<vmem>>, vector<16xi32>,
      tpu.vector_store %arg12[%swap3A_121], %broadcast_in_dim3A_15 {strides = array<i32>} : memref<256xi32, #tpu.memory_space<vmem>>, vector<16xi32>,
      %swap3A_123 = arith.constant 112 : index
      %swap3A_124 = tpu.vector_load %arg13[%swap3A_123] {strides = array<i32>} : memref<256xi32, #tpu.memory_space<vmem>>, vector<16xi32>,
      tpu.vector_store %arg13[%swap3A_123], %broadcast_in_dim3A_15 {strides = array<i32>} : memref<256xi32, #tpu.memory_space<vmem>>, vector<16xi32>,
      %swap3A_125 = arith.constant 112 : index
      %swap3A_126 = tpu.vector_load %arg14[%swap3A_125] {strides = array<i32>} : memref<256xi32, #tpu.memory_space<vmem>>, vector<16xi32>,
      tpu.vector_store %arg14[%swap3A_125], %broadcast_in_dim3A_15 {strides = array<i32>} : memref<256xi32, #tpu.memory_space<vmem>>, vector<16xi32>,
      %swap3A_127 = arith.constant 128 : index
      %swap3A_128 = tpu.vector_load %arg11[%swap3A_127] {strides = array<i32>} : memref<256xi32, #tpu.memory_space<vmem>>, vector<16xi32>,
      tpu.vector_store %arg11[%swap3A_127], %broadcast_in_dim3A_15 {strides = array<i32>} : memref<256xi32, #tpu.memory_space<vmem>>, vector<16xi32>,
      %swap3A_129 = arith.constant 128 : index
      %swap3A_130 = tpu.vector_load %arg12[%swap3A_129] {strides = array<i32>} : memref<256xi32, #tpu.memory_space<vmem>>, vector<16xi32>,
      tpu.vector_store %arg12[%swap3A_129], %broadcast_in_dim3A_15 {strides = array<i32>} : memref<256xi32, #tpu.memory_space<vmem>>, vector<16xi32>,
      %swap3A_131 = arith.constant 128 : index
      %swap3A_132 = tpu.vector_load %arg13[%swap3A_131] {strides = array<i32>} : memref<256xi32, #tpu.memory_space<vmem>>, vector<16xi32>,
      tpu.vector_store %arg13[%swap3A_131], %broadcast_in_dim3A_15 {strides = array<i32>} : memref<256xi32, #tpu.memory_space<vmem>>, vector<16xi32>,
      %swap3A_133 = arith.constant 128 : index
      %swap3A_134 = tpu.vector_load %arg14[%swap3A_133] {strides = array<i32>} : memref<256xi32, #tpu.memory_space<vmem>>, vector<16xi32>,
      tpu.vector_store %arg14[%swap3A_133], %broadcast_in_dim3A_15 {strides = array<i32>} : memref<256xi32, #tpu.memory_space<vmem>>, vector<16xi32>,
      %swap3A_135 = arith.constant 144 : index
      %swap3A_136 = tpu.vector_load %arg11[%swap3A_135] {strides = array<i32>} : memref<256xi32, #tpu.memory_space<vmem>>, vector<16xi32>,
      tpu.vector_store %arg11[%swap3A_135], %broadcast_in_dim3A_15 {strides = array<i32>} : memref<256xi32, #tpu.memory_space<vmem>>, vector<16xi32>,
      %swap3A_137 = arith.constant 144 : index
      %swap3A_138 = tpu.vector_load %arg12[%swap3A_137] {strides = array<i32>} : memref<256xi32, #tpu.memory_space<vmem>>, vector<16xi32>,
      tpu.vector_store %arg12[%swap3A_137], %broadcast_in_dim3A_15 {strides = array<i32>} : memref<256xi32, #tpu.memory_space<vmem>>, vector<16xi32>,
      %swap3A_139 = arith.constant 144 : index
      %swap3A_140 = tpu.vector_load %arg13[%swap3A_139] {strides = array<i32>} : memref<256xi32, #tpu.memory_space<vmem>>, vector<16xi32>,
      tpu.vector_store %arg13[%swap3A_139], %broadcast_in_dim3A_15 {strides = array<i32>} : memref<256xi32, #tpu.memory_space<vmem>>, vector<16xi32>,
      %swap3A_141 = arith.constant 144 : index
      %swap3A_142 = tpu.vector_load %arg14[%swap3A_141] {strides = array<i32>} : memref<256xi32, #tpu.memory_space<vmem>>, vector<16xi32>,
      tpu.vector_store %arg14[%swap3A_141], %broadcast_in_dim3A_15 {strides = array<i32>} : memref<256xi32, #tpu.memory_space<vmem>>, vector<16xi32>,
      %swap3A_143 = arith.constant 160 : index
      %swap3A_144 = tpu.vector_load %arg11[%swap3A_143] {strides = array<i32>} : memref<256xi32, #tpu.memory_space<vmem>>, vector<16xi32>,
      tpu.vector_store %arg11[%swap3A_143], %broadcast_in_dim3A_15 {strides = array<i32>} : memref<256xi32, #tpu.memory_space<vmem>>, vector<16xi32>,
      %swap3A_145 = arith.constant 160 : index
      %swap3A_146 = tpu.vector_load %arg12[%swap3A_145] {strides = array<i32>} : memref<256xi32, #tpu.memory_space<vmem>>, vector<16xi32>,
      tpu.vector_store %arg12[%swap3A_145], %broadcast_in_dim3A_15 {strides = array<i32>} : memref<256xi32, #tpu.memory_space<vmem>>, vector<16xi32>,
      %swap3A_147 = arith.constant 160 : index
      %swap3A_148 = tpu.vector_load %arg13[%swap3A_147] {strides = array<i32>} : memref<256xi32, #tpu.memory_space<vmem>>, vector<16xi32>,
      tpu.vector_store %arg13[%swap3A_147], %broadcast_in_dim3A_15 {strides = array<i32>} : memref<256xi32, #tpu.memory_space<vmem>>, vector<16xi32>,
      %swap3A_149 = arith.constant 160 : index
      %swap3A_150 = tpu.vector_load %arg14[%swap3A_149] {strides = array<i32>} : memref<256xi32, #tpu.memory_space<vmem>>, vector<16xi32>,
      tpu.vector_store %arg14[%swap3A_149], %broadcast_in_dim3A_15 {strides = array<i32>} : memref<256xi32, #tpu.memory_space<vmem>>, vector<16xi32>,
      %swap3A_151 = arith.constant 176 : index
      %swap3A_152 = tpu.vector_load %arg11[%swap3A_151] {strides = array<i32>} : memref<256xi32, #tpu.memory_space<vmem>>, vector<16xi32>,
      tpu.vector_store %arg11[%swap3A_151], %broadcast_in_dim3A_15 {strides = array<i32>} : memref<256xi32, #tpu.memory_space<vmem>>, vector<16xi32>,
      %swap3A_153 = arith.constant 176 : index
      %swap3A_154 = tpu.vector_load %arg12[%swap3A_153] {strides = array<i32>} : memref<256xi32, #tpu.memory_space<vmem>>, vector<16xi32>,
      tpu.vector_store %arg12[%swap3A_153], %broadcast_in_dim3A_15 {strides = array<i32>} : memref<256xi32, #tpu.memory_space<vmem>>, vector<16xi32>,
      %swap3A_155 = arith.constant 176 : index
      %swap3A_156 = tpu.vector_load %arg13[%swap3A_155] {strides = array<i32>} : memref<256xi32, #tpu.memory_space<vmem>>, vector<16xi32>,
      tpu.vector_store %arg13[%swap3A_155], %broadcast_in_dim3A_15 {strides = array<i32>} : memref<256xi32, #tpu.memory_space<vmem>>, vector<16xi32>,
      %swap3A_157 = arith.constant 176 : index
      %swap3A_158 = tpu.vector_load %arg14[%swap3A_157] {strides = array<i32>} : memref<256xi32, #tpu.memory_space<vmem>>, vector<16xi32>,
      tpu.vector_store %arg14[%swap3A_157], %broadcast_in_dim3A_15 {strides = array<i32>} : memref<256xi32, #tpu.memory_space<vmem>>, vector<16xi32>,
      %swap3A_159 = arith.constant 192 : index
      %swap3A_160 = tpu.vector_load %arg11[%swap3A_159] {strides = array<i32>} : memref<256xi32, #tpu.memory_space<vmem>>, vector<16xi32>,
      tpu.vector_store %arg11[%swap3A_159], %broadcast_in_dim3A_15 {strides = array<i32>} : memref<256xi32, #tpu.memory_space<vmem>>, vector<16xi32>,
      %swap3A_161 = arith.constant 192 : index
      %swap3A_162 = tpu.vector_load %arg12[%swap3A_161] {strides = array<i32>} : memref<256xi32, #tpu.memory_space<vmem>>, vector<16xi32>,
      tpu.vector_store %arg12[%swap3A_161], %broadcast_in_dim3A_15 {strides = array<i32>} : memref<256xi32, #tpu.memory_space<vmem>>, vector<16xi32>,
      %swap3A_163 = arith.constant 192 : index
      %swap3A_164 = tpu.vector_load %arg13[%swap3A_163] {strides = array<i32>} : memref<256xi32, #tpu.memory_space<vmem>>, vector<16xi32>,
      tpu.vector_store %arg13[%swap3A_163], %broadcast_in_dim3A_15 {strides = array<i32>} : memref<256xi32, #tpu.memory_space<vmem>>, vector<16xi32>,
      %swap3A_165 = arith.constant 192 : index
      %swap3A_166 = tpu.vector_load %arg14[%swap3A_165] {strides = array<i32>} : memref<256xi32, #tpu.memory_space<vmem>>, vector<16xi32>,
      tpu.vector_store %arg14[%swap3A_165], %broadcast_in_dim3A_15 {strides = array<i32>} : memref<256xi32, #tpu.memory_space<vmem>>, vector<16xi32>,
      %swap3A_167 = arith.constant 208 : index
      %swap3A_168 = tpu.vector_load %arg11[%swap3A_167] {strides = array<i32>} : memref<256xi32, #tpu.memory_space<vmem>>, vector<16xi32>,
      tpu.vector_store %arg11[%swap3A_167], %broadcast_in_dim3A_15 {strides = array<i32>} : memref<256xi32, #tpu.memory_space<vmem>>, vector<16xi32>,
      %swap3A_169 = arith.constant 208 : index
      %swap3A_170 = tpu.vector_load %arg12[%swap3A_169] {strides = array<i32>} : memref<256xi32, #tpu.memory_space<vmem>>, vector<16xi32>,
      tpu.vector_store %arg12[%swap3A_169], %broadcast_in_dim3A_15 {strides = array<i32>} : memref<256xi32, #tpu.memory_space<vmem>>, vector<16xi32>,
      %swap3A_171 = arith.constant 208 : index
      %swap3A_172 = tpu.vector_load %arg13[%swap3A_171] {strides = array<i32>} : memref<256xi32, #tpu.memory_space<vmem>>, vector<16xi32>,
      tpu.vector_store %arg13[%swap3A_171], %broadcast_in_dim3A_15 {strides = array<i32>} : memref<256xi32, #tpu.memory_space<vmem>>, vector<16xi32>,
      %swap3A_173 = arith.constant 208 : index
      %swap3A_174 = tpu.vector_load %arg14[%swap3A_173] {strides = array<i32>} : memref<256xi32, #tpu.memory_space<vmem>>, vector<16xi32>,
      tpu.vector_store %arg14[%swap3A_173], %broadcast_in_dim3A_15 {strides = array<i32>} : memref<256xi32, #tpu.memory_space<vmem>>, vector<16xi32>,
      %swap3A_175 = arith.constant 224 : index
      %swap3A_176 = tpu.vector_load %arg11[%swap3A_175] {strides = array<i32>} : memref<256xi32, #tpu.memory_space<vmem>>, vector<16xi32>,
      tpu.vector_store %arg11[%swap3A_175], %broadcast_in_dim3A_15 {strides = array<i32>} : memref<256xi32, #tpu.memory_space<vmem>>, vector<16xi32>,
      %swap3A_177 = arith.constant 224 : index
      %swap3A_178 = tpu.vector_load %arg12[%swap3A_177] {strides = array<i32>} : memref<256xi32, #tpu.memory_space<vmem>>, vector<16xi32>,
      tpu.vector_store %arg12[%swap3A_177], %broadcast_in_dim3A_15 {strides = array<i32>} : memref<256xi32, #tpu.memory_space<vmem>>, vector<16xi32>,
      %swap3A_179 = arith.constant 224 : index
      %swap3A_180 = tpu.vector_load %arg13[%swap3A_179] {strides = array<i32>} : memref<256xi32, #tpu.memory_space<vmem>>, vector<16xi32>,
      tpu.vector_store %arg13[%swap3A_179], %broadcast_in_dim3A_15 {strides = array<i32>} : memref<256xi32, #tpu.memory_space<vmem>>, vector<16xi32>,
      %swap3A_181 = arith.constant 224 : index
      %swap3A_182 = tpu.vector_load %arg14[%swap3A_181] {strides = array<i32>} : memref<256xi32, #tpu.memory_space<vmem>>, vector<16xi32>,
      tpu.vector_store %arg14[%swap3A_181], %broadcast_in_dim3A_15 {strides = array<i32>} : memref<256xi32, #tpu.memory_space<vmem>>, vector<16xi32>,
      %swap3A_183 = arith.constant 240 : index
      %swap3A_184 = tpu.vector_load %arg11[%swap3A_183] {strides = array<i32>} : memref<256xi32, #tpu.memory_space<vmem>>, vector<16xi32>,
      tpu.vector_store %arg11[%swap3A_183], %broadcast_in_dim3A_15 {strides = array<i32>} : memref<256xi32, #tpu.memory_space<vmem>>, vector<16xi32>,
      %swap3A_185 = arith.constant 240 : index
      %swap3A_186 = tpu.vector_load %arg12[%swap3A_185] {strides = array<i32>} : memref<256xi32, #tpu.memory_space<vmem>>, vector<16xi32>,
      tpu.vector_store %arg12[%swap3A_185], %broadcast_in_dim3A_15 {strides = array<i32>} : memref<256xi32, #tpu.memory_space<vmem>>, vector<16xi32>,
      %swap3A_187 = arith.constant 240 : index
      %swap3A_188 = tpu.vector_load %arg13[%swap3A_187] {strides = array<i32>} : memref<256xi32, #tpu.memory_space<vmem>>, vector<16xi32>,
      tpu.vector_store %arg13[%swap3A_187], %broadcast_in_dim3A_15 {strides = array<i32>} : memref<256xi32, #tpu.memory_space<vmem>>, vector<16xi32>,
      %swap3A_189 = arith.constant 240 : index
      %swap3A_190 = tpu.vector_load %arg14[%swap3A_189] {strides = array<i32>} : memref<256xi32, #tpu.memory_space<vmem>>, vector<16xi32>,
      tpu.vector_store %arg14[%swap3A_189], %broadcast_in_dim3A_15 {strides = array<i32>} : memref<256xi32, #tpu.memory_space<vmem>>, vector<16xi32>,
      %parallel_loop3A = arith.constant 0 : i32
      %parallel_loop3A_191 = arith.constant 512 : i32
      %parallel_loop3A_192 = arith.constant 1 : i32
      scf.for %parallel_loop3A_2066 = %parallel_loop3A to %parallel_loop3A_191 step %parallel_loop3A_192  : i32 {
        %parallel_loop3A_2067 = arith.constant 16 : i32
        %parallel_loop3A_2068 = arith.muli %parallel_loop3A_2066, %parallel_loop3A_2067 : i32
        %parallel_loop3A_2069 = arith.index_cast %parallel_loop3A_2068 : i32 to index
        %parallel_loop3A_2070 = tpu.vector_load %arg5[%parallel_loop3A_2069] {strides = array<i32>} : memref<8192xf32, #tpu.memory_space<vmem>>, vector<16xf32>,
        %parallel_loop3A_2071 = vector.bitcast %parallel_loop3A_2070 : vector<16xf32> to vector<16xi32>
        %parallel_loop3A_2072 = arith.constant 2147483647 : i32
        %parallel_loop3A_2073 = vector.broadcast %parallel_loop3A_2072 : i32 to vector<16xi32>
        %parallel_loop3A_2074 = arith.andi %parallel_loop3A_2071, %parallel_loop3A_2073 : vector<16xi32>
        %parallel_loop3A_2075 = arith.constant 16 : i32
        %parallel_loop3A_2076 = arith.muli %parallel_loop3A_2066, %parallel_loop3A_2075 : i32
        %parallel_loop3A_2077 = arith.index_cast %parallel_loop3A_2076 : i32 to index
        %parallel_loop3A_2078 = tpu.vector_load %arg9[%parallel_loop3A_2077] {strides = array<i32>} : memref<8192xi32, #tpu.memory_space<vmem>>, vector<16xi32>,
        tpu.vector_store %arg9[%parallel_loop3A_2077], %parallel_loop3A_2074 {strides = array<i32>} : memref<8192xi32, #tpu.memory_space<vmem>>, vector<16xi32>,
        %parallel_loop3A_2079 = arith.constant 23 : i32
        %parallel_loop3A_2080 = vector.broadcast %parallel_loop3A_2079 : i32 to vector<16xi32>
        %parallel_loop3A_2081 = arith.shrsi %parallel_loop3A_2074, %parallel_loop3A_2080 : vector<16xi32>
        %parallel_loop3A_2082 = arith.constant true
        %parallel_loop3A_2083 = vector.broadcast %parallel_loop3A_2082 : i1 to vector<16xi1>
        %parallel_loop3A_2084, %parallel_loop3A_2085 = tpu.scan_count mask(%parallel_loop3A_2083 : vector<16xi1>) value(%parallel_loop3A_2081 : vector<16xi32>) : vector<16xi1>, vector<16xi32>
        tpu.vector_store_idx %arg11[%parallel_loop3A_2081], %parallel_loop3A_2085 masked %parallel_loop3A_2084 {add = true} : memref<256xi32, #tpu.memory_space<vmem>>[vector<16xi32>], vector<16xi32>, vector<16xi1>
      } {sc.loop_unroll_factor = 8 : i64, sc.parallel_access}
      %mul3A_193 = arith.constant 16 : i32
      %mul3A_194 = vector.broadcast %mul3A_193 : i32 to vector<16xi32>
      %mul3A_195 = arith.muli %iota3A, %mul3A_194 : vector<16xi32>
      %gather3A = tpu.vector_load_idx %arg11[%mul3A_195] : memref<256xi32, #tpu.memory_space<vmem>>[vector<16xi32>], vector<16xi32>,
      %mul3A_196 = arith.constant 16 : i32
      %mul3A_197 = vector.broadcast %mul3A_196 : i32 to vector<16xi32>
      %mul3A_198 = arith.muli %iota3A, %mul3A_197 : vector<16xi32>
      %add3A_199 = arith.constant 1 : i32
      %add3A_200 = vector.broadcast %add3A_199 : i32 to vector<16xi32>
      %add3A_201 = arith.addi %mul3A_198, %add3A_200 : vector<16xi32>
      %gather3A_202 = tpu.vector_load_idx %arg11[%add3A_201] : memref<256xi32, #tpu.memory_space<vmem>>[vector<16xi32>], vector<16xi32>,
      %add3A_203 = arith.addi %gather3A, %gather3A_202 : vector<16xi32>
      %mul3A_204 = arith.constant 16 : i32
      %mul3A_205 = vector.broadcast %mul3A_204 : i32 to vector<16xi32>
      %mul3A_206 = arith.muli %iota3A, %mul3A_205 : vector<16xi32>
      %add3A_207 = arith.constant 2 : i32
      %add3A_208 = vector.broadcast %add3A_207 : i32 to vector<16xi32>
      %add3A_209 = arith.addi %mul3A_206, %add3A_208 : vector<16xi32>
      %gather3A_210 = tpu.vector_load_idx %arg11[%add3A_209] : memref<256xi32, #tpu.memory_space<vmem>>[vector<16xi32>], vector<16xi32>,
      %add3A_211 = arith.addi %add3A_203, %gather3A_210 : vector<16xi32>
      %mul3A_212 = arith.constant 16 : i32
      %mul3A_213 = vector.broadcast %mul3A_212 : i32 to vector<16xi32>
      %mul3A_214 = arith.muli %iota3A, %mul3A_213 : vector<16xi32>
      %add3A_215 = arith.constant 3 : i32
      %add3A_216 = vector.broadcast %add3A_215 : i32 to vector<16xi32>
      %add3A_217 = arith.addi %mul3A_214, %add3A_216 : vector<16xi32>
      %gather3A_218 = tpu.vector_load_idx %arg11[%add3A_217] : memref<256xi32, #tpu.memory_space<vmem>>[vector<16xi32>], vector<16xi32>,
      %add3A_219 = arith.addi %add3A_211, %gather3A_218 : vector<16xi32>
      %mul3A_220 = arith.constant 16 : i32
      %mul3A_221 = vector.broadcast %mul3A_220 : i32 to vector<16xi32>
      %mul3A_222 = arith.muli %iota3A, %mul3A_221 : vector<16xi32>
      %add3A_223 = arith.constant 4 : i32
      %add3A_224 = vector.broadcast %add3A_223 : i32 to vector<16xi32>
      %add3A_225 = arith.addi %mul3A_222, %add3A_224 : vector<16xi32>
      %gather3A_226 = tpu.vector_load_idx %arg11[%add3A_225] : memref<256xi32, #tpu.memory_space<vmem>>[vector<16xi32>], vector<16xi32>,
      %add3A_227 = arith.addi %add3A_219, %gather3A_226 : vector<16xi32>
      %mul3A_228 = arith.constant 16 : i32
      %mul3A_229 = vector.broadcast %mul3A_228 : i32 to vector<16xi32>
      %mul3A_230 = arith.muli %iota3A, %mul3A_229 : vector<16xi32>
      %add3A_231 = arith.constant 5 : i32
      %add3A_232 = vector.broadcast %add3A_231 : i32 to vector<16xi32>
      %add3A_233 = arith.addi %mul3A_230, %add3A_232 : vector<16xi32>
      %gather3A_234 = tpu.vector_load_idx %arg11[%add3A_233] : memref<256xi32, #tpu.memory_space<vmem>>[vector<16xi32>], vector<16xi32>,
      %add3A_235 = arith.addi %add3A_227, %gather3A_234 : vector<16xi32>
      %mul3A_236 = arith.constant 16 : i32
      %mul3A_237 = vector.broadcast %mul3A_236 : i32 to vector<16xi32>
      %mul3A_238 = arith.muli %iota3A, %mul3A_237 : vector<16xi32>
      %add3A_239 = arith.constant 6 : i32
      %add3A_240 = vector.broadcast %add3A_239 : i32 to vector<16xi32>
      %add3A_241 = arith.addi %mul3A_238, %add3A_240 : vector<16xi32>
      %gather3A_242 = tpu.vector_load_idx %arg11[%add3A_241] : memref<256xi32, #tpu.memory_space<vmem>>[vector<16xi32>], vector<16xi32>,
      %add3A_243 = arith.addi %add3A_235, %gather3A_242 : vector<16xi32>
      %mul3A_244 = arith.constant 16 : i32
      %mul3A_245 = vector.broadcast %mul3A_244 : i32 to vector<16xi32>
      %mul3A_246 = arith.muli %iota3A, %mul3A_245 : vector<16xi32>
      %add3A_247 = arith.constant 7 : i32
      %add3A_248 = vector.broadcast %add3A_247 : i32 to vector<16xi32>
      %add3A_249 = arith.addi %mul3A_246, %add3A_248 : vector<16xi32>
      %gather3A_250 = tpu.vector_load_idx %arg11[%add3A_249] : memref<256xi32, #tpu.memory_space<vmem>>[vector<16xi32>], vector<16xi32>,
      %add3A_251 = arith.addi %add3A_243, %gather3A_250 : vector<16xi32>
      %mul3A_252 = arith.constant 16 : i32
      %mul3A_253 = vector.broadcast %mul3A_252 : i32 to vector<16xi32>
      %mul3A_254 = arith.muli %iota3A, %mul3A_253 : vector<16xi32>
      %add3A_255 = arith.constant 8 : i32
      %add3A_256 = vector.broadcast %add3A_255 : i32 to vector<16xi32>
      %add3A_257 = arith.addi %mul3A_254, %add3A_256 : vector<16xi32>
      %gather3A_258 = tpu.vector_load_idx %arg11[%add3A_257] : memref<256xi32, #tpu.memory_space<vmem>>[vector<16xi32>], vector<16xi32>,
      %add3A_259 = arith.addi %add3A_251, %gather3A_258 : vector<16xi32>
      %mul3A_260 = arith.constant 16 : i32
      %mul3A_261 = vector.broadcast %mul3A_260 : i32 to vector<16xi32>
      %mul3A_262 = arith.muli %iota3A, %mul3A_261 : vector<16xi32>
      %add3A_263 = arith.constant 9 : i32
      %add3A_264 = vector.broadcast %add3A_263 : i32 to vector<16xi32>
      %add3A_265 = arith.addi %mul3A_262, %add3A_264 : vector<16xi32>
      %gather3A_266 = tpu.vector_load_idx %arg11[%add3A_265] : memref<256xi32, #tpu.memory_space<vmem>>[vector<16xi32>], vector<16xi32>,
      %add3A_267 = arith.addi %add3A_259, %gather3A_266 : vector<16xi32>
      %mul3A_268 = arith.constant 16 : i32
      %mul3A_269 = vector.broadcast %mul3A_268 : i32 to vector<16xi32>
      %mul3A_270 = arith.muli %iota3A, %mul3A_269 : vector<16xi32>
      %add3A_271 = arith.constant 10 : i32
      %add3A_272 = vector.broadcast %add3A_271 : i32 to vector<16xi32>
      %add3A_273 = arith.addi %mul3A_270, %add3A_272 : vector<16xi32>
      %gather3A_274 = tpu.vector_load_idx %arg11[%add3A_273] : memref<256xi32, #tpu.memory_space<vmem>>[vector<16xi32>], vector<16xi32>,
      %add3A_275 = arith.addi %add3A_267, %gather3A_274 : vector<16xi32>
      %mul3A_276 = arith.constant 16 : i32
      %mul3A_277 = vector.broadcast %mul3A_276 : i32 to vector<16xi32>
      %mul3A_278 = arith.muli %iota3A, %mul3A_277 : vector<16xi32>
      %add3A_279 = arith.constant 11 : i32
      %add3A_280 = vector.broadcast %add3A_279 : i32 to vector<16xi32>
      %add3A_281 = arith.addi %mul3A_278, %add3A_280 : vector<16xi32>
      %gather3A_282 = tpu.vector_load_idx %arg11[%add3A_281] : memref<256xi32, #tpu.memory_space<vmem>>[vector<16xi32>], vector<16xi32>,
      %add3A_283 = arith.addi %add3A_275, %gather3A_282 : vector<16xi32>
      %mul3A_284 = arith.constant 16 : i32
      %mul3A_285 = vector.broadcast %mul3A_284 : i32 to vector<16xi32>
      %mul3A_286 = arith.muli %iota3A, %mul3A_285 : vector<16xi32>
      %add3A_287 = arith.constant 12 : i32
      %add3A_288 = vector.broadcast %add3A_287 : i32 to vector<16xi32>
      %add3A_289 = arith.addi %mul3A_286, %add3A_288 : vector<16xi32>
      %gather3A_290 = tpu.vector_load_idx %arg11[%add3A_289] : memref<256xi32, #tpu.memory_space<vmem>>[vector<16xi32>], vector<16xi32>,
      %add3A_291 = arith.addi %add3A_283, %gather3A_290 : vector<16xi32>
      %mul3A_292 = arith.constant 16 : i32
      %mul3A_293 = vector.broadcast %mul3A_292 : i32 to vector<16xi32>
      %mul3A_294 = arith.muli %iota3A, %mul3A_293 : vector<16xi32>
      %add3A_295 = arith.constant 13 : i32
      %add3A_296 = vector.broadcast %add3A_295 : i32 to vector<16xi32>
      %add3A_297 = arith.addi %mul3A_294, %add3A_296 : vector<16xi32>
      %gather3A_298 = tpu.vector_load_idx %arg11[%add3A_297] : memref<256xi32, #tpu.memory_space<vmem>>[vector<16xi32>], vector<16xi32>,
      %add3A_299 = arith.addi %add3A_291, %gather3A_298 : vector<16xi32>
      %mul3A_300 = arith.constant 16 : i32
      %mul3A_301 = vector.broadcast %mul3A_300 : i32 to vector<16xi32>
      %mul3A_302 = arith.muli %iota3A, %mul3A_301 : vector<16xi32>
      %add3A_303 = arith.constant 14 : i32
      %add3A_304 = vector.broadcast %add3A_303 : i32 to vector<16xi32>
      %add3A_305 = arith.addi %mul3A_302, %add3A_304 : vector<16xi32>
      %gather3A_306 = tpu.vector_load_idx %arg11[%add3A_305] : memref<256xi32, #tpu.memory_space<vmem>>[vector<16xi32>], vector<16xi32>,
      %add3A_307 = arith.addi %add3A_299, %gather3A_306 : vector<16xi32>
      %mul3A_308 = arith.constant 16 : i32
      %mul3A_309 = vector.broadcast %mul3A_308 : i32 to vector<16xi32>
      %mul3A_310 = arith.muli %iota3A, %mul3A_309 : vector<16xi32>
      %add3A_311 = arith.constant 15 : i32
      %add3A_312 = vector.broadcast %add3A_311 : i32 to vector<16xi32>
      %add3A_313 = arith.addi %mul3A_310, %add3A_312 : vector<16xi32>
      %gather3A_314 = tpu.vector_load_idx %arg11[%add3A_313] : memref<256xi32, #tpu.memory_space<vmem>>[vector<16xi32>], vector<16xi32>,
      %add3A_315 = arith.addi %add3A_307, %gather3A_314 : vector<16xi32>
      %rev3A = arith.constant 15 : i32
      %rev3A_316 = vector.broadcast %rev3A : i32 to vector<16xi32>
      %rev3A_317 = tpu.iota {dimensions = array<i32: 0>} : vector<16xi32>
      %rev3A_318 = arith.subi %rev3A_316, %rev3A_317 : vector<16xi32>
      %rev3A_319 = tpu.dynamic_gather %add3A_315[%rev3A_318] in [0] : vector<16xi32>, vector<16xi32> -> vector<16xi32>
      %broadcast_in_dim3A_320 = arith.constant true
      %broadcast_in_dim3A_321 = vector.broadcast %broadcast_in_dim3A_320 : i1 to vector<16xi1>
      %masked_cumsum3A = tpu.scan <sum>, %rev3A_319 masked %broadcast_in_dim3A_321 : vector<16xi32>, vector<16xi1> -> vector<16xi32>
      %rev3A_322 = arith.constant 15 : i32
      %rev3A_323 = vector.broadcast %rev3A_322 : i32 to vector<16xi32>
      %rev3A_324 = tpu.iota {dimensions = array<i32: 0>} : vector<16xi32>
      %rev3A_325 = arith.subi %rev3A_323, %rev3A_324 : vector<16xi32>
      %rev3A_326 = tpu.dynamic_gather %masked_cumsum3A[%rev3A_325] in [0] : vector<16xi32>, vector<16xi32> -> vector<16xi32>
      %sub3A_327 = arith.subi %rev3A_326, %add3A_315 : vector<16xi32>
      %lt3A_328 = vector.broadcast %min3A_12 : i32 to vector<16xi32>
      %lt3A_329 = arith.cmpi slt, %sub3A_327, %lt3A_328 : vector<16xi32>
      %ge3A_330 = vector.broadcast %min3A_12 : i32 to vector<16xi32>
      %ge3A_331 = arith.cmpi sge, %rev3A_326, %ge3A_330 : vector<16xi32>
      %and3A = arith.andi %lt3A_329, %ge3A_331 : vector<16xi1>
      %mul3A_332 = arith.constant 16 : i32
      %mul3A_333 = vector.broadcast %mul3A_332 : i32 to vector<16xi32>
      %mul3A_334 = arith.muli %sub3A_327, %mul3A_333 : vector<16xi32>
      %add3A_335 = arith.addi %mul3A_334, %iota3A : vector<16xi32>
      %jit3A = arith.constant -1 : i32
      %broadcast_in_dim3A_336 = vector.broadcast %jit3A : i32 to vector<16xi32>
      %select_n3A = arith.select %and3A, %add3A_335, %broadcast_in_dim3A_336 : vector<16xi1>, vector<16xi32>
      %reduce_max3A_337 = arith.constant true
      %reduce_max3A_338 = vector.broadcast %reduce_max3A_337 : i1 to vector<16xi1>
      %reduce_max3A_339 = arith.constant -2147483648 : i32
      %reduce_max3A_340 = vector.broadcast %reduce_max3A_339 : i32 to vector<16xi32>
      %reduce_max3A_341 = arith.xori %select_n3A, %reduce_max3A_340 : vector<16xi32>
      %reduce_max3A_342 = tpu.scan <max>, %reduce_max3A_341 masked %reduce_max3A_338 : vector<16xi32>, vector<16xi1> -> vector<16xi32>
      %reduce_max3A_343 = arith.xori %reduce_max3A_342, %reduce_max3A_340 : vector<16xi32>
      %reduce_max3A_344 = vector.extract %reduce_max3A_343[15] : i32 from vector<16xi32>
      %and3A_345 = arith.constant 15 : i32
      %and3A_346 = arith.andi %reduce_max3A_344, %and3A_345 : i32
      %shift_right_arithmetic3A = arith.constant 4 : i32
      %shift_right_arithmetic3A_347 = arith.shrsi %reduce_max3A_344, %shift_right_arithmetic3A : i32
      %sub3A_348 = arith.subi %min3A_12, %shift_right_arithmetic3A_347 : i32
      %mul3A_349 = arith.constant 16 : i32
      %mul3A_350 = arith.muli %and3A_346, %mul3A_349 : i32
      %get3A_351 = arith.index_cast %mul3A_350 : i32 to index
      %get3A_352 = tpu.vector_load %arg11[%get3A_351] {strides = array<i32>} : memref<256xi32, #tpu.memory_space<vmem>>, vector<16xi32>,
      %rev3A_353 = arith.constant 15 : i32
      %rev3A_354 = vector.broadcast %rev3A_353 : i32 to vector<16xi32>
      %rev3A_355 = tpu.iota {dimensions = array<i32: 0>} : vector<16xi32>
      %rev3A_356 = arith.subi %rev3A_354, %rev3A_355 : vector<16xi32>
      %rev3A_357 = tpu.dynamic_gather %get3A_352[%rev3A_356] in [0] : vector<16xi32>, vector<16xi32> -> vector<16xi32>
      %broadcast_in_dim3A_358 = arith.constant true
      %broadcast_in_dim3A_359 = vector.broadcast %broadcast_in_dim3A_358 : i1 to vector<16xi1>
      %masked_cumsum3A_360 = tpu.scan <sum>, %rev3A_357 masked %broadcast_in_dim3A_359 : vector<16xi32>, vector<16xi1> -> vector<16xi32>
      %rev3A_361 = arith.constant 15 : i32
      %rev3A_362 = vector.broadcast %rev3A_361 : i32 to vector<16xi32>
      %rev3A_363 = tpu.iota {dimensions = array<i32: 0>} : vector<16xi32>
      %rev3A_364 = arith.subi %rev3A_362, %rev3A_363 : vector<16xi32>
      %rev3A_365 = tpu.dynamic_gather %masked_cumsum3A_360[%rev3A_364] in [0] : vector<16xi32>, vector<16xi32> -> vector<16xi32>
      %sub3A_366 = arith.subi %rev3A_365, %get3A_352 : vector<16xi32>
      %lt3A_367 = vector.broadcast %sub3A_348 : i32 to vector<16xi32>
      %lt3A_368 = arith.cmpi slt, %sub3A_366, %lt3A_367 : vector<16xi32>
      %ge3A_369 = vector.broadcast %sub3A_348 : i32 to vector<16xi32>
      %ge3A_370 = arith.cmpi sge, %rev3A_365, %ge3A_369 : vector<16xi32>
      %and3A_371 = arith.andi %lt3A_368, %ge3A_370 : vector<16xi1>
      %mul3A_372 = arith.constant 16 : i32
      %mul3A_373 = vector.broadcast %mul3A_372 : i32 to vector<16xi32>
      %mul3A_374 = arith.muli %sub3A_366, %mul3A_373 : vector<16xi32>
      %add3A_375 = arith.addi %mul3A_374, %iota3A : vector<16xi32>
      %jit3A_376 = arith.constant -1 : i32
      %broadcast_in_dim3A_377 = vector.broadcast %jit3A_376 : i32 to vector<16xi32>
      %select_n3A_378 = arith.select %and3A_371, %add3A_375, %broadcast_in_dim3A_377 : vector<16xi1>, vector<16xi32>
      %reduce_max3A_379 = arith.constant true
      %reduce_max3A_380 = vector.broadcast %reduce_max3A_379 : i1 to vector<16xi1>
      %reduce_max3A_381 = arith.constant -2147483648 : i32
      %reduce_max3A_382 = vector.broadcast %reduce_max3A_381 : i32 to vector<16xi32>
      %reduce_max3A_383 = arith.xori %select_n3A_378, %reduce_max3A_382 : vector<16xi32>
      %reduce_max3A_384 = tpu.scan <max>, %reduce_max3A_383 masked %reduce_max3A_380 : vector<16xi32>, vector<16xi1> -> vector<16xi32>
      %reduce_max3A_385 = arith.xori %reduce_max3A_384, %reduce_max3A_382 : vector<16xi32>
      %reduce_max3A_386 = vector.extract %reduce_max3A_385[15] : i32 from vector<16xi32>
      %mul3A_387 = arith.constant 16 : i32
      %mul3A_388 = arith.muli %and3A_346, %mul3A_387 : i32
      %and3A_389 = arith.constant 15 : i32
      %and3A_390 = arith.andi %reduce_max3A_386, %and3A_389 : i32
      %add3A_391 = arith.addi %mul3A_388, %and3A_390 : i32
      %shift_right_arithmetic3A_392 = arith.constant 4 : i32
      %shift_right_arithmetic3A_393 = arith.shrsi %reduce_max3A_386, %shift_right_arithmetic3A_392 : i32
      %sub3A_394 = arith.subi %sub3A_348, %shift_right_arithmetic3A_393 : i32
      %parallel_loop3A_395 = arith.constant 0 : i32
      %parallel_loop3A_396 = arith.constant 512 : i32
      %parallel_loop3A_397 = arith.constant 1 : i32
      scf.for %parallel_loop3A_2066 = %parallel_loop3A_395 to %parallel_loop3A_396 step %parallel_loop3A_397  : i32 {
        %parallel_loop3A_2067 = arith.constant 16 : i32
        %parallel_loop3A_2068 = arith.muli %parallel_loop3A_2066, %parallel_loop3A_2067 : i32
        %parallel_loop3A_2069 = arith.index_cast %parallel_loop3A_2068 : i32 to index
        %parallel_loop3A_2070 = tpu.vector_load %arg9[%parallel_loop3A_2069] {strides = array<i32>} : memref<8192xi32, #tpu.memory_space<vmem>>, vector<16xi32>,
        %parallel_loop3A_2071 = arith.constant 15 : i32
        %parallel_loop3A_2072 = vector.broadcast %parallel_loop3A_2071 : i32 to vector<16xi32>
        %parallel_loop3A_2073 = arith.shrsi %parallel_loop3A_2070, %parallel_loop3A_2072 : vector<16xi32>
        %parallel_loop3A_2074 = arith.constant 8 : i32
        %parallel_loop3A_2075 = arith.shli %add3A_391, %parallel_loop3A_2074 : i32
        %parallel_loop3A_2076 = vector.broadcast %parallel_loop3A_2075 : i32 to vector<16xi32>
        %parallel_loop3A_2077 = arith.subi %parallel_loop3A_2073, %parallel_loop3A_2076 : vector<16xi32>
        %parallel_loop3A_2078 = vector.bitcast %parallel_loop3A_2077 : vector<16xi32> to vector<16xi32>
        %parallel_loop3A_2079 = arith.constant 256 : i32
        %parallel_loop3A_2080 = vector.broadcast %parallel_loop3A_2079 : i32 to vector<16xi32>
        %parallel_loop3A_2081 = arith.cmpi ult, %parallel_loop3A_2078, %parallel_loop3A_2080 : vector<16xi32>
        tpu.vector_store_idx %arg12[%parallel_loop3A_2077], %broadcast_in_dim3A_13 masked %parallel_loop3A_2081 {add = true} : memref<256xi32, #tpu.memory_space<vmem>>[vector<16xi32>], vector<16xi32>, vector<16xi1>
      } {sc.loop_unroll_factor = 8 : i64, sc.parallel_access}
      %mul3A_398 = arith.constant 16 : i32
      %mul3A_399 = vector.broadcast %mul3A_398 : i32 to vector<16xi32>
      %mul3A_400 = arith.muli %iota3A, %mul3A_399 : vector<16xi32>
      %gather3A_401 = tpu.vector_load_idx %arg12[%mul3A_400] : memref<256xi32, #tpu.memory_space<vmem>>[vector<16xi32>], vector<16xi32>,
      %mul3A_402 = arith.constant 16 : i32
      %mul3A_403 = vector.broadcast %mul3A_402 : i32 to vector<16xi32>
      %mul3A_404 = arith.muli %iota3A, %mul3A_403 : vector<16xi32>
      %add3A_405 = arith.constant 1 : i32
      %add3A_406 = vector.broadcast %add3A_405 : i32 to vector<16xi32>
      %add3A_407 = arith.addi %mul3A_404, %add3A_406 : vector<16xi32>
      %gather3A_408 = tpu.vector_load_idx %arg12[%add3A_407] : memref<256xi32, #tpu.memory_space<vmem>>[vector<16xi32>], vector<16xi32>,
      %add3A_409 = arith.addi %gather3A_401, %gather3A_408 : vector<16xi32>
      %mul3A_410 = arith.constant 16 : i32
      %mul3A_411 = vector.broadcast %mul3A_410 : i32 to vector<16xi32>
      %mul3A_412 = arith.muli %iota3A, %mul3A_411 : vector<16xi32>
      %add3A_413 = arith.constant 2 : i32
      %add3A_414 = vector.broadcast %add3A_413 : i32 to vector<16xi32>
      %add3A_415 = arith.addi %mul3A_412, %add3A_414 : vector<16xi32>
      %gather3A_416 = tpu.vector_load_idx %arg12[%add3A_415] : memref<256xi32, #tpu.memory_space<vmem>>[vector<16xi32>], vector<16xi32>,
      %add3A_417 = arith.addi %add3A_409, %gather3A_416 : vector<16xi32>
      %mul3A_418 = arith.constant 16 : i32
      %mul3A_419 = vector.broadcast %mul3A_418 : i32 to vector<16xi32>
      %mul3A_420 = arith.muli %iota3A, %mul3A_419 : vector<16xi32>
      %add3A_421 = arith.constant 3 : i32
      %add3A_422 = vector.broadcast %add3A_421 : i32 to vector<16xi32>
      %add3A_423 = arith.addi %mul3A_420, %add3A_422 : vector<16xi32>
      %gather3A_424 = tpu.vector_load_idx %arg12[%add3A_423] : memref<256xi32, #tpu.memory_space<vmem>>[vector<16xi32>], vector<16xi32>,
      %add3A_425 = arith.addi %add3A_417, %gather3A_424 : vector<16xi32>
      %mul3A_426 = arith.constant 16 : i32
      %mul3A_427 = vector.broadcast %mul3A_426 : i32 to vector<16xi32>
      %mul3A_428 = arith.muli %iota3A, %mul3A_427 : vector<16xi32>
      %add3A_429 = arith.constant 4 : i32
      %add3A_430 = vector.broadcast %add3A_429 : i32 to vector<16xi32>
      %add3A_431 = arith.addi %mul3A_428, %add3A_430 : vector<16xi32>
      %gather3A_432 = tpu.vector_load_idx %arg12[%add3A_431] : memref<256xi32, #tpu.memory_space<vmem>>[vector<16xi32>], vector<16xi32>,
      %add3A_433 = arith.addi %add3A_425, %gather3A_432 : vector<16xi32>
      %mul3A_434 = arith.constant 16 : i32
      %mul3A_435 = vector.broadcast %mul3A_434 : i32 to vector<16xi32>
      %mul3A_436 = arith.muli %iota3A, %mul3A_435 : vector<16xi32>
      %add3A_437 = arith.constant 5 : i32
      %add3A_438 = vector.broadcast %add3A_437 : i32 to vector<16xi32>
      %add3A_439 = arith.addi %mul3A_436, %add3A_438 : vector<16xi32>
      %gather3A_440 = tpu.vector_load_idx %arg12[%add3A_439] : memref<256xi32, #tpu.memory_space<vmem>>[vector<16xi32>], vector<16xi32>,
      %add3A_441 = arith.addi %add3A_433, %gather3A_440 : vector<16xi32>
      %mul3A_442 = arith.constant 16 : i32
      %mul3A_443 = vector.broadcast %mul3A_442 : i32 to vector<16xi32>
      %mul3A_444 = arith.muli %iota3A, %mul3A_443 : vector<16xi32>
      %add3A_445 = arith.constant 6 : i32
      %add3A_446 = vector.broadcast %add3A_445 : i32 to vector<16xi32>
      %add3A_447 = arith.addi %mul3A_444, %add3A_446 : vector<16xi32>
      %gather3A_448 = tpu.vector_load_idx %arg12[%add3A_447] : memref<256xi32, #tpu.memory_space<vmem>>[vector<16xi32>], vector<16xi32>,
      %add3A_449 = arith.addi %add3A_441, %gather3A_448 : vector<16xi32>
      %mul3A_450 = arith.constant 16 : i32
      %mul3A_451 = vector.broadcast %mul3A_450 : i32 to vector<16xi32>
      %mul3A_452 = arith.muli %iota3A, %mul3A_451 : vector<16xi32>
      %add3A_453 = arith.constant 7 : i32
      %add3A_454 = vector.broadcast %add3A_453 : i32 to vector<16xi32>
      %add3A_455 = arith.addi %mul3A_452, %add3A_454 : vector<16xi32>
      %gather3A_456 = tpu.vector_load_idx %arg12[%add3A_455] : memref<256xi32, #tpu.memory_space<vmem>>[vector<16xi32>], vector<16xi32>,
      %add3A_457 = arith.addi %add3A_449, %gather3A_456 : vector<16xi32>
      %mul3A_458 = arith.constant 16 : i32
      %mul3A_459 = vector.broadcast %mul3A_458 : i32 to vector<16xi32>
      %mul3A_460 = arith.muli %iota3A, %mul3A_459 : vector<16xi32>
      %add3A_461 = arith.constant 8 : i32
      %add3A_462 = vector.broadcast %add3A_461 : i32 to vector<16xi32>
      %add3A_463 = arith.addi %mul3A_460, %add3A_462 : vector<16xi32>
      %gather3A_464 = tpu.vector_load_idx %arg12[%add3A_463] : memref<256xi32, #tpu.memory_space<vmem>>[vector<16xi32>], vector<16xi32>,
      %add3A_465 = arith.addi %add3A_457, %gather3A_464 : vector<16xi32>
      %mul3A_466 = arith.constant 16 : i32
      %mul3A_467 = vector.broadcast %mul3A_466 : i32 to vector<16xi32>
      %mul3A_468 = arith.muli %iota3A, %mul3A_467 : vector<16xi32>
      %add3A_469 = arith.constant 9 : i32
      %add3A_470 = vector.broadcast %add3A_469 : i32 to vector<16xi32>
      %add3A_471 = arith.addi %mul3A_468, %add3A_470 : vector<16xi32>
      %gather3A_472 = tpu.vector_load_idx %arg12[%add3A_471] : memref<256xi32, #tpu.memory_space<vmem>>[vector<16xi32>], vector<16xi32>,
      %add3A_473 = arith.addi %add3A_465, %gather3A_472 : vector<16xi32>
      %mul3A_474 = arith.constant 16 : i32
      %mul3A_475 = vector.broadcast %mul3A_474 : i32 to vector<16xi32>
      %mul3A_476 = arith.muli %iota3A, %mul3A_475 : vector<16xi32>
      %add3A_477 = arith.constant 10 : i32
      %add3A_478 = vector.broadcast %add3A_477 : i32 to vector<16xi32>
      %add3A_479 = arith.addi %mul3A_476, %add3A_478 : vector<16xi32>
      %gather3A_480 = tpu.vector_load_idx %arg12[%add3A_479] : memref<256xi32, #tpu.memory_space<vmem>>[vector<16xi32>], vector<16xi32>,
      %add3A_481 = arith.addi %add3A_473, %gather3A_480 : vector<16xi32>
      %mul3A_482 = arith.constant 16 : i32
      %mul3A_483 = vector.broadcast %mul3A_482 : i32 to vector<16xi32>
      %mul3A_484 = arith.muli %iota3A, %mul3A_483 : vector<16xi32>
      %add3A_485 = arith.constant 11 : i32
      %add3A_486 = vector.broadcast %add3A_485 : i32 to vector<16xi32>
      %add3A_487 = arith.addi %mul3A_484, %add3A_486 : vector<16xi32>
      %gather3A_488 = tpu.vector_load_idx %arg12[%add3A_487] : memref<256xi32, #tpu.memory_space<vmem>>[vector<16xi32>], vector<16xi32>,
      %add3A_489 = arith.addi %add3A_481, %gather3A_488 : vector<16xi32>
      %mul3A_490 = arith.constant 16 : i32
      %mul3A_491 = vector.broadcast %mul3A_490 : i32 to vector<16xi32>
      %mul3A_492 = arith.muli %iota3A, %mul3A_491 : vector<16xi32>
      %add3A_493 = arith.constant 12 : i32
      %add3A_494 = vector.broadcast %add3A_493 : i32 to vector<16xi32>
      %add3A_495 = arith.addi %mul3A_492, %add3A_494 : vector<16xi32>
      %gather3A_496 = tpu.vector_load_idx %arg12[%add3A_495] : memref<256xi32, #tpu.memory_space<vmem>>[vector<16xi32>], vector<16xi32>,
      %add3A_497 = arith.addi %add3A_489, %gather3A_496 : vector<16xi32>
      %mul3A_498 = arith.constant 16 : i32
      %mul3A_499 = vector.broadcast %mul3A_498 : i32 to vector<16xi32>
      %mul3A_500 = arith.muli %iota3A, %mul3A_499 : vector<16xi32>
      %add3A_501 = arith.constant 13 : i32
      %add3A_502 = vector.broadcast %add3A_501 : i32 to vector<16xi32>
      %add3A_503 = arith.addi %mul3A_500, %add3A_502 : vector<16xi32>
      %gather3A_504 = tpu.vector_load_idx %arg12[%add3A_503] : memref<256xi32, #tpu.memory_space<vmem>>[vector<16xi32>], vector<16xi32>,
      %add3A_505 = arith.addi %add3A_497, %gather3A_504 : vector<16xi32>
      %mul3A_506 = arith.constant 16 : i32
      %mul3A_507 = vector.broadcast %mul3A_506 : i32 to vector<16xi32>
      %mul3A_508 = arith.muli %iota3A, %mul3A_507 : vector<16xi32>
      %add3A_509 = arith.constant 14 : i32
      %add3A_510 = vector.broadcast %add3A_509 : i32 to vector<16xi32>
      %add3A_511 = arith.addi %mul3A_508, %add3A_510 : vector<16xi32>
      %gather3A_512 = tpu.vector_load_idx %arg12[%add3A_511] : memref<256xi32, #tpu.memory_space<vmem>>[vector<16xi32>], vector<16xi32>,
      %add3A_513 = arith.addi %add3A_505, %gather3A_512 : vector<16xi32>
      %mul3A_514 = arith.constant 16 : i32
      %mul3A_515 = vector.broadcast %mul3A_514 : i32 to vector<16xi32>
      %mul3A_516 = arith.muli %iota3A, %mul3A_515 : vector<16xi32>
      %add3A_517 = arith.constant 15 : i32
      %add3A_518 = vector.broadcast %add3A_517 : i32 to vector<16xi32>
      %add3A_519 = arith.addi %mul3A_516, %add3A_518 : vector<16xi32>
      %gather3A_520 = tpu.vector_load_idx %arg12[%add3A_519] : memref<256xi32, #tpu.memory_space<vmem>>[vector<16xi32>], vector<16xi32>,
      %add3A_521 = arith.addi %add3A_513, %gather3A_520 : vector<16xi32>
      %rev3A_522 = arith.constant 15 : i32
      %rev3A_523 = vector.broadcast %rev3A_522 : i32 to vector<16xi32>
      %rev3A_524 = tpu.iota {dimensions = array<i32: 0>} : vector<16xi32>
      %rev3A_525 = arith.subi %rev3A_523, %rev3A_524 : vector<16xi32>
      %rev3A_526 = tpu.dynamic_gather %add3A_521[%rev3A_525] in [0] : vector<16xi32>, vector<16xi32> -> vector<16xi32>
      %broadcast_in_dim3A_527 = arith.constant true
      %broadcast_in_dim3A_528 = vector.broadcast %broadcast_in_dim3A_527 : i1 to vector<16xi1>
      %masked_cumsum3A_529 = tpu.scan <sum>, %rev3A_526 masked %broadcast_in_dim3A_528 : vector<16xi32>, vector<16xi1> -> vector<16xi32>
      %rev3A_530 = arith.constant 15 : i32
      %rev3A_531 = vector.broadcast %rev3A_530 : i32 to vector<16xi32>
      %rev3A_532 = tpu.iota {dimensions = array<i32: 0>} : vector<16xi32>
      %rev3A_533 = arith.subi %rev3A_531, %rev3A_532 : vector<16xi32>
      %rev3A_534 = tpu.dynamic_gather %masked_cumsum3A_529[%rev3A_533] in [0] : vector<16xi32>, vector<16xi32> -> vector<16xi32>
      %sub3A_535 = arith.subi %rev3A_534, %add3A_521 : vector<16xi32>
      %lt3A_536 = vector.broadcast %sub3A_394 : i32 to vector<16xi32>
      %lt3A_537 = arith.cmpi slt, %sub3A_535, %lt3A_536 : vector<16xi32>
      %ge3A_538 = vector.broadcast %sub3A_394 : i32 to vector<16xi32>
      %ge3A_539 = arith.cmpi sge, %rev3A_534, %ge3A_538 : vector<16xi32>
      %and3A_540 = arith.andi %lt3A_537, %ge3A_539 : vector<16xi1>
      %mul3A_541 = arith.constant 16 : i32
      %mul3A_542 = vector.broadcast %mul3A_541 : i32 to vector<16xi32>
      %mul3A_543 = arith.muli %sub3A_535, %mul3A_542 : vector<16xi32>
      %add3A_544 = arith.addi %mul3A_543, %iota3A : vector<16xi32>
      %jit3A_545 = arith.constant -1 : i32
      %broadcast_in_dim3A_546 = vector.broadcast %jit3A_545 : i32 to vector<16xi32>
      %select_n3A_547 = arith.select %and3A_540, %add3A_544, %broadcast_in_dim3A_546 : vector<16xi1>, vector<16xi32>
      %reduce_max3A_548 = arith.constant true
      %reduce_max3A_549 = vector.broadcast %reduce_max3A_548 : i1 to vector<16xi1>
      %reduce_max3A_550 = arith.constant -2147483648 : i32
      %reduce_max3A_551 = vector.broadcast %reduce_max3A_550 : i32 to vector<16xi32>
      %reduce_max3A_552 = arith.xori %select_n3A_547, %reduce_max3A_551 : vector<16xi32>
      %reduce_max3A_553 = tpu.scan <max>, %reduce_max3A_552 masked %reduce_max3A_549 : vector<16xi32>, vector<16xi1> -> vector<16xi32>
      %reduce_max3A_554 = arith.xori %reduce_max3A_553, %reduce_max3A_551 : vector<16xi32>
      %reduce_max3A_555 = vector.extract %reduce_max3A_554[15] : i32 from vector<16xi32>
      %and3A_556 = arith.constant 15 : i32
      %and3A_557 = arith.andi %reduce_max3A_555, %and3A_556 : i32
      %shift_right_arithmetic3A_558 = arith.constant 4 : i32
      %shift_right_arithmetic3A_559 = arith.shrsi %reduce_max3A_555, %shift_right_arithmetic3A_558 : i32
      %sub3A_560 = arith.subi %sub3A_394, %shift_right_arithmetic3A_559 : i32
      %mul3A_561 = arith.constant 16 : i32
      %mul3A_562 = arith.muli %and3A_557, %mul3A_561 : i32
      %get3A_563 = arith.index_cast %mul3A_562 : i32 to index
      %get3A_564 = tpu.vector_load %arg12[%get3A_563] {strides = array<i32>} : memref<256xi32, #tpu.memory_space<vmem>>, vector<16xi32>,
      %rev3A_565 = arith.constant 15 : i32
      %rev3A_566 = vector.broadcast %rev3A_565 : i32 to vector<16xi32>
      %rev3A_567 = tpu.iota {dimensions = array<i32: 0>} : vector<16xi32>
      %rev3A_568 = arith.subi %rev3A_566, %rev3A_567 : vector<16xi32>
      %rev3A_569 = tpu.dynamic_gather %get3A_564[%rev3A_568] in [0] : vector<16xi32>, vector<16xi32> -> vector<16xi32>
      %broadcast_in_dim3A_570 = arith.constant true
      %broadcast_in_dim3A_571 = vector.broadcast %broadcast_in_dim3A_570 : i1 to vector<16xi1>
      %masked_cumsum3A_572 = tpu.scan <sum>, %rev3A_569 masked %broadcast_in_dim3A_571 : vector<16xi32>, vector<16xi1> -> vector<16xi32>
      %rev3A_573 = arith.constant 15 : i32
      %rev3A_574 = vector.broadcast %rev3A_573 : i32 to vector<16xi32>
      %rev3A_575 = tpu.iota {dimensions = array<i32: 0>} : vector<16xi32>
      %rev3A_576 = arith.subi %rev3A_574, %rev3A_575 : vector<16xi32>
      %rev3A_577 = tpu.dynamic_gather %masked_cumsum3A_572[%rev3A_576] in [0] : vector<16xi32>, vector<16xi32> -> vector<16xi32>
      %sub3A_578 = arith.subi %rev3A_577, %get3A_564 : vector<16xi32>
      %lt3A_579 = vector.broadcast %sub3A_560 : i32 to vector<16xi32>
      %lt3A_580 = arith.cmpi slt, %sub3A_578, %lt3A_579 : vector<16xi32>
      %ge3A_581 = vector.broadcast %sub3A_560 : i32 to vector<16xi32>
      %ge3A_582 = arith.cmpi sge, %rev3A_577, %ge3A_581 : vector<16xi32>
      %and3A_583 = arith.andi %lt3A_580, %ge3A_582 : vector<16xi1>
      %mul3A_584 = arith.constant 16 : i32
      %mul3A_585 = vector.broadcast %mul3A_584 : i32 to vector<16xi32>
      %mul3A_586 = arith.muli %sub3A_578, %mul3A_585 : vector<16xi32>
      %add3A_587 = arith.addi %mul3A_586, %iota3A : vector<16xi32>
      %jit3A_588 = arith.constant -1 : i32
      %broadcast_in_dim3A_589 = vector.broadcast %jit3A_588 : i32 to vector<16xi32>
      %select_n3A_590 = arith.select %and3A_583, %add3A_587, %broadcast_in_dim3A_589 : vector<16xi1>, vector<16xi32>
      %reduce_max3A_591 = arith.constant true
      %reduce_max3A_592 = vector.broadcast %reduce_max3A_591 : i1 to vector<16xi1>
      %reduce_max3A_593 = arith.constant -2147483648 : i32
      %reduce_max3A_594 = vector.broadcast %reduce_max3A_593 : i32 to vector<16xi32>
      %reduce_max3A_595 = arith.xori %select_n3A_590, %reduce_max3A_594 : vector<16xi32>
      %reduce_max3A_596 = tpu.scan <max>, %reduce_max3A_595 masked %reduce_max3A_592 : vector<16xi32>, vector<16xi1> -> vector<16xi32>
      %reduce_max3A_597 = arith.xori %reduce_max3A_596, %reduce_max3A_594 : vector<16xi32>
      %reduce_max3A_598 = vector.extract %reduce_max3A_597[15] : i32 from vector<16xi32>
      %mul3A_599 = arith.constant 16 : i32
      %mul3A_600 = arith.muli %and3A_557, %mul3A_599 : i32
      %and3A_601 = arith.constant 15 : i32
      %and3A_602 = arith.andi %reduce_max3A_598, %and3A_601 : i32
      %add3A_603 = arith.addi %mul3A_600, %and3A_602 : i32
      %shift_right_arithmetic3A_604 = arith.constant 4 : i32
      %shift_right_arithmetic3A_605 = arith.shrsi %reduce_max3A_598, %shift_right_arithmetic3A_604 : i32
      %sub3A_606 = arith.subi %sub3A_560, %shift_right_arithmetic3A_605 : i32
      %shift_left3A = arith.constant 8 : i32
      %shift_left3A_607 = arith.shli %add3A_391, %shift_left3A : i32
      %or3A = arith.ori %shift_left3A_607, %add3A_603 : i32
      %parallel_loop3A_608 = arith.constant 0 : i32
      %parallel_loop3A_609 = arith.constant 512 : i32
      %parallel_loop3A_610 = arith.constant 1 : i32
      scf.for %parallel_loop3A_2066 = %parallel_loop3A_608 to %parallel_loop3A_609 step %parallel_loop3A_610  : i32 {
        %parallel_loop3A_2067 = arith.constant 16 : i32
        %parallel_loop3A_2068 = arith.muli %parallel_loop3A_2066, %parallel_loop3A_2067 : i32
        %parallel_loop3A_2069 = arith.index_cast %parallel_loop3A_2068 : i32 to index
        %parallel_loop3A_2070 = tpu.vector_load %arg9[%parallel_loop3A_2069] {strides = array<i32>} : memref<8192xi32, #tpu.memory_space<vmem>>, vector<16xi32>,
        %parallel_loop3A_2071 = arith.constant 7 : i32
        %parallel_loop3A_2072 = vector.broadcast %parallel_loop3A_2071 : i32 to vector<16xi32>
        %parallel_loop3A_2073 = arith.shrsi %parallel_loop3A_2070, %parallel_loop3A_2072 : vector<16xi32>
        %parallel_loop3A_2074 = arith.constant 8 : i32
        %parallel_loop3A_2075 = arith.shli %or3A, %parallel_loop3A_2074 : i32
        %parallel_loop3A_2076 = vector.broadcast %parallel_loop3A_2075 : i32 to vector<16xi32>
        %parallel_loop3A_2077 = arith.subi %parallel_loop3A_2073, %parallel_loop3A_2076 : vector<16xi32>
        %parallel_loop3A_2078 = vector.bitcast %parallel_loop3A_2077 : vector<16xi32> to vector<16xi32>
        %parallel_loop3A_2079 = arith.constant 256 : i32
        %parallel_loop3A_2080 = vector.broadcast %parallel_loop3A_2079 : i32 to vector<16xi32>
        %parallel_loop3A_2081 = arith.cmpi ult, %parallel_loop3A_2078, %parallel_loop3A_2080 : vector<16xi32>
        tpu.vector_store_idx %arg13[%parallel_loop3A_2077], %broadcast_in_dim3A_13 masked %parallel_loop3A_2081 {add = true} : memref<256xi32, #tpu.memory_space<vmem>>[vector<16xi32>], vector<16xi32>, vector<16xi1>
      } {sc.loop_unroll_factor = 8 : i64, sc.parallel_access}
      %mul3A_611 = arith.constant 16 : i32
      %mul3A_612 = vector.broadcast %mul3A_611 : i32 to vector<16xi32>
      %mul3A_613 = arith.muli %iota3A, %mul3A_612 : vector<16xi32>
      %gather3A_614 = tpu.vector_load_idx %arg13[%mul3A_613] : memref<256xi32, #tpu.memory_space<vmem>>[vector<16xi32>], vector<16xi32>,
      %mul3A_615 = arith.constant 16 : i32
      %mul3A_616 = vector.broadcast %mul3A_615 : i32 to vector<16xi32>
      %mul3A_617 = arith.muli %iota3A, %mul3A_616 : vector<16xi32>
      %add3A_618 = arith.constant 1 : i32
      %add3A_619 = vector.broadcast %add3A_618 : i32 to vector<16xi32>
      %add3A_620 = arith.addi %mul3A_617, %add3A_619 : vector<16xi32>
      %gather3A_621 = tpu.vector_load_idx %arg13[%add3A_620] : memref<256xi32, #tpu.memory_space<vmem>>[vector<16xi32>], vector<16xi32>,
      %add3A_622 = arith.addi %gather3A_614, %gather3A_621 : vector<16xi32>
      %mul3A_623 = arith.constant 16 : i32
      %mul3A_624 = vector.broadcast %mul3A_623 : i32 to vector<16xi32>
      %mul3A_625 = arith.muli %iota3A, %mul3A_624 : vector<16xi32>
      %add3A_626 = arith.constant 2 : i32
      %add3A_627 = vector.broadcast %add3A_626 : i32 to vector<16xi32>
      %add3A_628 = arith.addi %mul3A_625, %add3A_627 : vector<16xi32>
      %gather3A_629 = tpu.vector_load_idx %arg13[%add3A_628] : memref<256xi32, #tpu.memory_space<vmem>>[vector<16xi32>], vector<16xi32>,
      %add3A_630 = arith.addi %add3A_622, %gather3A_629 : vector<16xi32>
      %mul3A_631 = arith.constant 16 : i32
      %mul3A_632 = vector.broadcast %mul3A_631 : i32 to vector<16xi32>
      %mul3A_633 = arith.muli %iota3A, %mul3A_632 : vector<16xi32>
      %add3A_634 = arith.constant 3 : i32
      %add3A_635 = vector.broadcast %add3A_634 : i32 to vector<16xi32>
      %add3A_636 = arith.addi %mul3A_633, %add3A_635 : vector<16xi32>
      %gather3A_637 = tpu.vector_load_idx %arg13[%add3A_636] : memref<256xi32, #tpu.memory_space<vmem>>[vector<16xi32>], vector<16xi32>,
      %add3A_638 = arith.addi %add3A_630, %gather3A_637 : vector<16xi32>
      %mul3A_639 = arith.constant 16 : i32
      %mul3A_640 = vector.broadcast %mul3A_639 : i32 to vector<16xi32>
      %mul3A_641 = arith.muli %iota3A, %mul3A_640 : vector<16xi32>
      %add3A_642 = arith.constant 4 : i32
      %add3A_643 = vector.broadcast %add3A_642 : i32 to vector<16xi32>
      %add3A_644 = arith.addi %mul3A_641, %add3A_643 : vector<16xi32>
      %gather3A_645 = tpu.vector_load_idx %arg13[%add3A_644] : memref<256xi32, #tpu.memory_space<vmem>>[vector<16xi32>], vector<16xi32>,
      %add3A_646 = arith.addi %add3A_638, %gather3A_645 : vector<16xi32>
      %mul3A_647 = arith.constant 16 : i32
      %mul3A_648 = vector.broadcast %mul3A_647 : i32 to vector<16xi32>
      %mul3A_649 = arith.muli %iota3A, %mul3A_648 : vector<16xi32>
      %add3A_650 = arith.constant 5 : i32
      %add3A_651 = vector.broadcast %add3A_650 : i32 to vector<16xi32>
      %add3A_652 = arith.addi %mul3A_649, %add3A_651 : vector<16xi32>
      %gather3A_653 = tpu.vector_load_idx %arg13[%add3A_652] : memref<256xi32, #tpu.memory_space<vmem>>[vector<16xi32>], vector<16xi32>,
      %add3A_654 = arith.addi %add3A_646, %gather3A_653 : vector<16xi32>
      %mul3A_655 = arith.constant 16 : i32
      %mul3A_656 = vector.broadcast %mul3A_655 : i32 to vector<16xi32>
      %mul3A_657 = arith.muli %iota3A, %mul3A_656 : vector<16xi32>
      %add3A_658 = arith.constant 6 : i32
      %add3A_659 = vector.broadcast %add3A_658 : i32 to vector<16xi32>
      %add3A_660 = arith.addi %mul3A_657, %add3A_659 : vector<16xi32>
      %gather3A_661 = tpu.vector_load_idx %arg13[%add3A_660] : memref<256xi32, #tpu.memory_space<vmem>>[vector<16xi32>], vector<16xi32>,
      %add3A_662 = arith.addi %add3A_654, %gather3A_661 : vector<16xi32>
      %mul3A_663 = arith.constant 16 : i32
      %mul3A_664 = vector.broadcast %mul3A_663 : i32 to vector<16xi32>
      %mul3A_665 = arith.muli %iota3A, %mul3A_664 : vector<16xi32>
      %add3A_666 = arith.constant 7 : i32
      %add3A_667 = vector.broadcast %add3A_666 : i32 to vector<16xi32>
      %add3A_668 = arith.addi %mul3A_665, %add3A_667 : vector<16xi32>
      %gather3A_669 = tpu.vector_load_idx %arg13[%add3A_668] : memref<256xi32, #tpu.memory_space<vmem>>[vector<16xi32>], vector<16xi32>,
      %add3A_670 = arith.addi %add3A_662, %gather3A_669 : vector<16xi32>
      %mul3A_671 = arith.constant 16 : i32
      %mul3A_672 = vector.broadcast %mul3A_671 : i32 to vector<16xi32>
      %mul3A_673 = arith.muli %iota3A, %mul3A_672 : vector<16xi32>
      %add3A_674 = arith.constant 8 : i32
      %add3A_675 = vector.broadcast %add3A_674 : i32 to vector<16xi32>
      %add3A_676 = arith.addi %mul3A_673, %add3A_675 : vector<16xi32>
      %gather3A_677 = tpu.vector_load_idx %arg13[%add3A_676] : memref<256xi32, #tpu.memory_space<vmem>>[vector<16xi32>], vector<16xi32>,
      %add3A_678 = arith.addi %add3A_670, %gather3A_677 : vector<16xi32>
      %mul3A_679 = arith.constant 16 : i32
      %mul3A_680 = vector.broadcast %mul3A_679 : i32 to vector<16xi32>
      %mul3A_681 = arith.muli %iota3A, %mul3A_680 : vector<16xi32>
      %add3A_682 = arith.constant 9 : i32
      %add3A_683 = vector.broadcast %add3A_682 : i32 to vector<16xi32>
      %add3A_684 = arith.addi %mul3A_681, %add3A_683 : vector<16xi32>
      %gather3A_685 = tpu.vector_load_idx %arg13[%add3A_684] : memref<256xi32, #tpu.memory_space<vmem>>[vector<16xi32>], vector<16xi32>,
      %add3A_686 = arith.addi %add3A_678, %gather3A_685 : vector<16xi32>
      %mul3A_687 = arith.constant 16 : i32
      %mul3A_688 = vector.broadcast %mul3A_687 : i32 to vector<16xi32>
      %mul3A_689 = arith.muli %iota3A, %mul3A_688 : vector<16xi32>
      %add3A_690 = arith.constant 10 : i32
      %add3A_691 = vector.broadcast %add3A_690 : i32 to vector<16xi32>
      %add3A_692 = arith.addi %mul3A_689, %add3A_691 : vector<16xi32>
      %gather3A_693 = tpu.vector_load_idx %arg13[%add3A_692] : memref<256xi32, #tpu.memory_space<vmem>>[vector<16xi32>], vector<16xi32>,
      %add3A_694 = arith.addi %add3A_686, %gather3A_693 : vector<16xi32>
      %mul3A_695 = arith.constant 16 : i32
      %mul3A_696 = vector.broadcast %mul3A_695 : i32 to vector<16xi32>
      %mul3A_697 = arith.muli %iota3A, %mul3A_696 : vector<16xi32>
      %add3A_698 = arith.constant 11 : i32
      %add3A_699 = vector.broadcast %add3A_698 : i32 to vector<16xi32>
      %add3A_700 = arith.addi %mul3A_697, %add3A_699 : vector<16xi32>
      %gather3A_701 = tpu.vector_load_idx %arg13[%add3A_700] : memref<256xi32, #tpu.memory_space<vmem>>[vector<16xi32>], vector<16xi32>,
      %add3A_702 = arith.addi %add3A_694, %gather3A_701 : vector<16xi32>
      %mul3A_703 = arith.constant 16 : i32
      %mul3A_704 = vector.broadcast %mul3A_703 : i32 to vector<16xi32>
      %mul3A_705 = arith.muli %iota3A, %mul3A_704 : vector<16xi32>
      %add3A_706 = arith.constant 12 : i32
      %add3A_707 = vector.broadcast %add3A_706 : i32 to vector<16xi32>
      %add3A_708 = arith.addi %mul3A_705, %add3A_707 : vector<16xi32>
      %gather3A_709 = tpu.vector_load_idx %arg13[%add3A_708] : memref<256xi32, #tpu.memory_space<vmem>>[vector<16xi32>], vector<16xi32>,
      %add3A_710 = arith.addi %add3A_702, %gather3A_709 : vector<16xi32>
      %mul3A_711 = arith.constant 16 : i32
      %mul3A_712 = vector.broadcast %mul3A_711 : i32 to vector<16xi32>
      %mul3A_713 = arith.muli %iota3A, %mul3A_712 : vector<16xi32>
      %add3A_714 = arith.constant 13 : i32
      %add3A_715 = vector.broadcast %add3A_714 : i32 to vector<16xi32>
      %add3A_716 = arith.addi %mul3A_713, %add3A_715 : vector<16xi32>
      %gather3A_717 = tpu.vector_load_idx %arg13[%add3A_716] : memref<256xi32, #tpu.memory_space<vmem>>[vector<16xi32>], vector<16xi32>,
      %add3A_718 = arith.addi %add3A_710, %gather3A_717 : vector<16xi32>
      %mul3A_719 = arith.constant 16 : i32
      %mul3A_720 = vector.broadcast %mul3A_719 : i32 to vector<16xi32>
      %mul3A_721 = arith.muli %iota3A, %mul3A_720 : vector<16xi32>
      %add3A_722 = arith.constant 14 : i32
      %add3A_723 = vector.broadcast %add3A_722 : i32 to vector<16xi32>
      %add3A_724 = arith.addi %mul3A_721, %add3A_723 : vector<16xi32>
      %gather3A_725 = tpu.vector_load_idx %arg13[%add3A_724] : memref<256xi32, #tpu.memory_space<vmem>>[vector<16xi32>], vector<16xi32>,
      %add3A_726 = arith.addi %add3A_718, %gather3A_725 : vector<16xi32>
      %mul3A_727 = arith.constant 16 : i32
      %mul3A_728 = vector.broadcast %mul3A_727 : i32 to vector<16xi32>
      %mul3A_729 = arith.muli %iota3A, %mul3A_728 : vector<16xi32>
      %add3A_730 = arith.constant 15 : i32
      %add3A_731 = vector.broadcast %add3A_730 : i32 to vector<16xi32>
      %add3A_732 = arith.addi %mul3A_729, %add3A_731 : vector<16xi32>
      %gather3A_733 = tpu.vector_load_idx %arg13[%add3A_732] : memref<256xi32, #tpu.memory_space<vmem>>[vector<16xi32>], vector<16xi32>,
      %add3A_734 = arith.addi %add3A_726, %gather3A_733 : vector<16xi32>
      %rev3A_735 = arith.constant 15 : i32
      %rev3A_736 = vector.broadcast %rev3A_735 : i32 to vector<16xi32>
      %rev3A_737 = tpu.iota {dimensions = array<i32: 0>} : vector<16xi32>
      %rev3A_738 = arith.subi %rev3A_736, %rev3A_737 : vector<16xi32>
      %rev3A_739 = tpu.dynamic_gather %add3A_734[%rev3A_738] in [0] : vector<16xi32>, vector<16xi32> -> vector<16xi32>
      %broadcast_in_dim3A_740 = arith.constant true
      %broadcast_in_dim3A_741 = vector.broadcast %broadcast_in_dim3A_740 : i1 to vector<16xi1>
      %masked_cumsum3A_742 = tpu.scan <sum>, %rev3A_739 masked %broadcast_in_dim3A_741 : vector<16xi32>, vector<16xi1> -> vector<16xi32>
      %rev3A_743 = arith.constant 15 : i32
      %rev3A_744 = vector.broadcast %rev3A_743 : i32 to vector<16xi32>
      %rev3A_745 = tpu.iota {dimensions = array<i32: 0>} : vector<16xi32>
      %rev3A_746 = arith.subi %rev3A_744, %rev3A_745 : vector<16xi32>
      %rev3A_747 = tpu.dynamic_gather %masked_cumsum3A_742[%rev3A_746] in [0] : vector<16xi32>, vector<16xi32> -> vector<16xi32>
      %sub3A_748 = arith.subi %rev3A_747, %add3A_734 : vector<16xi32>
      %lt3A_749 = vector.broadcast %sub3A_606 : i32 to vector<16xi32>
      %lt3A_750 = arith.cmpi slt, %sub3A_748, %lt3A_749 : vector<16xi32>
      %ge3A_751 = vector.broadcast %sub3A_606 : i32 to vector<16xi32>
      %ge3A_752 = arith.cmpi sge, %rev3A_747, %ge3A_751 : vector<16xi32>
      %and3A_753 = arith.andi %lt3A_750, %ge3A_752 : vector<16xi1>
      %mul3A_754 = arith.constant 16 : i32
      %mul3A_755 = vector.broadcast %mul3A_754 : i32 to vector<16xi32>
      %mul3A_756 = arith.muli %sub3A_748, %mul3A_755 : vector<16xi32>
      %add3A_757 = arith.addi %mul3A_756, %iota3A : vector<16xi32>
      %jit3A_758 = arith.constant -1 : i32
      %broadcast_in_dim3A_759 = vector.broadcast %jit3A_758 : i32 to vector<16xi32>
      %select_n3A_760 = arith.select %and3A_753, %add3A_757, %broadcast_in_dim3A_759 : vector<16xi1>, vector<16xi32>
      %reduce_max3A_761 = arith.constant true
      %reduce_max3A_762 = vector.broadcast %reduce_max3A_761 : i1 to vector<16xi1>
      %reduce_max3A_763 = arith.constant -2147483648 : i32
      %reduce_max3A_764 = vector.broadcast %reduce_max3A_763 : i32 to vector<16xi32>
      %reduce_max3A_765 = arith.xori %select_n3A_760, %reduce_max3A_764 : vector<16xi32>
      %reduce_max3A_766 = tpu.scan <max>, %reduce_max3A_765 masked %reduce_max3A_762 : vector<16xi32>, vector<16xi1> -> vector<16xi32>
      %reduce_max3A_767 = arith.xori %reduce_max3A_766, %reduce_max3A_764 : vector<16xi32>
      %reduce_max3A_768 = vector.extract %reduce_max3A_767[15] : i32 from vector<16xi32>
      %and3A_769 = arith.constant 15 : i32
      %and3A_770 = arith.andi %reduce_max3A_768, %and3A_769 : i32
      %shift_right_arithmetic3A_771 = arith.constant 4 : i32
      %shift_right_arithmetic3A_772 = arith.shrsi %reduce_max3A_768, %shift_right_arithmetic3A_771 : i32
      %sub3A_773 = arith.subi %sub3A_606, %shift_right_arithmetic3A_772 : i32
      %mul3A_774 = arith.constant 16 : i32
      %mul3A_775 = arith.muli %and3A_770, %mul3A_774 : i32
      %get3A_776 = arith.index_cast %mul3A_775 : i32 to index
      %get3A_777 = tpu.vector_load %arg13[%get3A_776] {strides = array<i32>} : memref<256xi32, #tpu.memory_space<vmem>>, vector<16xi32>,
      %rev3A_778 = arith.constant 15 : i32
      %rev3A_779 = vector.broadcast %rev3A_778 : i32 to vector<16xi32>
      %rev3A_780 = tpu.iota {dimensions = array<i32: 0>} : vector<16xi32>
      %rev3A_781 = arith.subi %rev3A_779, %rev3A_780 : vector<16xi32>
      %rev3A_782 = tpu.dynamic_gather %get3A_777[%rev3A_781] in [0] : vector<16xi32>, vector<16xi32> -> vector<16xi32>
      %broadcast_in_dim3A_783 = arith.constant true
      %broadcast_in_dim3A_784 = vector.broadcast %broadcast_in_dim3A_783 : i1 to vector<16xi1>
      %masked_cumsum3A_785 = tpu.scan <sum>, %rev3A_782 masked %broadcast_in_dim3A_784 : vector<16xi32>, vector<16xi1> -> vector<16xi32>
      %rev3A_786 = arith.constant 15 : i32
      %rev3A_787 = vector.broadcast %rev3A_786 : i32 to vector<16xi32>
      %rev3A_788 = tpu.iota {dimensions = array<i32: 0>} : vector<16xi32>
      %rev3A_789 = arith.subi %rev3A_787, %rev3A_788 : vector<16xi32>
      %rev3A_790 = tpu.dynamic_gather %masked_cumsum3A_785[%rev3A_789] in [0] : vector<16xi32>, vector<16xi32> -> vector<16xi32>
      %sub3A_791 = arith.subi %rev3A_790, %get3A_777 : vector<16xi32>
      %lt3A_792 = vector.broadcast %sub3A_773 : i32 to vector<16xi32>
      %lt3A_793 = arith.cmpi slt, %sub3A_791, %lt3A_792 : vector<16xi32>
      %ge3A_794 = vector.broadcast %sub3A_773 : i32 to vector<16xi32>
      %ge3A_795 = arith.cmpi sge, %rev3A_790, %ge3A_794 : vector<16xi32>
      %and3A_796 = arith.andi %lt3A_793, %ge3A_795 : vector<16xi1>
      %mul3A_797 = arith.constant 16 : i32
      %mul3A_798 = vector.broadcast %mul3A_797 : i32 to vector<16xi32>
      %mul3A_799 = arith.muli %sub3A_791, %mul3A_798 : vector<16xi32>
      %add3A_800 = arith.addi %mul3A_799, %iota3A : vector<16xi32>
      %jit3A_801 = arith.constant -1 : i32
      %broadcast_in_dim3A_802 = vector.broadcast %jit3A_801 : i32 to vector<16xi32>
      %select_n3A_803 = arith.select %and3A_796, %add3A_800, %broadcast_in_dim3A_802 : vector<16xi1>, vector<16xi32>
      %reduce_max3A_804 = arith.constant true
      %reduce_max3A_805 = vector.broadcast %reduce_max3A_804 : i1 to vector<16xi1>
      %reduce_max3A_806 = arith.constant -2147483648 : i32
      %reduce_max3A_807 = vector.broadcast %reduce_max3A_806 : i32 to vector<16xi32>
      %reduce_max3A_808 = arith.xori %select_n3A_803, %reduce_max3A_807 : vector<16xi32>
      %reduce_max3A_809 = tpu.scan <max>, %reduce_max3A_808 masked %reduce_max3A_805 : vector<16xi32>, vector<16xi1> -> vector<16xi32>
      %reduce_max3A_810 = arith.xori %reduce_max3A_809, %reduce_max3A_807 : vector<16xi32>
      %reduce_max3A_811 = vector.extract %reduce_max3A_810[15] : i32 from vector<16xi32>
      %mul3A_812 = arith.constant 16 : i32
      %mul3A_813 = arith.muli %and3A_770, %mul3A_812 : i32
      %and3A_814 = arith.constant 15 : i32
      %and3A_815 = arith.andi %reduce_max3A_811, %and3A_814 : i32
      %add3A_816 = arith.addi %mul3A_813, %and3A_815 : i32
      %shift_right_arithmetic3A_817 = arith.constant 4 : i32
      %shift_right_arithmetic3A_818 = arith.shrsi %reduce_max3A_811, %shift_right_arithmetic3A_817 : i32
      %sub3A_819 = arith.subi %sub3A_773, %shift_right_arithmetic3A_818 : i32
      %shift_left3A_820 = arith.constant 8 : i32
      %shift_left3A_821 = arith.shli %or3A, %shift_left3A_820 : i32
      %or3A_822 = arith.ori %shift_left3A_821, %add3A_816 : i32
      %parallel_loop3A_823 = arith.constant 0 : i32
      %parallel_loop3A_824 = arith.constant 512 : i32
      %parallel_loop3A_825 = arith.constant 1 : i32
      scf.for %parallel_loop3A_2066 = %parallel_loop3A_823 to %parallel_loop3A_824 step %parallel_loop3A_825  : i32 {
        %parallel_loop3A_2067 = arith.constant 16 : i32
        %parallel_loop3A_2068 = arith.muli %parallel_loop3A_2066, %parallel_loop3A_2067 : i32
        %parallel_loop3A_2069 = arith.index_cast %parallel_loop3A_2068 : i32 to index
        %parallel_loop3A_2070 = tpu.vector_load %arg9[%parallel_loop3A_2069] {strides = array<i32>} : memref<8192xi32, #tpu.memory_space<vmem>>, vector<16xi32>,
        %parallel_loop3A_2071 = arith.constant 7 : i32
        %parallel_loop3A_2072 = arith.shli %or3A_822, %parallel_loop3A_2071 : i32
        %parallel_loop3A_2073 = vector.broadcast %parallel_loop3A_2072 : i32 to vector<16xi32>
        %parallel_loop3A_2074 = arith.subi %parallel_loop3A_2070, %parallel_loop3A_2073 : vector<16xi32>
        %parallel_loop3A_2075 = vector.bitcast %parallel_loop3A_2074 : vector<16xi32> to vector<16xi32>
        %parallel_loop3A_2076 = arith.constant 128 : i32
        %parallel_loop3A_2077 = vector.broadcast %parallel_loop3A_2076 : i32 to vector<16xi32>
        %parallel_loop3A_2078 = arith.cmpi ult, %parallel_loop3A_2075, %parallel_loop3A_2077 : vector<16xi32>
        tpu.vector_store_idx %arg14[%parallel_loop3A_2074], %broadcast_in_dim3A_13 masked %parallel_loop3A_2078 {add = true} : memref<256xi32, #tpu.memory_space<vmem>>[vector<16xi32>], vector<16xi32>, vector<16xi1>
      } {sc.loop_unroll_factor = 8 : i64, sc.parallel_access}
      %mul3A_826 = arith.constant 16 : i32
      %mul3A_827 = vector.broadcast %mul3A_826 : i32 to vector<16xi32>
      %mul3A_828 = arith.muli %iota3A, %mul3A_827 : vector<16xi32>
      %gather3A_829 = tpu.vector_load_idx %arg14[%mul3A_828] : memref<256xi32, #tpu.memory_space<vmem>>[vector<16xi32>], vector<16xi32>,
      %mul3A_830 = arith.constant 16 : i32
      %mul3A_831 = vector.broadcast %mul3A_830 : i32 to vector<16xi32>
      %mul3A_832 = arith.muli %iota3A, %mul3A_831 : vector<16xi32>
      %add3A_833 = arith.constant 1 : i32
      %add3A_834 = vector.broadcast %add3A_833 : i32 to vector<16xi32>
      %add3A_835 = arith.addi %mul3A_832, %add3A_834 : vector<16xi32>
      %gather3A_836 = tpu.vector_load_idx %arg14[%add3A_835] : memref<256xi32, #tpu.memory_space<vmem>>[vector<16xi32>], vector<16xi32>,
      %add3A_837 = arith.addi %gather3A_829, %gather3A_836 : vector<16xi32>
      %mul3A_838 = arith.constant 16 : i32
      %mul3A_839 = vector.broadcast %mul3A_838 : i32 to vector<16xi32>
      %mul3A_840 = arith.muli %iota3A, %mul3A_839 : vector<16xi32>
      %add3A_841 = arith.constant 2 : i32
      %add3A_842 = vector.broadcast %add3A_841 : i32 to vector<16xi32>
      %add3A_843 = arith.addi %mul3A_840, %add3A_842 : vector<16xi32>
      %gather3A_844 = tpu.vector_load_idx %arg14[%add3A_843] : memref<256xi32, #tpu.memory_space<vmem>>[vector<16xi32>], vector<16xi32>,
      %add3A_845 = arith.addi %add3A_837, %gather3A_844 : vector<16xi32>
      %mul3A_846 = arith.constant 16 : i32
      %mul3A_847 = vector.broadcast %mul3A_846 : i32 to vector<16xi32>
      %mul3A_848 = arith.muli %iota3A, %mul3A_847 : vector<16xi32>
      %add3A_849 = arith.constant 3 : i32
      %add3A_850 = vector.broadcast %add3A_849 : i32 to vector<16xi32>
      %add3A_851 = arith.addi %mul3A_848, %add3A_850 : vector<16xi32>
      %gather3A_852 = tpu.vector_load_idx %arg14[%add3A_851] : memref<256xi32, #tpu.memory_space<vmem>>[vector<16xi32>], vector<16xi32>,
      %add3A_853 = arith.addi %add3A_845, %gather3A_852 : vector<16xi32>
      %mul3A_854 = arith.constant 16 : i32
      %mul3A_855 = vector.broadcast %mul3A_854 : i32 to vector<16xi32>
      %mul3A_856 = arith.muli %iota3A, %mul3A_855 : vector<16xi32>
      %add3A_857 = arith.constant 4 : i32
      %add3A_858 = vector.broadcast %add3A_857 : i32 to vector<16xi32>
      %add3A_859 = arith.addi %mul3A_856, %add3A_858 : vector<16xi32>
      %gather3A_860 = tpu.vector_load_idx %arg14[%add3A_859] : memref<256xi32, #tpu.memory_space<vmem>>[vector<16xi32>], vector<16xi32>,
      %add3A_861 = arith.addi %add3A_853, %gather3A_860 : vector<16xi32>
      %mul3A_862 = arith.constant 16 : i32
      %mul3A_863 = vector.broadcast %mul3A_862 : i32 to vector<16xi32>
      %mul3A_864 = arith.muli %iota3A, %mul3A_863 : vector<16xi32>
      %add3A_865 = arith.constant 5 : i32
      %add3A_866 = vector.broadcast %add3A_865 : i32 to vector<16xi32>
      %add3A_867 = arith.addi %mul3A_864, %add3A_866 : vector<16xi32>
      %gather3A_868 = tpu.vector_load_idx %arg14[%add3A_867] : memref<256xi32, #tpu.memory_space<vmem>>[vector<16xi32>], vector<16xi32>,
      %add3A_869 = arith.addi %add3A_861, %gather3A_868 : vector<16xi32>
      %mul3A_870 = arith.constant 16 : i32
      %mul3A_871 = vector.broadcast %mul3A_870 : i32 to vector<16xi32>
      %mul3A_872 = arith.muli %iota3A, %mul3A_871 : vector<16xi32>
      %add3A_873 = arith.constant 6 : i32
      %add3A_874 = vector.broadcast %add3A_873 : i32 to vector<16xi32>
      %add3A_875 = arith.addi %mul3A_872, %add3A_874 : vector<16xi32>
      %gather3A_876 = tpu.vector_load_idx %arg14[%add3A_875] : memref<256xi32, #tpu.memory_space<vmem>>[vector<16xi32>], vector<16xi32>,
      %add3A_877 = arith.addi %add3A_869, %gather3A_876 : vector<16xi32>
      %mul3A_878 = arith.constant 16 : i32
      %mul3A_879 = vector.broadcast %mul3A_878 : i32 to vector<16xi32>
      %mul3A_880 = arith.muli %iota3A, %mul3A_879 : vector<16xi32>
      %add3A_881 = arith.constant 7 : i32
      %add3A_882 = vector.broadcast %add3A_881 : i32 to vector<16xi32>
      %add3A_883 = arith.addi %mul3A_880, %add3A_882 : vector<16xi32>
      %gather3A_884 = tpu.vector_load_idx %arg14[%add3A_883] : memref<256xi32, #tpu.memory_space<vmem>>[vector<16xi32>], vector<16xi32>,
      %add3A_885 = arith.addi %add3A_877, %gather3A_884 : vector<16xi32>
      %mul3A_886 = arith.constant 16 : i32
      %mul3A_887 = vector.broadcast %mul3A_886 : i32 to vector<16xi32>
      %mul3A_888 = arith.muli %iota3A, %mul3A_887 : vector<16xi32>
      %add3A_889 = arith.constant 8 : i32
      %add3A_890 = vector.broadcast %add3A_889 : i32 to vector<16xi32>
      %add3A_891 = arith.addi %mul3A_888, %add3A_890 : vector<16xi32>
      %gather3A_892 = tpu.vector_load_idx %arg14[%add3A_891] : memref<256xi32, #tpu.memory_space<vmem>>[vector<16xi32>], vector<16xi32>,
      %add3A_893 = arith.addi %add3A_885, %gather3A_892 : vector<16xi32>
      %mul3A_894 = arith.constant 16 : i32
      %mul3A_895 = vector.broadcast %mul3A_894 : i32 to vector<16xi32>
      %mul3A_896 = arith.muli %iota3A, %mul3A_895 : vector<16xi32>
      %add3A_897 = arith.constant 9 : i32
      %add3A_898 = vector.broadcast %add3A_897 : i32 to vector<16xi32>
      %add3A_899 = arith.addi %mul3A_896, %add3A_898 : vector<16xi32>
      %gather3A_900 = tpu.vector_load_idx %arg14[%add3A_899] : memref<256xi32, #tpu.memory_space<vmem>>[vector<16xi32>], vector<16xi32>,
      %add3A_901 = arith.addi %add3A_893, %gather3A_900 : vector<16xi32>
      %mul3A_902 = arith.constant 16 : i32
      %mul3A_903 = vector.broadcast %mul3A_902 : i32 to vector<16xi32>
      %mul3A_904 = arith.muli %iota3A, %mul3A_903 : vector<16xi32>
      %add3A_905 = arith.constant 10 : i32
      %add3A_906 = vector.broadcast %add3A_905 : i32 to vector<16xi32>
      %add3A_907 = arith.addi %mul3A_904, %add3A_906 : vector<16xi32>
      %gather3A_908 = tpu.vector_load_idx %arg14[%add3A_907] : memref<256xi32, #tpu.memory_space<vmem>>[vector<16xi32>], vector<16xi32>,
      %add3A_909 = arith.addi %add3A_901, %gather3A_908 : vector<16xi32>
      %mul3A_910 = arith.constant 16 : i32
      %mul3A_911 = vector.broadcast %mul3A_910 : i32 to vector<16xi32>
      %mul3A_912 = arith.muli %iota3A, %mul3A_911 : vector<16xi32>
      %add3A_913 = arith.constant 11 : i32
      %add3A_914 = vector.broadcast %add3A_913 : i32 to vector<16xi32>
      %add3A_915 = arith.addi %mul3A_912, %add3A_914 : vector<16xi32>
      %gather3A_916 = tpu.vector_load_idx %arg14[%add3A_915] : memref<256xi32, #tpu.memory_space<vmem>>[vector<16xi32>], vector<16xi32>,
      %add3A_917 = arith.addi %add3A_909, %gather3A_916 : vector<16xi32>
      %mul3A_918 = arith.constant 16 : i32
      %mul3A_919 = vector.broadcast %mul3A_918 : i32 to vector<16xi32>
      %mul3A_920 = arith.muli %iota3A, %mul3A_919 : vector<16xi32>
      %add3A_921 = arith.constant 12 : i32
      %add3A_922 = vector.broadcast %add3A_921 : i32 to vector<16xi32>
      %add3A_923 = arith.addi %mul3A_920, %add3A_922 : vector<16xi32>
      %gather3A_924 = tpu.vector_load_idx %arg14[%add3A_923] : memref<256xi32, #tpu.memory_space<vmem>>[vector<16xi32>], vector<16xi32>,
      %add3A_925 = arith.addi %add3A_917, %gather3A_924 : vector<16xi32>
      %mul3A_926 = arith.constant 16 : i32
      %mul3A_927 = vector.broadcast %mul3A_926 : i32 to vector<16xi32>
      %mul3A_928 = arith.muli %iota3A, %mul3A_927 : vector<16xi32>
      %add3A_929 = arith.constant 13 : i32
      %add3A_930 = vector.broadcast %add3A_929 : i32 to vector<16xi32>
      %add3A_931 = arith.addi %mul3A_928, %add3A_930 : vector<16xi32>
      %gather3A_932 = tpu.vector_load_idx %arg14[%add3A_931] : memref<256xi32, #tpu.memory_space<vmem>>[vector<16xi32>], vector<16xi32>,
      %add3A_933 = arith.addi %add3A_925, %gather3A_932 : vector<16xi32>
      %mul3A_934 = arith.constant 16 : i32
      %mul3A_935 = vector.broadcast %mul3A_934 : i32 to vector<16xi32>
      %mul3A_936 = arith.muli %iota3A, %mul3A_935 : vector<16xi32>
      %add3A_937 = arith.constant 14 : i32
      %add3A_938 = vector.broadcast %add3A_937 : i32 to vector<16xi32>
      %add3A_939 = arith.addi %mul3A_936, %add3A_938 : vector<16xi32>
      %gather3A_940 = tpu.vector_load_idx %arg14[%add3A_939] : memref<256xi32, #tpu.memory_space<vmem>>[vector<16xi32>], vector<16xi32>,
      %add3A_941 = arith.addi %add3A_933, %gather3A_940 : vector<16xi32>
      %mul3A_942 = arith.constant 16 : i32
      %mul3A_943 = vector.broadcast %mul3A_942 : i32 to vector<16xi32>
      %mul3A_944 = arith.muli %iota3A, %mul3A_943 : vector<16xi32>
      %add3A_945 = arith.constant 15 : i32
      %add3A_946 = vector.broadcast %add3A_945 : i32 to vector<16xi32>
      %add3A_947 = arith.addi %mul3A_944, %add3A_946 : vector<16xi32>
      %gather3A_948 = tpu.vector_load_idx %arg14[%add3A_947] : memref<256xi32, #tpu.memory_space<vmem>>[vector<16xi32>], vector<16xi32>,
      %add3A_949 = arith.addi %add3A_941, %gather3A_948 : vector<16xi32>
      %rev3A_950 = arith.constant 15 : i32
      %rev3A_951 = vector.broadcast %rev3A_950 : i32 to vector<16xi32>
      %rev3A_952 = tpu.iota {dimensions = array<i32: 0>} : vector<16xi32>
      %rev3A_953 = arith.subi %rev3A_951, %rev3A_952 : vector<16xi32>
      %rev3A_954 = tpu.dynamic_gather %add3A_949[%rev3A_953] in [0] : vector<16xi32>, vector<16xi32> -> vector<16xi32>
      %broadcast_in_dim3A_955 = arith.constant true
      %broadcast_in_dim3A_956 = vector.broadcast %broadcast_in_dim3A_955 : i1 to vector<16xi1>
      %masked_cumsum3A_957 = tpu.scan <sum>, %rev3A_954 masked %broadcast_in_dim3A_956 : vector<16xi32>, vector<16xi1> -> vector<16xi32>
      %rev3A_958 = arith.constant 15 : i32
      %rev3A_959 = vector.broadcast %rev3A_958 : i32 to vector<16xi32>
      %rev3A_960 = tpu.iota {dimensions = array<i32: 0>} : vector<16xi32>
      %rev3A_961 = arith.subi %rev3A_959, %rev3A_960 : vector<16xi32>
      %rev3A_962 = tpu.dynamic_gather %masked_cumsum3A_957[%rev3A_961] in [0] : vector<16xi32>, vector<16xi32> -> vector<16xi32>
      %sub3A_963 = arith.subi %rev3A_962, %add3A_949 : vector<16xi32>
      %lt3A_964 = vector.broadcast %sub3A_819 : i32 to vector<16xi32>
      %lt3A_965 = arith.cmpi slt, %sub3A_963, %lt3A_964 : vector<16xi32>
      %ge3A_966 = vector.broadcast %sub3A_819 : i32 to vector<16xi32>
      %ge3A_967 = arith.cmpi sge, %rev3A_962, %ge3A_966 : vector<16xi32>
      %and3A_968 = arith.andi %lt3A_965, %ge3A_967 : vector<16xi1>
      %mul3A_969 = arith.constant 16 : i32
      %mul3A_970 = vector.broadcast %mul3A_969 : i32 to vector<16xi32>
      %mul3A_971 = arith.muli %sub3A_963, %mul3A_970 : vector<16xi32>
      %add3A_972 = arith.addi %mul3A_971, %iota3A : vector<16xi32>
      %jit3A_973 = arith.constant -1 : i32
      %broadcast_in_dim3A_974 = vector.broadcast %jit3A_973 : i32 to vector<16xi32>
      %select_n3A_975 = arith.select %and3A_968, %add3A_972, %broadcast_in_dim3A_974 : vector<16xi1>, vector<16xi32>
      %reduce_max3A_976 = arith.constant true
      %reduce_max3A_977 = vector.broadcast %reduce_max3A_976 : i1 to vector<16xi1>
      %reduce_max3A_978 = arith.constant -2147483648 : i32
      %reduce_max3A_979 = vector.broadcast %reduce_max3A_978 : i32 to vector<16xi32>
      %reduce_max3A_980 = arith.xori %select_n3A_975, %reduce_max3A_979 : vector<16xi32>
      %reduce_max3A_981 = tpu.scan <max>, %reduce_max3A_980 masked %reduce_max3A_977 : vector<16xi32>, vector<16xi1> -> vector<16xi32>
      %reduce_max3A_982 = arith.xori %reduce_max3A_981, %reduce_max3A_979 : vector<16xi32>
      %reduce_max3A_983 = vector.extract %reduce_max3A_982[15] : i32 from vector<16xi32>
      %and3A_984 = arith.constant 15 : i32
      %and3A_985 = arith.andi %reduce_max3A_983, %and3A_984 : i32
      %shift_right_arithmetic3A_986 = arith.constant 4 : i32
      %shift_right_arithmetic3A_987 = arith.shrsi %reduce_max3A_983, %shift_right_arithmetic3A_986 : i32
      %sub3A_988 = arith.subi %sub3A_819, %shift_right_arithmetic3A_987 : i32
      %mul3A_989 = arith.constant 16 : i32
      %mul3A_990 = arith.muli %and3A_985, %mul3A_989 : i32
      %get3A_991 = arith.index_cast %mul3A_990 : i32 to index
      %get3A_992 = tpu.vector_load %arg14[%get3A_991] {strides = array<i32>} : memref<256xi32, #tpu.memory_space<vmem>>, vector<16xi32>,
      %rev3A_993 = arith.constant 15 : i32
      %rev3A_994 = vector.broadcast %rev3A_993 : i32 to vector<16xi32>
      %rev3A_995 = tpu.iota {dimensions = array<i32: 0>} : vector<16xi32>
      %rev3A_996 = arith.subi %rev3A_994, %rev3A_995 : vector<16xi32>
      %rev3A_997 = tpu.dynamic_gather %get3A_992[%rev3A_996] in [0] : vector<16xi32>, vector<16xi32> -> vector<16xi32>
      %broadcast_in_dim3A_998 = arith.constant true
      %broadcast_in_dim3A_999 = vector.broadcast %broadcast_in_dim3A_998 : i1 to vector<16xi1>
      %masked_cumsum3A_1000 = tpu.scan <sum>, %rev3A_997 masked %broadcast_in_dim3A_999 : vector<16xi32>, vector<16xi1> -> vector<16xi32>
      %rev3A_1001 = arith.constant 15 : i32
      %rev3A_1002 = vector.broadcast %rev3A_1001 : i32 to vector<16xi32>
      %rev3A_1003 = tpu.iota {dimensions = array<i32: 0>} : vector<16xi32>
      %rev3A_1004 = arith.subi %rev3A_1002, %rev3A_1003 : vector<16xi32>
      %rev3A_1005 = tpu.dynamic_gather %masked_cumsum3A_1000[%rev3A_1004] in [0] : vector<16xi32>, vector<16xi32> -> vector<16xi32>
      %sub3A_1006 = arith.subi %rev3A_1005, %get3A_992 : vector<16xi32>
      %lt3A_1007 = vector.broadcast %sub3A_988 : i32 to vector<16xi32>
      %lt3A_1008 = arith.cmpi slt, %sub3A_1006, %lt3A_1007 : vector<16xi32>
      %ge3A_1009 = vector.broadcast %sub3A_988 : i32 to vector<16xi32>
      %ge3A_1010 = arith.cmpi sge, %rev3A_1005, %ge3A_1009 : vector<16xi32>
      %and3A_1011 = arith.andi %lt3A_1008, %ge3A_1010 : vector<16xi1>
      %mul3A_1012 = arith.constant 16 : i32
      %mul3A_1013 = vector.broadcast %mul3A_1012 : i32 to vector<16xi32>
      %mul3A_1014 = arith.muli %sub3A_1006, %mul3A_1013 : vector<16xi32>
      %add3A_1015 = arith.addi %mul3A_1014, %iota3A : vector<16xi32>
      %jit3A_1016 = arith.constant -1 : i32
      %broadcast_in_dim3A_1017 = vector.broadcast %jit3A_1016 : i32 to vector<16xi32>
      %select_n3A_1018 = arith.select %and3A_1011, %add3A_1015, %broadcast_in_dim3A_1017 : vector<16xi1>, vector<16xi32>
      %reduce_max3A_1019 = arith.constant true
      %reduce_max3A_1020 = vector.broadcast %reduce_max3A_1019 : i1 to vector<16xi1>
      %reduce_max3A_1021 = arith.constant -2147483648 : i32
      %reduce_max3A_1022 = vector.broadcast %reduce_max3A_1021 : i32 to vector<16xi32>
      %reduce_max3A_1023 = arith.xori %select_n3A_1018, %reduce_max3A_1022 : vector<16xi32>
      %reduce_max3A_1024 = tpu.scan <max>, %reduce_max3A_1023 masked %reduce_max3A_1020 : vector<16xi32>, vector<16xi1> -> vector<16xi32>
      %reduce_max3A_1025 = arith.xori %reduce_max3A_1024, %reduce_max3A_1022 : vector<16xi32>
      %reduce_max3A_1026 = vector.extract %reduce_max3A_1025[15] : i32 from vector<16xi32>
      %mul3A_1027 = arith.constant 16 : i32
      %mul3A_1028 = arith.muli %and3A_985, %mul3A_1027 : i32
      %and3A_1029 = arith.constant 15 : i32
      %and3A_1030 = arith.andi %reduce_max3A_1026, %and3A_1029 : i32
      %add3A_1031 = arith.addi %mul3A_1028, %and3A_1030 : i32
      %shift_right_arithmetic3A_1032 = arith.constant 4 : i32
      %shift_right_arithmetic3A_1033 = arith.shrsi %reduce_max3A_1026, %shift_right_arithmetic3A_1032 : i32
      %sub3A_1034 = arith.subi %sub3A_988, %shift_right_arithmetic3A_1033 : i32
      %shift_left3A_1035 = arith.constant 7 : i32
      %shift_left3A_1036 = arith.shli %or3A_822, %shift_left3A_1035 : i32
      %or3A_1037 = arith.ori %shift_left3A_1036, %add3A_1031 : i32
      %parallel_loop3A_1038 = arith.constant 0 : i32
      %parallel_loop3A_1039 = arith.constant 512 : i32
      %parallel_loop3A_1040 = arith.constant 1 : i32
      scf.for %parallel_loop3A_2066 = %parallel_loop3A_1038 to %parallel_loop3A_1039 step %parallel_loop3A_1040  : i32 {
        %parallel_loop3A_2067 = arith.constant 16 : i32
        %parallel_loop3A_2068 = arith.muli %parallel_loop3A_2066, %parallel_loop3A_2067 : i32
        %parallel_loop3A_2069 = arith.index_cast %parallel_loop3A_2068 : i32 to index
        %parallel_loop3A_2070 = tpu.vector_load %arg9[%parallel_loop3A_2069] {strides = array<i32>} : memref<8192xi32, #tpu.memory_space<vmem>>, vector<16xi32>,
        %parallel_loop3A_2071 = vector.broadcast %or3A_1037 : i32 to vector<16xi32>
        %parallel_loop3A_2072 = arith.cmpi sge, %parallel_loop3A_2070, %parallel_loop3A_2071 : vector<16xi32>
        %parallel_loop3A_2073 = arith.constant 1.000000e+00 : f32
        %parallel_loop3A_2074 = arith.constant 0.000000e+00 : f32
        %parallel_loop3A_2075 = vector.broadcast %parallel_loop3A_2073 : f32 to vector<16xf32>
        %parallel_loop3A_2076 = vector.broadcast %parallel_loop3A_2074 : f32 to vector<16xf32>
        %parallel_loop3A_2077 = arith.select %parallel_loop3A_2072, %parallel_loop3A_2075, %parallel_loop3A_2076 : vector<16xi1>, vector<16xf32>
        %parallel_loop3A_2078 = arith.constant 16 : i32
        %parallel_loop3A_2079 = arith.muli %parallel_loop3A_2066, %parallel_loop3A_2078 : i32
        %parallel_loop3A_2080 = arith.index_cast %parallel_loop3A_2079 : i32 to index
        %parallel_loop3A_2081 = tpu.vector_load %arg7[%parallel_loop3A_2080] {strides = array<i32>} : memref<8192xf32, #tpu.memory_space<vmem>>, vector<16xf32>,
        tpu.vector_store %arg7[%parallel_loop3A_2080], %parallel_loop3A_2077 {strides = array<i32>} : memref<8192xf32, #tpu.memory_space<vmem>>, vector<16xf32>,
      } {sc.loop_unroll_factor = 8 : i64, sc.parallel_access}
      %add3A_1041 = arith.addi %mul3A_2, %add3A_48 : i32
      %dma_start3A_1042 = arith.constant 0 : i32
      %dma_start3A_1043 = tpu.memref_slice %arg4[%add3A_1041, %dma_start3A_1042] : memref<4096x8192xf32, #tpu.memory_space<hbm>> -> memref<1x8192xf32, #tpu.memory_space<hbm>>
      %dma_start3A_1044 = tpu.memref_squeeze %dma_start3A_1043 : memref<1x8192xf32, #tpu.memory_space<hbm>> -> memref<8192xf32, #tpu.memory_space<hbm>>
      %dma_start3A_1045 = arith.constant 0 : i32
      %dma_start3A_1046 = tpu.memref_slice %arg4[%add3A_1041, %dma_start3A_1045] : memref<4096x8192xf32, #tpu.memory_space<hbm>> -> memref<1x8192xf32, #tpu.memory_space<hbm>>
      %dma_start3A_1047 = tpu.memref_squeeze %dma_start3A_1046 : memref<1x8192xf32, #tpu.memory_space<hbm>> -> memref<8192xf32, #tpu.memory_space<hbm>>
      tpu.enqueue_dma source(%arg7 : memref<8192xf32, #tpu.memory_space<vmem>>) target(%dma_start3A_1047 : memref<8192xf32, #tpu.memory_space<hbm>>) target_semaphore(%arg17 : memref<!tpu.dma_semaphore, #tpu.memory_space<semaphore_mem>>)
      %mul3A_1048 = arith.constant 2 : i32
      %mul3A_1049 = arith.muli %scan3A_44, %mul3A_1048 : i32
      %add3A_1050 = arith.constant 1 : i32
      %add3A_1051 = arith.addi %mul3A_1049, %add3A_1050 : i32
      %add3A_1052 = arith.constant 1 : i32
      %add3A_1053 = arith.addi %add3A_1051, %add3A_1052 : i32
      %lt3A_1054 = arith.constant 128 : i32
      %lt3A_1055 = arith.cmpi slt, %add3A_1053, %lt3A_1054 : i32
      %convert_element_type3A_1056 = arith.extui %lt3A_1055 : i1 to i32
      %cond3A_1057 = arith.constant 0 : i32
      %cond3A_1058 = arith.cmpi ne, %convert_element_type3A_1056, %cond3A_1057 : i32
      scf.if %cond3A_1058 {
        %add3A_2066 = arith.addi %mul3A_2, %add3A_1051 : i32
        %add3A_2067 = arith.constant 1 : i32
        %add3A_2068 = arith.addi %add3A_2066, %add3A_2067 : i32
        %dma_start3A_2069 = arith.constant 0 : i32
        %dma_start3A_2070 = tpu.memref_slice %arg2[%add3A_2068, %dma_start3A_2069] : memref<4096x8192xf32, #tpu.memory_space<hbm>> -> memref<1x8192xf32, #tpu.memory_space<hbm>>
        %dma_start3A_2071 = tpu.memref_squeeze %dma_start3A_2070 : memref<1x8192xf32, #tpu.memory_space<hbm>> -> memref<8192xf32, #tpu.memory_space<hbm>>
        %dma_start3A_2072 = arith.constant 0 : i32
        %dma_start3A_2073 = tpu.memref_slice %arg2[%add3A_2068, %dma_start3A_2072] : memref<4096x8192xf32, #tpu.memory_space<hbm>> -> memref<1x8192xf32, #tpu.memory_space<hbm>>
        %dma_start3A_2074 = tpu.memref_squeeze %dma_start3A_2073 : memref<1x8192xf32, #tpu.memory_space<hbm>> -> memref<8192xf32, #tpu.memory_space<hbm>>
        tpu.enqueue_dma source(%dma_start3A_2074 : memref<8192xf32, #tpu.memory_space<hbm>>) target(%arg5 : memref<8192xf32, #tpu.memory_space<vmem>>) target_semaphore(%arg15 : memref<!tpu.dma_semaphore, #tpu.memory_space<semaphore_mem>>)
      } else {
      }
      %add3A_1059 = arith.addi %mul3A_2, %add3A_1051 : i32
      %dma_wait3A_1060 = arith.constant 0 : i32
      %dma_wait3A_1061 = tpu.memref_slice %arg2[%add3A_1059, %dma_wait3A_1060] : memref<4096x8192xf32, #tpu.memory_space<hbm>> -> memref<1x8192xf32, #tpu.memory_space<hbm>>
      %dma_wait3A_1062 = tpu.memref_squeeze %dma_wait3A_1061 : memref<1x8192xf32, #tpu.memory_space<hbm>> -> memref<8192xf32, #tpu.memory_space<hbm>>
      %dma_wait3A_1063 = arith.constant 0 : i32
      %dma_wait3A_1064 = tpu.memref_slice %arg2[%add3A_1059, %dma_wait3A_1063] : memref<4096x8192xf32, #tpu.memory_space<hbm>> -> memref<1x8192xf32, #tpu.memory_space<hbm>>
      %dma_wait3A_1065 = tpu.memref_squeeze %dma_wait3A_1064 : memref<1x8192xf32, #tpu.memory_space<hbm>> -> memref<8192xf32, #tpu.memory_space<hbm>>
      tpu.wait_dma2 semaphore(%arg16 : memref<!tpu.dma_semaphore, #tpu.memory_space<semaphore_mem>>) src(%dma_wait3A_1065 : memref<8192xf32, #tpu.memory_space<hbm>>) dst(%arg6 : memref<8192xf32, #tpu.memory_space<vmem>>)
      %ge3A_1066 = arith.constant 2 : i32
      %ge3A_1067 = arith.cmpi sge, %add3A_1051, %ge3A_1066 : i32
      %convert_element_type3A_1068 = arith.extui %ge3A_1067 : i1 to i32
      %cond3A_1069 = arith.constant 0 : i32
      %cond3A_1070 = arith.cmpi ne, %convert_element_type3A_1068, %cond3A_1069 : i32
      scf.if %cond3A_1070 {
        %add3A_2066 = arith.addi %mul3A_2, %add3A_1051 : i32
        %sub3A_2067 = arith.constant 2 : i32
        %sub3A_2068 = arith.subi %add3A_2066, %sub3A_2067 : i32
        %dma_wait3A_2069 = arith.constant 0 : i32
        %dma_wait3A_2070 = tpu.memref_slice %arg4[%sub3A_2068, %dma_wait3A_2069] : memref<4096x8192xf32, #tpu.memory_space<hbm>> -> memref<1x8192xf32, #tpu.memory_space<hbm>>
        %dma_wait3A_2071 = tpu.memref_squeeze %dma_wait3A_2070 : memref<1x8192xf32, #tpu.memory_space<hbm>> -> memref<8192xf32, #tpu.memory_space<hbm>>
        %dma_wait3A_2072 = arith.constant 0 : i32
        %dma_wait3A_2073 = tpu.memref_slice %arg4[%sub3A_2068, %dma_wait3A_2072] : memref<4096x8192xf32, #tpu.memory_space<hbm>> -> memref<1x8192xf32, #tpu.memory_space<hbm>>
        %dma_wait3A_2074 = tpu.memref_squeeze %dma_wait3A_2073 : memref<1x8192xf32, #tpu.memory_space<hbm>> -> memref<8192xf32, #tpu.memory_space<hbm>>
        tpu.wait_dma2 semaphore(%arg18 : memref<!tpu.dma_semaphore, #tpu.memory_space<semaphore_mem>>) src(%arg8 : memref<8192xf32, #tpu.memory_space<vmem>>) dst(%dma_wait3A_2074 : memref<8192xf32, #tpu.memory_space<hbm>>)
      } else {
      }
      %swap3A_1071 = arith.constant 0 : index
      %swap3A_1072 = tpu.vector_load %arg11[%swap3A_1071] {strides = array<i32>} : memref<256xi32, #tpu.memory_space<vmem>>, vector<16xi32>,
      tpu.vector_store %arg11[%swap3A_1071], %broadcast_in_dim3A_15 {strides = array<i32>} : memref<256xi32, #tpu.memory_space<vmem>>, vector<16xi32>,
      %swap3A_1073 = arith.constant 0 : index
      %swap3A_1074 = tpu.vector_load %arg12[%swap3A_1073] {strides = array<i32>} : memref<256xi32, #tpu.memory_space<vmem>>, vector<16xi32>,
      tpu.vector_store %arg12[%swap3A_1073], %broadcast_in_dim3A_15 {strides = array<i32>} : memref<256xi32, #tpu.memory_space<vmem>>, vector<16xi32>,
      %swap3A_1075 = arith.constant 0 : index
      %swap3A_1076 = tpu.vector_load %arg13[%swap3A_1075] {strides = array<i32>} : memref<256xi32, #tpu.memory_space<vmem>>, vector<16xi32>,
      tpu.vector_store %arg13[%swap3A_1075], %broadcast_in_dim3A_15 {strides = array<i32>} : memref<256xi32, #tpu.memory_space<vmem>>, vector<16xi32>,
      %swap3A_1077 = arith.constant 0 : index
      %swap3A_1078 = tpu.vector_load %arg14[%swap3A_1077] {strides = array<i32>} : memref<256xi32, #tpu.memory_space<vmem>>, vector<16xi32>,
      tpu.vector_store %arg14[%swap3A_1077], %broadcast_in_dim3A_15 {strides = array<i32>} : memref<256xi32, #tpu.memory_space<vmem>>, vector<16xi32>,
      %swap3A_1079 = arith.constant 16 : index
      %swap3A_1080 = tpu.vector_load %arg11[%swap3A_1079] {strides = array<i32>} : memref<256xi32, #tpu.memory_space<vmem>>, vector<16xi32>,
      tpu.vector_store %arg11[%swap3A_1079], %broadcast_in_dim3A_15 {strides = array<i32>} : memref<256xi32, #tpu.memory_space<vmem>>, vector<16xi32>,
      %swap3A_1081 = arith.constant 16 : index
      %swap3A_1082 = tpu.vector_load %arg12[%swap3A_1081] {strides = array<i32>} : memref<256xi32, #tpu.memory_space<vmem>>, vector<16xi32>,
      tpu.vector_store %arg12[%swap3A_1081], %broadcast_in_dim3A_15 {strides = array<i32>} : memref<256xi32, #tpu.memory_space<vmem>>, vector<16xi32>,
      %swap3A_1083 = arith.constant 16 : index
      %swap3A_1084 = tpu.vector_load %arg13[%swap3A_1083] {strides = array<i32>} : memref<256xi32, #tpu.memory_space<vmem>>, vector<16xi32>,
      tpu.vector_store %arg13[%swap3A_1083], %broadcast_in_dim3A_15 {strides = array<i32>} : memref<256xi32, #tpu.memory_space<vmem>>, vector<16xi32>,
      %swap3A_1085 = arith.constant 16 : index
      %swap3A_1086 = tpu.vector_load %arg14[%swap3A_1085] {strides = array<i32>} : memref<256xi32, #tpu.memory_space<vmem>>, vector<16xi32>,
      tpu.vector_store %arg14[%swap3A_1085], %broadcast_in_dim3A_15 {strides = array<i32>} : memref<256xi32, #tpu.memory_space<vmem>>, vector<16xi32>,
      %swap3A_1087 = arith.constant 32 : index
      %swap3A_1088 = tpu.vector_load %arg11[%swap3A_1087] {strides = array<i32>} : memref<256xi32, #tpu.memory_space<vmem>>, vector<16xi32>,
      tpu.vector_store %arg11[%swap3A_1087], %broadcast_in_dim3A_15 {strides = array<i32>} : memref<256xi32, #tpu.memory_space<vmem>>, vector<16xi32>,
      %swap3A_1089 = arith.constant 32 : index
      %swap3A_1090 = tpu.vector_load %arg12[%swap3A_1089] {strides = array<i32>} : memref<256xi32, #tpu.memory_space<vmem>>, vector<16xi32>,
      tpu.vector_store %arg12[%swap3A_1089], %broadcast_in_dim3A_15 {strides = array<i32>} : memref<256xi32, #tpu.memory_space<vmem>>, vector<16xi32>,
      %swap3A_1091 = arith.constant 32 : index
      %swap3A_1092 = tpu.vector_load %arg13[%swap3A_1091] {strides = array<i32>} : memref<256xi32, #tpu.memory_space<vmem>>, vector<16xi32>,
      tpu.vector_store %arg13[%swap3A_1091], %broadcast_in_dim3A_15 {strides = array<i32>} : memref<256xi32, #tpu.memory_space<vmem>>, vector<16xi32>,
      %swap3A_1093 = arith.constant 32 : index
      %swap3A_1094 = tpu.vector_load %arg14[%swap3A_1093] {strides = array<i32>} : memref<256xi32, #tpu.memory_space<vmem>>, vector<16xi32>,
      tpu.vector_store %arg14[%swap3A_1093], %broadcast_in_dim3A_15 {strides = array<i32>} : memref<256xi32, #tpu.memory_space<vmem>>, vector<16xi32>,
      %swap3A_1095 = arith.constant 48 : index
      %swap3A_1096 = tpu.vector_load %arg11[%swap3A_1095] {strides = array<i32>} : memref<256xi32, #tpu.memory_space<vmem>>, vector<16xi32>,
      tpu.vector_store %arg11[%swap3A_1095], %broadcast_in_dim3A_15 {strides = array<i32>} : memref<256xi32, #tpu.memory_space<vmem>>, vector<16xi32>,
      %swap3A_1097 = arith.constant 48 : index
      %swap3A_1098 = tpu.vector_load %arg12[%swap3A_1097] {strides = array<i32>} : memref<256xi32, #tpu.memory_space<vmem>>, vector<16xi32>,
      tpu.vector_store %arg12[%swap3A_1097], %broadcast_in_dim3A_15 {strides = array<i32>} : memref<256xi32, #tpu.memory_space<vmem>>, vector<16xi32>,
      %swap3A_1099 = arith.constant 48 : index
      %swap3A_1100 = tpu.vector_load %arg13[%swap3A_1099] {strides = array<i32>} : memref<256xi32, #tpu.memory_space<vmem>>, vector<16xi32>,
      tpu.vector_store %arg13[%swap3A_1099], %broadcast_in_dim3A_15 {strides = array<i32>} : memref<256xi32, #tpu.memory_space<vmem>>, vector<16xi32>,
      %swap3A_1101 = arith.constant 48 : index
      %swap3A_1102 = tpu.vector_load %arg14[%swap3A_1101] {strides = array<i32>} : memref<256xi32, #tpu.memory_space<vmem>>, vector<16xi32>,
      tpu.vector_store %arg14[%swap3A_1101], %broadcast_in_dim3A_15 {strides = array<i32>} : memref<256xi32, #tpu.memory_space<vmem>>, vector<16xi32>,
      %swap3A_1103 = arith.constant 64 : index
      %swap3A_1104 = tpu.vector_load %arg11[%swap3A_1103] {strides = array<i32>} : memref<256xi32, #tpu.memory_space<vmem>>, vector<16xi32>,
      tpu.vector_store %arg11[%swap3A_1103], %broadcast_in_dim3A_15 {strides = array<i32>} : memref<256xi32, #tpu.memory_space<vmem>>, vector<16xi32>,
      %swap3A_1105 = arith.constant 64 : index
      %swap3A_1106 = tpu.vector_load %arg12[%swap3A_1105] {strides = array<i32>} : memref<256xi32, #tpu.memory_space<vmem>>, vector<16xi32>,
      tpu.vector_store %arg12[%swap3A_1105], %broadcast_in_dim3A_15 {strides = array<i32>} : memref<256xi32, #tpu.memory_space<vmem>>, vector<16xi32>,
      %swap3A_1107 = arith.constant 64 : index
      %swap3A_1108 = tpu.vector_load %arg13[%swap3A_1107] {strides = array<i32>} : memref<256xi32, #tpu.memory_space<vmem>>, vector<16xi32>,
      tpu.vector_store %arg13[%swap3A_1107], %broadcast_in_dim3A_15 {strides = array<i32>} : memref<256xi32, #tpu.memory_space<vmem>>, vector<16xi32>,
      %swap3A_1109 = arith.constant 64 : index
      %swap3A_1110 = tpu.vector_load %arg14[%swap3A_1109] {strides = array<i32>} : memref<256xi32, #tpu.memory_space<vmem>>, vector<16xi32>,
      tpu.vector_store %arg14[%swap3A_1109], %broadcast_in_dim3A_15 {strides = array<i32>} : memref<256xi32, #tpu.memory_space<vmem>>, vector<16xi32>,
      %swap3A_1111 = arith.constant 80 : index
      %swap3A_1112 = tpu.vector_load %arg11[%swap3A_1111] {strides = array<i32>} : memref<256xi32, #tpu.memory_space<vmem>>, vector<16xi32>,
      tpu.vector_store %arg11[%swap3A_1111], %broadcast_in_dim3A_15 {strides = array<i32>} : memref<256xi32, #tpu.memory_space<vmem>>, vector<16xi32>,
      %swap3A_1113 = arith.constant 80 : index
      %swap3A_1114 = tpu.vector_load %arg12[%swap3A_1113] {strides = array<i32>} : memref<256xi32, #tpu.memory_space<vmem>>, vector<16xi32>,
      tpu.vector_store %arg12[%swap3A_1113], %broadcast_in_dim3A_15 {strides = array<i32>} : memref<256xi32, #tpu.memory_space<vmem>>, vector<16xi32>,
      %swap3A_1115 = arith.constant 80 : index
      %swap3A_1116 = tpu.vector_load %arg13[%swap3A_1115] {strides = array<i32>} : memref<256xi32, #tpu.memory_space<vmem>>, vector<16xi32>,
      tpu.vector_store %arg13[%swap3A_1115], %broadcast_in_dim3A_15 {strides = array<i32>} : memref<256xi32, #tpu.memory_space<vmem>>, vector<16xi32>,
      %swap3A_1117 = arith.constant 80 : index
      %swap3A_1118 = tpu.vector_load %arg14[%swap3A_1117] {strides = array<i32>} : memref<256xi32, #tpu.memory_space<vmem>>, vector<16xi32>,
      tpu.vector_store %arg14[%swap3A_1117], %broadcast_in_dim3A_15 {strides = array<i32>} : memref<256xi32, #tpu.memory_space<vmem>>, vector<16xi32>,
      %swap3A_1119 = arith.constant 96 : index
      %swap3A_1120 = tpu.vector_load %arg11[%swap3A_1119] {strides = array<i32>} : memref<256xi32, #tpu.memory_space<vmem>>, vector<16xi32>,
      tpu.vector_store %arg11[%swap3A_1119], %broadcast_in_dim3A_15 {strides = array<i32>} : memref<256xi32, #tpu.memory_space<vmem>>, vector<16xi32>,
      %swap3A_1121 = arith.constant 96 : index
      %swap3A_1122 = tpu.vector_load %arg12[%swap3A_1121] {strides = array<i32>} : memref<256xi32, #tpu.memory_space<vmem>>, vector<16xi32>,
      tpu.vector_store %arg12[%swap3A_1121], %broadcast_in_dim3A_15 {strides = array<i32>} : memref<256xi32, #tpu.memory_space<vmem>>, vector<16xi32>,
      %swap3A_1123 = arith.constant 96 : index
      %swap3A_1124 = tpu.vector_load %arg13[%swap3A_1123] {strides = array<i32>} : memref<256xi32, #tpu.memory_space<vmem>>, vector<16xi32>,
      tpu.vector_store %arg13[%swap3A_1123], %broadcast_in_dim3A_15 {strides = array<i32>} : memref<256xi32, #tpu.memory_space<vmem>>, vector<16xi32>,
      %swap3A_1125 = arith.constant 96 : index
      %swap3A_1126 = tpu.vector_load %arg14[%swap3A_1125] {strides = array<i32>} : memref<256xi32, #tpu.memory_space<vmem>>, vector<16xi32>,
      tpu.vector_store %arg14[%swap3A_1125], %broadcast_in_dim3A_15 {strides = array<i32>} : memref<256xi32, #tpu.memory_space<vmem>>, vector<16xi32>,
      %swap3A_1127 = arith.constant 112 : index
      %swap3A_1128 = tpu.vector_load %arg11[%swap3A_1127] {strides = array<i32>} : memref<256xi32, #tpu.memory_space<vmem>>, vector<16xi32>,
      tpu.vector_store %arg11[%swap3A_1127], %broadcast_in_dim3A_15 {strides = array<i32>} : memref<256xi32, #tpu.memory_space<vmem>>, vector<16xi32>,
      %swap3A_1129 = arith.constant 112 : index
      %swap3A_1130 = tpu.vector_load %arg12[%swap3A_1129] {strides = array<i32>} : memref<256xi32, #tpu.memory_space<vmem>>, vector<16xi32>,
      tpu.vector_store %arg12[%swap3A_1129], %broadcast_in_dim3A_15 {strides = array<i32>} : memref<256xi32, #tpu.memory_space<vmem>>, vector<16xi32>,
      %swap3A_1131 = arith.constant 112 : index
      %swap3A_1132 = tpu.vector_load %arg13[%swap3A_1131] {strides = array<i32>} : memref<256xi32, #tpu.memory_space<vmem>>, vector<16xi32>,
      tpu.vector_store %arg13[%swap3A_1131], %broadcast_in_dim3A_15 {strides = array<i32>} : memref<256xi32, #tpu.memory_space<vmem>>, vector<16xi32>,
      %swap3A_1133 = arith.constant 112 : index
      %swap3A_1134 = tpu.vector_load %arg14[%swap3A_1133] {strides = array<i32>} : memref<256xi32, #tpu.memory_space<vmem>>, vector<16xi32>,
      tpu.vector_store %arg14[%swap3A_1133], %broadcast_in_dim3A_15 {strides = array<i32>} : memref<256xi32, #tpu.memory_space<vmem>>, vector<16xi32>,
      %swap3A_1135 = arith.constant 128 : index
      %swap3A_1136 = tpu.vector_load %arg11[%swap3A_1135] {strides = array<i32>} : memref<256xi32, #tpu.memory_space<vmem>>, vector<16xi32>,
      tpu.vector_store %arg11[%swap3A_1135], %broadcast_in_dim3A_15 {strides = array<i32>} : memref<256xi32, #tpu.memory_space<vmem>>, vector<16xi32>,
      %swap3A_1137 = arith.constant 128 : index
      %swap3A_1138 = tpu.vector_load %arg12[%swap3A_1137] {strides = array<i32>} : memref<256xi32, #tpu.memory_space<vmem>>, vector<16xi32>,
      tpu.vector_store %arg12[%swap3A_1137], %broadcast_in_dim3A_15 {strides = array<i32>} : memref<256xi32, #tpu.memory_space<vmem>>, vector<16xi32>,
      %swap3A_1139 = arith.constant 128 : index
      %swap3A_1140 = tpu.vector_load %arg13[%swap3A_1139] {strides = array<i32>} : memref<256xi32, #tpu.memory_space<vmem>>, vector<16xi32>,
      tpu.vector_store %arg13[%swap3A_1139], %broadcast_in_dim3A_15 {strides = array<i32>} : memref<256xi32, #tpu.memory_space<vmem>>, vector<16xi32>,
      %swap3A_1141 = arith.constant 128 : index
      %swap3A_1142 = tpu.vector_load %arg14[%swap3A_1141] {strides = array<i32>} : memref<256xi32, #tpu.memory_space<vmem>>, vector<16xi32>,
      tpu.vector_store %arg14[%swap3A_1141], %broadcast_in_dim3A_15 {strides = array<i32>} : memref<256xi32, #tpu.memory_space<vmem>>, vector<16xi32>,
      %swap3A_1143 = arith.constant 144 : index
      %swap3A_1144 = tpu.vector_load %arg11[%swap3A_1143] {strides = array<i32>} : memref<256xi32, #tpu.memory_space<vmem>>, vector<16xi32>,
      tpu.vector_store %arg11[%swap3A_1143], %broadcast_in_dim3A_15 {strides = array<i32>} : memref<256xi32, #tpu.memory_space<vmem>>, vector<16xi32>,
      %swap3A_1145 = arith.constant 144 : index
      %swap3A_1146 = tpu.vector_load %arg12[%swap3A_1145] {strides = array<i32>} : memref<256xi32, #tpu.memory_space<vmem>>, vector<16xi32>,
      tpu.vector_store %arg12[%swap3A_1145], %broadcast_in_dim3A_15 {strides = array<i32>} : memref<256xi32, #tpu.memory_space<vmem>>, vector<16xi32>,
      %swap3A_1147 = arith.constant 144 : index
      %swap3A_1148 = tpu.vector_load %arg13[%swap3A_1147] {strides = array<i32>} : memref<256xi32, #tpu.memory_space<vmem>>, vector<16xi32>,
      tpu.vector_store %arg13[%swap3A_1147], %broadcast_in_dim3A_15 {strides = array<i32>} : memref<256xi32, #tpu.memory_space<vmem>>, vector<16xi32>,
      %swap3A_1149 = arith.constant 144 : index
      %swap3A_1150 = tpu.vector_load %arg14[%swap3A_1149] {strides = array<i32>} : memref<256xi32, #tpu.memory_space<vmem>>, vector<16xi32>,
      tpu.vector_store %arg14[%swap3A_1149], %broadcast_in_dim3A_15 {strides = array<i32>} : memref<256xi32, #tpu.memory_space<vmem>>, vector<16xi32>,
      %swap3A_1151 = arith.constant 160 : index
      %swap3A_1152 = tpu.vector_load %arg11[%swap3A_1151] {strides = array<i32>} : memref<256xi32, #tpu.memory_space<vmem>>, vector<16xi32>,
      tpu.vector_store %arg11[%swap3A_1151], %broadcast_in_dim3A_15 {strides = array<i32>} : memref<256xi32, #tpu.memory_space<vmem>>, vector<16xi32>,
      %swap3A_1153 = arith.constant 160 : index
      %swap3A_1154 = tpu.vector_load %arg12[%swap3A_1153] {strides = array<i32>} : memref<256xi32, #tpu.memory_space<vmem>>, vector<16xi32>,
      tpu.vector_store %arg12[%swap3A_1153], %broadcast_in_dim3A_15 {strides = array<i32>} : memref<256xi32, #tpu.memory_space<vmem>>, vector<16xi32>,
      %swap3A_1155 = arith.constant 160 : index
      %swap3A_1156 = tpu.vector_load %arg13[%swap3A_1155] {strides = array<i32>} : memref<256xi32, #tpu.memory_space<vmem>>, vector<16xi32>,
      tpu.vector_store %arg13[%swap3A_1155], %broadcast_in_dim3A_15 {strides = array<i32>} : memref<256xi32, #tpu.memory_space<vmem>>, vector<16xi32>,
      %swap3A_1157 = arith.constant 160 : index
      %swap3A_1158 = tpu.vector_load %arg14[%swap3A_1157] {strides = array<i32>} : memref<256xi32, #tpu.memory_space<vmem>>, vector<16xi32>,
      tpu.vector_store %arg14[%swap3A_1157], %broadcast_in_dim3A_15 {strides = array<i32>} : memref<256xi32, #tpu.memory_space<vmem>>, vector<16xi32>,
      %swap3A_1159 = arith.constant 176 : index
      %swap3A_1160 = tpu.vector_load %arg11[%swap3A_1159] {strides = array<i32>} : memref<256xi32, #tpu.memory_space<vmem>>, vector<16xi32>,
      tpu.vector_store %arg11[%swap3A_1159], %broadcast_in_dim3A_15 {strides = array<i32>} : memref<256xi32, #tpu.memory_space<vmem>>, vector<16xi32>,
      %swap3A_1161 = arith.constant 176 : index
      %swap3A_1162 = tpu.vector_load %arg12[%swap3A_1161] {strides = array<i32>} : memref<256xi32, #tpu.memory_space<vmem>>, vector<16xi32>,
      tpu.vector_store %arg12[%swap3A_1161], %broadcast_in_dim3A_15 {strides = array<i32>} : memref<256xi32, #tpu.memory_space<vmem>>, vector<16xi32>,
      %swap3A_1163 = arith.constant 176 : index
      %swap3A_1164 = tpu.vector_load %arg13[%swap3A_1163] {strides = array<i32>} : memref<256xi32, #tpu.memory_space<vmem>>, vector<16xi32>,
      tpu.vector_store %arg13[%swap3A_1163], %broadcast_in_dim3A_15 {strides = array<i32>} : memref<256xi32, #tpu.memory_space<vmem>>, vector<16xi32>,
      %swap3A_1165 = arith.constant 176 : index
      %swap3A_1166 = tpu.vector_load %arg14[%swap3A_1165] {strides = array<i32>} : memref<256xi32, #tpu.memory_space<vmem>>, vector<16xi32>,
      tpu.vector_store %arg14[%swap3A_1165], %broadcast_in_dim3A_15 {strides = array<i32>} : memref<256xi32, #tpu.memory_space<vmem>>, vector<16xi32>,
      %swap3A_1167 = arith.constant 192 : index
      %swap3A_1168 = tpu.vector_load %arg11[%swap3A_1167] {strides = array<i32>} : memref<256xi32, #tpu.memory_space<vmem>>, vector<16xi32>,
      tpu.vector_store %arg11[%swap3A_1167], %broadcast_in_dim3A_15 {strides = array<i32>} : memref<256xi32, #tpu.memory_space<vmem>>, vector<16xi32>,
      %swap3A_1169 = arith.constant 192 : index
      %swap3A_1170 = tpu.vector_load %arg12[%swap3A_1169] {strides = array<i32>} : memref<256xi32, #tpu.memory_space<vmem>>, vector<16xi32>,
      tpu.vector_store %arg12[%swap3A_1169], %broadcast_in_dim3A_15 {strides = array<i32>} : memref<256xi32, #tpu.memory_space<vmem>>, vector<16xi32>,
      %swap3A_1171 = arith.constant 192 : index
      %swap3A_1172 = tpu.vector_load %arg13[%swap3A_1171] {strides = array<i32>} : memref<256xi32, #tpu.memory_space<vmem>>, vector<16xi32>,
      tpu.vector_store %arg13[%swap3A_1171], %broadcast_in_dim3A_15 {strides = array<i32>} : memref<256xi32, #tpu.memory_space<vmem>>, vector<16xi32>,
      %swap3A_1173 = arith.constant 192 : index
      %swap3A_1174 = tpu.vector_load %arg14[%swap3A_1173] {strides = array<i32>} : memref<256xi32, #tpu.memory_space<vmem>>, vector<16xi32>,
      tpu.vector_store %arg14[%swap3A_1173], %broadcast_in_dim3A_15 {strides = array<i32>} : memref<256xi32, #tpu.memory_space<vmem>>, vector<16xi32>,
      %swap3A_1175 = arith.constant 208 : index
      %swap3A_1176 = tpu.vector_load %arg11[%swap3A_1175] {strides = array<i32>} : memref<256xi32, #tpu.memory_space<vmem>>, vector<16xi32>,
      tpu.vector_store %arg11[%swap3A_1175], %broadcast_in_dim3A_15 {strides = array<i32>} : memref<256xi32, #tpu.memory_space<vmem>>, vector<16xi32>,
      %swap3A_1177 = arith.constant 208 : index
      %swap3A_1178 = tpu.vector_load %arg12[%swap3A_1177] {strides = array<i32>} : memref<256xi32, #tpu.memory_space<vmem>>, vector<16xi32>,
      tpu.vector_store %arg12[%swap3A_1177], %broadcast_in_dim3A_15 {strides = array<i32>} : memref<256xi32, #tpu.memory_space<vmem>>, vector<16xi32>,
      %swap3A_1179 = arith.constant 208 : index
      %swap3A_1180 = tpu.vector_load %arg13[%swap3A_1179] {strides = array<i32>} : memref<256xi32, #tpu.memory_space<vmem>>, vector<16xi32>,
      tpu.vector_store %arg13[%swap3A_1179], %broadcast_in_dim3A_15 {strides = array<i32>} : memref<256xi32, #tpu.memory_space<vmem>>, vector<16xi32>,
      %swap3A_1181 = arith.constant 208 : index
      %swap3A_1182 = tpu.vector_load %arg14[%swap3A_1181] {strides = array<i32>} : memref<256xi32, #tpu.memory_space<vmem>>, vector<16xi32>,
      tpu.vector_store %arg14[%swap3A_1181], %broadcast_in_dim3A_15 {strides = array<i32>} : memref<256xi32, #tpu.memory_space<vmem>>, vector<16xi32>,
      %swap3A_1183 = arith.constant 224 : index
      %swap3A_1184 = tpu.vector_load %arg11[%swap3A_1183] {strides = array<i32>} : memref<256xi32, #tpu.memory_space<vmem>>, vector<16xi32>,
      tpu.vector_store %arg11[%swap3A_1183], %broadcast_in_dim3A_15 {strides = array<i32>} : memref<256xi32, #tpu.memory_space<vmem>>, vector<16xi32>,
      %swap3A_1185 = arith.constant 224 : index
      %swap3A_1186 = tpu.vector_load %arg12[%swap3A_1185] {strides = array<i32>} : memref<256xi32, #tpu.memory_space<vmem>>, vector<16xi32>,
      tpu.vector_store %arg12[%swap3A_1185], %broadcast_in_dim3A_15 {strides = array<i32>} : memref<256xi32, #tpu.memory_space<vmem>>, vector<16xi32>,
      %swap3A_1187 = arith.constant 224 : index
      %swap3A_1188 = tpu.vector_load %arg13[%swap3A_1187] {strides = array<i32>} : memref<256xi32, #tpu.memory_space<vmem>>, vector<16xi32>,
      tpu.vector_store %arg13[%swap3A_1187], %broadcast_in_dim3A_15 {strides = array<i32>} : memref<256xi32, #tpu.memory_space<vmem>>, vector<16xi32>,
      %swap3A_1189 = arith.constant 224 : index
      %swap3A_1190 = tpu.vector_load %arg14[%swap3A_1189] {strides = array<i32>} : memref<256xi32, #tpu.memory_space<vmem>>, vector<16xi32>,
      tpu.vector_store %arg14[%swap3A_1189], %broadcast_in_dim3A_15 {strides = array<i32>} : memref<256xi32, #tpu.memory_space<vmem>>, vector<16xi32>,
      %swap3A_1191 = arith.constant 240 : index
      %swap3A_1192 = tpu.vector_load %arg11[%swap3A_1191] {strides = array<i32>} : memref<256xi32, #tpu.memory_space<vmem>>, vector<16xi32>,
      tpu.vector_store %arg11[%swap3A_1191], %broadcast_in_dim3A_15 {strides = array<i32>} : memref<256xi32, #tpu.memory_space<vmem>>, vector<16xi32>,
      %swap3A_1193 = arith.constant 240 : index
      %swap3A_1194 = tpu.vector_load %arg12[%swap3A_1193] {strides = array<i32>} : memref<256xi32, #tpu.memory_space<vmem>>, vector<16xi32>,
      tpu.vector_store %arg12[%swap3A_1193], %broadcast_in_dim3A_15 {strides = array<i32>} : memref<256xi32, #tpu.memory_space<vmem>>, vector<16xi32>,
      %swap3A_1195 = arith.constant 240 : index
      %swap3A_1196 = tpu.vector_load %arg13[%swap3A_1195] {strides = array<i32>} : memref<256xi32, #tpu.memory_space<vmem>>, vector<16xi32>,
      tpu.vector_store %arg13[%swap3A_1195], %broadcast_in_dim3A_15 {strides = array<i32>} : memref<256xi32, #tpu.memory_space<vmem>>, vector<16xi32>,
      %swap3A_1197 = arith.constant 240 : index
      %swap3A_1198 = tpu.vector_load %arg14[%swap3A_1197] {strides = array<i32>} : memref<256xi32, #tpu.memory_space<vmem>>, vector<16xi32>,
      tpu.vector_store %arg14[%swap3A_1197], %broadcast_in_dim3A_15 {strides = array<i32>} : memref<256xi32, #tpu.memory_space<vmem>>, vector<16xi32>,
      %parallel_loop3A_1199 = arith.constant 0 : i32
      %parallel_loop3A_1200 = arith.constant 512 : i32
      %parallel_loop3A_1201 = arith.constant 1 : i32
      scf.for %parallel_loop3A_2066 = %parallel_loop3A_1199 to %parallel_loop3A_1200 step %parallel_loop3A_1201  : i32 {
        %parallel_loop3A_2067 = arith.constant 16 : i32
        %parallel_loop3A_2068 = arith.muli %parallel_loop3A_2066, %parallel_loop3A_2067 : i32
        %parallel_loop3A_2069 = arith.index_cast %parallel_loop3A_2068 : i32 to index
        %parallel_loop3A_2070 = tpu.vector_load %arg6[%parallel_loop3A_2069] {strides = array<i32>} : memref<8192xf32, #tpu.memory_space<vmem>>, vector<16xf32>,
        %parallel_loop3A_2071 = vector.bitcast %parallel_loop3A_2070 : vector<16xf32> to vector<16xi32>
        %parallel_loop3A_2072 = arith.constant 2147483647 : i32
        %parallel_loop3A_2073 = vector.broadcast %parallel_loop3A_2072 : i32 to vector<16xi32>
        %parallel_loop3A_2074 = arith.andi %parallel_loop3A_2071, %parallel_loop3A_2073 : vector<16xi32>
        %parallel_loop3A_2075 = arith.constant 16 : i32
        %parallel_loop3A_2076 = arith.muli %parallel_loop3A_2066, %parallel_loop3A_2075 : i32
        %parallel_loop3A_2077 = arith.index_cast %parallel_loop3A_2076 : i32 to index
        %parallel_loop3A_2078 = tpu.vector_load %arg9[%parallel_loop3A_2077] {strides = array<i32>} : memref<8192xi32, #tpu.memory_space<vmem>>, vector<16xi32>,
        tpu.vector_store %arg9[%parallel_loop3A_2077], %parallel_loop3A_2074 {strides = array<i32>} : memref<8192xi32, #tpu.memory_space<vmem>>, vector<16xi32>,
        %parallel_loop3A_2079 = arith.constant 23 : i32
        %parallel_loop3A_2080 = vector.broadcast %parallel_loop3A_2079 : i32 to vector<16xi32>
        %parallel_loop3A_2081 = arith.shrsi %parallel_loop3A_2074, %parallel_loop3A_2080 : vector<16xi32>
        %parallel_loop3A_2082 = arith.constant true
        %parallel_loop3A_2083 = vector.broadcast %parallel_loop3A_2082 : i1 to vector<16xi1>
        %parallel_loop3A_2084, %parallel_loop3A_2085 = tpu.scan_count mask(%parallel_loop3A_2083 : vector<16xi1>) value(%parallel_loop3A_2081 : vector<16xi32>) : vector<16xi1>, vector<16xi32>
        tpu.vector_store_idx %arg11[%parallel_loop3A_2081], %parallel_loop3A_2085 masked %parallel_loop3A_2084 {add = true} : memref<256xi32, #tpu.memory_space<vmem>>[vector<16xi32>], vector<16xi32>, vector<16xi1>
      } {sc.loop_unroll_factor = 8 : i64, sc.parallel_access}
      %mul3A_1202 = arith.constant 16 : i32
      %mul3A_1203 = vector.broadcast %mul3A_1202 : i32 to vector<16xi32>
      %mul3A_1204 = arith.muli %iota3A, %mul3A_1203 : vector<16xi32>
      %gather3A_1205 = tpu.vector_load_idx %arg11[%mul3A_1204] : memref<256xi32, #tpu.memory_space<vmem>>[vector<16xi32>], vector<16xi32>,
      %mul3A_1206 = arith.constant 16 : i32
      %mul3A_1207 = vector.broadcast %mul3A_1206 : i32 to vector<16xi32>
      %mul3A_1208 = arith.muli %iota3A, %mul3A_1207 : vector<16xi32>
      %add3A_1209 = arith.constant 1 : i32
      %add3A_1210 = vector.broadcast %add3A_1209 : i32 to vector<16xi32>
      %add3A_1211 = arith.addi %mul3A_1208, %add3A_1210 : vector<16xi32>
      %gather3A_1212 = tpu.vector_load_idx %arg11[%add3A_1211] : memref<256xi32, #tpu.memory_space<vmem>>[vector<16xi32>], vector<16xi32>,
      %add3A_1213 = arith.addi %gather3A_1205, %gather3A_1212 : vector<16xi32>
      %mul3A_1214 = arith.constant 16 : i32
      %mul3A_1215 = vector.broadcast %mul3A_1214 : i32 to vector<16xi32>
      %mul3A_1216 = arith.muli %iota3A, %mul3A_1215 : vector<16xi32>
      %add3A_1217 = arith.constant 2 : i32
      %add3A_1218 = vector.broadcast %add3A_1217 : i32 to vector<16xi32>
      %add3A_1219 = arith.addi %mul3A_1216, %add3A_1218 : vector<16xi32>
      %gather3A_1220 = tpu.vector_load_idx %arg11[%add3A_1219] : memref<256xi32, #tpu.memory_space<vmem>>[vector<16xi32>], vector<16xi32>,
      %add3A_1221 = arith.addi %add3A_1213, %gather3A_1220 : vector<16xi32>
      %mul3A_1222 = arith.constant 16 : i32
      %mul3A_1223 = vector.broadcast %mul3A_1222 : i32 to vector<16xi32>
      %mul3A_1224 = arith.muli %iota3A, %mul3A_1223 : vector<16xi32>
      %add3A_1225 = arith.constant 3 : i32
      %add3A_1226 = vector.broadcast %add3A_1225 : i32 to vector<16xi32>
      %add3A_1227 = arith.addi %mul3A_1224, %add3A_1226 : vector<16xi32>
      %gather3A_1228 = tpu.vector_load_idx %arg11[%add3A_1227] : memref<256xi32, #tpu.memory_space<vmem>>[vector<16xi32>], vector<16xi32>,
      %add3A_1229 = arith.addi %add3A_1221, %gather3A_1228 : vector<16xi32>
      %mul3A_1230 = arith.constant 16 : i32
      %mul3A_1231 = vector.broadcast %mul3A_1230 : i32 to vector<16xi32>
      %mul3A_1232 = arith.muli %iota3A, %mul3A_1231 : vector<16xi32>
      %add3A_1233 = arith.constant 4 : i32
      %add3A_1234 = vector.broadcast %add3A_1233 : i32 to vector<16xi32>
      %add3A_1235 = arith.addi %mul3A_1232, %add3A_1234 : vector<16xi32>
      %gather3A_1236 = tpu.vector_load_idx %arg11[%add3A_1235] : memref<256xi32, #tpu.memory_space<vmem>>[vector<16xi32>], vector<16xi32>,
      %add3A_1237 = arith.addi %add3A_1229, %gather3A_1236 : vector<16xi32>
      %mul3A_1238 = arith.constant 16 : i32
      %mul3A_1239 = vector.broadcast %mul3A_1238 : i32 to vector<16xi32>
      %mul3A_1240 = arith.muli %iota3A, %mul3A_1239 : vector<16xi32>
      %add3A_1241 = arith.constant 5 : i32
      %add3A_1242 = vector.broadcast %add3A_1241 : i32 to vector<16xi32>
      %add3A_1243 = arith.addi %mul3A_1240, %add3A_1242 : vector<16xi32>
      %gather3A_1244 = tpu.vector_load_idx %arg11[%add3A_1243] : memref<256xi32, #tpu.memory_space<vmem>>[vector<16xi32>], vector<16xi32>,
      %add3A_1245 = arith.addi %add3A_1237, %gather3A_1244 : vector<16xi32>
      %mul3A_1246 = arith.constant 16 : i32
      %mul3A_1247 = vector.broadcast %mul3A_1246 : i32 to vector<16xi32>
      %mul3A_1248 = arith.muli %iota3A, %mul3A_1247 : vector<16xi32>
      %add3A_1249 = arith.constant 6 : i32
      %add3A_1250 = vector.broadcast %add3A_1249 : i32 to vector<16xi32>
      %add3A_1251 = arith.addi %mul3A_1248, %add3A_1250 : vector<16xi32>
      %gather3A_1252 = tpu.vector_load_idx %arg11[%add3A_1251] : memref<256xi32, #tpu.memory_space<vmem>>[vector<16xi32>], vector<16xi32>,
      %add3A_1253 = arith.addi %add3A_1245, %gather3A_1252 : vector<16xi32>
      %mul3A_1254 = arith.constant 16 : i32
      %mul3A_1255 = vector.broadcast %mul3A_1254 : i32 to vector<16xi32>
      %mul3A_1256 = arith.muli %iota3A, %mul3A_1255 : vector<16xi32>
      %add3A_1257 = arith.constant 7 : i32
      %add3A_1258 = vector.broadcast %add3A_1257 : i32 to vector<16xi32>
      %add3A_1259 = arith.addi %mul3A_1256, %add3A_1258 : vector<16xi32>
      %gather3A_1260 = tpu.vector_load_idx %arg11[%add3A_1259] : memref<256xi32, #tpu.memory_space<vmem>>[vector<16xi32>], vector<16xi32>,
      %add3A_1261 = arith.addi %add3A_1253, %gather3A_1260 : vector<16xi32>
      %mul3A_1262 = arith.constant 16 : i32
      %mul3A_1263 = vector.broadcast %mul3A_1262 : i32 to vector<16xi32>
      %mul3A_1264 = arith.muli %iota3A, %mul3A_1263 : vector<16xi32>
      %add3A_1265 = arith.constant 8 : i32
      %add3A_1266 = vector.broadcast %add3A_1265 : i32 to vector<16xi32>
      %add3A_1267 = arith.addi %mul3A_1264, %add3A_1266 : vector<16xi32>
      %gather3A_1268 = tpu.vector_load_idx %arg11[%add3A_1267] : memref<256xi32, #tpu.memory_space<vmem>>[vector<16xi32>], vector<16xi32>,
      %add3A_1269 = arith.addi %add3A_1261, %gather3A_1268 : vector<16xi32>
      %mul3A_1270 = arith.constant 16 : i32
      %mul3A_1271 = vector.broadcast %mul3A_1270 : i32 to vector<16xi32>
      %mul3A_1272 = arith.muli %iota3A, %mul3A_1271 : vector<16xi32>
      %add3A_1273 = arith.constant 9 : i32
      %add3A_1274 = vector.broadcast %add3A_1273 : i32 to vector<16xi32>
      %add3A_1275 = arith.addi %mul3A_1272, %add3A_1274 : vector<16xi32>
      %gather3A_1276 = tpu.vector_load_idx %arg11[%add3A_1275] : memref<256xi32, #tpu.memory_space<vmem>>[vector<16xi32>], vector<16xi32>,
      %add3A_1277 = arith.addi %add3A_1269, %gather3A_1276 : vector<16xi32>
      %mul3A_1278 = arith.constant 16 : i32
      %mul3A_1279 = vector.broadcast %mul3A_1278 : i32 to vector<16xi32>
      %mul3A_1280 = arith.muli %iota3A, %mul3A_1279 : vector<16xi32>
      %add3A_1281 = arith.constant 10 : i32
      %add3A_1282 = vector.broadcast %add3A_1281 : i32 to vector<16xi32>
      %add3A_1283 = arith.addi %mul3A_1280, %add3A_1282 : vector<16xi32>
      %gather3A_1284 = tpu.vector_load_idx %arg11[%add3A_1283] : memref<256xi32, #tpu.memory_space<vmem>>[vector<16xi32>], vector<16xi32>,
      %add3A_1285 = arith.addi %add3A_1277, %gather3A_1284 : vector<16xi32>
      %mul3A_1286 = arith.constant 16 : i32
      %mul3A_1287 = vector.broadcast %mul3A_1286 : i32 to vector<16xi32>
      %mul3A_1288 = arith.muli %iota3A, %mul3A_1287 : vector<16xi32>
      %add3A_1289 = arith.constant 11 : i32
      %add3A_1290 = vector.broadcast %add3A_1289 : i32 to vector<16xi32>
      %add3A_1291 = arith.addi %mul3A_1288, %add3A_1290 : vector<16xi32>
      %gather3A_1292 = tpu.vector_load_idx %arg11[%add3A_1291] : memref<256xi32, #tpu.memory_space<vmem>>[vector<16xi32>], vector<16xi32>,
      %add3A_1293 = arith.addi %add3A_1285, %gather3A_1292 : vector<16xi32>
      %mul3A_1294 = arith.constant 16 : i32
      %mul3A_1295 = vector.broadcast %mul3A_1294 : i32 to vector<16xi32>
      %mul3A_1296 = arith.muli %iota3A, %mul3A_1295 : vector<16xi32>
      %add3A_1297 = arith.constant 12 : i32
      %add3A_1298 = vector.broadcast %add3A_1297 : i32 to vector<16xi32>
      %add3A_1299 = arith.addi %mul3A_1296, %add3A_1298 : vector<16xi32>
      %gather3A_1300 = tpu.vector_load_idx %arg11[%add3A_1299] : memref<256xi32, #tpu.memory_space<vmem>>[vector<16xi32>], vector<16xi32>,
      %add3A_1301 = arith.addi %add3A_1293, %gather3A_1300 : vector<16xi32>
      %mul3A_1302 = arith.constant 16 : i32
      %mul3A_1303 = vector.broadcast %mul3A_1302 : i32 to vector<16xi32>
      %mul3A_1304 = arith.muli %iota3A, %mul3A_1303 : vector<16xi32>
      %add3A_1305 = arith.constant 13 : i32
      %add3A_1306 = vector.broadcast %add3A_1305 : i32 to vector<16xi32>
      %add3A_1307 = arith.addi %mul3A_1304, %add3A_1306 : vector<16xi32>
      %gather3A_1308 = tpu.vector_load_idx %arg11[%add3A_1307] : memref<256xi32, #tpu.memory_space<vmem>>[vector<16xi32>], vector<16xi32>,
      %add3A_1309 = arith.addi %add3A_1301, %gather3A_1308 : vector<16xi32>
      %mul3A_1310 = arith.constant 16 : i32
      %mul3A_1311 = vector.broadcast %mul3A_1310 : i32 to vector<16xi32>
      %mul3A_1312 = arith.muli %iota3A, %mul3A_1311 : vector<16xi32>
      %add3A_1313 = arith.constant 14 : i32
      %add3A_1314 = vector.broadcast %add3A_1313 : i32 to vector<16xi32>
      %add3A_1315 = arith.addi %mul3A_1312, %add3A_1314 : vector<16xi32>
      %gather3A_1316 = tpu.vector_load_idx %arg11[%add3A_1315] : memref<256xi32, #tpu.memory_space<vmem>>[vector<16xi32>], vector<16xi32>,
      %add3A_1317 = arith.addi %add3A_1309, %gather3A_1316 : vector<16xi32>
      %mul3A_1318 = arith.constant 16 : i32
      %mul3A_1319 = vector.broadcast %mul3A_1318 : i32 to vector<16xi32>
      %mul3A_1320 = arith.muli %iota3A, %mul3A_1319 : vector<16xi32>
      %add3A_1321 = arith.constant 15 : i32
      %add3A_1322 = vector.broadcast %add3A_1321 : i32 to vector<16xi32>
      %add3A_1323 = arith.addi %mul3A_1320, %add3A_1322 : vector<16xi32>
      %gather3A_1324 = tpu.vector_load_idx %arg11[%add3A_1323] : memref<256xi32, #tpu.memory_space<vmem>>[vector<16xi32>], vector<16xi32>,
      %add3A_1325 = arith.addi %add3A_1317, %gather3A_1324 : vector<16xi32>
      %rev3A_1326 = arith.constant 15 : i32
      %rev3A_1327 = vector.broadcast %rev3A_1326 : i32 to vector<16xi32>
      %rev3A_1328 = tpu.iota {dimensions = array<i32: 0>} : vector<16xi32>
      %rev3A_1329 = arith.subi %rev3A_1327, %rev3A_1328 : vector<16xi32>
      %rev3A_1330 = tpu.dynamic_gather %add3A_1325[%rev3A_1329] in [0] : vector<16xi32>, vector<16xi32> -> vector<16xi32>
      %broadcast_in_dim3A_1331 = arith.constant true
      %broadcast_in_dim3A_1332 = vector.broadcast %broadcast_in_dim3A_1331 : i1 to vector<16xi1>
      %masked_cumsum3A_1333 = tpu.scan <sum>, %rev3A_1330 masked %broadcast_in_dim3A_1332 : vector<16xi32>, vector<16xi1> -> vector<16xi32>
      %rev3A_1334 = arith.constant 15 : i32
      %rev3A_1335 = vector.broadcast %rev3A_1334 : i32 to vector<16xi32>
      %rev3A_1336 = tpu.iota {dimensions = array<i32: 0>} : vector<16xi32>
      %rev3A_1337 = arith.subi %rev3A_1335, %rev3A_1336 : vector<16xi32>
      %rev3A_1338 = tpu.dynamic_gather %masked_cumsum3A_1333[%rev3A_1337] in [0] : vector<16xi32>, vector<16xi32> -> vector<16xi32>
      %sub3A_1339 = arith.subi %rev3A_1338, %add3A_1325 : vector<16xi32>
      %lt3A_1340 = vector.broadcast %min3A_12 : i32 to vector<16xi32>
      %lt3A_1341 = arith.cmpi slt, %sub3A_1339, %lt3A_1340 : vector<16xi32>
      %ge3A_1342 = vector.broadcast %min3A_12 : i32 to vector<16xi32>
      %ge3A_1343 = arith.cmpi sge, %rev3A_1338, %ge3A_1342 : vector<16xi32>
      %and3A_1344 = arith.andi %lt3A_1341, %ge3A_1343 : vector<16xi1>
      %mul3A_1345 = arith.constant 16 : i32
      %mul3A_1346 = vector.broadcast %mul3A_1345 : i32 to vector<16xi32>
      %mul3A_1347 = arith.muli %sub3A_1339, %mul3A_1346 : vector<16xi32>
      %add3A_1348 = arith.addi %mul3A_1347, %iota3A : vector<16xi32>
      %jit3A_1349 = arith.constant -1 : i32
      %broadcast_in_dim3A_1350 = vector.broadcast %jit3A_1349 : i32 to vector<16xi32>
      %select_n3A_1351 = arith.select %and3A_1344, %add3A_1348, %broadcast_in_dim3A_1350 : vector<16xi1>, vector<16xi32>
      %reduce_max3A_1352 = arith.constant true
      %reduce_max3A_1353 = vector.broadcast %reduce_max3A_1352 : i1 to vector<16xi1>
      %reduce_max3A_1354 = arith.constant -2147483648 : i32
      %reduce_max3A_1355 = vector.broadcast %reduce_max3A_1354 : i32 to vector<16xi32>
      %reduce_max3A_1356 = arith.xori %select_n3A_1351, %reduce_max3A_1355 : vector<16xi32>
      %reduce_max3A_1357 = tpu.scan <max>, %reduce_max3A_1356 masked %reduce_max3A_1353 : vector<16xi32>, vector<16xi1> -> vector<16xi32>
      %reduce_max3A_1358 = arith.xori %reduce_max3A_1357, %reduce_max3A_1355 : vector<16xi32>
      %reduce_max3A_1359 = vector.extract %reduce_max3A_1358[15] : i32 from vector<16xi32>
      %and3A_1360 = arith.constant 15 : i32
      %and3A_1361 = arith.andi %reduce_max3A_1359, %and3A_1360 : i32
      %shift_right_arithmetic3A_1362 = arith.constant 4 : i32
      %shift_right_arithmetic3A_1363 = arith.shrsi %reduce_max3A_1359, %shift_right_arithmetic3A_1362 : i32
      %sub3A_1364 = arith.subi %min3A_12, %shift_right_arithmetic3A_1363 : i32
      %mul3A_1365 = arith.constant 16 : i32
      %mul3A_1366 = arith.muli %and3A_1361, %mul3A_1365 : i32
      %get3A_1367 = arith.index_cast %mul3A_1366 : i32 to index
      %get3A_1368 = tpu.vector_load %arg11[%get3A_1367] {strides = array<i32>} : memref<256xi32, #tpu.memory_space<vmem>>, vector<16xi32>,
      %rev3A_1369 = arith.constant 15 : i32
      %rev3A_1370 = vector.broadcast %rev3A_1369 : i32 to vector<16xi32>
      %rev3A_1371 = tpu.iota {dimensions = array<i32: 0>} : vector<16xi32>
      %rev3A_1372 = arith.subi %rev3A_1370, %rev3A_1371 : vector<16xi32>
      %rev3A_1373 = tpu.dynamic_gather %get3A_1368[%rev3A_1372] in [0] : vector<16xi32>, vector<16xi32> -> vector<16xi32>
      %broadcast_in_dim3A_1374 = arith.constant true
      %broadcast_in_dim3A_1375 = vector.broadcast %broadcast_in_dim3A_1374 : i1 to vector<16xi1>
      %masked_cumsum3A_1376 = tpu.scan <sum>, %rev3A_1373 masked %broadcast_in_dim3A_1375 : vector<16xi32>, vector<16xi1> -> vector<16xi32>
      %rev3A_1377 = arith.constant 15 : i32
      %rev3A_1378 = vector.broadcast %rev3A_1377 : i32 to vector<16xi32>
      %rev3A_1379 = tpu.iota {dimensions = array<i32: 0>} : vector<16xi32>
      %rev3A_1380 = arith.subi %rev3A_1378, %rev3A_1379 : vector<16xi32>
      %rev3A_1381 = tpu.dynamic_gather %masked_cumsum3A_1376[%rev3A_1380] in [0] : vector<16xi32>, vector<16xi32> -> vector<16xi32>
      %sub3A_1382 = arith.subi %rev3A_1381, %get3A_1368 : vector<16xi32>
      %lt3A_1383 = vector.broadcast %sub3A_1364 : i32 to vector<16xi32>
      %lt3A_1384 = arith.cmpi slt, %sub3A_1382, %lt3A_1383 : vector<16xi32>
      %ge3A_1385 = vector.broadcast %sub3A_1364 : i32 to vector<16xi32>
      %ge3A_1386 = arith.cmpi sge, %rev3A_1381, %ge3A_1385 : vector<16xi32>
      %and3A_1387 = arith.andi %lt3A_1384, %ge3A_1386 : vector<16xi1>
      %mul3A_1388 = arith.constant 16 : i32
      %mul3A_1389 = vector.broadcast %mul3A_1388 : i32 to vector<16xi32>
      %mul3A_1390 = arith.muli %sub3A_1382, %mul3A_1389 : vector<16xi32>
      %add3A_1391 = arith.addi %mul3A_1390, %iota3A : vector<16xi32>
      %jit3A_1392 = arith.constant -1 : i32
      %broadcast_in_dim3A_1393 = vector.broadcast %jit3A_1392 : i32 to vector<16xi32>
      %select_n3A_1394 = arith.select %and3A_1387, %add3A_1391, %broadcast_in_dim3A_1393 : vector<16xi1>, vector<16xi32>
      %reduce_max3A_1395 = arith.constant true
      %reduce_max3A_1396 = vector.broadcast %reduce_max3A_1395 : i1 to vector<16xi1>
      %reduce_max3A_1397 = arith.constant -2147483648 : i32
      %reduce_max3A_1398 = vector.broadcast %reduce_max3A_1397 : i32 to vector<16xi32>
      %reduce_max3A_1399 = arith.xori %select_n3A_1394, %reduce_max3A_1398 : vector<16xi32>
      %reduce_max3A_1400 = tpu.scan <max>, %reduce_max3A_1399 masked %reduce_max3A_1396 : vector<16xi32>, vector<16xi1> -> vector<16xi32>
      %reduce_max3A_1401 = arith.xori %reduce_max3A_1400, %reduce_max3A_1398 : vector<16xi32>
      %reduce_max3A_1402 = vector.extract %reduce_max3A_1401[15] : i32 from vector<16xi32>
      %mul3A_1403 = arith.constant 16 : i32
      %mul3A_1404 = arith.muli %and3A_1361, %mul3A_1403 : i32
      %and3A_1405 = arith.constant 15 : i32
      %and3A_1406 = arith.andi %reduce_max3A_1402, %and3A_1405 : i32
      %add3A_1407 = arith.addi %mul3A_1404, %and3A_1406 : i32
      %shift_right_arithmetic3A_1408 = arith.constant 4 : i32
      %shift_right_arithmetic3A_1409 = arith.shrsi %reduce_max3A_1402, %shift_right_arithmetic3A_1408 : i32
      %sub3A_1410 = arith.subi %sub3A_1364, %shift_right_arithmetic3A_1409 : i32
      %parallel_loop3A_1411 = arith.constant 0 : i32
      %parallel_loop3A_1412 = arith.constant 512 : i32
      %parallel_loop3A_1413 = arith.constant 1 : i32
      scf.for %parallel_loop3A_2066 = %parallel_loop3A_1411 to %parallel_loop3A_1412 step %parallel_loop3A_1413  : i32 {
        %parallel_loop3A_2067 = arith.constant 16 : i32
        %parallel_loop3A_2068 = arith.muli %parallel_loop3A_2066, %parallel_loop3A_2067 : i32
        %parallel_loop3A_2069 = arith.index_cast %parallel_loop3A_2068 : i32 to index
        %parallel_loop3A_2070 = tpu.vector_load %arg9[%parallel_loop3A_2069] {strides = array<i32>} : memref<8192xi32, #tpu.memory_space<vmem>>, vector<16xi32>,
        %parallel_loop3A_2071 = arith.constant 15 : i32
        %parallel_loop3A_2072 = vector.broadcast %parallel_loop3A_2071 : i32 to vector<16xi32>
        %parallel_loop3A_2073 = arith.shrsi %parallel_loop3A_2070, %parallel_loop3A_2072 : vector<16xi32>
        %parallel_loop3A_2074 = arith.constant 8 : i32
        %parallel_loop3A_2075 = arith.shli %add3A_1407, %parallel_loop3A_2074 : i32
        %parallel_loop3A_2076 = vector.broadcast %parallel_loop3A_2075 : i32 to vector<16xi32>
        %parallel_loop3A_2077 = arith.subi %parallel_loop3A_2073, %parallel_loop3A_2076 : vector<16xi32>
        %parallel_loop3A_2078 = vector.bitcast %parallel_loop3A_2077 : vector<16xi32> to vector<16xi32>
        %parallel_loop3A_2079 = arith.constant 256 : i32
        %parallel_loop3A_2080 = vector.broadcast %parallel_loop3A_2079 : i32 to vector<16xi32>
        %parallel_loop3A_2081 = arith.cmpi ult, %parallel_loop3A_2078, %parallel_loop3A_2080 : vector<16xi32>
        tpu.vector_store_idx %arg12[%parallel_loop3A_2077], %broadcast_in_dim3A_13 masked %parallel_loop3A_2081 {add = true} : memref<256xi32, #tpu.memory_space<vmem>>[vector<16xi32>], vector<16xi32>, vector<16xi1>
      } {sc.loop_unroll_factor = 8 : i64, sc.parallel_access}
      %mul3A_1414 = arith.constant 16 : i32
      %mul3A_1415 = vector.broadcast %mul3A_1414 : i32 to vector<16xi32>
      %mul3A_1416 = arith.muli %iota3A, %mul3A_1415 : vector<16xi32>
      %gather3A_1417 = tpu.vector_load_idx %arg12[%mul3A_1416] : memref<256xi32, #tpu.memory_space<vmem>>[vector<16xi32>], vector<16xi32>,
      %mul3A_1418 = arith.constant 16 : i32
      %mul3A_1419 = vector.broadcast %mul3A_1418 : i32 to vector<16xi32>
      %mul3A_1420 = arith.muli %iota3A, %mul3A_1419 : vector<16xi32>
      %add3A_1421 = arith.constant 1 : i32
      %add3A_1422 = vector.broadcast %add3A_1421 : i32 to vector<16xi32>
      %add3A_1423 = arith.addi %mul3A_1420, %add3A_1422 : vector<16xi32>
      %gather3A_1424 = tpu.vector_load_idx %arg12[%add3A_1423] : memref<256xi32, #tpu.memory_space<vmem>>[vector<16xi32>], vector<16xi32>,
      %add3A_1425 = arith.addi %gather3A_1417, %gather3A_1424 : vector<16xi32>
      %mul3A_1426 = arith.constant 16 : i32
      %mul3A_1427 = vector.broadcast %mul3A_1426 : i32 to vector<16xi32>
      %mul3A_1428 = arith.muli %iota3A, %mul3A_1427 : vector<16xi32>
      %add3A_1429 = arith.constant 2 : i32
      %add3A_1430 = vector.broadcast %add3A_1429 : i32 to vector<16xi32>
      %add3A_1431 = arith.addi %mul3A_1428, %add3A_1430 : vector<16xi32>
      %gather3A_1432 = tpu.vector_load_idx %arg12[%add3A_1431] : memref<256xi32, #tpu.memory_space<vmem>>[vector<16xi32>], vector<16xi32>,
      %add3A_1433 = arith.addi %add3A_1425, %gather3A_1432 : vector<16xi32>
      %mul3A_1434 = arith.constant 16 : i32
      %mul3A_1435 = vector.broadcast %mul3A_1434 : i32 to vector<16xi32>
      %mul3A_1436 = arith.muli %iota3A, %mul3A_1435 : vector<16xi32>
      %add3A_1437 = arith.constant 3 : i32
      %add3A_1438 = vector.broadcast %add3A_1437 : i32 to vector<16xi32>
      %add3A_1439 = arith.addi %mul3A_1436, %add3A_1438 : vector<16xi32>
      %gather3A_1440 = tpu.vector_load_idx %arg12[%add3A_1439] : memref<256xi32, #tpu.memory_space<vmem>>[vector<16xi32>], vector<16xi32>,
      %add3A_1441 = arith.addi %add3A_1433, %gather3A_1440 : vector<16xi32>
      %mul3A_1442 = arith.constant 16 : i32
      %mul3A_1443 = vector.broadcast %mul3A_1442 : i32 to vector<16xi32>
      %mul3A_1444 = arith.muli %iota3A, %mul3A_1443 : vector<16xi32>
      %add3A_1445 = arith.constant 4 : i32
      %add3A_1446 = vector.broadcast %add3A_1445 : i32 to vector<16xi32>
      %add3A_1447 = arith.addi %mul3A_1444, %add3A_1446 : vector<16xi32>
      %gather3A_1448 = tpu.vector_load_idx %arg12[%add3A_1447] : memref<256xi32, #tpu.memory_space<vmem>>[vector<16xi32>], vector<16xi32>,
      %add3A_1449 = arith.addi %add3A_1441, %gather3A_1448 : vector<16xi32>
      %mul3A_1450 = arith.constant 16 : i32
      %mul3A_1451 = vector.broadcast %mul3A_1450 : i32 to vector<16xi32>
      %mul3A_1452 = arith.muli %iota3A, %mul3A_1451 : vector<16xi32>
      %add3A_1453 = arith.constant 5 : i32
      %add3A_1454 = vector.broadcast %add3A_1453 : i32 to vector<16xi32>
      %add3A_1455 = arith.addi %mul3A_1452, %add3A_1454 : vector<16xi32>
      %gather3A_1456 = tpu.vector_load_idx %arg12[%add3A_1455] : memref<256xi32, #tpu.memory_space<vmem>>[vector<16xi32>], vector<16xi32>,
      %add3A_1457 = arith.addi %add3A_1449, %gather3A_1456 : vector<16xi32>
      %mul3A_1458 = arith.constant 16 : i32
      %mul3A_1459 = vector.broadcast %mul3A_1458 : i32 to vector<16xi32>
      %mul3A_1460 = arith.muli %iota3A, %mul3A_1459 : vector<16xi32>
      %add3A_1461 = arith.constant 6 : i32
      %add3A_1462 = vector.broadcast %add3A_1461 : i32 to vector<16xi32>
      %add3A_1463 = arith.addi %mul3A_1460, %add3A_1462 : vector<16xi32>
      %gather3A_1464 = tpu.vector_load_idx %arg12[%add3A_1463] : memref<256xi32, #tpu.memory_space<vmem>>[vector<16xi32>], vector<16xi32>,
      %add3A_1465 = arith.addi %add3A_1457, %gather3A_1464 : vector<16xi32>
      %mul3A_1466 = arith.constant 16 : i32
      %mul3A_1467 = vector.broadcast %mul3A_1466 : i32 to vector<16xi32>
      %mul3A_1468 = arith.muli %iota3A, %mul3A_1467 : vector<16xi32>
      %add3A_1469 = arith.constant 7 : i32
      %add3A_1470 = vector.broadcast %add3A_1469 : i32 to vector<16xi32>
      %add3A_1471 = arith.addi %mul3A_1468, %add3A_1470 : vector<16xi32>
      %gather3A_1472 = tpu.vector_load_idx %arg12[%add3A_1471] : memref<256xi32, #tpu.memory_space<vmem>>[vector<16xi32>], vector<16xi32>,
      %add3A_1473 = arith.addi %add3A_1465, %gather3A_1472 : vector<16xi32>
      %mul3A_1474 = arith.constant 16 : i32
      %mul3A_1475 = vector.broadcast %mul3A_1474 : i32 to vector<16xi32>
      %mul3A_1476 = arith.muli %iota3A, %mul3A_1475 : vector<16xi32>
      %add3A_1477 = arith.constant 8 : i32
      %add3A_1478 = vector.broadcast %add3A_1477 : i32 to vector<16xi32>
      %add3A_1479 = arith.addi %mul3A_1476, %add3A_1478 : vector<16xi32>
      %gather3A_1480 = tpu.vector_load_idx %arg12[%add3A_1479] : memref<256xi32, #tpu.memory_space<vmem>>[vector<16xi32>], vector<16xi32>,
      %add3A_1481 = arith.addi %add3A_1473, %gather3A_1480 : vector<16xi32>
      %mul3A_1482 = arith.constant 16 : i32
      %mul3A_1483 = vector.broadcast %mul3A_1482 : i32 to vector<16xi32>
      %mul3A_1484 = arith.muli %iota3A, %mul3A_1483 : vector<16xi32>
      %add3A_1485 = arith.constant 9 : i32
      %add3A_1486 = vector.broadcast %add3A_1485 : i32 to vector<16xi32>
      %add3A_1487 = arith.addi %mul3A_1484, %add3A_1486 : vector<16xi32>
      %gather3A_1488 = tpu.vector_load_idx %arg12[%add3A_1487] : memref<256xi32, #tpu.memory_space<vmem>>[vector<16xi32>], vector<16xi32>,
      %add3A_1489 = arith.addi %add3A_1481, %gather3A_1488 : vector<16xi32>
      %mul3A_1490 = arith.constant 16 : i32
      %mul3A_1491 = vector.broadcast %mul3A_1490 : i32 to vector<16xi32>
      %mul3A_1492 = arith.muli %iota3A, %mul3A_1491 : vector<16xi32>
      %add3A_1493 = arith.constant 10 : i32
      %add3A_1494 = vector.broadcast %add3A_1493 : i32 to vector<16xi32>
      %add3A_1495 = arith.addi %mul3A_1492, %add3A_1494 : vector<16xi32>
      %gather3A_1496 = tpu.vector_load_idx %arg12[%add3A_1495] : memref<256xi32, #tpu.memory_space<vmem>>[vector<16xi32>], vector<16xi32>,
      %add3A_1497 = arith.addi %add3A_1489, %gather3A_1496 : vector<16xi32>
      %mul3A_1498 = arith.constant 16 : i32
      %mul3A_1499 = vector.broadcast %mul3A_1498 : i32 to vector<16xi32>
      %mul3A_1500 = arith.muli %iota3A, %mul3A_1499 : vector<16xi32>
      %add3A_1501 = arith.constant 11 : i32
      %add3A_1502 = vector.broadcast %add3A_1501 : i32 to vector<16xi32>
      %add3A_1503 = arith.addi %mul3A_1500, %add3A_1502 : vector<16xi32>
      %gather3A_1504 = tpu.vector_load_idx %arg12[%add3A_1503] : memref<256xi32, #tpu.memory_space<vmem>>[vector<16xi32>], vector<16xi32>,
      %add3A_1505 = arith.addi %add3A_1497, %gather3A_1504 : vector<16xi32>
      %mul3A_1506 = arith.constant 16 : i32
      %mul3A_1507 = vector.broadcast %mul3A_1506 : i32 to vector<16xi32>
      %mul3A_1508 = arith.muli %iota3A, %mul3A_1507 : vector<16xi32>
      %add3A_1509 = arith.constant 12 : i32
      %add3A_1510 = vector.broadcast %add3A_1509 : i32 to vector<16xi32>
      %add3A_1511 = arith.addi %mul3A_1508, %add3A_1510 : vector<16xi32>
      %gather3A_1512 = tpu.vector_load_idx %arg12[%add3A_1511] : memref<256xi32, #tpu.memory_space<vmem>>[vector<16xi32>], vector<16xi32>,
      %add3A_1513 = arith.addi %add3A_1505, %gather3A_1512 : vector<16xi32>
      %mul3A_1514 = arith.constant 16 : i32
      %mul3A_1515 = vector.broadcast %mul3A_1514 : i32 to vector<16xi32>
      %mul3A_1516 = arith.muli %iota3A, %mul3A_1515 : vector<16xi32>
      %add3A_1517 = arith.constant 13 : i32
      %add3A_1518 = vector.broadcast %add3A_1517 : i32 to vector<16xi32>
      %add3A_1519 = arith.addi %mul3A_1516, %add3A_1518 : vector<16xi32>
      %gather3A_1520 = tpu.vector_load_idx %arg12[%add3A_1519] : memref<256xi32, #tpu.memory_space<vmem>>[vector<16xi32>], vector<16xi32>,
      %add3A_1521 = arith.addi %add3A_1513, %gather3A_1520 : vector<16xi32>
      %mul3A_1522 = arith.constant 16 : i32
      %mul3A_1523 = vector.broadcast %mul3A_1522 : i32 to vector<16xi32>
      %mul3A_1524 = arith.muli %iota3A, %mul3A_1523 : vector<16xi32>
      %add3A_1525 = arith.constant 14 : i32
      %add3A_1526 = vector.broadcast %add3A_1525 : i32 to vector<16xi32>
      %add3A_1527 = arith.addi %mul3A_1524, %add3A_1526 : vector<16xi32>
      %gather3A_1528 = tpu.vector_load_idx %arg12[%add3A_1527] : memref<256xi32, #tpu.memory_space<vmem>>[vector<16xi32>], vector<16xi32>,
      %add3A_1529 = arith.addi %add3A_1521, %gather3A_1528 : vector<16xi32>
      %mul3A_1530 = arith.constant 16 : i32
      %mul3A_1531 = vector.broadcast %mul3A_1530 : i32 to vector<16xi32>
      %mul3A_1532 = arith.muli %iota3A, %mul3A_1531 : vector<16xi32>
      %add3A_1533 = arith.constant 15 : i32
      %add3A_1534 = vector.broadcast %add3A_1533 : i32 to vector<16xi32>
      %add3A_1535 = arith.addi %mul3A_1532, %add3A_1534 : vector<16xi32>
      %gather3A_1536 = tpu.vector_load_idx %arg12[%add3A_1535] : memref<256xi32, #tpu.memory_space<vmem>>[vector<16xi32>], vector<16xi32>,
      %add3A_1537 = arith.addi %add3A_1529, %gather3A_1536 : vector<16xi32>
      %rev3A_1538 = arith.constant 15 : i32
      %rev3A_1539 = vector.broadcast %rev3A_1538 : i32 to vector<16xi32>
      %rev3A_1540 = tpu.iota {dimensions = array<i32: 0>} : vector<16xi32>
      %rev3A_1541 = arith.subi %rev3A_1539, %rev3A_1540 : vector<16xi32>
      %rev3A_1542 = tpu.dynamic_gather %add3A_1537[%rev3A_1541] in [0] : vector<16xi32>, vector<16xi32> -> vector<16xi32>
      %broadcast_in_dim3A_1543 = arith.constant true
      %broadcast_in_dim3A_1544 = vector.broadcast %broadcast_in_dim3A_1543 : i1 to vector<16xi1>
      %masked_cumsum3A_1545 = tpu.scan <sum>, %rev3A_1542 masked %broadcast_in_dim3A_1544 : vector<16xi32>, vector<16xi1> -> vector<16xi32>
      %rev3A_1546 = arith.constant 15 : i32
      %rev3A_1547 = vector.broadcast %rev3A_1546 : i32 to vector<16xi32>
      %rev3A_1548 = tpu.iota {dimensions = array<i32: 0>} : vector<16xi32>
      %rev3A_1549 = arith.subi %rev3A_1547, %rev3A_1548 : vector<16xi32>
      %rev3A_1550 = tpu.dynamic_gather %masked_cumsum3A_1545[%rev3A_1549] in [0] : vector<16xi32>, vector<16xi32> -> vector<16xi32>
      %sub3A_1551 = arith.subi %rev3A_1550, %add3A_1537 : vector<16xi32>
      %lt3A_1552 = vector.broadcast %sub3A_1410 : i32 to vector<16xi32>
      %lt3A_1553 = arith.cmpi slt, %sub3A_1551, %lt3A_1552 : vector<16xi32>
      %ge3A_1554 = vector.broadcast %sub3A_1410 : i32 to vector<16xi32>
      %ge3A_1555 = arith.cmpi sge, %rev3A_1550, %ge3A_1554 : vector<16xi32>
      %and3A_1556 = arith.andi %lt3A_1553, %ge3A_1555 : vector<16xi1>
      %mul3A_1557 = arith.constant 16 : i32
      %mul3A_1558 = vector.broadcast %mul3A_1557 : i32 to vector<16xi32>
      %mul3A_1559 = arith.muli %sub3A_1551, %mul3A_1558 : vector<16xi32>
      %add3A_1560 = arith.addi %mul3A_1559, %iota3A : vector<16xi32>
      %jit3A_1561 = arith.constant -1 : i32
      %broadcast_in_dim3A_1562 = vector.broadcast %jit3A_1561 : i32 to vector<16xi32>
      %select_n3A_1563 = arith.select %and3A_1556, %add3A_1560, %broadcast_in_dim3A_1562 : vector<16xi1>, vector<16xi32>
      %reduce_max3A_1564 = arith.constant true
      %reduce_max3A_1565 = vector.broadcast %reduce_max3A_1564 : i1 to vector<16xi1>
      %reduce_max3A_1566 = arith.constant -2147483648 : i32
      %reduce_max3A_1567 = vector.broadcast %reduce_max3A_1566 : i32 to vector<16xi32>
      %reduce_max3A_1568 = arith.xori %select_n3A_1563, %reduce_max3A_1567 : vector<16xi32>
      %reduce_max3A_1569 = tpu.scan <max>, %reduce_max3A_1568 masked %reduce_max3A_1565 : vector<16xi32>, vector<16xi1> -> vector<16xi32>
      %reduce_max3A_1570 = arith.xori %reduce_max3A_1569, %reduce_max3A_1567 : vector<16xi32>
      %reduce_max3A_1571 = vector.extract %reduce_max3A_1570[15] : i32 from vector<16xi32>
      %and3A_1572 = arith.constant 15 : i32
      %and3A_1573 = arith.andi %reduce_max3A_1571, %and3A_1572 : i32
      %shift_right_arithmetic3A_1574 = arith.constant 4 : i32
      %shift_right_arithmetic3A_1575 = arith.shrsi %reduce_max3A_1571, %shift_right_arithmetic3A_1574 : i32
      %sub3A_1576 = arith.subi %sub3A_1410, %shift_right_arithmetic3A_1575 : i32
      %mul3A_1577 = arith.constant 16 : i32
      %mul3A_1578 = arith.muli %and3A_1573, %mul3A_1577 : i32
      %get3A_1579 = arith.index_cast %mul3A_1578 : i32 to index
      %get3A_1580 = tpu.vector_load %arg12[%get3A_1579] {strides = array<i32>} : memref<256xi32, #tpu.memory_space<vmem>>, vector<16xi32>,
      %rev3A_1581 = arith.constant 15 : i32
      %rev3A_1582 = vector.broadcast %rev3A_1581 : i32 to vector<16xi32>
      %rev3A_1583 = tpu.iota {dimensions = array<i32: 0>} : vector<16xi32>
      %rev3A_1584 = arith.subi %rev3A_1582, %rev3A_1583 : vector<16xi32>
      %rev3A_1585 = tpu.dynamic_gather %get3A_1580[%rev3A_1584] in [0] : vector<16xi32>, vector<16xi32> -> vector<16xi32>
      %broadcast_in_dim3A_1586 = arith.constant true
      %broadcast_in_dim3A_1587 = vector.broadcast %broadcast_in_dim3A_1586 : i1 to vector<16xi1>
      %masked_cumsum3A_1588 = tpu.scan <sum>, %rev3A_1585 masked %broadcast_in_dim3A_1587 : vector<16xi32>, vector<16xi1> -> vector<16xi32>
      %rev3A_1589 = arith.constant 15 : i32
      %rev3A_1590 = vector.broadcast %rev3A_1589 : i32 to vector<16xi32>
      %rev3A_1591 = tpu.iota {dimensions = array<i32: 0>} : vector<16xi32>
      %rev3A_1592 = arith.subi %rev3A_1590, %rev3A_1591 : vector<16xi32>
      %rev3A_1593 = tpu.dynamic_gather %masked_cumsum3A_1588[%rev3A_1592] in [0] : vector<16xi32>, vector<16xi32> -> vector<16xi32>
      %sub3A_1594 = arith.subi %rev3A_1593, %get3A_1580 : vector<16xi32>
      %lt3A_1595 = vector.broadcast %sub3A_1576 : i32 to vector<16xi32>
      %lt3A_1596 = arith.cmpi slt, %sub3A_1594, %lt3A_1595 : vector<16xi32>
      %ge3A_1597 = vector.broadcast %sub3A_1576 : i32 to vector<16xi32>
      %ge3A_1598 = arith.cmpi sge, %rev3A_1593, %ge3A_1597 : vector<16xi32>
      %and3A_1599 = arith.andi %lt3A_1596, %ge3A_1598 : vector<16xi1>
      %mul3A_1600 = arith.constant 16 : i32
      %mul3A_1601 = vector.broadcast %mul3A_1600 : i32 to vector<16xi32>
      %mul3A_1602 = arith.muli %sub3A_1594, %mul3A_1601 : vector<16xi32>
      %add3A_1603 = arith.addi %mul3A_1602, %iota3A : vector<16xi32>
      %jit3A_1604 = arith.constant -1 : i32
      %broadcast_in_dim3A_1605 = vector.broadcast %jit3A_1604 : i32 to vector<16xi32>
      %select_n3A_1606 = arith.select %and3A_1599, %add3A_1603, %broadcast_in_dim3A_1605 : vector<16xi1>, vector<16xi32>
      %reduce_max3A_1607 = arith.constant true
      %reduce_max3A_1608 = vector.broadcast %reduce_max3A_1607 : i1 to vector<16xi1>
      %reduce_max3A_1609 = arith.constant -2147483648 : i32
      %reduce_max3A_1610 = vector.broadcast %reduce_max3A_1609 : i32 to vector<16xi32>
      %reduce_max3A_1611 = arith.xori %select_n3A_1606, %reduce_max3A_1610 : vector<16xi32>
      %reduce_max3A_1612 = tpu.scan <max>, %reduce_max3A_1611 masked %reduce_max3A_1608 : vector<16xi32>, vector<16xi1> -> vector<16xi32>
      %reduce_max3A_1613 = arith.xori %reduce_max3A_1612, %reduce_max3A_1610 : vector<16xi32>
      %reduce_max3A_1614 = vector.extract %reduce_max3A_1613[15] : i32 from vector<16xi32>
      %mul3A_1615 = arith.constant 16 : i32
      %mul3A_1616 = arith.muli %and3A_1573, %mul3A_1615 : i32
      %and3A_1617 = arith.constant 15 : i32
      %and3A_1618 = arith.andi %reduce_max3A_1614, %and3A_1617 : i32
      %add3A_1619 = arith.addi %mul3A_1616, %and3A_1618 : i32
      %shift_right_arithmetic3A_1620 = arith.constant 4 : i32
      %shift_right_arithmetic3A_1621 = arith.shrsi %reduce_max3A_1614, %shift_right_arithmetic3A_1620 : i32
      %sub3A_1622 = arith.subi %sub3A_1576, %shift_right_arithmetic3A_1621 : i32
      %shift_left3A_1623 = arith.constant 8 : i32
      %shift_left3A_1624 = arith.shli %add3A_1407, %shift_left3A_1623 : i32
      %or3A_1625 = arith.ori %shift_left3A_1624, %add3A_1619 : i32
      %parallel_loop3A_1626 = arith.constant 0 : i32
      %parallel_loop3A_1627 = arith.constant 512 : i32
      %parallel_loop3A_1628 = arith.constant 1 : i32
      scf.for %parallel_loop3A_2066 = %parallel_loop3A_1626 to %parallel_loop3A_1627 step %parallel_loop3A_1628  : i32 {
        %parallel_loop3A_2067 = arith.constant 16 : i32
        %parallel_loop3A_2068 = arith.muli %parallel_loop3A_2066, %parallel_loop3A_2067 : i32
        %parallel_loop3A_2069 = arith.index_cast %parallel_loop3A_2068 : i32 to index
        %parallel_loop3A_2070 = tpu.vector_load %arg9[%parallel_loop3A_2069] {strides = array<i32>} : memref<8192xi32, #tpu.memory_space<vmem>>, vector<16xi32>,
        %parallel_loop3A_2071 = arith.constant 7 : i32
        %parallel_loop3A_2072 = vector.broadcast %parallel_loop3A_2071 : i32 to vector<16xi32>
        %parallel_loop3A_2073 = arith.shrsi %parallel_loop3A_2070, %parallel_loop3A_2072 : vector<16xi32>
        %parallel_loop3A_2074 = arith.constant 8 : i32
        %parallel_loop3A_2075 = arith.shli %or3A_1625, %parallel_loop3A_2074 : i32
        %parallel_loop3A_2076 = vector.broadcast %parallel_loop3A_2075 : i32 to vector<16xi32>
        %parallel_loop3A_2077 = arith.subi %parallel_loop3A_2073, %parallel_loop3A_2076 : vector<16xi32>
        %parallel_loop3A_2078 = vector.bitcast %parallel_loop3A_2077 : vector<16xi32> to vector<16xi32>
        %parallel_loop3A_2079 = arith.constant 256 : i32
        %parallel_loop3A_2080 = vector.broadcast %parallel_loop3A_2079 : i32 to vector<16xi32>
        %parallel_loop3A_2081 = arith.cmpi ult, %parallel_loop3A_2078, %parallel_loop3A_2080 : vector<16xi32>
        tpu.vector_store_idx %arg13[%parallel_loop3A_2077], %broadcast_in_dim3A_13 masked %parallel_loop3A_2081 {add = true} : memref<256xi32, #tpu.memory_space<vmem>>[vector<16xi32>], vector<16xi32>, vector<16xi1>
      } {sc.loop_unroll_factor = 8 : i64, sc.parallel_access}
      %mul3A_1629 = arith.constant 16 : i32
      %mul3A_1630 = vector.broadcast %mul3A_1629 : i32 to vector<16xi32>
      %mul3A_1631 = arith.muli %iota3A, %mul3A_1630 : vector<16xi32>
      %gather3A_1632 = tpu.vector_load_idx %arg13[%mul3A_1631] : memref<256xi32, #tpu.memory_space<vmem>>[vector<16xi32>], vector<16xi32>,
      %mul3A_1633 = arith.constant 16 : i32
      %mul3A_1634 = vector.broadcast %mul3A_1633 : i32 to vector<16xi32>
      %mul3A_1635 = arith.muli %iota3A, %mul3A_1634 : vector<16xi32>
      %add3A_1636 = arith.constant 1 : i32
      %add3A_1637 = vector.broadcast %add3A_1636 : i32 to vector<16xi32>
      %add3A_1638 = arith.addi %mul3A_1635, %add3A_1637 : vector<16xi32>
      %gather3A_1639 = tpu.vector_load_idx %arg13[%add3A_1638] : memref<256xi32, #tpu.memory_space<vmem>>[vector<16xi32>], vector<16xi32>,
      %add3A_1640 = arith.addi %gather3A_1632, %gather3A_1639 : vector<16xi32>
      %mul3A_1641 = arith.constant 16 : i32
      %mul3A_1642 = vector.broadcast %mul3A_1641 : i32 to vector<16xi32>
      %mul3A_1643 = arith.muli %iota3A, %mul3A_1642 : vector<16xi32>
      %add3A_1644 = arith.constant 2 : i32
      %add3A_1645 = vector.broadcast %add3A_1644 : i32 to vector<16xi32>
      %add3A_1646 = arith.addi %mul3A_1643, %add3A_1645 : vector<16xi32>
      %gather3A_1647 = tpu.vector_load_idx %arg13[%add3A_1646] : memref<256xi32, #tpu.memory_space<vmem>>[vector<16xi32>], vector<16xi32>,
      %add3A_1648 = arith.addi %add3A_1640, %gather3A_1647 : vector<16xi32>
      %mul3A_1649 = arith.constant 16 : i32
      %mul3A_1650 = vector.broadcast %mul3A_1649 : i32 to vector<16xi32>
      %mul3A_1651 = arith.muli %iota3A, %mul3A_1650 : vector<16xi32>
      %add3A_1652 = arith.constant 3 : i32
      %add3A_1653 = vector.broadcast %add3A_1652 : i32 to vector<16xi32>
      %add3A_1654 = arith.addi %mul3A_1651, %add3A_1653 : vector<16xi32>
      %gather3A_1655 = tpu.vector_load_idx %arg13[%add3A_1654] : memref<256xi32, #tpu.memory_space<vmem>>[vector<16xi32>], vector<16xi32>,
      %add3A_1656 = arith.addi %add3A_1648, %gather3A_1655 : vector<16xi32>
      %mul3A_1657 = arith.constant 16 : i32
      %mul3A_1658 = vector.broadcast %mul3A_1657 : i32 to vector<16xi32>
      %mul3A_1659 = arith.muli %iota3A, %mul3A_1658 : vector<16xi32>
      %add3A_1660 = arith.constant 4 : i32
      %add3A_1661 = vector.broadcast %add3A_1660 : i32 to vector<16xi32>
      %add3A_1662 = arith.addi %mul3A_1659, %add3A_1661 : vector<16xi32>
      %gather3A_1663 = tpu.vector_load_idx %arg13[%add3A_1662] : memref<256xi32, #tpu.memory_space<vmem>>[vector<16xi32>], vector<16xi32>,
      %add3A_1664 = arith.addi %add3A_1656, %gather3A_1663 : vector<16xi32>
      %mul3A_1665 = arith.constant 16 : i32
      %mul3A_1666 = vector.broadcast %mul3A_1665 : i32 to vector<16xi32>
      %mul3A_1667 = arith.muli %iota3A, %mul3A_1666 : vector<16xi32>
      %add3A_1668 = arith.constant 5 : i32
      %add3A_1669 = vector.broadcast %add3A_1668 : i32 to vector<16xi32>
      %add3A_1670 = arith.addi %mul3A_1667, %add3A_1669 : vector<16xi32>
      %gather3A_1671 = tpu.vector_load_idx %arg13[%add3A_1670] : memref<256xi32, #tpu.memory_space<vmem>>[vector<16xi32>], vector<16xi32>,
      %add3A_1672 = arith.addi %add3A_1664, %gather3A_1671 : vector<16xi32>
      %mul3A_1673 = arith.constant 16 : i32
      %mul3A_1674 = vector.broadcast %mul3A_1673 : i32 to vector<16xi32>
      %mul3A_1675 = arith.muli %iota3A, %mul3A_1674 : vector<16xi32>
      %add3A_1676 = arith.constant 6 : i32
      %add3A_1677 = vector.broadcast %add3A_1676 : i32 to vector<16xi32>
      %add3A_1678 = arith.addi %mul3A_1675, %add3A_1677 : vector<16xi32>
      %gather3A_1679 = tpu.vector_load_idx %arg13[%add3A_1678] : memref<256xi32, #tpu.memory_space<vmem>>[vector<16xi32>], vector<16xi32>,
      %add3A_1680 = arith.addi %add3A_1672, %gather3A_1679 : vector<16xi32>
      %mul3A_1681 = arith.constant 16 : i32
      %mul3A_1682 = vector.broadcast %mul3A_1681 : i32 to vector<16xi32>
      %mul3A_1683 = arith.muli %iota3A, %mul3A_1682 : vector<16xi32>
      %add3A_1684 = arith.constant 7 : i32
      %add3A_1685 = vector.broadcast %add3A_1684 : i32 to vector<16xi32>
      %add3A_1686 = arith.addi %mul3A_1683, %add3A_1685 : vector<16xi32>
      %gather3A_1687 = tpu.vector_load_idx %arg13[%add3A_1686] : memref<256xi32, #tpu.memory_space<vmem>>[vector<16xi32>], vector<16xi32>,
      %add3A_1688 = arith.addi %add3A_1680, %gather3A_1687 : vector<16xi32>
      %mul3A_1689 = arith.constant 16 : i32
      %mul3A_1690 = vector.broadcast %mul3A_1689 : i32 to vector<16xi32>
      %mul3A_1691 = arith.muli %iota3A, %mul3A_1690 : vector<16xi32>
      %add3A_1692 = arith.constant 8 : i32
      %add3A_1693 = vector.broadcast %add3A_1692 : i32 to vector<16xi32>
      %add3A_1694 = arith.addi %mul3A_1691, %add3A_1693 : vector<16xi32>
      %gather3A_1695 = tpu.vector_load_idx %arg13[%add3A_1694] : memref<256xi32, #tpu.memory_space<vmem>>[vector<16xi32>], vector<16xi32>,
      %add3A_1696 = arith.addi %add3A_1688, %gather3A_1695 : vector<16xi32>
      %mul3A_1697 = arith.constant 16 : i32
      %mul3A_1698 = vector.broadcast %mul3A_1697 : i32 to vector<16xi32>
      %mul3A_1699 = arith.muli %iota3A, %mul3A_1698 : vector<16xi32>
      %add3A_1700 = arith.constant 9 : i32
      %add3A_1701 = vector.broadcast %add3A_1700 : i32 to vector<16xi32>
      %add3A_1702 = arith.addi %mul3A_1699, %add3A_1701 : vector<16xi32>
      %gather3A_1703 = tpu.vector_load_idx %arg13[%add3A_1702] : memref<256xi32, #tpu.memory_space<vmem>>[vector<16xi32>], vector<16xi32>,
      %add3A_1704 = arith.addi %add3A_1696, %gather3A_1703 : vector<16xi32>
      %mul3A_1705 = arith.constant 16 : i32
      %mul3A_1706 = vector.broadcast %mul3A_1705 : i32 to vector<16xi32>
      %mul3A_1707 = arith.muli %iota3A, %mul3A_1706 : vector<16xi32>
      %add3A_1708 = arith.constant 10 : i32
      %add3A_1709 = vector.broadcast %add3A_1708 : i32 to vector<16xi32>
      %add3A_1710 = arith.addi %mul3A_1707, %add3A_1709 : vector<16xi32>
      %gather3A_1711 = tpu.vector_load_idx %arg13[%add3A_1710] : memref<256xi32, #tpu.memory_space<vmem>>[vector<16xi32>], vector<16xi32>,
      %add3A_1712 = arith.addi %add3A_1704, %gather3A_1711 : vector<16xi32>
      %mul3A_1713 = arith.constant 16 : i32
      %mul3A_1714 = vector.broadcast %mul3A_1713 : i32 to vector<16xi32>
      %mul3A_1715 = arith.muli %iota3A, %mul3A_1714 : vector<16xi32>
      %add3A_1716 = arith.constant 11 : i32
      %add3A_1717 = vector.broadcast %add3A_1716 : i32 to vector<16xi32>
      %add3A_1718 = arith.addi %mul3A_1715, %add3A_1717 : vector<16xi32>
      %gather3A_1719 = tpu.vector_load_idx %arg13[%add3A_1718] : memref<256xi32, #tpu.memory_space<vmem>>[vector<16xi32>], vector<16xi32>,
      %add3A_1720 = arith.addi %add3A_1712, %gather3A_1719 : vector<16xi32>
      %mul3A_1721 = arith.constant 16 : i32
      %mul3A_1722 = vector.broadcast %mul3A_1721 : i32 to vector<16xi32>
      %mul3A_1723 = arith.muli %iota3A, %mul3A_1722 : vector<16xi32>
      %add3A_1724 = arith.constant 12 : i32
      %add3A_1725 = vector.broadcast %add3A_1724 : i32 to vector<16xi32>
      %add3A_1726 = arith.addi %mul3A_1723, %add3A_1725 : vector<16xi32>
      %gather3A_1727 = tpu.vector_load_idx %arg13[%add3A_1726] : memref<256xi32, #tpu.memory_space<vmem>>[vector<16xi32>], vector<16xi32>,
      %add3A_1728 = arith.addi %add3A_1720, %gather3A_1727 : vector<16xi32>
      %mul3A_1729 = arith.constant 16 : i32
      %mul3A_1730 = vector.broadcast %mul3A_1729 : i32 to vector<16xi32>
      %mul3A_1731 = arith.muli %iota3A, %mul3A_1730 : vector<16xi32>
      %add3A_1732 = arith.constant 13 : i32
      %add3A_1733 = vector.broadcast %add3A_1732 : i32 to vector<16xi32>
      %add3A_1734 = arith.addi %mul3A_1731, %add3A_1733 : vector<16xi32>
      %gather3A_1735 = tpu.vector_load_idx %arg13[%add3A_1734] : memref<256xi32, #tpu.memory_space<vmem>>[vector<16xi32>], vector<16xi32>,
      %add3A_1736 = arith.addi %add3A_1728, %gather3A_1735 : vector<16xi32>
      %mul3A_1737 = arith.constant 16 : i32
      %mul3A_1738 = vector.broadcast %mul3A_1737 : i32 to vector<16xi32>
      %mul3A_1739 = arith.muli %iota3A, %mul3A_1738 : vector<16xi32>
      %add3A_1740 = arith.constant 14 : i32
      %add3A_1741 = vector.broadcast %add3A_1740 : i32 to vector<16xi32>
      %add3A_1742 = arith.addi %mul3A_1739, %add3A_1741 : vector<16xi32>
      %gather3A_1743 = tpu.vector_load_idx %arg13[%add3A_1742] : memref<256xi32, #tpu.memory_space<vmem>>[vector<16xi32>], vector<16xi32>,
      %add3A_1744 = arith.addi %add3A_1736, %gather3A_1743 : vector<16xi32>
      %mul3A_1745 = arith.constant 16 : i32
      %mul3A_1746 = vector.broadcast %mul3A_1745 : i32 to vector<16xi32>
      %mul3A_1747 = arith.muli %iota3A, %mul3A_1746 : vector<16xi32>
      %add3A_1748 = arith.constant 15 : i32
      %add3A_1749 = vector.broadcast %add3A_1748 : i32 to vector<16xi32>
      %add3A_1750 = arith.addi %mul3A_1747, %add3A_1749 : vector<16xi32>
      %gather3A_1751 = tpu.vector_load_idx %arg13[%add3A_1750] : memref<256xi32, #tpu.memory_space<vmem>>[vector<16xi32>], vector<16xi32>,
      %add3A_1752 = arith.addi %add3A_1744, %gather3A_1751 : vector<16xi32>
      %rev3A_1753 = arith.constant 15 : i32
      %rev3A_1754 = vector.broadcast %rev3A_1753 : i32 to vector<16xi32>
      %rev3A_1755 = tpu.iota {dimensions = array<i32: 0>} : vector<16xi32>
      %rev3A_1756 = arith.subi %rev3A_1754, %rev3A_1755 : vector<16xi32>
      %rev3A_1757 = tpu.dynamic_gather %add3A_1752[%rev3A_1756] in [0] : vector<16xi32>, vector<16xi32> -> vector<16xi32>
      %broadcast_in_dim3A_1758 = arith.constant true
      %broadcast_in_dim3A_1759 = vector.broadcast %broadcast_in_dim3A_1758 : i1 to vector<16xi1>
      %masked_cumsum3A_1760 = tpu.scan <sum>, %rev3A_1757 masked %broadcast_in_dim3A_1759 : vector<16xi32>, vector<16xi1> -> vector<16xi32>
      %rev3A_1761 = arith.constant 15 : i32
      %rev3A_1762 = vector.broadcast %rev3A_1761 : i32 to vector<16xi32>
      %rev3A_1763 = tpu.iota {dimensions = array<i32: 0>} : vector<16xi32>
      %rev3A_1764 = arith.subi %rev3A_1762, %rev3A_1763 : vector<16xi32>
      %rev3A_1765 = tpu.dynamic_gather %masked_cumsum3A_1760[%rev3A_1764] in [0] : vector<16xi32>, vector<16xi32> -> vector<16xi32>
      %sub3A_1766 = arith.subi %rev3A_1765, %add3A_1752 : vector<16xi32>
      %lt3A_1767 = vector.broadcast %sub3A_1622 : i32 to vector<16xi32>
      %lt3A_1768 = arith.cmpi slt, %sub3A_1766, %lt3A_1767 : vector<16xi32>
      %ge3A_1769 = vector.broadcast %sub3A_1622 : i32 to vector<16xi32>
      %ge3A_1770 = arith.cmpi sge, %rev3A_1765, %ge3A_1769 : vector<16xi32>
      %and3A_1771 = arith.andi %lt3A_1768, %ge3A_1770 : vector<16xi1>
      %mul3A_1772 = arith.constant 16 : i32
      %mul3A_1773 = vector.broadcast %mul3A_1772 : i32 to vector<16xi32>
      %mul3A_1774 = arith.muli %sub3A_1766, %mul3A_1773 : vector<16xi32>
      %add3A_1775 = arith.addi %mul3A_1774, %iota3A : vector<16xi32>
      %jit3A_1776 = arith.constant -1 : i32
      %broadcast_in_dim3A_1777 = vector.broadcast %jit3A_1776 : i32 to vector<16xi32>
      %select_n3A_1778 = arith.select %and3A_1771, %add3A_1775, %broadcast_in_dim3A_1777 : vector<16xi1>, vector<16xi32>
      %reduce_max3A_1779 = arith.constant true
      %reduce_max3A_1780 = vector.broadcast %reduce_max3A_1779 : i1 to vector<16xi1>
      %reduce_max3A_1781 = arith.constant -2147483648 : i32
      %reduce_max3A_1782 = vector.broadcast %reduce_max3A_1781 : i32 to vector<16xi32>
      %reduce_max3A_1783 = arith.xori %select_n3A_1778, %reduce_max3A_1782 : vector<16xi32>
      %reduce_max3A_1784 = tpu.scan <max>, %reduce_max3A_1783 masked %reduce_max3A_1780 : vector<16xi32>, vector<16xi1> -> vector<16xi32>
      %reduce_max3A_1785 = arith.xori %reduce_max3A_1784, %reduce_max3A_1782 : vector<16xi32>
      %reduce_max3A_1786 = vector.extract %reduce_max3A_1785[15] : i32 from vector<16xi32>
      %and3A_1787 = arith.constant 15 : i32
      %and3A_1788 = arith.andi %reduce_max3A_1786, %and3A_1787 : i32
      %shift_right_arithmetic3A_1789 = arith.constant 4 : i32
      %shift_right_arithmetic3A_1790 = arith.shrsi %reduce_max3A_1786, %shift_right_arithmetic3A_1789 : i32
      %sub3A_1791 = arith.subi %sub3A_1622, %shift_right_arithmetic3A_1790 : i32
      %mul3A_1792 = arith.constant 16 : i32
      %mul3A_1793 = arith.muli %and3A_1788, %mul3A_1792 : i32
      %get3A_1794 = arith.index_cast %mul3A_1793 : i32 to index
      %get3A_1795 = tpu.vector_load %arg13[%get3A_1794] {strides = array<i32>} : memref<256xi32, #tpu.memory_space<vmem>>, vector<16xi32>,
      %rev3A_1796 = arith.constant 15 : i32
      %rev3A_1797 = vector.broadcast %rev3A_1796 : i32 to vector<16xi32>
      %rev3A_1798 = tpu.iota {dimensions = array<i32: 0>} : vector<16xi32>
      %rev3A_1799 = arith.subi %rev3A_1797, %rev3A_1798 : vector<16xi32>
      %rev3A_1800 = tpu.dynamic_gather %get3A_1795[%rev3A_1799] in [0] : vector<16xi32>, vector<16xi32> -> vector<16xi32>
      %broadcast_in_dim3A_1801 = arith.constant true
      %broadcast_in_dim3A_1802 = vector.broadcast %broadcast_in_dim3A_1801 : i1 to vector<16xi1>
      %masked_cumsum3A_1803 = tpu.scan <sum>, %rev3A_1800 masked %broadcast_in_dim3A_1802 : vector<16xi32>, vector<16xi1> -> vector<16xi32>
      %rev3A_1804 = arith.constant 15 : i32
      %rev3A_1805 = vector.broadcast %rev3A_1804 : i32 to vector<16xi32>
      %rev3A_1806 = tpu.iota {dimensions = array<i32: 0>} : vector<16xi32>
      %rev3A_1807 = arith.subi %rev3A_1805, %rev3A_1806 : vector<16xi32>
      %rev3A_1808 = tpu.dynamic_gather %masked_cumsum3A_1803[%rev3A_1807] in [0] : vector<16xi32>, vector<16xi32> -> vector<16xi32>
      %sub3A_1809 = arith.subi %rev3A_1808, %get3A_1795 : vector<16xi32>
      %lt3A_1810 = vector.broadcast %sub3A_1791 : i32 to vector<16xi32>
      %lt3A_1811 = arith.cmpi slt, %sub3A_1809, %lt3A_1810 : vector<16xi32>
      %ge3A_1812 = vector.broadcast %sub3A_1791 : i32 to vector<16xi32>
      %ge3A_1813 = arith.cmpi sge, %rev3A_1808, %ge3A_1812 : vector<16xi32>
      %and3A_1814 = arith.andi %lt3A_1811, %ge3A_1813 : vector<16xi1>
      %mul3A_1815 = arith.constant 16 : i32
      %mul3A_1816 = vector.broadcast %mul3A_1815 : i32 to vector<16xi32>
      %mul3A_1817 = arith.muli %sub3A_1809, %mul3A_1816 : vector<16xi32>
      %add3A_1818 = arith.addi %mul3A_1817, %iota3A : vector<16xi32>
      %jit3A_1819 = arith.constant -1 : i32
      %broadcast_in_dim3A_1820 = vector.broadcast %jit3A_1819 : i32 to vector<16xi32>
      %select_n3A_1821 = arith.select %and3A_1814, %add3A_1818, %broadcast_in_dim3A_1820 : vector<16xi1>, vector<16xi32>
      %reduce_max3A_1822 = arith.constant true
      %reduce_max3A_1823 = vector.broadcast %reduce_max3A_1822 : i1 to vector<16xi1>
      %reduce_max3A_1824 = arith.constant -2147483648 : i32
      %reduce_max3A_1825 = vector.broadcast %reduce_max3A_1824 : i32 to vector<16xi32>
      %reduce_max3A_1826 = arith.xori %select_n3A_1821, %reduce_max3A_1825 : vector<16xi32>
      %reduce_max3A_1827 = tpu.scan <max>, %reduce_max3A_1826 masked %reduce_max3A_1823 : vector<16xi32>, vector<16xi1> -> vector<16xi32>
      %reduce_max3A_1828 = arith.xori %reduce_max3A_1827, %reduce_max3A_1825 : vector<16xi32>
      %reduce_max3A_1829 = vector.extract %reduce_max3A_1828[15] : i32 from vector<16xi32>
      %mul3A_1830 = arith.constant 16 : i32
      %mul3A_1831 = arith.muli %and3A_1788, %mul3A_1830 : i32
      %and3A_1832 = arith.constant 15 : i32
      %and3A_1833 = arith.andi %reduce_max3A_1829, %and3A_1832 : i32
      %add3A_1834 = arith.addi %mul3A_1831, %and3A_1833 : i32
      %shift_right_arithmetic3A_1835 = arith.constant 4 : i32
      %shift_right_arithmetic3A_1836 = arith.shrsi %reduce_max3A_1829, %shift_right_arithmetic3A_1835 : i32
      %sub3A_1837 = arith.subi %sub3A_1791, %shift_right_arithmetic3A_1836 : i32
      %shift_left3A_1838 = arith.constant 8 : i32
      %shift_left3A_1839 = arith.shli %or3A_1625, %shift_left3A_1838 : i32
      %or3A_1840 = arith.ori %shift_left3A_1839, %add3A_1834 : i32
      %parallel_loop3A_1841 = arith.constant 0 : i32
      %parallel_loop3A_1842 = arith.constant 512 : i32
      %parallel_loop3A_1843 = arith.constant 1 : i32
      scf.for %parallel_loop3A_2066 = %parallel_loop3A_1841 to %parallel_loop3A_1842 step %parallel_loop3A_1843  : i32 {
        %parallel_loop3A_2067 = arith.constant 16 : i32
        %parallel_loop3A_2068 = arith.muli %parallel_loop3A_2066, %parallel_loop3A_2067 : i32
        %parallel_loop3A_2069 = arith.index_cast %parallel_loop3A_2068 : i32 to index
        %parallel_loop3A_2070 = tpu.vector_load %arg9[%parallel_loop3A_2069] {strides = array<i32>} : memref<8192xi32, #tpu.memory_space<vmem>>, vector<16xi32>,
        %parallel_loop3A_2071 = arith.constant 7 : i32
        %parallel_loop3A_2072 = arith.shli %or3A_1840, %parallel_loop3A_2071 : i32
        %parallel_loop3A_2073 = vector.broadcast %parallel_loop3A_2072 : i32 to vector<16xi32>
        %parallel_loop3A_2074 = arith.subi %parallel_loop3A_2070, %parallel_loop3A_2073 : vector<16xi32>
        %parallel_loop3A_2075 = vector.bitcast %parallel_loop3A_2074 : vector<16xi32> to vector<16xi32>
        %parallel_loop3A_2076 = arith.constant 128 : i32
        %parallel_loop3A_2077 = vector.broadcast %parallel_loop3A_2076 : i32 to vector<16xi32>
        %parallel_loop3A_2078 = arith.cmpi ult, %parallel_loop3A_2075, %parallel_loop3A_2077 : vector<16xi32>
        tpu.vector_store_idx %arg14[%parallel_loop3A_2074], %broadcast_in_dim3A_13 masked %parallel_loop3A_2078 {add = true} : memref<256xi32, #tpu.memory_space<vmem>>[vector<16xi32>], vector<16xi32>, vector<16xi1>
      } {sc.loop_unroll_factor = 8 : i64, sc.parallel_access}
      %mul3A_1844 = arith.constant 16 : i32
      %mul3A_1845 = vector.broadcast %mul3A_1844 : i32 to vector<16xi32>
      %mul3A_1846 = arith.muli %iota3A, %mul3A_1845 : vector<16xi32>
      %gather3A_1847 = tpu.vector_load_idx %arg14[%mul3A_1846] : memref<256xi32, #tpu.memory_space<vmem>>[vector<16xi32>], vector<16xi32>,
      %mul3A_1848 = arith.constant 16 : i32
      %mul3A_1849 = vector.broadcast %mul3A_1848 : i32 to vector<16xi32>
      %mul3A_1850 = arith.muli %iota3A, %mul3A_1849 : vector<16xi32>
      %add3A_1851 = arith.constant 1 : i32
      %add3A_1852 = vector.broadcast %add3A_1851 : i32 to vector<16xi32>
      %add3A_1853 = arith.addi %mul3A_1850, %add3A_1852 : vector<16xi32>
      %gather3A_1854 = tpu.vector_load_idx %arg14[%add3A_1853] : memref<256xi32, #tpu.memory_space<vmem>>[vector<16xi32>], vector<16xi32>,
      %add3A_1855 = arith.addi %gather3A_1847, %gather3A_1854 : vector<16xi32>
      %mul3A_1856 = arith.constant 16 : i32
      %mul3A_1857 = vector.broadcast %mul3A_1856 : i32 to vector<16xi32>
      %mul3A_1858 = arith.muli %iota3A, %mul3A_1857 : vector<16xi32>
      %add3A_1859 = arith.constant 2 : i32
      %add3A_1860 = vector.broadcast %add3A_1859 : i32 to vector<16xi32>
      %add3A_1861 = arith.addi %mul3A_1858, %add3A_1860 : vector<16xi32>
      %gather3A_1862 = tpu.vector_load_idx %arg14[%add3A_1861] : memref<256xi32, #tpu.memory_space<vmem>>[vector<16xi32>], vector<16xi32>,
      %add3A_1863 = arith.addi %add3A_1855, %gather3A_1862 : vector<16xi32>
      %mul3A_1864 = arith.constant 16 : i32
      %mul3A_1865 = vector.broadcast %mul3A_1864 : i32 to vector<16xi32>
      %mul3A_1866 = arith.muli %iota3A, %mul3A_1865 : vector<16xi32>
      %add3A_1867 = arith.constant 3 : i32
      %add3A_1868 = vector.broadcast %add3A_1867 : i32 to vector<16xi32>
      %add3A_1869 = arith.addi %mul3A_1866, %add3A_1868 : vector<16xi32>
      %gather3A_1870 = tpu.vector_load_idx %arg14[%add3A_1869] : memref<256xi32, #tpu.memory_space<vmem>>[vector<16xi32>], vector<16xi32>,
      %add3A_1871 = arith.addi %add3A_1863, %gather3A_1870 : vector<16xi32>
      %mul3A_1872 = arith.constant 16 : i32
      %mul3A_1873 = vector.broadcast %mul3A_1872 : i32 to vector<16xi32>
      %mul3A_1874 = arith.muli %iota3A, %mul3A_1873 : vector<16xi32>
      %add3A_1875 = arith.constant 4 : i32
      %add3A_1876 = vector.broadcast %add3A_1875 : i32 to vector<16xi32>
      %add3A_1877 = arith.addi %mul3A_1874, %add3A_1876 : vector<16xi32>
      %gather3A_1878 = tpu.vector_load_idx %arg14[%add3A_1877] : memref<256xi32, #tpu.memory_space<vmem>>[vector<16xi32>], vector<16xi32>,
      %add3A_1879 = arith.addi %add3A_1871, %gather3A_1878 : vector<16xi32>
      %mul3A_1880 = arith.constant 16 : i32
      %mul3A_1881 = vector.broadcast %mul3A_1880 : i32 to vector<16xi32>
      %mul3A_1882 = arith.muli %iota3A, %mul3A_1881 : vector<16xi32>
      %add3A_1883 = arith.constant 5 : i32
      %add3A_1884 = vector.broadcast %add3A_1883 : i32 to vector<16xi32>
      %add3A_1885 = arith.addi %mul3A_1882, %add3A_1884 : vector<16xi32>
      %gather3A_1886 = tpu.vector_load_idx %arg14[%add3A_1885] : memref<256xi32, #tpu.memory_space<vmem>>[vector<16xi32>], vector<16xi32>,
      %add3A_1887 = arith.addi %add3A_1879, %gather3A_1886 : vector<16xi32>
      %mul3A_1888 = arith.constant 16 : i32
      %mul3A_1889 = vector.broadcast %mul3A_1888 : i32 to vector<16xi32>
      %mul3A_1890 = arith.muli %iota3A, %mul3A_1889 : vector<16xi32>
      %add3A_1891 = arith.constant 6 : i32
      %add3A_1892 = vector.broadcast %add3A_1891 : i32 to vector<16xi32>
      %add3A_1893 = arith.addi %mul3A_1890, %add3A_1892 : vector<16xi32>
      %gather3A_1894 = tpu.vector_load_idx %arg14[%add3A_1893] : memref<256xi32, #tpu.memory_space<vmem>>[vector<16xi32>], vector<16xi32>,
      %add3A_1895 = arith.addi %add3A_1887, %gather3A_1894 : vector<16xi32>
      %mul3A_1896 = arith.constant 16 : i32
      %mul3A_1897 = vector.broadcast %mul3A_1896 : i32 to vector<16xi32>
      %mul3A_1898 = arith.muli %iota3A, %mul3A_1897 : vector<16xi32>
      %add3A_1899 = arith.constant 7 : i32
      %add3A_1900 = vector.broadcast %add3A_1899 : i32 to vector<16xi32>
      %add3A_1901 = arith.addi %mul3A_1898, %add3A_1900 : vector<16xi32>
      %gather3A_1902 = tpu.vector_load_idx %arg14[%add3A_1901] : memref<256xi32, #tpu.memory_space<vmem>>[vector<16xi32>], vector<16xi32>,
      %add3A_1903 = arith.addi %add3A_1895, %gather3A_1902 : vector<16xi32>
      %mul3A_1904 = arith.constant 16 : i32
      %mul3A_1905 = vector.broadcast %mul3A_1904 : i32 to vector<16xi32>
      %mul3A_1906 = arith.muli %iota3A, %mul3A_1905 : vector<16xi32>
      %add3A_1907 = arith.constant 8 : i32
      %add3A_1908 = vector.broadcast %add3A_1907 : i32 to vector<16xi32>
      %add3A_1909 = arith.addi %mul3A_1906, %add3A_1908 : vector<16xi32>
      %gather3A_1910 = tpu.vector_load_idx %arg14[%add3A_1909] : memref<256xi32, #tpu.memory_space<vmem>>[vector<16xi32>], vector<16xi32>,
      %add3A_1911 = arith.addi %add3A_1903, %gather3A_1910 : vector<16xi32>
      %mul3A_1912 = arith.constant 16 : i32
      %mul3A_1913 = vector.broadcast %mul3A_1912 : i32 to vector<16xi32>
      %mul3A_1914 = arith.muli %iota3A, %mul3A_1913 : vector<16xi32>
      %add3A_1915 = arith.constant 9 : i32
      %add3A_1916 = vector.broadcast %add3A_1915 : i32 to vector<16xi32>
      %add3A_1917 = arith.addi %mul3A_1914, %add3A_1916 : vector<16xi32>
      %gather3A_1918 = tpu.vector_load_idx %arg14[%add3A_1917] : memref<256xi32, #tpu.memory_space<vmem>>[vector<16xi32>], vector<16xi32>,
      %add3A_1919 = arith.addi %add3A_1911, %gather3A_1918 : vector<16xi32>
      %mul3A_1920 = arith.constant 16 : i32
      %mul3A_1921 = vector.broadcast %mul3A_1920 : i32 to vector<16xi32>
      %mul3A_1922 = arith.muli %iota3A, %mul3A_1921 : vector<16xi32>
      %add3A_1923 = arith.constant 10 : i32
      %add3A_1924 = vector.broadcast %add3A_1923 : i32 to vector<16xi32>
      %add3A_1925 = arith.addi %mul3A_1922, %add3A_1924 : vector<16xi32>
      %gather3A_1926 = tpu.vector_load_idx %arg14[%add3A_1925] : memref<256xi32, #tpu.memory_space<vmem>>[vector<16xi32>], vector<16xi32>,
      %add3A_1927 = arith.addi %add3A_1919, %gather3A_1926 : vector<16xi32>
      %mul3A_1928 = arith.constant 16 : i32
      %mul3A_1929 = vector.broadcast %mul3A_1928 : i32 to vector<16xi32>
      %mul3A_1930 = arith.muli %iota3A, %mul3A_1929 : vector<16xi32>
      %add3A_1931 = arith.constant 11 : i32
      %add3A_1932 = vector.broadcast %add3A_1931 : i32 to vector<16xi32>
      %add3A_1933 = arith.addi %mul3A_1930, %add3A_1932 : vector<16xi32>
      %gather3A_1934 = tpu.vector_load_idx %arg14[%add3A_1933] : memref<256xi32, #tpu.memory_space<vmem>>[vector<16xi32>], vector<16xi32>,
      %add3A_1935 = arith.addi %add3A_1927, %gather3A_1934 : vector<16xi32>
      %mul3A_1936 = arith.constant 16 : i32
      %mul3A_1937 = vector.broadcast %mul3A_1936 : i32 to vector<16xi32>
      %mul3A_1938 = arith.muli %iota3A, %mul3A_1937 : vector<16xi32>
      %add3A_1939 = arith.constant 12 : i32
      %add3A_1940 = vector.broadcast %add3A_1939 : i32 to vector<16xi32>
      %add3A_1941 = arith.addi %mul3A_1938, %add3A_1940 : vector<16xi32>
      %gather3A_1942 = tpu.vector_load_idx %arg14[%add3A_1941] : memref<256xi32, #tpu.memory_space<vmem>>[vector<16xi32>], vector<16xi32>,
      %add3A_1943 = arith.addi %add3A_1935, %gather3A_1942 : vector<16xi32>
      %mul3A_1944 = arith.constant 16 : i32
      %mul3A_1945 = vector.broadcast %mul3A_1944 : i32 to vector<16xi32>
      %mul3A_1946 = arith.muli %iota3A, %mul3A_1945 : vector<16xi32>
      %add3A_1947 = arith.constant 13 : i32
      %add3A_1948 = vector.broadcast %add3A_1947 : i32 to vector<16xi32>
      %add3A_1949 = arith.addi %mul3A_1946, %add3A_1948 : vector<16xi32>
      %gather3A_1950 = tpu.vector_load_idx %arg14[%add3A_1949] : memref<256xi32, #tpu.memory_space<vmem>>[vector<16xi32>], vector<16xi32>,
      %add3A_1951 = arith.addi %add3A_1943, %gather3A_1950 : vector<16xi32>
      %mul3A_1952 = arith.constant 16 : i32
      %mul3A_1953 = vector.broadcast %mul3A_1952 : i32 to vector<16xi32>
      %mul3A_1954 = arith.muli %iota3A, %mul3A_1953 : vector<16xi32>
      %add3A_1955 = arith.constant 14 : i32
      %add3A_1956 = vector.broadcast %add3A_1955 : i32 to vector<16xi32>
      %add3A_1957 = arith.addi %mul3A_1954, %add3A_1956 : vector<16xi32>
      %gather3A_1958 = tpu.vector_load_idx %arg14[%add3A_1957] : memref<256xi32, #tpu.memory_space<vmem>>[vector<16xi32>], vector<16xi32>,
      %add3A_1959 = arith.addi %add3A_1951, %gather3A_1958 : vector<16xi32>
      %mul3A_1960 = arith.constant 16 : i32
      %mul3A_1961 = vector.broadcast %mul3A_1960 : i32 to vector<16xi32>
      %mul3A_1962 = arith.muli %iota3A, %mul3A_1961 : vector<16xi32>
      %add3A_1963 = arith.constant 15 : i32
      %add3A_1964 = vector.broadcast %add3A_1963 : i32 to vector<16xi32>
      %add3A_1965 = arith.addi %mul3A_1962, %add3A_1964 : vector<16xi32>
      %gather3A_1966 = tpu.vector_load_idx %arg14[%add3A_1965] : memref<256xi32, #tpu.memory_space<vmem>>[vector<16xi32>], vector<16xi32>,
      %add3A_1967 = arith.addi %add3A_1959, %gather3A_1966 : vector<16xi32>
      %rev3A_1968 = arith.constant 15 : i32
      %rev3A_1969 = vector.broadcast %rev3A_1968 : i32 to vector<16xi32>
      %rev3A_1970 = tpu.iota {dimensions = array<i32: 0>} : vector<16xi32>
      %rev3A_1971 = arith.subi %rev3A_1969, %rev3A_1970 : vector<16xi32>
      %rev3A_1972 = tpu.dynamic_gather %add3A_1967[%rev3A_1971] in [0] : vector<16xi32>, vector<16xi32> -> vector<16xi32>
      %broadcast_in_dim3A_1973 = arith.constant true
      %broadcast_in_dim3A_1974 = vector.broadcast %broadcast_in_dim3A_1973 : i1 to vector<16xi1>
      %masked_cumsum3A_1975 = tpu.scan <sum>, %rev3A_1972 masked %broadcast_in_dim3A_1974 : vector<16xi32>, vector<16xi1> -> vector<16xi32>
      %rev3A_1976 = arith.constant 15 : i32
      %rev3A_1977 = vector.broadcast %rev3A_1976 : i32 to vector<16xi32>
      %rev3A_1978 = tpu.iota {dimensions = array<i32: 0>} : vector<16xi32>
      %rev3A_1979 = arith.subi %rev3A_1977, %rev3A_1978 : vector<16xi32>
      %rev3A_1980 = tpu.dynamic_gather %masked_cumsum3A_1975[%rev3A_1979] in [0] : vector<16xi32>, vector<16xi32> -> vector<16xi32>
      %sub3A_1981 = arith.subi %rev3A_1980, %add3A_1967 : vector<16xi32>
      %lt3A_1982 = vector.broadcast %sub3A_1837 : i32 to vector<16xi32>
      %lt3A_1983 = arith.cmpi slt, %sub3A_1981, %lt3A_1982 : vector<16xi32>
      %ge3A_1984 = vector.broadcast %sub3A_1837 : i32 to vector<16xi32>
      %ge3A_1985 = arith.cmpi sge, %rev3A_1980, %ge3A_1984 : vector<16xi32>
      %and3A_1986 = arith.andi %lt3A_1983, %ge3A_1985 : vector<16xi1>
      %mul3A_1987 = arith.constant 16 : i32
      %mul3A_1988 = vector.broadcast %mul3A_1987 : i32 to vector<16xi32>
      %mul3A_1989 = arith.muli %sub3A_1981, %mul3A_1988 : vector<16xi32>
      %add3A_1990 = arith.addi %mul3A_1989, %iota3A : vector<16xi32>
      %jit3A_1991 = arith.constant -1 : i32
      %broadcast_in_dim3A_1992 = vector.broadcast %jit3A_1991 : i32 to vector<16xi32>
      %select_n3A_1993 = arith.select %and3A_1986, %add3A_1990, %broadcast_in_dim3A_1992 : vector<16xi1>, vector<16xi32>
      %reduce_max3A_1994 = arith.constant true
      %reduce_max3A_1995 = vector.broadcast %reduce_max3A_1994 : i1 to vector<16xi1>
      %reduce_max3A_1996 = arith.constant -2147483648 : i32
      %reduce_max3A_1997 = vector.broadcast %reduce_max3A_1996 : i32 to vector<16xi32>
      %reduce_max3A_1998 = arith.xori %select_n3A_1993, %reduce_max3A_1997 : vector<16xi32>
      %reduce_max3A_1999 = tpu.scan <max>, %reduce_max3A_1998 masked %reduce_max3A_1995 : vector<16xi32>, vector<16xi1> -> vector<16xi32>
      %reduce_max3A_2000 = arith.xori %reduce_max3A_1999, %reduce_max3A_1997 : vector<16xi32>
      %reduce_max3A_2001 = vector.extract %reduce_max3A_2000[15] : i32 from vector<16xi32>
      %and3A_2002 = arith.constant 15 : i32
      %and3A_2003 = arith.andi %reduce_max3A_2001, %and3A_2002 : i32
      %shift_right_arithmetic3A_2004 = arith.constant 4 : i32
      %shift_right_arithmetic3A_2005 = arith.shrsi %reduce_max3A_2001, %shift_right_arithmetic3A_2004 : i32
      %sub3A_2006 = arith.subi %sub3A_1837, %shift_right_arithmetic3A_2005 : i32
      %mul3A_2007 = arith.constant 16 : i32
      %mul3A_2008 = arith.muli %and3A_2003, %mul3A_2007 : i32
      %get3A_2009 = arith.index_cast %mul3A_2008 : i32 to index
      %get3A_2010 = tpu.vector_load %arg14[%get3A_2009] {strides = array<i32>} : memref<256xi32, #tpu.memory_space<vmem>>, vector<16xi32>,
      %rev3A_2011 = arith.constant 15 : i32
      %rev3A_2012 = vector.broadcast %rev3A_2011 : i32 to vector<16xi32>
      %rev3A_2013 = tpu.iota {dimensions = array<i32: 0>} : vector<16xi32>
      %rev3A_2014 = arith.subi %rev3A_2012, %rev3A_2013 : vector<16xi32>
      %rev3A_2015 = tpu.dynamic_gather %get3A_2010[%rev3A_2014] in [0] : vector<16xi32>, vector<16xi32> -> vector<16xi32>
      %broadcast_in_dim3A_2016 = arith.constant true
      %broadcast_in_dim3A_2017 = vector.broadcast %broadcast_in_dim3A_2016 : i1 to vector<16xi1>
      %masked_cumsum3A_2018 = tpu.scan <sum>, %rev3A_2015 masked %broadcast_in_dim3A_2017 : vector<16xi32>, vector<16xi1> -> vector<16xi32>
      %rev3A_2019 = arith.constant 15 : i32
      %rev3A_2020 = vector.broadcast %rev3A_2019 : i32 to vector<16xi32>
      %rev3A_2021 = tpu.iota {dimensions = array<i32: 0>} : vector<16xi32>
      %rev3A_2022 = arith.subi %rev3A_2020, %rev3A_2021 : vector<16xi32>
      %rev3A_2023 = tpu.dynamic_gather %masked_cumsum3A_2018[%rev3A_2022] in [0] : vector<16xi32>, vector<16xi32> -> vector<16xi32>
      %sub3A_2024 = arith.subi %rev3A_2023, %get3A_2010 : vector<16xi32>
      %lt3A_2025 = vector.broadcast %sub3A_2006 : i32 to vector<16xi32>
      %lt3A_2026 = arith.cmpi slt, %sub3A_2024, %lt3A_2025 : vector<16xi32>
      %ge3A_2027 = vector.broadcast %sub3A_2006 : i32 to vector<16xi32>
      %ge3A_2028 = arith.cmpi sge, %rev3A_2023, %ge3A_2027 : vector<16xi32>
      %and3A_2029 = arith.andi %lt3A_2026, %ge3A_2028 : vector<16xi1>
      %mul3A_2030 = arith.constant 16 : i32
      %mul3A_2031 = vector.broadcast %mul3A_2030 : i32 to vector<16xi32>
      %mul3A_2032 = arith.muli %sub3A_2024, %mul3A_2031 : vector<16xi32>
      %add3A_2033 = arith.addi %mul3A_2032, %iota3A : vector<16xi32>
      %jit3A_2034 = arith.constant -1 : i32
      %broadcast_in_dim3A_2035 = vector.broadcast %jit3A_2034 : i32 to vector<16xi32>
      %select_n3A_2036 = arith.select %and3A_2029, %add3A_2033, %broadcast_in_dim3A_2035 : vector<16xi1>, vector<16xi32>
      %reduce_max3A_2037 = arith.constant true
      %reduce_max3A_2038 = vector.broadcast %reduce_max3A_2037 : i1 to vector<16xi1>
      %reduce_max3A_2039 = arith.constant -2147483648 : i32
      %reduce_max3A_2040 = vector.broadcast %reduce_max3A_2039 : i32 to vector<16xi32>
      %reduce_max3A_2041 = arith.xori %select_n3A_2036, %reduce_max3A_2040 : vector<16xi32>
      %reduce_max3A_2042 = tpu.scan <max>, %reduce_max3A_2041 masked %reduce_max3A_2038 : vector<16xi32>, vector<16xi1> -> vector<16xi32>
      %reduce_max3A_2043 = arith.xori %reduce_max3A_2042, %reduce_max3A_2040 : vector<16xi32>
      %reduce_max3A_2044 = vector.extract %reduce_max3A_2043[15] : i32 from vector<16xi32>
      %mul3A_2045 = arith.constant 16 : i32
      %mul3A_2046 = arith.muli %and3A_2003, %mul3A_2045 : i32
      %and3A_2047 = arith.constant 15 : i32
      %and3A_2048 = arith.andi %reduce_max3A_2044, %and3A_2047 : i32
      %add3A_2049 = arith.addi %mul3A_2046, %and3A_2048 : i32
      %shift_right_arithmetic3A_2050 = arith.constant 4 : i32
      %shift_right_arithmetic3A_2051 = arith.shrsi %reduce_max3A_2044, %shift_right_arithmetic3A_2050 : i32
      %sub3A_2052 = arith.subi %sub3A_2006, %shift_right_arithmetic3A_2051 : i32
      %shift_left3A_2053 = arith.constant 7 : i32
      %shift_left3A_2054 = arith.shli %or3A_1840, %shift_left3A_2053 : i32
      %or3A_2055 = arith.ori %shift_left3A_2054, %add3A_2049 : i32
      %parallel_loop3A_2056 = arith.constant 0 : i32
      %parallel_loop3A_2057 = arith.constant 512 : i32
      %parallel_loop3A_2058 = arith.constant 1 : i32
      scf.for %parallel_loop3A_2066 = %parallel_loop3A_2056 to %parallel_loop3A_2057 step %parallel_loop3A_2058  : i32 {
        %parallel_loop3A_2067 = arith.constant 16 : i32
        %parallel_loop3A_2068 = arith.muli %parallel_loop3A_2066, %parallel_loop3A_2067 : i32
        %parallel_loop3A_2069 = arith.index_cast %parallel_loop3A_2068 : i32 to index
        %parallel_loop3A_2070 = tpu.vector_load %arg9[%parallel_loop3A_2069] {strides = array<i32>} : memref<8192xi32, #tpu.memory_space<vmem>>, vector<16xi32>,
        %parallel_loop3A_2071 = vector.broadcast %or3A_2055 : i32 to vector<16xi32>
        %parallel_loop3A_2072 = arith.cmpi sge, %parallel_loop3A_2070, %parallel_loop3A_2071 : vector<16xi32>
        %parallel_loop3A_2073 = arith.constant 1.000000e+00 : f32
        %parallel_loop3A_2074 = arith.constant 0.000000e+00 : f32
        %parallel_loop3A_2075 = vector.broadcast %parallel_loop3A_2073 : f32 to vector<16xf32>
        %parallel_loop3A_2076 = vector.broadcast %parallel_loop3A_2074 : f32 to vector<16xf32>
        %parallel_loop3A_2077 = arith.select %parallel_loop3A_2072, %parallel_loop3A_2075, %parallel_loop3A_2076 : vector<16xi1>, vector<16xf32>
        %parallel_loop3A_2078 = arith.constant 16 : i32
        %parallel_loop3A_2079 = arith.muli %parallel_loop3A_2066, %parallel_loop3A_2078 : i32
        %parallel_loop3A_2080 = arith.index_cast %parallel_loop3A_2079 : i32 to index
        %parallel_loop3A_2081 = tpu.vector_load %arg8[%parallel_loop3A_2080] {strides = array<i32>} : memref<8192xf32, #tpu.memory_space<vmem>>, vector<16xf32>,
        tpu.vector_store %arg8[%parallel_loop3A_2080], %parallel_loop3A_2077 {strides = array<i32>} : memref<8192xf32, #tpu.memory_space<vmem>>, vector<16xf32>,
      } {sc.loop_unroll_factor = 8 : i64, sc.parallel_access}
      %add3A_2059 = arith.addi %mul3A_2, %add3A_1051 : i32
      %dma_start3A_2060 = arith.constant 0 : i32
      %dma_start3A_2061 = tpu.memref_slice %arg4[%add3A_2059, %dma_start3A_2060] : memref<4096x8192xf32, #tpu.memory_space<hbm>> -> memref<1x8192xf32, #tpu.memory_space<hbm>>
      %dma_start3A_2062 = tpu.memref_squeeze %dma_start3A_2061 : memref<1x8192xf32, #tpu.memory_space<hbm>> -> memref<8192xf32, #tpu.memory_space<hbm>>
      %dma_start3A_2063 = arith.constant 0 : i32
      %dma_start3A_2064 = tpu.memref_slice %arg4[%add3A_2059, %dma_start3A_2063] : memref<4096x8192xf32, #tpu.memory_space<hbm>> -> memref<1x8192xf32, #tpu.memory_space<hbm>>
      %dma_start3A_2065 = tpu.memref_squeeze %dma_start3A_2064 : memref<1x8192xf32, #tpu.memory_space<hbm>> -> memref<8192xf32, #tpu.memory_space<hbm>>
      tpu.enqueue_dma source(%arg8 : memref<8192xf32, #tpu.memory_space<vmem>>) target(%dma_start3A_2065 : memref<8192xf32, #tpu.memory_space<hbm>>) target_semaphore(%arg18 : memref<!tpu.dma_semaphore, #tpu.memory_space<semaphore_mem>>)
    }
    %scan3A_25 = arith.constant 64 : i32
    %add3A_26 = arith.constant 128 : i32
    %add3A_27 = arith.addi %mul3A_2, %add3A_26 : i32
    %sub3A = arith.constant 2 : i32
    %sub3A_28 = arith.subi %add3A_27, %sub3A : i32
    %dma_wait3A = arith.constant 0 : i32
    %dma_wait3A_29 = tpu.memref_slice %arg4[%sub3A_28, %dma_wait3A] : memref<4096x8192xf32, #tpu.memory_space<hbm>> -> memref<1x8192xf32, #tpu.memory_space<hbm>>
    %dma_wait3A_30 = tpu.memref_squeeze %dma_wait3A_29 : memref<1x8192xf32, #tpu.memory_space<hbm>> -> memref<8192xf32, #tpu.memory_space<hbm>>
    %dma_wait3A_31 = arith.constant 0 : i32
    %dma_wait3A_32 = tpu.memref_slice %arg4[%sub3A_28, %dma_wait3A_31] : memref<4096x8192xf32, #tpu.memory_space<hbm>> -> memref<1x8192xf32, #tpu.memory_space<hbm>>
    %dma_wait3A_33 = tpu.memref_squeeze %dma_wait3A_32 : memref<1x8192xf32, #tpu.memory_space<hbm>> -> memref<8192xf32, #tpu.memory_space<hbm>>
    tpu.wait_dma2 semaphore(%arg17 : memref<!tpu.dma_semaphore, #tpu.memory_space<semaphore_mem>>) src(%arg7 : memref<8192xf32, #tpu.memory_space<vmem>>) dst(%dma_wait3A_33 : memref<8192xf32, #tpu.memory_space<hbm>>)
    %add3A_34 = arith.constant 128 : i32
    %add3A_35 = arith.addi %mul3A_2, %add3A_34 : i32
    %sub3A_36 = arith.constant 1 : i32
    %sub3A_37 = arith.subi %add3A_35, %sub3A_36 : i32
    %dma_wait3A_38 = arith.constant 0 : i32
    %dma_wait3A_39 = tpu.memref_slice %arg4[%sub3A_37, %dma_wait3A_38] : memref<4096x8192xf32, #tpu.memory_space<hbm>> -> memref<1x8192xf32, #tpu.memory_space<hbm>>
    %dma_wait3A_40 = tpu.memref_squeeze %dma_wait3A_39 : memref<1x8192xf32, #tpu.memory_space<hbm>> -> memref<8192xf32, #tpu.memory_space<hbm>>
    %dma_wait3A_41 = arith.constant 0 : i32
    %dma_wait3A_42 = tpu.memref_slice %arg4[%sub3A_37, %dma_wait3A_41] : memref<4096x8192xf32, #tpu.memory_space<hbm>> -> memref<1x8192xf32, #tpu.memory_space<hbm>>
    %dma_wait3A_43 = tpu.memref_squeeze %dma_wait3A_42 : memref<1x8192xf32, #tpu.memory_space<hbm>> -> memref<8192xf32, #tpu.memory_space<hbm>>
    tpu.wait_dma2 semaphore(%arg18 : memref<!tpu.dma_semaphore, #tpu.memory_space<semaphore_mem>>) src(%arg8 : memref<8192xf32, #tpu.memory_space<vmem>>) dst(%dma_wait3A_43 : memref<8192xf32, #tpu.memory_space<hbm>>)
    return
  }
}

</mosaic_0001>

<sc_bundles>
// kernel: kernel.3.cloned.1.call-start
scs
__scs_entry_jumppad:
0x0: {  	(pc) =	sbr.rel $0x88, $3  }
0x1: {  	(tag) =	ssettag $0x0;
	lr =	simm.s32 $0x1  }
0x2: {  	[smem:$0x3F9F] =	sst lr;
	_ =	strace $0xD0000000  }
0x3: {  	_ = 	snop  }
0x4: {  	_ = 	snop  }
0x5: {  	_ = 	snop  }
0x6: {  	_ = 	snop  }
0x7: {  	_ = 	snop  }
__scs_overlays_trampoline_lowered:
0x8: {  	[smem:$0x3FAE] =	sst s0  }
0x9: {  	[smem:$0x3FAF] =	sst s1  }
0xa: {  	[smem:$0x3FB0] =	sst s2  }
0xb: {  	[smem:$0x3FB1] =	sst s3  }
0xc: {  	[smem:$0x3FB2] =	sst s4  }
0xd: {  	[smem:$0x3FB3] =	sst s5  }
0xe: {  	[smem:$0x3FB4] =	sst s6  }
0xf: {  	[smem:$0x3FB5] =	sst s7  }
0x10: {  	[smem:$0x3FB6] =	sst s8  }
0x11: {  	[smem:$0x3FB7] =	sst s9;
	s0 =	simm.s32 @!p0 $0x0  }
0x12: {  	s1 =	sld [smem:$0x3F9D];
	s0 =	simm.s32 @p0 $0x1  }
0x13: {  	[smem:$0x3FB8] =	sst s0;
	s0 =	simm.s32 @!p1 $0x0  }
0x14: {  	s2 =	sld [smem:$0x3F9C];
	s0 =	simm.s32 @p1 $0x1  }
0x15: {  	[smem:$0x3FB9] =	sst s0;
	s0 =	simm.s32 @!p2 $0x0  }
0x16: {  	s3 =	sld [smem:$0x3FDB];
	s0 =	simm.s32 @p2 $0x1  }
0x17: {  	s4 =	simm.s32 $0x1BF5;
	[smem:$0x3FBB] =	sst s0  }
0x18: {  	s0 =	sld [smem:$0x3F9E];
	_ =	swait.ge [sflag:s4], $0x0  }
0x19: {  	s7 =	sld [smem:$0x3F9F]  }
0x1a: {  	s8 =	sadd.s32 $0xFFFFE003, lr  }
0x1b: {  	s9 =	sadd.s32 $0xFFFFFEF7, lr;
	s5 =	simm.s32 $0xFFFFFFFF;
	p2 =	slt.u32 s8, $0xFFFFF086  }
0x1c: {  	p1 =	slt.u32 s9, $0xF7A;
	s5 =	simm.s32 @!p2 $0x0  }
0x1d: {  	s5 =	simm.s32 @p1 $0x1;
	p0 =	seq.s32 s7, s2  }
0x1e: {  	s7 =	smul.u32 @!p0 $0xF7A, s2;
	p2 =	seq.s32 @!p0 s5, $0x0  }
0x1f: {  	s9 =	smul.u32 $0xF7A, s1;
	s8 =	simm.s32 @!p0 $0x1BF5;
	p2 =	por !p2, p0  }
0x20: {  	[sflag:s8] =	ssyncset.s32 @!p0 $0xFFFFF086;
	s6 =	sadd.s32 @!p0 s3, s7;
	s7 =	simm.s32 @!p0 $0x108  }
0x21: {  	s3 =	sadd.s32 s3, s9;
	s6 =	sadd.s32 @!p0 $0x88, s6;
	s7 =	simm.s32 @p2 $0x1082  }
0x22: {  	[simem:s7], [sflag:s8] =	dma.local @!p0 [hbm:s6], $0xF7A  }
0x23: {  	s9 =	sor.u32 $0xD0000000, s2;
	s6 =	simm.s32 $0x108;
	_ =	swait.ge @!p0 [sflag:s8], $0x0  }
0x24: {  	s3 =	sadd.s32 $0x88, s3;
	s6 =	simm.s32 @!p1 $0x1082;
	[sflag:s4] =	ssyncset.s32 $0xFFFFF086  }
0x25: {  	[simem:s6], [sflag:s4] =	dma.local [hbm:s3], $0xF7A  }
0x26: {  	[smem:$0x3F9F] =	sst s1;
	(tag) =	ssettag s2;
	_ =	strace s9  }
0x27: {  	s1 =	sld [smem:$0x3FAF]  }
0x28: {  	s2 =	sld [smem:$0x3FB0]  }
0x29: {  	s4 =	sld [smem:$0x3FB2]  }
0x2a: {  	p0 =	seq.s32 s5, $0x0;
	s5 =	sld [smem:$0x3FB3]  }
0x2b: {  	s6 =	sld [smem:$0x3FB4]  }
0x2c: {  	s7 =	sld [smem:$0x3FB5]  }
0x2d: {  	s3 =	simm.s32 $0x108;
	s8 =	sld [smem:$0x3FB6]  }
0x2e: {  	s3 =	simm.s32 @!p0 $0x1082;
	s9 =	sld [smem:$0x3FB7]  }
0x2f: {  	lr =	sadd.s32 s0, s3;
	s0 =	sld [smem:$0x3FAE]  }
0x30: {  	s3 =	sld [smem:$0x3FB1]  }
0x31: {  	[smem:$0x3FBA] =	sst s10  }
0x32: {  	s10 =	sld [smem:$0x3FB8];
	_ =	sdelay $0x3  }
0x33: {  	p0 =	seq.s32 s10, $0x1;
	s10 =	sld [smem:$0x3FBA];
	_ =	sdelay $0x3  }
0x34: {  	[smem:$0x3FBA] =	sst s10  }
0x35: {  	s10 =	sld [smem:$0x3FB9];
	_ =	sdelay $0x3  }
0x36: {  	p1 =	seq.s32 s10, $0x1;
	s10 =	sld [smem:$0x3FBA];
	_ =	sdelay $0x3  }
0x37: {  	[smem:$0x3FBA] =	sst s10  }
0x38: {  	s10 =	sld [smem:$0x3FBB]  }
0x39: {  	_ = 	snop;
	(pc) =	sbr.ind lr, $3  }
0x3a: {  	_ = 	snop  }
0x3b: {  	_ = 	snop  }
0x3c: {  	p2 =	seq.s32 s10, $0x1;
	s10 =	sld [smem:$0x3FBA]  }
0x3d: {  	_ =	shalt  }
0x3e: {  	_ =	shalt  }
0x3f: {  	_ =	shalt  }
0x40: {  	_ =	shalt  }
0x41: {  	_ =	shalt  }
0x42: {  	_ =	shalt  }
0x43: {  	_ =	shalt  }
0x44: {  	_ =	shalt  }
0x45: {  	_ =	shalt  }
0x46: {  	_ =	shalt  }
0x47: {  	_ =	shalt  }
0x48: {  	_ =	shalt  }
0x49: {  	_ =	shalt  }
0x4a: {  	_ =	shalt  }
0x4b: {  	_ =	shalt  }
0x4c: {  	_ =	shalt  }
0x4d: {  	_ =	shalt  }
0x4e: {  	_ =	shalt  }
0x4f: {  	_ =	shalt  }
0x50: {  	_ =	shalt  }
0x51: {  	_ =	shalt  }
0x52: {  	_ =	shalt  }
0x53: {  	_ =	shalt  }
0x54: {  	_ =	shalt  }
0x55: {  	_ =	shalt  }
0x56: {  	_ =	shalt  }
0x57: {  	_ =	shalt  }
0x58: {  	_ =	shalt  }
0x59: {  	_ =	shalt  }
0x5a: {  	_ =	shalt  }
0x5b: {  	_ =	shalt  }
0x5c: {  	_ =	shalt  }
0x5d: {  	_ =	shalt  }
0x5e: {  	_ =	shalt  }
0x5f: {  	_ =	shalt  }
0x60: {  	_ =	shalt  }
0x61: {  	_ =	shalt  }
0x62: {  	_ =	shalt  }
0x63: {  	_ =	shalt  }
0x64: {  	_ =	shalt  }
0x65: {  	_ =	shalt  }
0x66: {  	_ =	shalt  }
0x67: {  	_ =	shalt  }
0x68: {  	_ =	shalt  }
0x69: {  	_ =	shalt  }
0x6a: {  	_ =	shalt  }
0x6b: {  	_ =	shalt  }
0x6c: {  	_ =	shalt  }
0x6d: {  	_ =	shalt  }
0x6e: {  	_ =	shalt  }
0x6f: {  	_ =	shalt  }
0x70: {  	_ =	shalt  }
0x71: {  	_ =	shalt  }
0x72: {  	_ =	shalt  }
0x73: {  	_ =	shalt  }
0x74: {  	_ =	shalt  }
0x75: {  	_ =	shalt  }
0x76: {  	_ =	shalt  }
0x77: {  	_ =	shalt  }
0x78: {  	_ =	shalt  }
0x79: {  	_ =	shalt  }
0x7a: {  	_ =	shalt  }
0x7b: {  	_ =	shalt  }
0x7c: {  	_ =	shalt  }
0x7d: {  	_ =	shalt  }
0x7e: {  	_ =	shalt  }
0x7f: {  	_ =	shalt  }
0x80: {  	_ =	shalt  }
0x81: {  	_ =	shalt  }
0x82: {  	_ =	shalt  }
0x83: {  	_ =	shalt  }
0x84: {  	_ =	shalt  }
0x85: {  	_ =	shalt  }
0x86: {  	_ =	shalt  }
0x87: {  	_ =	shalt  }
.Lfunc_end0:
.L_simem_size_0:
called_computation_lowered:
.L_overlay_start_0:
0x88: {  	s2 =	sld [smem:$0x3FD9]  }
0x89: {  	s3 =	sld [smem:$0x3FFE];
	_ =	sdelay $0x1  }
0x8a: {  	s1 =	srdreg.scid  }
0x8b: {  	s0 =	sand.u32 $0x1, s1  }
0x8c: {  	s17 =	sshll.u32 s0, $0xA;
	s2 =	sadd.s32 s3, s2  }
0x8d: {  	s2 =	sadd.s32 s2, s17  }
0x8e: {  	[smem:$0x3FC6] =	sst s2  }
0x8f: {  	_ = 	snop  }
0x90: {  	s2 =	sld [smem:$0x3FC9]  }
0x91: {  	s18 =	sld [smem:$0x3FD0];
	(tm) =	ssettm $0x1  }
0x92: {  	s4 =	sld [smem:$0x3FFB];
	_ =	sdelay $0x3  }
0x93: {  	_ =	strace s4  }
0x94: {  	s4 =	sld [smem:$0x3FFC];
	_ =	sdelay $0x3  }
0x95: {  	_ =	strace s4  }
0x96: {  	s4 =	sld [smem:$0x3FFD];
	_ =	sdelay $0x3  }
0x97: {  	_ =	strace s4  }
0x98: {  	_ =	strace $0x8FFFFFFF  }
0x99: {  	s19 =	sld [smem:$0x3FDB];
	_ =	sdelay $0x1  }
0x9a: {  	s5 =	simm.s32 $_scs_section_size  }
0x9b: {  	s6 =	simm.s32 $_size__tile_overlayer_lowered;
	s7 =	simm.s32 $_tile_overlayer_lowered  }
0x9c: {  	s22 =	simm.s32 $0x1BFF;
	s21 =	sshll.u32 s7, $0x1;
	s4 =	sadd.s32 s5, s19  }
0x9d: {  	s8 =	simm.s32 $0x0;
	s20 =	sshll.u32 s6, $0x1;
	s6 =	sadd.s32 s21, s4  }
0x9e: {  	[timem:s8], [sflag:s22] =	dma.local [hbm:s6], s20  }
0x9f: {  	_ =	swait.ge [sflag:s22], s20  }
0xa0: {  	s5 =	ssub.s32 $0x0, s20;
	[sflag:s22] =	ssyncset.done $0x0  }
0xa1: {  	[sflag:s22] =	ssyncadd.s32 s5;
	_ =	sdelay $0x1  }
0xa2: {  	s23 =	simm.s32 $0x1B8B  }
0xa3: {  	_ =	swait.ge [sflag:s23], $0x1  }
0xa4: {  	[sflag:s23] =	ssyncset.done $0x0  }
0xa5: {  	s25 =	simm.s32 $0x1B8E;
	s24 =	sld [smem:$0x3FFE];
	[sflag:s23] =	ssyncadd.s32 $0xFFFFFFFF  }
0xa6: {  	s26 =	simm.s32 $execute0_lowered;
	[smem:$0x3FD2] =	sst s25  }
0xa7: {  	s6 =	sshll.u32 s26, $0x1;
	_ =	strace $0x80000046;
	[dreg:$0x1] =	wrdreg $0xFFFFFFFF  }
0xa8: {  	s28 =	simm.s32 $_size_execute0_lowered;
	s4 =	sadd.s32 s4, s6;
	[dreg:$0x0] =	wrdreg $0x0  }
0xa9: {  	s6 =	sshll.u32 s28, $0x1;
	[dreg:$0x2] =	wrdreg s4  }
0xaa: {  	[dreg:$0x3] =	wrdreg s6  }
0xab: {  	[dreg:$0x4] =	wrdreg $0xC0  }
0xac: {  	_ =	task [dreg:s8], $0x5FFFF  }
0xad: {  	[dreg:$0x1] =	wrdreg $0xFFFFFFFF  }
0xae: {  	[dreg:$0x0] =	wrdreg $0x60  }
0xaf: {  	[dreg:$0x2] =	wrdreg s2  }
0xb0: {  	[dreg:$0x3] =	wrdreg s24  }
0xb1: {  	[dreg:$0x4] =	wrdreg s18  }
0xb2: {  	[dreg:$0x5] =	wrdreg $0x9  }
0xb3: {  	_ =	task.clear_ibuf [dreg:s8], $0x6FFFF;
	_ =	strace $0x90000046  }
0xb4: {  	s29 =	simm.s32 $0x9;
	_ =	strace $0x80000048  }
0xb5: {  	_ =	swait.ge [sflag:s29], $0x1  }
0xb6: {  	[sflag:s29] =	ssyncadd.s32 $0xFFFFFFFF  }
0xb7: {  	_ =	strace $0x90000048  }
0xb8: {  	_ =	sfence  }
0xb9: {  	s30 =	sld [smem:$0x0];
	_ =	sdelay $0x2  }
0xba: {  	s31 =	sshll.u32 s1, $0xD;
	s1 =	sshrl.u32 s1, $0x2  }
0xbb: {  	s3 =	sand.u32 $0x4000, s31;
	s1 =	sadd.s32 s1, s30  }
0xbc: {  	s0 =	sor.u32 s3, s0;
	s1 =	sshll.u32 s1, $0x11  }
0xbd: {  	s0 =	sor.u32 s1, s0  }
0xbe: {  	s0 =	sadd.s32 $0x8F2B, s0  }
0xbf: {  	[sflag:s0] =	ssyncadd.remote.s32 $0x1  }
0xc0: {  	_ =	sfence.sel $0xFFFF  }
0xc1: {  	[dreg:$0x0] =	wrdreg $0xFFFFFFFF;
	(pc) =	sbr.abs _section_cstart, $3  }
0xc2: {  	[dreg:$0x1] =	wrdreg $0xFFFFFFFF  }
0xc3: {  	_ =	task.clear_ibuf [dreg:s8], $0x2FFFF;
	_ =	strace $0x9FFFFFFF  }
0xc4: {  	(tm) =	ssettm $0x7FFFFFFF  }
0xc5: {  	_ =	shalt  }
tec
execute0_lowered:
.L_overlay_start_1:
0x0: {  	(tag) =	ssettag $0x1  }
0x1: {  	s1 =	rddreg [dreg:$0x0]  }
0x2: {  	s0 =	rddreg [dreg:$0x1]  }
0x3: {  	s2 =	rddreg [dreg:$0x2];
	s4 =	simm.s32 $0x0;
	s3 =	srdreg.scid  }
0x4: {  	s5 =	stileid.u32;
	s10 =	simm.s32 $0x5;
	s11 =	simm.s32 $0x80  }
0x5: {  	v18 =	vlaneseq.u32;
	s12 =	simm.s32 $0x400;
	s13 =	simm.s32 $0x2000;
	s14 =	simm.s32 $0x1  }
0x6: {  	s15 =	simm.s32 $0xA080;
	s16 =	simm.s32 $0xA180;
	s17 =	simm.s32 $0xA280;
	v0 =	vmul.u32 $0x10, v18  }
0x7: {  	v1 =	vimm.s32 $0x0;
	s18 =	simm.s32 $0xA380;
	s19 =	simm.s32 $0x4000;
	s20 =	simm.s32 $0x2;
	v19 =	vimm.s32 $0x1;
	v20 =	vimm.f32 $1.000000000e+00  }
0x8: {  	s21 =	simm.s32 $0x6000;
	s22 =	simm.s32 $0x3;
	s23 =	simm.s32 $0x4;
	v17 =	vmul.u32 $0xFFFFFFFF, v18;
	v18 =	vor.u32 $0x80000000, v18;
	v2 =	vor.u32 $0x1, v0  }
0x9: {  	s24 =	simm.s32 $0x0;
	[smem:$0x7FF] =	sst s4;
	s3 =	sand.u32 $0x1, s3;
	v3 =	vor.u32 $0x2, v0;
	v4 =	vor.u32 $0x3, v0;
	v5 =	vor.u32 $0x4, v0  }
0xa: {  	s5 =	sshll.u32 s5, $0x8;
	s30 =	ssub.s32 $0x2, s3;
	s3 =	sshll.u32 s3, $0x7;
	v6 =	vor.u32 $0x5, v0;
	v7 =	vor.u32 $0x6, v0;
	v8 =	vor.u32 $0x7, v0  }
0xb: {  	s0 =	sadd.s32 $0x400, s0;
	s7 =	sshrl.u32 s30, $0x1;
	s5 =	sor.u32 s3, s5;
	v9 =	vor.u32 $0x8, v0;
	v10 =	vor.u32 $0x9, v0;
	v11 =	vor.u32 $0xA, v0  }
0xc: {  	_ =	strace $0x80000047;
	v12 =	vor.u32 $0xB, v0;
	v13 =	vor.u32 $0xC, v0;
	v14 =	vor.u32 $0xD, v0;
	s31 =	ssub.s32 s30, s7;
	s3 =	sshll.u32 s5, $0xA  }
0xd: {  	[dreg:$0x4] =	wrdreg s0;
	v15 =	vor.u32 $0xE, v0;
	v16 =	vor.u32 $0xF, v0;
	v17 =	vadd.s32 $0xF, v17;
	s7 =	sadd.s32 s1, s3;
	s8 =	smax.u32 s31, $0x1  }
.LBB2_1:
0xe: {  	s3 =	simm.s32 $0x0;
	s0 =	rddreg [dreg:$0x4];
	s4 =	simm.s32 $0xA000  }
0xf: {  	[tilespmem:s4], [sflag:$0x5] =	stream.linear.gather [hbm4b:s0+s3], $0x80, $0x38;
	[tilespmem:$0xA480] =	vst v63  }
0x10: {  	_ =	swait.ge [sflag:s10], $0x80  }
0x11: {  	[sflag:s10] =	ssyncset.done $0x0  }
0x12: {  	[sflag:s10] =	ssyncadd.s32 $0xFFFFFF80  }
0x13: {  	v21 =	vld [tilespmem:$0xA000];
	_ =	sdelay $0x4  }
0x14: {  	v21 =	vxor.u32 $0x80000000, v21  }
0x15: {  	(xrf0) =	vmax.scan.msk.u32 $0xffff, v21;
	_ =	sdelay $0x5  }
0x16: {  	v21, _, _ =	vpop (xrf0)  }
0x17: {  	(v2sf) =	vpush v21, $0xF;
	_ =	sdelay $0xe  }
0x18: {  	s31 =	spop (v2sf)  }
0x19: {  	s0 =	sxor.u32 $0x80000000, s31  }
0x1a: {  	p0 =	sgt.s32 s0, $0x1  }
0x1b: {  	s0 =	simm.s32 @!p0 $0x1  }
0x1c: {  	s26 =	simm.s32 $0x0;
	s25 =	smin.u32 s0, $0x2000  }
0x1d: {  	[tilespmem:s3], [sflag:$0x1] =	stream.strided.gather [hbm4b:s7+s11], $0x2000, s12, s11, $0x38;
	v21 =	vmov s25;
	[tilespmem:$0xA480] =	vst v63  }
.LBB2_2:
0x1e: {  	s0 =	sshll.u32 s26, $0x1  }
0x1f: {  	s3 =	sshll.u32 s26, $0x5;
	s0 =	sadd.s32 s5, s0  }
0x20: {  	s30 =	sand.u32 $0x60, s3;
	s0 =	sshll.u32 s0, $0xA  }
0x21: {  	s4 =	sadd.s32 s30, s1;
	s28 =	sand.u32 $0x3FE000, s0  }
0x22: {  	s0 =	sadd.s32 s28, s4  }
0x23: {  	s0 =	sadd.s32 $0x10, s0  }
0x24: {  	[tilespmem:s13], [sflag:$0x2] =	stream.strided.gather [hbm4b:s0+s11], $0x2000, s12, s11, $0x38;
	[tilespmem:$0xA480] =	vst v63  }
0x25: {  	_ =	swait.ge [sflag:s14], $0x2000  }
0x26: {  	p0 =	seq.s32 s26, $0x0;
	[sflag:s14] =	ssyncset.done $0x0  }
0x27: {  	s0 =	simm.s32 @!p0 $0x3;
	[sflag:s14] =	ssyncadd.s32 $0xFFFFE000  }
0x28: {  	_ =	swait.ge @!p0 [sflag:s0], $0x2000  }
0x29: {  	[sflag:s0] =	ssyncset.done @!p0 $0x0  }
0x2a: {  	[sflag:s0] =	ssyncadd.s32 @!p0 $0xFFFFE000  }
0x2b: {  	[tilespmem:$0xA080] =	vst v1  }
0x2c: {  	[tilespmem:$0xA180] =	vst v1  }
0x2d: {  	[tilespmem:$0xA280] =	vst v1  }
0x2e: {  	[tilespmem:$0xA380] =	vst v1  }
0x2f: {  	[tilespmem:$0xA090] =	vst v1  }
0x30: {  	[tilespmem:$0xA190] =	vst v1  }
0x31: {  	[tilespmem:$0xA290] =	vst v1  }
0x32: {  	[tilespmem:$0xA390] =	vst v1  }
0x33: {  	[tilespmem:$0xA0A0] =	vst v1  }
0x34: {  	[tilespmem:$0xA1A0] =	vst v1  }
0x35: {  	[tilespmem:$0xA2A0] =	vst v1  }
0x36: {  	[tilespmem:$0xA3A0] =	vst v1  }
0x37: {  	[tilespmem:$0xA0B0] =	vst v1  }
0x38: {  	[tilespmem:$0xA1B0] =	vst v1  }
0x39: {  	[tilespmem:$0xA2B0] =	vst v1  }
0x3a: {  	[tilespmem:$0xA3B0] =	vst v1  }
0x3b: {  	[tilespmem:$0xA0C0] =	vst v1  }
0x3c: {  	[tilespmem:$0xA1C0] =	vst v1  }
0x3d: {  	[tilespmem:$0xA2C0] =	vst v1  }
0x3e: {  	[tilespmem:$0xA3C0] =	vst v1  }
0x3f: {  	[tilespmem:$0xA0D0] =	vst v1  }
0x40: {  	[tilespmem:$0xA1D0] =	vst v1  }
0x41: {  	[tilespmem:$0xA2D0] =	vst v1  }
0x42: {  	[tilespmem:$0xA3D0] =	vst v1  }
0x43: {  	[tilespmem:$0xA0E0] =	vst v1  }
0x44: {  	[tilespmem:$0xA1E0] =	vst v1  }
0x45: {  	[tilespmem:$0xA2E0] =	vst v1  }
0x46: {  	[tilespmem:$0xA3E0] =	vst v1  }
0x47: {  	[tilespmem:$0xA0F0] =	vst v1  }
0x48: {  	[tilespmem:$0xA1F0] =	vst v1  }
0x49: {  	[tilespmem:$0xA2F0] =	vst v1  }
0x4a: {  	[tilespmem:$0xA3F0] =	vst v1  }
0x4b: {  	[tilespmem:$0xA100] =	vst v1  }
0x4c: {  	[tilespmem:$0xA200] =	vst v1  }
0x4d: {  	[tilespmem:$0xA300] =	vst v1  }
0x4e: {  	[tilespmem:$0xA400] =	vst v1  }
0x4f: {  	[tilespmem:$0xA110] =	vst v1  }
0x50: {  	[tilespmem:$0xA210] =	vst v1  }
0x51: {  	[tilespmem:$0xA310] =	vst v1  }
0x52: {  	[tilespmem:$0xA410] =	vst v1  }
0x53: {  	[tilespmem:$0xA120] =	vst v1  }
0x54: {  	[tilespmem:$0xA220] =	vst v1  }
0x55: {  	[tilespmem:$0xA320] =	vst v1  }
0x56: {  	[tilespmem:$0xA420] =	vst v1  }
0x57: {  	[tilespmem:$0xA130] =	vst v1  }
0x58: {  	[tilespmem:$0xA230] =	vst v1  }
0x59: {  	[tilespmem:$0xA330] =	vst v1  }
0x5a: {  	[tilespmem:$0xA430] =	vst v1  }
0x5b: {  	[tilespmem:$0xA140] =	vst v1  }
0x5c: {  	[tilespmem:$0xA240] =	vst v1  }
0x5d: {  	[tilespmem:$0xA340] =	vst v1  }
0x5e: {  	[tilespmem:$0xA440] =	vst v1  }
0x5f: {  	[tilespmem:$0xA150] =	vst v1  }
0x60: {  	[tilespmem:$0xA250] =	vst v1  }
0x61: {  	[tilespmem:$0xA350] =	vst v1  }
0x62: {  	[tilespmem:$0xA450] =	vst v1  }
0x63: {  	[tilespmem:$0xA160] =	vst v1  }
0x64: {  	[tilespmem:$0xA260] =	vst v1  }
0x65: {  	[tilespmem:$0xA360] =	vst v1  }
0x66: {  	[tilespmem:$0xA460] =	vst v1  }
0x67: {  	[tilespmem:$0xA170] =	vst v1  }
0x68: {  	[tilespmem:$0xA270] =	vst v1  }
0x69: {  	[tilespmem:$0xA370] =	vst v1  }
0x6a: {  	s6 =	simm.s32 $0x40;
	[tilespmem:$0xA470] =	vst v1  }
0x6b: {  	v22 =	vld [tilespmem:s6+$0xFFFFFFC0];
	_ =	sdelay $0x2  }
0x6c: {  	v23 =	vld [tilespmem:s6+$0x20];
	_ =	sdelay $0x1  }
0x6d: {  	v25 =	vld [tilespmem:s6+$0x10];
	v26 =	vand.u32 $0x7FFFFFFF, v22  }
0x6e: {  	v24 =	vld [tilespmem:s6+$0xFFFFFFE0];
	v28 =	vshrl.u32 v26, $0x17  }
0x6f: {  	v27 =	vld [tilespmem:s6+$0xFFFFFFD0];
	(xrf1) =	vunique.msk.u32 $0xffff, v28  }
0x70: {  	v30 =	vld [tilespmem:s6+$0x30];
	v29 =	vand.u32 $0x7FFFFFFF, v23  }
0x71: {  	v32 =	vld [tilespmem:s6+$0x0];
	v31 =	vshrl.u32 v29, $0x17  }
0x72: {  	s4 =	simm.s32 $0xC0;
	v39 =	vld [tilespmem:s6+$0xFFFFFFF0];
	(xrf1) =	vunique.msk.u32 $0xffff, v31  }
0x73: {  	v43 =	vld [tilespmem:s4+$0xFFFFFFC0];
	v33 =	vshrl.u32 v23, $0x17  }
0x74: {  	s9 =	simm.s32 $0x8040;
	v34 =	vshrl.u32 v22, $0x17;
	v22 =	vand.u32 $0x7FFFFFFF, v25;
	v23 =	vand.u32 $0x7FFFFFFF, v24  }
0x75: {  	v36 =	vand.u32 $0x7FFFFFFF, v27;
	v41 =	vshrl.u32 v27, $0x17;
	[tilespmem:s9+$0xFFFFFFC0] =	vst v26;
	v26 =	vshrl.u32 v23, $0x17  }
0x76: {  	v27 =	vand.u32 $0x7FFFFFFF, v32;
	v40 =	vand.u32 $0x7FFFFFFF, v30;
	v35 =	vshrl.u32 v36, $0x17;
	(xrf1) =	vunique.msk.u32 $0xffff, v26  }
0x77: {  	v42 =	vand.u32 $0x7FFFFFFF, v39;
	v47 =	vshrl.u32 v32, $0x17;
	v38 =	vshrl.u32 v22, $0x17;
	(xrf1) =	vunique.msk.u32 $0xffff, v35  }
0x78: {  	v30 =	vshrl.u32 v30, $0x17;
	v61 =	vand.u32 $0x7FFFFFFF, v43;
	[tilespmem:s9+$0x20] =	vst v29;
	(xrf1) =	vunique.msk.u32 $0xffff, v38  }
0x79: {  	v29 =	vshrl.u32 v24, $0x17;
	[tilespmem:s9+$0x10] =	vst v22;
	v22 =	vshrl.u32 v25, $0x17;
	v25 =	vshrl.u32 v40, $0x17  }
0x7a: {  	[tilespmem:s9+$0xFFFFFFE0] =	vst v23;
	v58 =	vshrl.u32 v27, $0x17;
	v44 =	vshrl.u32 v42, $0x17;
	(xrf1) =	vunique.msk.u32 $0xffff, v25  }
0x7b: {  	v60 =	vand.u32 $0x80, v33;
	v30 =	vand.u32 $0x80, v30;
	v63 =	vand.u32 $0x80, v47;
	(xrf1) =	vunique.msk.u32 $0xffff, v58  }
0x7c: {  	v37 =	vld [tilespmem:s4+$0x20];
	[tilespmem:s9+$0x30] =	vst v40;
	v41 =	vand.u32 $0x80, v41;
	v47 =	vshrl.u32 v39, $0x17;
	v28 =	vand.u32 $0x7F, v28  }
0x7d: {  	v48 =	vld [tilespmem:s4+$0xFFFFFFE0];
	v46 =	vand.u32 $0x7F, v35;
	v23 =	vand.u32 $0x7F, v38;
	v22 =	vand.u32 $0x80, v22;
	_, v49, vm2 =	vpop (xrf1);
	(xrf1) =	vunique.msk.u32 $0xffff, v44  }
0x7e: {  	s0 =	simm.s32 $0x80C0;
	v24 =	vld [tilespmem:s4+$0x10];
	[tilespmem:s9+$0x0] =	vst v27;
	v59 =	vand.u32 $0x7F, v25;
	v45 =	vand.u32 $0x7F, v58;
	v27 =	vand.u32 $0x80, v29  }
0x7f: {  	v33 =	vld [tilespmem:s4+$0xFFFFFFD0];
	[tilespmem:s0+$0xFFFFFFC0] =	vst v61;
	v29 =	vand.u32 $0x80, v34;
	v34 =	vshrl.u32 v61, $0x17;
	v31 =	vand.u32 $0x7F, v31  }
0x80: {  	[tilespmem:s9+$0xFFFFFFD0] =	vst v36;
	v22 =	vor.u32 v22, v23;
	v62 =	vor.u32 v29, v28;
	v29 =	vld [tilespmem:s4+$0x0];
	v26 =	vand.u32 $0x7F, v26;
	_, v50, vm1 =	vpop (xrf1)  }
0x81: {  	v51 =	vor.u32 v60, v31;
	v31 =	vand.u32 $0x7FFFFFFF, v37;
	v26 =	vor.u32 v27, v26;
	v27 =	vld [tilespmem:s4+$0x30];
	(xrf1) =	vunique.msk.u32 $0xffff, v34  }
0x82: {  	[tilespmem:s9+$0xFFFFFFF0] =	vst v42;
	v23 =	vshrl.u32 v37, $0x17;
	v28 =	vand.u32 $0x7F, v34;
	v40 =	vshrl.u32 v31, $0x17;
	v38 =	vld [tilespmem:s4+$0xFFFFFFF0]  }
0x83: {  	v36 =	vor.u32 v63, v45;
	v41 =	vor.u32 v41, v46;
	v37 =	vor.u32 v30, v59;
	(xrf1) =	vunique.msk.u32 $0xffff, v40  }
0x84: {  	[tilespmem:s0+$0x20] =	vst v31;
	v35 =	vand.u32 $0x7F, v44;
	v31 =	vshrl.u32 v48, $0x17;
	v32 =	vand.u32 $0x7FFFFFFF, v24;
	_, v34, vm0 =	vpop (xrf1)  }
0x85: {  	s29 =	sshllo.u32 s26, $0x1;
	v30 =	vshrl.u32 v33, $0x17;
	v25 =	vshrl.u32 v43, $0x17;
	v44 =	vand.u32 $0x7FFFFFFF, v48;
	[tilespmem:v62+s15+$0x0] =	vst.idx.add.s32.msk vm2, v49;
	_, v43, vm2 =	vpop (xrf1)  }
0x86: {  	s31 =	simm.s32 $0x8;
	s3 =	simm.s32 $0x80C0;
	s9 =	simm.s32 $0x140;
	v42 =	vand.u32 $0x7FFFFFFF, v29;
	v46 =	vand.u32 $0x7FFFFFFF, v27;
	v45 =	vshrl.u32 v44, $0x17;
	[tilespmem:v51+s15+$0x0] =	vst.idx.add.s32.msk vm1, v50;
	_, v39, vm1 =	vpop (xrf1)  }
.LBB2_3:
0x87: {  	v48 =	vld [tilespmem:s9+$0x20];
	s31 =	sadd.s32 $0x8, s31;
	v49 =	vand.u32 $0x7FFFFFFF, v33;
	v50 =	vand.u32 $0x7FFFFFFF, v38;
	[tilespmem:s0+$0x10] =	vst v32;
	v40 =	vand.u32 $0x7F, v40;
	v51 =	vmovc v38  }
0x88: {  	v38 =	vld [tilespmem:s9+$0x10];
	p1 =	slt.u32 s31, $0x1F8;
	v33 =	vshrl.u32 v49, $0x17;
	[tilespmem:s0+$0xFFFFFFE0] =	vst v44;
	v44 =	vand.u32 $0x7F, v45;
	(xrf1) =	vunique.msk.u32 $0xffff, v45;
	_, v45, vm4 =	vpop (xrf1)  }
0x89: {  	v32 =	vshrl.u32 v32, $0x17;
	v24 =	vshrl.u32 v24, $0x17;
	v52 =	vld [tilespmem:s9+$0xFFFFFFE0];
	[tilespmem:s0+$0x30] =	vst v46;
	(xrf1) =	vunique.msk.u32 $0xffff, v33;
	_, v53, vm5 =	vpop (xrf1)  }
0x8a: {  	v56 =	vand.u32 $0x7F, v32;
	v24 =	vand.u32 $0x80, v24;
	v55 =	vand.u32 $0x7F, v33;
	v54 =	vld [tilespmem:s9+$0xFFFFFFC0];
	(xrf1) =	vunique.msk.u32 $0xffff, v32  }
0x8b: {  	v58 =	vshrl.u32 v46, $0x17;
	v56 =	vor.u32 v24, v56;
	v32 =	vand.u32 $0x80, v47;
	v33 =	vld [tilespmem:s9+$0xFFFFFFD0];
	[tilespmem:s0+$0x0] =	vst v42;
	_, v46, vm3 =	vpop (xrf1)  }
0x8c: {  	v47 =	vand.u32 $0x7F, v58;
	v42 =	vshrl.u32 v42, $0x17;
	(xrf1) =	vunique.msk.u32 $0xffff, v58;
	[tilespmem:v41+s15+$0x0] =	vst.idx.add.s32.msk vm2, v43  }
0x8d: {  	s0 =	sadd.s32 $0x80, s0;
	v35 =	vor.u32 v32, v35;
	v41 =	vshrl.u32 v48, $0x17;
	v57 =	vand.u32 $0x7F, v42;
	v43 =	vld [tilespmem:s9+$0x30];
	(xrf1) =	vunique.msk.u32 $0xffff, v42;
	v24 =	vmovc v38  }
0x8e: {  	v31 =	vand.u32 $0x80, v31;
	v58 =	vshrl.u32 v29, $0x17;
	v42 =	vshrl.u32 v50, $0x17;
	[tilespmem:v37+s15+$0x0] =	vst.idx.add.s32.msk vm4, v45  }
0x8f: {  	v37 =	vand.u32 $0x80, v23;
	v29 =	vshrl.u32 v54, $0x17;
	_, v59, vm2 =	vpop (xrf1);
	(xrf1) =	vunique.msk.u32 $0xffff, v42;
	[tilespmem:v36+s15+$0x0] =	vst.idx.add.s32.msk vm5, v53  }
0x90: {  	v27 =	vshrl.u32 v27, $0x17;
	v32 =	vand.u32 $0x7FFFFFFF, v24;
	v23 =	vmovc v41;
	v36 =	vand.u32 $0x80, v25;
	[tilespmem:v26+s15+$0x0] =	vst.idx.add.s32.msk vm0, v34;
	v25 =	vmovc v29  }
0x91: {  	v29 =	vand.u32 $0x7FFFFFFF, v54;
	v26 =	vor.u32 v31, v44;
	v34 =	vand.u32 $0x80, v27;
	_, v53, vm4 =	vpop (xrf1);
	[tilespmem:v22+s15+$0x0] =	vst.idx.add.s32.msk vm1, v39  }
0x92: {  	v54 =	vor.u32 v37, v40;
	v38 =	vshrl.u32 v29, $0x17;
	v39 =	vor.u32 v36, v28;
	v22 =	vmovc v56;
	[tilespmem:s0+$0xFFFFFFC0] =	vst v29;
	v29 =	vld [tilespmem:s9+$0x0]  }
0x93: {  	v31 =	vand.u32 $0x7FFFFFFF, v48;
	v28 =	vand.u32 $0x7F, v38;
	v27 =	vmovc v43;
	(xrf1) =	vunique.msk.u32 $0xffff, v38;
	[tilespmem:v35+s15+$0x0] =	vst.idx.add.s32.msk vm3, v46  }
.Ltmp0:
0x94: {  	v40 =	vshrl.u32 v31, $0x17;
	v36 =	vand.u32 $0x80, v58;
	v35 =	vand.u32 $0x7F, v42;
	v38 =	vld [tilespmem:s9+$0xFFFFFFF0];
	[tilespmem:s0+$0x20] =	vst v31;
	(pc) =	sbr.rel @p1 .LBB2_3-.Ltmp0, $4  }
0x95: {  	v37 =	vor.u32 v34, v47;
	v31 =	vshrl.u32 v52, $0x17;
	(xrf1) =	vunique.msk.u32 $0xffff, v40;
	[tilespmem:s3+$0xFFFFFFD0] =	vst v49  }
0x96: {  	v41 =	vand.u32 $0x80, v30;
	v44 =	vand.u32 $0x7FFFFFFF, v52;
	v36 =	vor.u32 v36, v57;
	[tilespmem:s3+$0xFFFFFFF0] =	vst v50;
	_, v34, vm0 =	vpop (xrf1);
	s3 =	smov.u32 s0  }
0x97: {  	v41 =	vor.u32 v41, v55;
	v30 =	vshrl.u32 v33, $0x17;
	v45 =	vshrl.u32 v44, $0x17;
	[tilespmem:v39+s15+$0x0] =	vst.idx.add.s32.msk vm2, v59;
	_, v43, vm2 =	vpop (xrf1)  }
0x98: {  	v47 =	vshrl.u32 v51, $0x17;
	v46 =	vand.u32 $0x7FFFFFFF, v27;
	s9 =	sadd.s32 $0x80, s9;
	v42 =	vand.u32 $0x7FFFFFFF, v29;
	[tilespmem:v54+s15+$0x0] =	vst.idx.add.s32.msk vm4, v53;
	_, v39, vm1 =	vpop (xrf1)  }
0x99: {  	v33 =	vand.u32 $0x7FFFFFFF, v33  }
0x9a: {  	(xrf1) =	vunique.msk.u32 $0xffff, v45;
	v48 =	vshrl.u32 v33, $0x17  }
0x9b: {  	v49 =	vshrl.u32 v32, $0x17;
	(xrf1) =	vunique.msk.u32 $0xffff, v48  }
0x9c: {  	v50 =	vshrl.u32 v46, $0x17;
	(xrf1) =	vunique.msk.u32 $0xffff, v49  }
0x9d: {  	v51 =	vshrl.u32 v42, $0x17;
	v52 =	vand.u32 $0x7FFFFFFF, v38;
	(xrf1) =	vunique.msk.u32 $0xffff, v50  }
0x9e: {  	v53 =	vshrl.u32 v52, $0x17;
	(xrf1) =	vunique.msk.u32 $0xffff, v51  }
0x9f: {  	_, v54, vm3 =	vpop (xrf1);
	(xrf1) =	vunique.msk.u32 $0xffff, v53  }
0xa0: {  	[tilespmem:v41+s15+$0x0] =	vst.idx.add.s32.msk vm2, v43  }
0xa1: {  	[tilespmem:s0+$0x10] =	vst v32  }
0xa2: {  	[tilespmem:s0+$0xFFFFFFE0] =	vst v44  }
0xa3: {  	[tilespmem:s0+$0x30] =	vst v46  }
0xa4: {  	v62 =	vand.u32 $0x80, v47;
	[tilespmem:s0+$0x0] =	vst v42;
	_, v55, vm4 =	vpop (xrf1)  }
0xa5: {  	v25 =	vand.u32 $0x80, v25;
	v46 =	vand.u32 $0x7F, v45;
	v24 =	vshrl.u32 v24, $0x17;
	[tilespmem:v26+s15+$0x0] =	vst.idx.add.s32.msk vm0, v34;
	_, v61, vm5 =	vpop (xrf1)  }
0xa6: {  	[tilespmem:v22+s15+$0x0] =	vst.idx.add.s32.msk vm1, v39;
	v35 =	vor.u32 v62, v35;
	v25 =	vor.u32 v25, v28;
	v28 =	vand.u32 $0x7F, v40;
	_, v63, vm6 =	vpop (xrf1)  }
0xa7: {  	v23 =	vand.u32 $0x80, v23;
	v27 =	vshrl.u32 v27, $0x17;
	v29 =	vshrl.u32 v29, $0x17;
	[tilespmem:v37+s15+$0x0] =	vst.idx.add.s32.msk vm3, v54;
	_, v37, vm3 =	vpop (xrf1)  }
0xa8: {  	v31 =	vand.u32 $0x80, v31;
	v56 =	vshrl.u32 v38, $0x17;
	[tilespmem:s3+$0xFFFFFFD0] =	vst v33;
	v22 =	vor.u32 v23, v28;
	_, v47, vm14 =	vpop (xrf1)  }
0xa9: {  	v31 =	vor.u32 v31, v46;
	[tilespmem:s3+$0xFFFFFFF0] =	vst v52;
	v48 =	vand.u32 $0x7F, v48;
	v23 =	vand.u32 $0x80, v30;
	_, v26, vm0 =	vpop (xrf1)  }
0xaa: {  	v24 =	vand.u32 $0x80, v24;
	v23 =	vor.u32 v23, v48;
	[tilespmem:v36+s15+$0x0] =	vst.idx.add.s32.msk vm4, v55;
	v55 =	vand.u32 $0x7F, v49;
	_, v28, vm15 =	vpop (xrf1)  }
0xab: {  	v27 =	vand.u32 $0x80, v27;
	v50 =	vand.u32 $0x7F, v50;
	v24 =	vor.u32 v24, v55;
	[tilespmem:v35+s15+$0x0] =	vst.idx.add.s32.msk vm5, v61;
	_, v30, vm8 =	vpop (xrf1)  }
0xac: {  	v29 =	vand.u32 $0x80, v29;
	v27 =	vor.u32 v27, v50;
	v54 =	vand.u32 $0x7F, v51;
	[tilespmem:v25+s15+$0x0] =	vst.idx.add.s32.msk vm6, v63;
	_, v25, vm9 =	vpop (xrf1)  }
0xad: {  	v57 =	vand.u32 $0x7F, v53;
	v29 =	vor.u32 v29, v54;
	[tilespmem:v22+s15+$0x0] =	vst.idx.add.s32.msk vm3, v37;
	v22 =	vand.u32 $0x80, v56;
	_, v58, vm10 =	vpop (xrf1)  }
0xae: {  	v22 =	vor.u32 v22, v57;
	[tilespmem:v31+s15+$0x0] =	vst.idx.add.s32.msk vm14, v47  }
0xaf: {  	[tilespmem:v23+s15+$0x0] =	vst.idx.add.s32.msk vm0, v26  }
0xb0: {  	[tilespmem:v24+s15+$0x0] =	vst.idx.add.s32.msk vm15, v28  }
0xb1: {  	[tilespmem:v27+s15+$0x0] =	vst.idx.add.s32.msk vm8, v30  }
0xb2: {  	[tilespmem:v29+s15+$0x0] =	vst.idx.add.s32.msk vm9, v25  }
0xb3: {  	[tilespmem:v22+s15+$0x0] =	vst.idx.add.s32.msk vm10, v58  }
0xb4: {  	v22 =	vld.idx.msk [tilespmem:v0+s15+$0x0], $0xffff  }
0xb5: {  	v23 =	vld.idx.msk [tilespmem:v2+s15+$0x0], $0xffff  }
0xb6: {  	v24 =	vld.idx.msk [tilespmem:v3+s15+$0x0], $0xffff  }
0xb7: {  	v25 =	vld.idx.msk [tilespmem:v4+s15+$0x0], $0xffff  }
0xb8: {  	v26 =	vld.idx.msk [tilespmem:v5+s15+$0x0], $0xffff  }
0xb9: {  	v27 =	vld.idx.msk [tilespmem:v6+s15+$0x0], $0xffff  }
0xba: {  	v22 =	vadd.s32 v22, v23;
	v23 =	vld.idx.msk [tilespmem:v7+s15+$0x0], $0xffff  }
0xbb: {  	v22 =	vadd.s32 v24, v22;
	v24 =	vld.idx.msk [tilespmem:v8+s15+$0x0], $0xffff  }
0xbc: {  	v22 =	vadd.s32 v25, v22;
	v25 =	vld.idx.msk [tilespmem:v9+s15+$0x0], $0xffff  }
0xbd: {  	v22 =	vadd.s32 v26, v22;
	v26 =	vld.idx.msk [tilespmem:v10+s15+$0x0], $0xffff  }
0xbe: {  	v22 =	vadd.s32 v27, v22;
	v27 =	vld.idx.msk [tilespmem:v11+s15+$0x0], $0xffff  }
0xbf: {  	v22 =	vadd.s32 v23, v22;
	v23 =	vld.idx.msk [tilespmem:v12+s15+$0x0], $0xffff  }
0xc0: {  	v22 =	vadd.s32 v24, v22;
	v24 =	vld.idx.msk [tilespmem:v13+s15+$0x0], $0xffff  }
0xc1: {  	v22 =	vadd.s32 v25, v22;
	v25 =	vld.idx.msk [tilespmem:v14+s15+$0x0], $0xffff  }
0xc2: {  	v22 =	vadd.s32 v26, v22;
	v26 =	vld.idx.msk [tilespmem:v15+s15+$0x0], $0xffff  }
0xc3: {  	v22 =	vadd.s32 v27, v22;
	v27 =	vld.idx.msk [tilespmem:v16+s15+$0x0], $0xffff  }
0xc4: {  	v22 =	vadd.s32 v23, v22  }
0xc5: {  	v22 =	vadd.s32 v24, v22  }
0xc6: {  	v22 =	vadd.s32 v25, v22  }
0xc7: {  	v22 =	vadd.s32 v26, v22  }
0xc8: {  	v22 =	vadd.s32 v27, v22  }
0xc9: {  	v23 =	vperm.xlane v22, v17;
	_ =	sdelay $0x1  }
0xca: {  	(xrf0) =	vadd.scan.msk.s32 $0xffff, v23;
	_ =	sdelay $0x5  }
0xcb: {  	v23, _, _ =	vpop (xrf0)  }
0xcc: {  	v23 =	vperm.xlane v23, v17;
	_ =	sdelay $0x1  }
0xcd: {  	v22 =	vsub.s32 v23, v22  }
0xce: {  	vm12 =	vge.s32 v23, v21;
	vm11 =	vlt.s32 v22, v21;
	v22 =	vshll.u32 v22, $0x4  }
0xcf: {  	vm0 =	vmand vm12, vm11;
	v22 =	vxor.u32 v18, v22  }
0xd0: {  	v22 =	vnsel vm0, $0x7FFFFFFF, v22  }
0xd1: {  	(xrf0) =	vmax.scan.msk.u32 $0xffff, v22;
	_ =	sdelay $0x5  }
0xd2: {  	v22, _, _ =	vpop (xrf0)  }
0xd3: {  	(v2sf) =	vpush v22, $0xF;
	_ =	sdelay $0xe  }
0xd4: {  	s6 =	spop (v2sf)  }
0xd5: {  	s9 =	sshll.u32 s6, $0x4  }
0xd6: {  	s4 =	sand.u32 $0xF0, s9  }
0xd7: {  	v22 =	vld [tilespmem:s4+$0xA080];
	_ =	sdelay $0x4  }
0xd8: {  	v23 =	vperm.xlane v22, v17;
	_ =	sdelay $0x1  }
0xd9: {  	(xrf0) =	vadd.scan.msk.s32 $0xffff, v23;
	_ =	sdelay $0x5  }
0xda: {  	v23, _, _ =	vpop (xrf0)  }
0xdb: {  	s0 =	sshra.s32 s6, $0x4;
	v23 =	vperm.xlane v23, v17  }
0xdc: {  	s0 =	sxor.u32 $0xF8000000, s0  }
0xdd: {  	s0 =	ssub.s32 s25, s0;
	v22 =	vsub.s32 v23, v22  }
0xde: {  	vm14 =	vge.s32 v23, s0;
	vm13 =	vlt.s32 v22, s0;
	v22 =	vshll.u32 v22, $0x4  }
0xdf: {  	vm0 =	vmand vm13, vm14;
	v22 =	vxor.u32 v18, v22  }
0xe0: {  	v22 =	vnsel vm0, $0x7FFFFFFF, v22  }
0xe1: {  	(xrf0) =	vmax.scan.msk.u32 $0xffff, v22;
	_ =	sdelay $0x5  }
0xe2: {  	v22, _, _ =	vpop (xrf0)  }
0xe3: {  	(v2sf) =	vpush v22, $0xF;
	_ =	sdelay $0x6  }
0xe4: {  	s9 =	simm.s32 $0x8040  }
0xe5: {  	v24 =	vld [tilespmem:s9+$0xFFFFFFD0]  }
0xe6: {  	v25 =	vld [tilespmem:s9+$0xFFFFFFE0]  }
0xe7: {  	v26 =	vld [tilespmem:s9+$0xFFFFFFF0]  }
0xe8: {  	v30 =	vld [tilespmem:s9+$0x0]  }
0xe9: {  	v32 =	vld [tilespmem:s9+$0x10]  }
0xea: {  	v60 =	vld [tilespmem:s9+$0x20]  }
0xeb: {  	v23 =	vld [tilespmem:s9+$0x30]  }
0xec: {  	v36 =	vld [tilespmem:s9+$0xFFFFFFC0];
	s3 =	spop (v2sf)  }
0xed: {  	s31 =	sand.u32 $0xF, s3  }
0xee: {  	v59 =	vshra.s32 v24, $0xF;
	s4 =	sor.u32 s4, s31  }
0xef: {  	v61 =	vshra.s32 v25, $0xF;
	v29 =	vshra.s32 v26, $0xF;
	v31 =	vshra.s32 v30, $0xF;
	s31 =	sshll.u32 s4, $0x8  }
0xf0: {  	v33 =	vshra.s32 v32, $0xF;
	v23 =	vshra.s32 v23, $0xF;
	v22 =	vmov s31  }
0xf1: {  	v32 =	vshra.s32 v60, $0xF;
	v63 =	vshra.s32 v36, $0xF;
	v24 =	vsub.s32 v23, v22  }
0xf2: {  	v23 =	vand.u32 $0x7F, v23;
	vm15 =	vlt.u32 v24, $0x100;
	v24 =	vand.u32 $0xFFFFFF80, v24  }
0xf3: {  	v43 =	vand.u32 $0x7F, v63;
	v42 =	vand.u32 $0x7F, v59;
	v62 =	vor.u32 v23, v24  }
0xf4: {  	v41 =	vand.u32 $0x7F, v61;
	v28 =	vsub.s32 v59, v22;
	v27 =	vsub.s32 v61, v22  }
0xf5: {  	v25 =	vsub.s32 v29, v22;
	v26 =	vsub.s32 v32, v22;
	v39 =	vsub.s32 v63, v22  }
0xf6: {  	v35 =	vand.u32 $0xFFFFFF80, v28;
	v37 =	vand.u32 $0xFFFFFF80, v27;
	v38 =	vand.u32 $0xFFFFFF80, v25  }
0xf7: {  	v40 =	vand.u32 $0xFFFFFF80, v39;
	v23 =	vsub.s32 v31, v22;
	v24 =	vsub.s32 v33, v22  }
0xf8: {  	s9 =	simm.s32 $0x0;
	s4 =	simm.s32 $0x80C0;
	v30 =	vand.u32 $0xFFFFFF80, v26;
	v36 =	vand.u32 $0xFFFFFF80, v23;
	v34 =	vand.u32 $0xFFFFFF80, v24;
	[tilespmem:v62+s16+$0x0] =	vst.idx.add.s32.msk vm15, v19  }
.LBB2_5:
0xf9: {  	v44 =	vld [tilespmem:s4+$0x30];
	s9 =	sadd.s32 $0x8, s9;
	v29 =	vand.u32 $0x7F, v29;
	v31 =	vand.u32 $0x7F, v31;
	v33 =	vand.u32 $0x7F, v33  }
0xfa: {  	vm5 =	vlt.u32 v39, $0x100;
	v39 =	vor.u32 v43, v40;
	v32 =	vand.u32 $0x7F, v32;
	v45 =	vld [tilespmem:s4+$0xFFFFFFD0];
	p1 =	slt.u32 s9, $0x1F8  }
0xfb: {  	vm6 =	vlt.u32 v28, $0x100;
	v35 =	vor.u32 v42, v35;
	vm4 =	vlt.u32 v27, $0x100;
	v40 =	vld [tilespmem:s4+$0xFFFFFFE0]  }
0xfc: {  	v37 =	vor.u32 v41, v37;
	vm3 =	vlt.u32 v25, $0x100;
	v38 =	vor.u32 v29, v38;
	v27 =	vld [tilespmem:s4+$0xFFFFFFF0]  }
0xfd: {  	vm2 =	vlt.u32 v23, $0x100;
	vm1 =	vlt.u32 v24, $0x100;
	v36 =	vor.u32 v31, v36;
	v25 =	vld [tilespmem:s4+$0x0]  }
0xfe: {  	vm0 =	vlt.u32 v26, $0x100;
	v41 =	vor.u32 v33, v34;
	v24 =	vld [tilespmem:s4+$0x10];
	v23 =	vshra.s32 v44, $0xF  }
0xff: {  	v44 =	vor.u32 v32, v30;
	v42 =	vshra.s32 v45, $0xF;
	v26 =	vld [tilespmem:s4+$0x20];
	v28 =	vsub.s32 v23, v22  }
0x100: {  	v23 =	vand.u32 $0x7F, v23;
	v30 =	vld [tilespmem:s4+$0xFFFFFFC0];
	vm7 =	vlt.u32 v28, $0x100;
	v28 =	vand.u32 $0xFFFFFF80, v28  }
0x101: {  	v45 =	vshra.s32 v40, $0xF;
	v29 =	vshra.s32 v27, $0xF;
	v34 =	vor.u32 v23, v28;
	[tilespmem:v39+s16+$0x0] =	vst.idx.add.s32.msk vm5, v19  }
0x102: {  	v28 =	vsub.s32 v42, v22;
	v27 =	vsub.s32 v45, v22;
	v31 =	vshra.s32 v25, $0xF;
	[tilespmem:v35+s16+$0x0] =	vst.idx.add.s32.msk vm6, v19  }
0x103: {  	v25 =	vsub.s32 v29, v22;
	v23 =	vsub.s32 v31, v22;
	v33 =	vshra.s32 v24, $0xF;
	[tilespmem:v37+s16+$0x0] =	vst.idx.add.s32.msk vm4, v19  }
.Ltmp1:
0x104: {  	v35 =	vand.u32 $0xFFFFFF80, v28;
	v24 =	vsub.s32 v33, v22;
	v32 =	vshra.s32 v26, $0xF;
	[tilespmem:v38+s16+$0x0] =	vst.idx.add.s32.msk vm3, v19;
	(pc) =	sbr.rel @p1 .LBB2_5-.Ltmp1, $4  }
0x105: {  	v37 =	vand.u32 $0xFFFFFF80, v27;
	v43 =	vshra.s32 v30, $0xF;
	v26 =	vsub.s32 v32, v22;
	[tilespmem:v36+s16+$0x0] =	vst.idx.add.s32.msk vm2, v19  }
0x106: {  	v38 =	vand.u32 $0xFFFFFF80, v25;
	v36 =	vand.u32 $0xFFFFFF80, v23;
	v39 =	vsub.s32 v43, v22;
	[tilespmem:v34+s16+$0x0] =	vst.idx.add.s32.msk vm7, v19  }
0x107: {  	v34 =	vand.u32 $0xFFFFFF80, v24;
	v30 =	vand.u32 $0xFFFFFF80, v26;
	v40 =	vand.u32 $0xFFFFFF80, v39;
	[tilespmem:v41+s16+$0x0] =	vst.idx.add.s32.msk vm1, v19  }
0x108: {  	s4 =	sadd.s32 $0x80, s4;
	v42 =	vand.u32 $0x7F, v42;
	v43 =	vand.u32 $0x7F, v43;
	v41 =	vand.u32 $0x7F, v45;
	[tilespmem:v44+s16+$0x0] =	vst.idx.add.s32.msk vm0, v19  }
0x109: {  	vm0 =	vlt.u32 v39, $0x100  }
0x10a: {  	v22 =	vor.u32 v43, v40;
	vm1 =	vlt.u32 v28, $0x100  }
0x10b: {  	v28 =	vor.u32 v42, v35;
	vm2 =	vlt.u32 v27, $0x100  }
0x10c: {  	v27 =	vand.u32 $0x7F, v29;
	v29 =	vor.u32 v41, v37;
	vm3 =	vlt.u32 v25, $0x100  }
0x10d: {  	v25 =	vand.u32 $0x7F, v31;
	vm4 =	vlt.u32 v23, $0x100;
	v27 =	vor.u32 v27, v38  }
0x10e: {  	v23 =	vand.u32 $0x7F, v33;
	vm5 =	vlt.u32 v24, $0x100;
	v25 =	vor.u32 v25, v36  }
0x10f: {  	v24 =	vand.u32 $0x7F, v32;
	vm6 =	vlt.u32 v26, $0x100;
	v23 =	vor.u32 v23, v34;
	[tilespmem:v22+s16+$0x0] =	vst.idx.add.s32.msk vm0, v19  }
0x110: {  	v22 =	vor.u32 v24, v30;
	[tilespmem:v28+s16+$0x0] =	vst.idx.add.s32.msk vm1, v19  }
0x111: {  	[tilespmem:v29+s16+$0x0] =	vst.idx.add.s32.msk vm2, v19  }
0x112: {  	[tilespmem:v27+s16+$0x0] =	vst.idx.add.s32.msk vm3, v19  }
0x113: {  	[tilespmem:v25+s16+$0x0] =	vst.idx.add.s32.msk vm4, v19  }
0x114: {  	[tilespmem:v23+s16+$0x0] =	vst.idx.add.s32.msk vm5, v19  }
0x115: {  	[tilespmem:v22+s16+$0x0] =	vst.idx.add.s32.msk vm6, v19  }
0x116: {  	v22 =	vld.idx.msk [tilespmem:v0+s16+$0x0], $0xffff  }
0x117: {  	v23 =	vld.idx.msk [tilespmem:v2+s16+$0x0], $0xffff  }
0x118: {  	v24 =	vld.idx.msk [tilespmem:v3+s16+$0x0], $0xffff  }
0x119: {  	v25 =	vld.idx.msk [tilespmem:v4+s16+$0x0], $0xffff  }
0x11a: {  	v26 =	vld.idx.msk [tilespmem:v5+s16+$0x0], $0xffff  }
0x11b: {  	v27 =	vld.idx.msk [tilespmem:v6+s16+$0x0], $0xffff  }
0x11c: {  	v22 =	vadd.s32 v22, v23;
	v23 =	vld.idx.msk [tilespmem:v7+s16+$0x0], $0xffff  }
0x11d: {  	v22 =	vadd.s32 v24, v22;
	v24 =	vld.idx.msk [tilespmem:v8+s16+$0x0], $0xffff  }
0x11e: {  	v22 =	vadd.s32 v25, v22;
	v25 =	vld.idx.msk [tilespmem:v9+s16+$0x0], $0xffff  }
0x11f: {  	v22 =	vadd.s32 v26, v22;
	v26 =	vld.idx.msk [tilespmem:v10+s16+$0x0], $0xffff  }
0x120: {  	v22 =	vadd.s32 v27, v22;
	v27 =	vld.idx.msk [tilespmem:v11+s16+$0x0], $0xffff  }
0x121: {  	v22 =	vadd.s32 v23, v22;
	v23 =	vld.idx.msk [tilespmem:v12+s16+$0x0], $0xffff  }
0x122: {  	v22 =	vadd.s32 v24, v22;
	v24 =	vld.idx.msk [tilespmem:v13+s16+$0x0], $0xffff  }
0x123: {  	v22 =	vadd.s32 v25, v22;
	v25 =	vld.idx.msk [tilespmem:v14+s16+$0x0], $0xffff  }
0x124: {  	v22 =	vadd.s32 v26, v22;
	v26 =	vld.idx.msk [tilespmem:v15+s16+$0x0], $0xffff  }
0x125: {  	v22 =	vadd.s32 v27, v22;
	v27 =	vld.idx.msk [tilespmem:v16+s16+$0x0], $0xffff  }
0x126: {  	v22 =	vadd.s32 v23, v22  }
0x127: {  	v22 =	vadd.s32 v24, v22  }
0x128: {  	v22 =	vadd.s32 v25, v22  }
0x129: {  	v22 =	vadd.s32 v26, v22  }
0x12a: {  	v22 =	vadd.s32 v27, v22  }
0x12b: {  	v23 =	vperm.xlane v22, v17;
	_ =	sdelay $0x1  }
0x12c: {  	(xrf0) =	vadd.scan.msk.s32 $0xffff, v23;
	_ =	sdelay $0x5  }
0x12d: {  	v23, _, _ =	vpop (xrf0)  }
0x12e: {  	s3 =	sshra.s32 s3, $0x4;
	v23 =	vperm.xlane v23, v17  }
0x12f: {  	s3 =	sxor.u32 $0xF8000000, s3  }
0x130: {  	s0 =	ssub.s32 s0, s3;
	v22 =	vsub.s32 v23, v22  }
0x131: {  	vm12 =	vge.s32 v23, s0;
	vm11 =	vlt.s32 v22, s0;
	v22 =	vshll.u32 v22, $0x4  }
0x132: {  	vm0 =	vmand vm12, vm11;
	v22 =	vxor.u32 v18, v22  }
0x133: {  	v22 =	vnsel vm0, $0x7FFFFFFF, v22  }
0x134: {  	(xrf0) =	vmax.scan.msk.u32 $0xffff, v22;
	_ =	sdelay $0x5  }
0x135: {  	v22, _, _ =	vpop (xrf0)  }
0x136: {  	(v2sf) =	vpush v22, $0xF;
	_ =	sdelay $0xe  }
0x137: {  	s9 =	spop (v2sf)  }
0x138: {  	s4 =	sshll.u32 s9, $0x4  }
0x139: {  	s4 =	sand.u32 $0xF0, s4  }
0x13a: {  	v22 =	vld [tilespmem:s4+$0xA180];
	_ =	sdelay $0x4  }
0x13b: {  	v23 =	vperm.xlane v22, v17;
	_ =	sdelay $0x1  }
0x13c: {  	(xrf0) =	vadd.scan.msk.s32 $0xffff, v23;
	_ =	sdelay $0x5  }
0x13d: {  	v23, _, _ =	vpop (xrf0)  }
0x13e: {  	s3 =	sshra.s32 s9, $0x4;
	v23 =	vperm.xlane v23, v17  }
0x13f: {  	s3 =	sxor.u32 $0xF8000000, s3  }
0x140: {  	s0 =	ssub.s32 s0, s3;
	v22 =	vsub.s32 v23, v22  }
0x141: {  	vm14 =	vge.s32 v23, s0;
	vm13 =	vlt.s32 v22, s0;
	v22 =	vshll.u32 v22, $0x4  }
0x142: {  	vm0 =	vmand vm13, vm14;
	v22 =	vxor.u32 v18, v22  }
0x143: {  	v22 =	vnsel vm0, $0x7FFFFFFF, v22  }
0x144: {  	(xrf0) =	vmax.scan.msk.u32 $0xffff, v22;
	_ =	sdelay $0x5  }
0x145: {  	v22, _, _ =	vpop (xrf0)  }
0x146: {  	(v2sf) =	vpush v22, $0xF;
	_ =	sdelay $0x7  }
0x147: {  	s9 =	simm.s32 $0x8040  }
0x148: {  	v24 =	vld [tilespmem:s9+$0xFFFFFFD0]  }
0x149: {  	v25 =	vld [tilespmem:s9+$0xFFFFFFE0]  }
0x14a: {  	v26 =	vld [tilespmem:s9+$0xFFFFFFF0]  }
0x14b: {  	v30 =	vld [tilespmem:s9+$0x0]  }
0x14c: {  	v58 =	vld [tilespmem:s9+$0x10]  }
0x14d: {  	v60 =	vld [tilespmem:s9+$0x20]  }
0x14e: {  	v23 =	vld [tilespmem:s9+$0x30];
	s3 =	spop (v2sf)  }
0x14f: {  	v61 =	vld [tilespmem:s9+$0xFFFFFFC0];
	s6 =	sand.u32 $0xF, s3  }
0x150: {  	s6 =	sor.u32 s31, s6  }
0x151: {  	v59 =	vshra.s32 v24, $0x7;
	s4 =	sor.u32 s4, s6  }
0x152: {  	v44 =	vshra.s32 v25, $0x7;
	v29 =	vshra.s32 v26, $0x7;
	v31 =	vshra.s32 v30, $0x7;
	s31 =	sshll.u32 s4, $0x8  }
0x153: {  	v33 =	vshra.s32 v58, $0x7;
	v23 =	vshra.s32 v23, $0x7;
	v22 =	vmov s31  }
0x154: {  	v32 =	vshra.s32 v60, $0x7;
	v63 =	vshra.s32 v61, $0x7;
	v24 =	vsub.s32 v23, v22  }
0x155: {  	v23 =	vand.u32 $0x7F, v23;
	vm15 =	vlt.u32 v24, $0x100;
	v24 =	vand.u32 $0xFFFFFF80, v24  }
0x156: {  	v43 =	vand.u32 $0x7F, v63;
	v42 =	vand.u32 $0x7F, v59;
	v62 =	vor.u32 v23, v24  }
0x157: {  	v41 =	vand.u32 $0x7F, v44;
	v28 =	vsub.s32 v59, v22;
	v27 =	vsub.s32 v44, v22  }
0x158: {  	v25 =	vsub.s32 v29, v22;
	v26 =	vsub.s32 v32, v22;
	v39 =	vsub.s32 v63, v22  }
0x159: {  	v35 =	vand.u32 $0xFFFFFF80, v28;
	v37 =	vand.u32 $0xFFFFFF80, v27;
	v38 =	vand.u32 $0xFFFFFF80, v25  }
0x15a: {  	v40 =	vand.u32 $0xFFFFFF80, v39;
	v23 =	vsub.s32 v31, v22;
	v24 =	vsub.s32 v33, v22  }
0x15b: {  	s9 =	simm.s32 $0x0;
	s4 =	simm.s32 $0x80C0;
	v30 =	vand.u32 $0xFFFFFF80, v26;
	v36 =	vand.u32 $0xFFFFFF80, v23;
	v34 =	vand.u32 $0xFFFFFF80, v24;
	[tilespmem:v62+s17+$0x0] =	vst.idx.add.s32.msk vm15, v19  }
.LBB2_7:
0x15c: {  	v44 =	vld [tilespmem:s4+$0x30];
	s9 =	sadd.s32 $0x8, s9;
	v29 =	vand.u32 $0x7F, v29;
	v31 =	vand.u32 $0x7F, v31;
	v33 =	vand.u32 $0x7F, v33  }
0x15d: {  	vm5 =	vlt.u32 v39, $0x100;
	v39 =	vor.u32 v43, v40;
	v32 =	vand.u32 $0x7F, v32;
	v45 =	vld [tilespmem:s4+$0xFFFFFFD0];
	p1 =	slt.u32 s9, $0x1F8  }
0x15e: {  	vm6 =	vlt.u32 v28, $0x100;
	v35 =	vor.u32 v42, v35;
	vm4 =	vlt.u32 v27, $0x100;
	v40 =	vld [tilespmem:s4+$0xFFFFFFE0]  }
0x15f: {  	v37 =	vor.u32 v41, v37;
	vm3 =	vlt.u32 v25, $0x100;
	v38 =	vor.u32 v29, v38;
	v27 =	vld [tilespmem:s4+$0xFFFFFFF0]  }
0x160: {  	vm2 =	vlt.u32 v23, $0x100;
	vm1 =	vlt.u32 v24, $0x100;
	v36 =	vor.u32 v31, v36;
	v25 =	vld [tilespmem:s4+$0x0]  }
0x161: {  	vm0 =	vlt.u32 v26, $0x100;
	v41 =	vor.u32 v33, v34;
	v24 =	vld [tilespmem:s4+$0x10];
	v23 =	vshra.s32 v44, $0x7  }
0x162: {  	v44 =	vor.u32 v32, v30;
	v42 =	vshra.s32 v45, $0x7;
	v26 =	vld [tilespmem:s4+$0x20];
	v28 =	vsub.s32 v23, v22  }
0x163: {  	v23 =	vand.u32 $0x7F, v23;
	v30 =	vld [tilespmem:s4+$0xFFFFFFC0];
	vm7 =	vlt.u32 v28, $0x100;
	v28 =	vand.u32 $0xFFFFFF80, v28  }
0x164: {  	v45 =	vshra.s32 v40, $0x7;
	v29 =	vshra.s32 v27, $0x7;
	v34 =	vor.u32 v23, v28;
	[tilespmem:v39+s17+$0x0] =	vst.idx.add.s32.msk vm5, v19  }
0x165: {  	v28 =	vsub.s32 v42, v22;
	v27 =	vsub.s32 v45, v22;
	v31 =	vshra.s32 v25, $0x7;
	[tilespmem:v35+s17+$0x0] =	vst.idx.add.s32.msk vm6, v19  }
0x166: {  	v25 =	vsub.s32 v29, v22;
	v23 =	vsub.s32 v31, v22;
	v33 =	vshra.s32 v24, $0x7;
	[tilespmem:v37+s17+$0x0] =	vst.idx.add.s32.msk vm4, v19  }
.Ltmp2:
0x167: {  	v35 =	vand.u32 $0xFFFFFF80, v28;
	v24 =	vsub.s32 v33, v22;
	v32 =	vshra.s32 v26, $0x7;
	[tilespmem:v38+s17+$0x0] =	vst.idx.add.s32.msk vm3, v19;
	(pc) =	sbr.rel @p1 .LBB2_7-.Ltmp2, $4  }
0x168: {  	v37 =	vand.u32 $0xFFFFFF80, v27;
	v43 =	vshra.s32 v30, $0x7;
	v26 =	vsub.s32 v32, v22;
	[tilespmem:v36+s17+$0x0] =	vst.idx.add.s32.msk vm2, v19  }
0x169: {  	v38 =	vand.u32 $0xFFFFFF80, v25;
	v36 =	vand.u32 $0xFFFFFF80, v23;
	v39 =	vsub.s32 v43, v22;
	[tilespmem:v34+s17+$0x0] =	vst.idx.add.s32.msk vm7, v19  }
0x16a: {  	v34 =	vand.u32 $0xFFFFFF80, v24;
	v30 =	vand.u32 $0xFFFFFF80, v26;
	v40 =	vand.u32 $0xFFFFFF80, v39;
	[tilespmem:v41+s17+$0x0] =	vst.idx.add.s32.msk vm1, v19  }
0x16b: {  	s4 =	sadd.s32 $0x80, s4;
	v42 =	vand.u32 $0x7F, v42;
	v43 =	vand.u32 $0x7F, v43;
	v41 =	vand.u32 $0x7F, v45;
	[tilespmem:v44+s17+$0x0] =	vst.idx.add.s32.msk vm0, v19  }
0x16c: {  	vm0 =	vlt.u32 v39, $0x100  }
0x16d: {  	v22 =	vor.u32 v43, v40;
	vm1 =	vlt.u32 v28, $0x100  }
0x16e: {  	v28 =	vor.u32 v42, v35;
	vm2 =	vlt.u32 v27, $0x100  }
0x16f: {  	v27 =	vand.u32 $0x7F, v29;
	v29 =	vor.u32 v41, v37;
	vm3 =	vlt.u32 v25, $0x100  }
0x170: {  	v25 =	vand.u32 $0x7F, v31;
	vm4 =	vlt.u32 v23, $0x100;
	v27 =	vor.u32 v27, v38  }
0x171: {  	v23 =	vand.u32 $0x7F, v33;
	vm5 =	vlt.u32 v24, $0x100;
	v25 =	vor.u32 v25, v36  }
0x172: {  	v24 =	vand.u32 $0x7F, v32;
	vm6 =	vlt.u32 v26, $0x100;
	v23 =	vor.u32 v23, v34;
	[tilespmem:v22+s17+$0x0] =	vst.idx.add.s32.msk vm0, v19  }
0x173: {  	v22 =	vor.u32 v24, v30;
	[tilespmem:v28+s17+$0x0] =	vst.idx.add.s32.msk vm1, v19  }
0x174: {  	[tilespmem:v29+s17+$0x0] =	vst.idx.add.s32.msk vm2, v19  }
0x175: {  	[tilespmem:v27+s17+$0x0] =	vst.idx.add.s32.msk vm3, v19  }
0x176: {  	[tilespmem:v25+s17+$0x0] =	vst.idx.add.s32.msk vm4, v19  }
0x177: {  	[tilespmem:v23+s17+$0x0] =	vst.idx.add.s32.msk vm5, v19  }
0x178: {  	[tilespmem:v22+s17+$0x0] =	vst.idx.add.s32.msk vm6, v19  }
0x179: {  	v22 =	vld.idx.msk [tilespmem:v0+s17+$0x0], $0xffff  }
0x17a: {  	v23 =	vld.idx.msk [tilespmem:v2+s17+$0x0], $0xffff  }
0x17b: {  	v24 =	vld.idx.msk [tilespmem:v3+s17+$0x0], $0xffff  }
0x17c: {  	v25 =	vld.idx.msk [tilespmem:v4+s17+$0x0], $0xffff  }
0x17d: {  	v26 =	vld.idx.msk [tilespmem:v5+s17+$0x0], $0xffff  }
0x17e: {  	v27 =	vld.idx.msk [tilespmem:v6+s17+$0x0], $0xffff  }
0x17f: {  	v22 =	vadd.s32 v22, v23;
	v23 =	vld.idx.msk [tilespmem:v7+s17+$0x0], $0xffff  }
0x180: {  	v22 =	vadd.s32 v24, v22;
	v24 =	vld.idx.msk [tilespmem:v8+s17+$0x0], $0xffff  }
0x181: {  	v22 =	vadd.s32 v25, v22;
	v25 =	vld.idx.msk [tilespmem:v9+s17+$0x0], $0xffff  }
0x182: {  	v22 =	vadd.s32 v26, v22;
	v26 =	vld.idx.msk [tilespmem:v10+s17+$0x0], $0xffff  }
0x183: {  	v22 =	vadd.s32 v27, v22;
	v27 =	vld.idx.msk [tilespmem:v11+s17+$0x0], $0xffff  }
0x184: {  	v22 =	vadd.s32 v23, v22;
	v23 =	vld.idx.msk [tilespmem:v12+s17+$0x0], $0xffff  }
0x185: {  	v22 =	vadd.s32 v24, v22;
	v24 =	vld.idx.msk [tilespmem:v13+s17+$0x0], $0xffff  }
0x186: {  	v22 =	vadd.s32 v25, v22;
	v25 =	vld.idx.msk [tilespmem:v14+s17+$0x0], $0xffff  }
0x187: {  	v22 =	vadd.s32 v26, v22;
	v26 =	vld.idx.msk [tilespmem:v15+s17+$0x0], $0xffff  }
0x188: {  	v22 =	vadd.s32 v27, v22;
	v27 =	vld.idx.msk [tilespmem:v16+s17+$0x0], $0xffff  }
0x189: {  	v22 =	vadd.s32 v23, v22  }
0x18a: {  	v22 =	vadd.s32 v24, v22  }
0x18b: {  	v22 =	vadd.s32 v25, v22  }
0x18c: {  	v22 =	vadd.s32 v26, v22  }
0x18d: {  	v22 =	vadd.s32 v27, v22  }
0x18e: {  	v23 =	vperm.xlane v22, v17;
	_ =	sdelay $0x1  }
0x18f: {  	(xrf0) =	vadd.scan.msk.s32 $0xffff, v23;
	_ =	sdelay $0x5  }
0x190: {  	v23, _, _ =	vpop (xrf0)  }
0x191: {  	s3 =	sshra.s32 s3, $0x4;
	v23 =	vperm.xlane v23, v17  }
0x192: {  	s3 =	sxor.u32 $0xF8000000, s3  }
0x193: {  	s0 =	ssub.s32 s0, s3;
	v22 =	vsub.s32 v23, v22  }
0x194: {  	vm1 =	vge.s32 v23, s0;
	vm0 =	vlt.s32 v22, s0;
	v22 =	vshll.u32 v22, $0x4  }
0x195: {  	vm0 =	vmand vm1, vm0;
	v22 =	vxor.u32 v18, v22  }
0x196: {  	v22 =	vnsel vm0, $0x7FFFFFFF, v22  }
0x197: {  	(xrf0) =	vmax.scan.msk.u32 $0xffff, v22;
	_ =	sdelay $0x5  }
0x198: {  	v22, _, _ =	vpop (xrf0)  }
0x199: {  	(v2sf) =	vpush v22, $0xF;
	_ =	sdelay $0xe  }
0x19a: {  	s9 =	spop (v2sf)  }
0x19b: {  	s4 =	sshll.u32 s9, $0x4  }
0x19c: {  	s4 =	sand.u32 $0xF0, s4  }
0x19d: {  	v22 =	vld [tilespmem:s4+$0xA280];
	_ =	sdelay $0x4  }
0x19e: {  	v23 =	vperm.xlane v22, v17;
	_ =	sdelay $0x1  }
0x19f: {  	(xrf0) =	vadd.scan.msk.s32 $0xffff, v23;
	_ =	sdelay $0x5  }
0x1a0: {  	v23, _, _ =	vpop (xrf0)  }
0x1a1: {  	s3 =	sshra.s32 s9, $0x4;
	v23 =	vperm.xlane v23, v17  }
0x1a2: {  	s3 =	sxor.u32 $0xF8000000, s3  }
0x1a3: {  	s0 =	ssub.s32 s0, s3;
	v22 =	vsub.s32 v23, v22  }
0x1a4: {  	vm1 =	vge.s32 v23, s0;
	vm0 =	vlt.s32 v22, s0;
	v22 =	vshll.u32 v22, $0x4  }
0x1a5: {  	vm0 =	vmand vm0, vm1;
	v22 =	vxor.u32 v18, v22  }
0x1a6: {  	v22 =	vnsel vm0, $0x7FFFFFFF, v22  }
0x1a7: {  	(xrf0) =	vmax.scan.msk.u32 $0xffff, v22;
	_ =	sdelay $0x5  }
0x1a8: {  	v22, _, _ =	vpop (xrf0)  }
0x1a9: {  	(v2sf) =	vpush v22, $0xF;
	_ =	sdelay $0x8  }
0x1aa: {  	s6 =	simm.s32 $0x8040  }
0x1ab: {  	v30 =	vld [tilespmem:s6+$0xFFFFFFF0]  }
0x1ac: {  	v54 =	vld [tilespmem:s6+$0x0]  }
0x1ad: {  	v55 =	vld [tilespmem:s6+$0x10]  }
0x1ae: {  	v57 =	vld [tilespmem:s6+$0x20]  }
0x1af: {  	v25 =	vld [tilespmem:s6+$0xFFFFFFD0]  }
0x1b0: {  	v26 =	vld [tilespmem:s6+$0xFFFFFFE0];
	s3 =	spop (v2sf)  }
0x1b1: {  	v23 =	vld [tilespmem:s6+$0x30];
	s9 =	sand.u32 $0xF, s3  }
0x1b2: {  	s9 =	sor.u32 s31, s9  }
0x1b3: {  	s4 =	sor.u32 s4, s9  }
0x1b4: {  	v56 =	vld [tilespmem:s6+$0xFFFFFFC0];
	v35 =	vand.u32 $0x7F, v30;
	v38 =	vand.u32 $0x7F, v54;
	s31 =	sshll.u32 s4, $0x7  }
0x1b5: {  	v36 =	vand.u32 $0x7F, v55;
	v37 =	vand.u32 $0x7F, v57;
	v22 =	vmov s31  }
0x1b6: {  	v62 =	vand.u32 $0x7F, v25;
	v33 =	vand.u32 $0x7F, v26;
	v24 =	vsub.s32 v23, v22  }
0x1b7: {  	v23 =	vand.u32 $0x7F, v23;
	v58 =	vsub.s32 v25, v22;
	v59 =	vsub.s32 v26, v22  }
0x1b8: {  	v25 =	vsub.s32 v54, v22;
	vm1 =	vlt.u32 v24, $0x80;
	v24 =	vand.u32 $0xFFFFFF80, v24  }
0x1b9: {  	v29 =	vsub.s32 v55, v22;
	v44 =	vsub.s32 v56, v22;
	v60 =	vor.u32 v23, v24  }
0x1ba: {  	v31 =	vsub.s32 v57, v22;
	v26 =	vand.u32 $0x7F, v56;
	v61 =	vand.u32 $0xFFFFFF80, v58  }
0x1bb: {  	v28 =	vand.u32 $0xFFFFFF80, v25;
	v63 =	vand.u32 $0xFFFFFF80, v44;
	v34 =	vand.u32 $0xFFFFFF80, v31  }
0x1bc: {  	vm0 =	vlt.u32 v44, $0x80;
	vm2 =	vlt.u32 v58, $0x80;
	v23 =	vand.u32 $0xFFFFFF80, v59  }
0x1bd: {  	v24 =	vsub.s32 v30, v22;
	v30 =	vand.u32 $0xFFFFFF80, v29;
	v26 =	vor.u32 v26, v63  }
0x1be: {  	s9 =	simm.s32 $0x80C0;
	s4 =	simm.s32 $0x0;
	v32 =	vor.u32 v62, v61;
	v27 =	vand.u32 $0xFFFFFF80, v24;
	[tilespmem:v60+s18+$0x0] =	vst.idx.add.s32.msk vm1, v19;
	vm1 =	vlt.u32 v59, $0x80  }
.LBB2_9:
0x1bf: {  	v39 =	vld [tilespmem:s9+$0x30];
	s4 =	sadd.s32 $0x8, s4;
	v40 =	vor.u32 v33, v23;
	vm6 =	vlt.u32 v24, $0x80;
	v41 =	vor.u32 v35, v27  }
0x1c0: {  	vm5 =	vlt.u32 v25, $0x80;
	v42 =	vor.u32 v38, v28;
	vm4 =	vlt.u32 v29, $0x80;
	v27 =	vld [tilespmem:s9+$0xFFFFFFD0];
	p1 =	slt.u32 s4, $0x1F8  }
0x1c1: {  	v43 =	vor.u32 v36, v30;
	vm3 =	vlt.u32 v31, $0x80;
	v44 =	vor.u32 v37, v34;
	v28 =	vld [tilespmem:s9+$0xFFFFFFE0]  }
0x1c2: {  	v30 =	vld [tilespmem:s9+$0xFFFFFFF0]  }
0x1c3: {  	v36 =	vld [tilespmem:s9+$0x0]  }
0x1c4: {  	v37 =	vld [tilespmem:s9+$0x10];
	v23 =	vsub.s32 v39, v22  }
0x1c5: {  	v24 =	vand.u32 $0x7F, v39;
	v45 =	vld [tilespmem:s9+$0x20];
	vm7 =	vlt.u32 v23, $0x80;
	v23 =	vand.u32 $0xFFFFFF80, v23  }
0x1c6: {  	v39 =	vsub.s32 v27, v22;
	v34 =	vld [tilespmem:s9+$0xFFFFFFC0];
	v46 =	vsub.s32 v28, v22;
	v38 =	vor.u32 v24, v23  }
0x1c7: {  	v47 =	vand.u32 $0xFFFFFF80, v39;
	v23 =	vand.u32 $0xFFFFFF80, v46;
	v24 =	vsub.s32 v30, v22;
	[tilespmem:v26+s18+$0x0] =	vst.idx.add.s32.msk vm0, v19  }
0x1c8: {  	v48 =	vand.u32 $0x7F, v27;
	v27 =	vand.u32 $0xFFFFFF80, v24;
	v25 =	vsub.s32 v36, v22;
	[tilespmem:v32+s18+$0x0] =	vst.idx.add.s32.msk vm2, v19  }
0x1c9: {  	v33 =	vand.u32 $0x7F, v28;
	v28 =	vand.u32 $0xFFFFFF80, v25;
	v29 =	vsub.s32 v37, v22;
	[tilespmem:v40+s18+$0x0] =	vst.idx.add.s32.msk vm1, v19  }
.Ltmp3:
0x1ca: {  	v35 =	vand.u32 $0x7F, v30;
	v30 =	vand.u32 $0xFFFFFF80, v29;
	v31 =	vsub.s32 v45, v22;
	[tilespmem:v41+s18+$0x0] =	vst.idx.add.s32.msk vm6, v19;
	(pc) =	sbr.rel @p1 .LBB2_9-.Ltmp3, $4  }
0x1cb: {  	v26 =	vsub.s32 v34, v22;
	v32 =	vand.u32 $0x7F, v34;
	v34 =	vand.u32 $0xFFFFFF80, v31;
	[tilespmem:v38+s18+$0x0] =	vst.idx.add.s32.msk vm7, v19  }
0x1cc: {  	v38 =	vand.u32 $0x7F, v36;
	v36 =	vand.u32 $0x7F, v37;
	v40 =	vand.u32 $0xFFFFFF80, v26;
	[tilespmem:v42+s18+$0x0] =	vst.idx.add.s32.msk vm5, v19  }
0x1cd: {  	v37 =	vand.u32 $0x7F, v45;
	vm0 =	vlt.u32 v26, $0x80;
	v26 =	vor.u32 v32, v40;
	[tilespmem:v43+s18+$0x0] =	vst.idx.add.s32.msk vm4, v19  }
0x1ce: {  	s9 =	sadd.s32 $0x80, s9;
	vm2 =	vlt.u32 v39, $0x80;
	vm1 =	vlt.u32 v46, $0x80;
	v32 =	vor.u32 v48, v47;
	[tilespmem:v44+s18+$0x0] =	vst.idx.add.s32.msk vm3, v19  }
0x1cf: {  	_ =	sdelay $0x1  }
0x1d0: {  	v22 =	vor.u32 v33, v23;
	vm3 =	vlt.u32 v24, $0x80  }
0x1d1: {  	v23 =	vor.u32 v35, v27;
	vm4 =	vlt.u32 v25, $0x80  }
0x1d2: {  	v24 =	vor.u32 v38, v28;
	vm5 =	vlt.u32 v29, $0x80  }
0x1d3: {  	v25 =	vor.u32 v36, v30;
	vm6 =	vlt.u32 v31, $0x80;
	[tilespmem:v26+s18+$0x0] =	vst.idx.add.s32.msk vm0, v19  }
0x1d4: {  	v26 =	vor.u32 v37, v34;
	[tilespmem:v32+s18+$0x0] =	vst.idx.add.s32.msk vm2, v19  }
0x1d5: {  	[tilespmem:v22+s18+$0x0] =	vst.idx.add.s32.msk vm1, v19  }
0x1d6: {  	[tilespmem:v23+s18+$0x0] =	vst.idx.add.s32.msk vm3, v19  }
0x1d7: {  	[tilespmem:v24+s18+$0x0] =	vst.idx.add.s32.msk vm4, v19  }
0x1d8: {  	[tilespmem:v25+s18+$0x0] =	vst.idx.add.s32.msk vm5, v19  }
0x1d9: {  	[tilespmem:v26+s18+$0x0] =	vst.idx.add.s32.msk vm6, v19  }
0x1da: {  	v22 =	vld.idx.msk [tilespmem:v0+s18+$0x0], $0xffff  }
0x1db: {  	v23 =	vld.idx.msk [tilespmem:v2+s18+$0x0], $0xffff  }
0x1dc: {  	v24 =	vld.idx.msk [tilespmem:v3+s18+$0x0], $0xffff  }
0x1dd: {  	v25 =	vld.idx.msk [tilespmem:v4+s18+$0x0], $0xffff  }
0x1de: {  	v26 =	vld.idx.msk [tilespmem:v5+s18+$0x0], $0xffff  }
0x1df: {  	v27 =	vld.idx.msk [tilespmem:v6+s18+$0x0], $0xffff  }
0x1e0: {  	v22 =	vadd.s32 v22, v23;
	v23 =	vld.idx.msk [tilespmem:v7+s18+$0x0], $0xffff  }
0x1e1: {  	v22 =	vadd.s32 v24, v22;
	v24 =	vld.idx.msk [tilespmem:v8+s18+$0x0], $0xffff  }
0x1e2: {  	v22 =	vadd.s32 v25, v22;
	v25 =	vld.idx.msk [tilespmem:v9+s18+$0x0], $0xffff  }
0x1e3: {  	v22 =	vadd.s32 v26, v22;
	v26 =	vld.idx.msk [tilespmem:v10+s18+$0x0], $0xffff  }
0x1e4: {  	v22 =	vadd.s32 v27, v22;
	v27 =	vld.idx.msk [tilespmem:v11+s18+$0x0], $0xffff  }
0x1e5: {  	v22 =	vadd.s32 v23, v22;
	v23 =	vld.idx.msk [tilespmem:v12+s18+$0x0], $0xffff  }
0x1e6: {  	v22 =	vadd.s32 v24, v22;
	v24 =	vld.idx.msk [tilespmem:v13+s18+$0x0], $0xffff  }
0x1e7: {  	v22 =	vadd.s32 v25, v22;
	v25 =	vld.idx.msk [tilespmem:v14+s18+$0x0], $0xffff  }
0x1e8: {  	v22 =	vadd.s32 v26, v22;
	v26 =	vld.idx.msk [tilespmem:v15+s18+$0x0], $0xffff  }
0x1e9: {  	v22 =	vadd.s32 v27, v22;
	v27 =	vld.idx.msk [tilespmem:v16+s18+$0x0], $0xffff  }
0x1ea: {  	v22 =	vadd.s32 v23, v22  }
0x1eb: {  	v22 =	vadd.s32 v24, v22  }
0x1ec: {  	v22 =	vadd.s32 v25, v22  }
0x1ed: {  	v22 =	vadd.s32 v26, v22  }
0x1ee: {  	v22 =	vadd.s32 v27, v22  }
0x1ef: {  	v23 =	vperm.xlane v22, v17;
	_ =	sdelay $0x1  }
0x1f0: {  	(xrf0) =	vadd.scan.msk.s32 $0xffff, v23;
	_ =	sdelay $0x5  }
0x1f1: {  	v23, _, _ =	vpop (xrf0)  }
0x1f2: {  	s3 =	sshra.s32 s3, $0x4;
	v23 =	vperm.xlane v23, v17  }
0x1f3: {  	s3 =	sxor.u32 $0xF8000000, s3  }
0x1f4: {  	s0 =	ssub.s32 s0, s3;
	v22 =	vsub.s32 v23, v22  }
0x1f5: {  	vm1 =	vge.s32 v23, s0;
	vm0 =	vlt.s32 v22, s0;
	v22 =	vshll.u32 v22, $0x4  }
0x1f6: {  	vm0 =	vmand vm1, vm0;
	v22 =	vxor.u32 v18, v22  }
0x1f7: {  	v22 =	vnsel vm0, $0x7FFFFFFF, v22  }
0x1f8: {  	(xrf0) =	vmax.scan.msk.u32 $0xffff, v22;
	_ =	sdelay $0x5  }
0x1f9: {  	v22, _, _ =	vpop (xrf0)  }
0x1fa: {  	(v2sf) =	vpush v22, $0xF;
	_ =	sdelay $0xe  }
0x1fb: {  	s6 =	spop (v2sf)  }
0x1fc: {  	s4 =	sshll.u32 s6, $0x4  }
0x1fd: {  	s4 =	sand.u32 $0xF0, s4  }
0x1fe: {  	v22 =	vld [tilespmem:s4+$0xA380];
	_ =	sdelay $0x4  }
0x1ff: {  	v23 =	vperm.xlane v22, v17;
	_ =	sdelay $0x1  }
0x200: {  	(xrf0) =	vadd.scan.msk.s32 $0xffff, v23;
	_ =	sdelay $0x5  }
0x201: {  	v23, _, _ =	vpop (xrf0)  }
0x202: {  	s3 =	sshra.s32 s6, $0x4;
	v23 =	vperm.xlane v23, v17  }
0x203: {  	s3 =	sxor.u32 $0xF8000000, s3  }
0x204: {  	s0 =	ssub.s32 s0, s3;
	v22 =	vsub.s32 v23, v22  }
0x205: {  	vm1 =	vge.s32 v23, s0;
	vm0 =	vlt.s32 v22, s0;
	v22 =	vshll.u32 v22, $0x4  }
0x206: {  	vm0 =	vmand vm0, vm1;
	v22 =	vxor.u32 v18, v22  }
0x207: {  	v22 =	vnsel vm0, $0x7FFFFFFF, v22  }
0x208: {  	(xrf0) =	vmax.scan.msk.u32 $0xffff, v22;
	_ =	sdelay $0x5  }
0x209: {  	v22, _, _ =	vpop (xrf0)  }
0x20a: {  	(v2sf) =	vpush v22, $0xF;
	_ =	sdelay $0xd  }
0x20b: {  	s6 =	simm.s32 $0x8040  }
0x20c: {  	v25 =	vld [tilespmem:s6+$0x30];
	s9 =	spop (v2sf)  }
0x20d: {  	v27 =	vld [tilespmem:s6+$0xFFFFFFD0];
	s0 =	sand.u32 $0xF, s9  }
0x20e: {  	v29 =	vld [tilespmem:s6+$0xFFFFFFE0];
	s0 =	sor.u32 s31, s0  }
0x20f: {  	v26 =	vld [tilespmem:s6+$0xFFFFFFF0];
	s0 =	sor.u32 s4, s0  }
0x210: {  	v24 =	vld [tilespmem:s6+$0x0];
	v22 =	vmov s0  }
0x211: {  	v23 =	vld [tilespmem:s6+$0x10];
	vm0 =	vlt.s32 v25, v22  }
0x212: {  	s0 =	simm.s32 $0x4040;
	vm1 =	vlt.s32 v27, v22;
	v25 =	vld [tilespmem:s6+$0x20];
	v30 =	vsel vm0, $0x0, v20  }
0x213: {  	s3 =	simm.s32 $0x0;
	s4 =	simm.s32 $0x80C0;
	v27 =	vld [tilespmem:s6+$0xFFFFFFC0];
	v28 =	vsel vm1, $0x0, v20;
	vm0 =	vlt.s32 v29, v22;
	[tilespmem:s0+$0x30] =	vst v30  }
.LBB2_11:
0x214: {  	v29 =	vld [tilespmem:s4+$0x30];
	s3 =	sadd.s32 $0x8, s3;
	[tilespmem:s0+$0xFFFFFFD0] =	vst v28;
	v28 =	vsel vm0, $0x0, v20;
	vm0 =	vlt.s32 v26, v22  }
0x215: {  	v30 =	vld [tilespmem:s4+$0xFFFFFFD0];
	p1 =	slt.u32 s3, $0x1F8;
	[tilespmem:s0+$0xFFFFFFE0] =	vst v28;
	v26 =	vsel vm0, $0x0, v20;
	vm0 =	vlt.s32 v24, v22  }
0x216: {  	v31 =	vld [tilespmem:s4+$0xFFFFFFE0];
	[tilespmem:s0+$0xFFFFFFF0] =	vst v26;
	v24 =	vsel vm0, $0x0, v20;
	vm0 =	vlt.s32 v23, v22  }
.Ltmp4:
0x217: {  	v26 =	vld [tilespmem:s4+$0xFFFFFFF0];
	[tilespmem:s0+$0x0] =	vst v24;
	v23 =	vsel vm0, $0x0, v20;
	vm0 =	vlt.s32 v25, v22;
	(pc) =	sbr.rel @p1 .LBB2_11-.Ltmp4, $4  }
0x218: {  	v24 =	vld [tilespmem:s4+$0x0];
	vm1 =	vlt.s32 v27, v22;
	[tilespmem:s0+$0x10] =	vst v23;
	v25 =	vsel vm0, $0x0, v20  }
0x219: {  	v23 =	vld [tilespmem:s4+$0x10];
	vm0 =	vlt.s32 v29, v22;
	v27 =	vsel vm1, $0x0, v20;
	[tilespmem:s0+$0x20] =	vst v25  }
0x21a: {  	vm1 =	vlt.s32 v30, v22;
	v25 =	vld [tilespmem:s4+$0x20];
	v29 =	vsel vm0, $0x0, v20;
	[tilespmem:s0+$0xFFFFFFC0] =	vst v27;
	s0 =	sadd.s32 $0x80, s0  }
0x21b: {  	v27 =	vld [tilespmem:s4+$0xFFFFFFC0];
	v28 =	vsel vm1, $0x0, v20;
	vm0 =	vlt.s32 v31, v22;
	[tilespmem:s0+$0x30] =	vst v29;
	s4 =	sadd.s32 $0x80, s4  }
0x21c: {  	[tilespmem:s0+$0xFFFFFFD0] =	vst v28;
	v28 =	vsel vm0, $0x0, v20;
	vm0 =	vlt.s32 v26, v22  }
0x21d: {  	[tilespmem:s0+$0xFFFFFFE0] =	vst v28;
	v26 =	vsel vm0, $0x0, v20;
	vm0 =	vlt.s32 v24, v22  }
0x21e: {  	[tilespmem:s0+$0xFFFFFFF0] =	vst v26;
	v24 =	vsel vm0, $0x0, v20;
	vm0 =	vlt.s32 v23, v22  }
0x21f: {  	[tilespmem:s0+$0x0] =	vst v24;
	v23 =	vsel vm0, $0x0, v20;
	vm0 =	vlt.s32 v25, v22  }
0x220: {  	vm1 =	vlt.s32 v27, v22;
	[tilespmem:s0+$0x10] =	vst v23;
	v22 =	vsel vm0, $0x0, v20  }
0x221: {  	s3 =	sadd.s32 s2, s30;
	p1 =	seq.s32 s26, $0x3F;
	v23 =	vsel vm1, $0x0, v20;
	[tilespmem:s0+$0x20] =	vst v22  }
0x222: {  	s3 =	sadd.s32 s28, s3;
	[tilespmem:s0+$0xFFFFFFC0] =	vst v23;
	s0 =	sor.u32 @!p1 s5, s29  }
0x223: {  	[hbm4b:s3+s11] =	stream.strided.scatter [tilespmem:s19], [sflag:$0x3], $0x2000, s12, s11, $0x38;
	[tilespmem:$0xA480] =	vst v63  }
0x224: {  	s0 =	sadd.s32 @!p1 $0x1, s0  }
0x225: {  	s3 =	sshll.u32 @!p1 s0, $0x4  }
0x226: {  	s0 =	sshll.u32 @!p1 s0, $0xA;
	s3 =	sand.u32 @!p1 $0x60, s3  }
0x227: {  	s4 =	simm.s32 @!p1 $0x400;
	s0 =	sand.u32 @!p1 $0xFFFE000, s0;
	s3 =	sadd.s32 @!p1 s1, s3  }
0x228: {  	s6 =	simm.s32 @!p1 $0x0;
	s0 =	sadd.s32 @!p1 s0, s3;
	s3 =	simm.s32 @!p1 $0x80  }
0x229: {  	[tilespmem:s6], [sflag:$0x1] =	stream.strided.gather @!p1 [hbm4b:s0+s3], $0x2000, s4, s3, $0x38;
	[tilespmem:$0xA480] =	vst v63  }
0x22a: {  	_ =	swait.ge [sflag:s20], $0x2000  }
0x22b: {  	[sflag:s20] =	ssyncset.done $0x0  }
0x22c: {  	s0 =	simm.s32 @!p0 $0x4;
	[sflag:s20] =	ssyncadd.s32 $0xFFFFE000  }
0x22d: {  	_ =	swait.ge @!p0 [sflag:s0], $0x2000  }
0x22e: {  	[sflag:s0] =	ssyncset.done @!p0 $0x0  }
0x22f: {  	[sflag:s0] =	ssyncadd.s32 @!p0 $0xFFFFE000  }
0x230: {  	[tilespmem:$0xA080] =	vst v1  }
0x231: {  	[tilespmem:$0xA180] =	vst v1  }
0x232: {  	[tilespmem:$0xA280] =	vst v1  }
0x233: {  	[tilespmem:$0xA380] =	vst v1  }
0x234: {  	[tilespmem:$0xA090] =	vst v1  }
0x235: {  	[tilespmem:$0xA190] =	vst v1  }
0x236: {  	[tilespmem:$0xA290] =	vst v1  }
0x237: {  	[tilespmem:$0xA390] =	vst v1  }
0x238: {  	[tilespmem:$0xA0A0] =	vst v1  }
0x239: {  	[tilespmem:$0xA1A0] =	vst v1  }
0x23a: {  	[tilespmem:$0xA2A0] =	vst v1  }
0x23b: {  	[tilespmem:$0xA3A0] =	vst v1  }
0x23c: {  	[tilespmem:$0xA0B0] =	vst v1  }
0x23d: {  	[tilespmem:$0xA1B0] =	vst v1  }
0x23e: {  	[tilespmem:$0xA2B0] =	vst v1  }
0x23f: {  	[tilespmem:$0xA3B0] =	vst v1  }
0x240: {  	[tilespmem:$0xA0C0] =	vst v1  }
0x241: {  	[tilespmem:$0xA1C0] =	vst v1  }
0x242: {  	[tilespmem:$0xA2C0] =	vst v1  }
0x243: {  	[tilespmem:$0xA3C0] =	vst v1  }
0x244: {  	[tilespmem:$0xA0D0] =	vst v1  }
0x245: {  	[tilespmem:$0xA1D0] =	vst v1  }
0x246: {  	[tilespmem:$0xA2D0] =	vst v1  }
0x247: {  	[tilespmem:$0xA3D0] =	vst v1  }
0x248: {  	[tilespmem:$0xA0E0] =	vst v1  }
0x249: {  	[tilespmem:$0xA1E0] =	vst v1  }
0x24a: {  	[tilespmem:$0xA2E0] =	vst v1  }
0x24b: {  	[tilespmem:$0xA3E0] =	vst v1  }
0x24c: {  	[tilespmem:$0xA0F0] =	vst v1  }
0x24d: {  	[tilespmem:$0xA1F0] =	vst v1  }
0x24e: {  	[tilespmem:$0xA2F0] =	vst v1  }
0x24f: {  	[tilespmem:$0xA3F0] =	vst v1  }
0x250: {  	[tilespmem:$0xA100] =	vst v1  }
0x251: {  	[tilespmem:$0xA200] =	vst v1  }
0x252: {  	[tilespmem:$0xA300] =	vst v1  }
0x253: {  	[tilespmem:$0xA400] =	vst v1  }
0x254: {  	[tilespmem:$0xA110] =	vst v1  }
0x255: {  	[tilespmem:$0xA210] =	vst v1  }
0x256: {  	[tilespmem:$0xA310] =	vst v1  }
0x257: {  	[tilespmem:$0xA410] =	vst v1  }
0x258: {  	[tilespmem:$0xA120] =	vst v1  }
0x259: {  	[tilespmem:$0xA220] =	vst v1  }
0x25a: {  	[tilespmem:$0xA320] =	vst v1  }
0x25b: {  	[tilespmem:$0xA420] =	vst v1  }
0x25c: {  	[tilespmem:$0xA130] =	vst v1  }
0x25d: {  	[tilespmem:$0xA230] =	vst v1  }
0x25e: {  	[tilespmem:$0xA330] =	vst v1  }
0x25f: {  	[tilespmem:$0xA430] =	vst v1  }
0x260: {  	[tilespmem:$0xA140] =	vst v1  }
0x261: {  	[tilespmem:$0xA240] =	vst v1  }
0x262: {  	[tilespmem:$0xA340] =	vst v1  }
0x263: {  	[tilespmem:$0xA440] =	vst v1  }
0x264: {  	[tilespmem:$0xA150] =	vst v1  }
0x265: {  	[tilespmem:$0xA250] =	vst v1  }
0x266: {  	[tilespmem:$0xA350] =	vst v1  }
0x267: {  	[tilespmem:$0xA450] =	vst v1  }
0x268: {  	[tilespmem:$0xA160] =	vst v1  }
0x269: {  	[tilespmem:$0xA260] =	vst v1  }
0x26a: {  	[tilespmem:$0xA360] =	vst v1  }
0x26b: {  	[tilespmem:$0xA460] =	vst v1  }
0x26c: {  	[tilespmem:$0xA170] =	vst v1  }
0x26d: {  	[tilespmem:$0xA270] =	vst v1  }
0x26e: {  	[tilespmem:$0xA370] =	vst v1  }
0x26f: {  	s4 =	simm.s32 $0x2040;
	[tilespmem:$0xA470] =	vst v1  }
0x270: {  	v22 =	vld [tilespmem:s4+$0xFFFFFFC0];
	_ =	sdelay $0x2  }
0x271: {  	v23 =	vld [tilespmem:s4+$0x20];
	_ =	sdelay $0x1  }
0x272: {  	v25 =	vld [tilespmem:s4+$0x10];
	v26 =	vand.u32 $0x7FFFFFFF, v22  }
0x273: {  	v24 =	vld [tilespmem:s4+$0xFFFFFFE0];
	v28 =	vshrl.u32 v26, $0x17  }
0x274: {  	v27 =	vld [tilespmem:s4+$0xFFFFFFD0];
	(xrf1) =	vunique.msk.u32 $0xffff, v28  }
0x275: {  	v30 =	vld [tilespmem:s4+$0x30];
	v29 =	vand.u32 $0x7FFFFFFF, v23  }
0x276: {  	v32 =	vld [tilespmem:s4+$0x0];
	v31 =	vshrl.u32 v29, $0x17  }
0x277: {  	s9 =	simm.s32 $0x20C0;
	v39 =	vld [tilespmem:s4+$0xFFFFFFF0];
	(xrf1) =	vunique.msk.u32 $0xffff, v31  }
0x278: {  	v43 =	vld [tilespmem:s9+$0xFFFFFFC0];
	v33 =	vshrl.u32 v23, $0x17  }
0x279: {  	s6 =	simm.s32 $0x8040;
	v34 =	vshrl.u32 v22, $0x17;
	v22 =	vand.u32 $0x7FFFFFFF, v25;
	v23 =	vand.u32 $0x7FFFFFFF, v24  }
0x27a: {  	v36 =	vand.u32 $0x7FFFFFFF, v27;
	v41 =	vshrl.u32 v27, $0x17;
	[tilespmem:s6+$0xFFFFFFC0] =	vst v26;
	v26 =	vshrl.u32 v23, $0x17  }
0x27b: {  	v27 =	vand.u32 $0x7FFFFFFF, v32;
	v40 =	vand.u32 $0x7FFFFFFF, v30;
	v35 =	vshrl.u32 v36, $0x17;
	(xrf1) =	vunique.msk.u32 $0xffff, v26  }
0x27c: {  	v42 =	vand.u32 $0x7FFFFFFF, v39;
	v47 =	vshrl.u32 v32, $0x17;
	v38 =	vshrl.u32 v22, $0x17;
	(xrf1) =	vunique.msk.u32 $0xffff, v35  }
0x27d: {  	v30 =	vshrl.u32 v30, $0x17;
	v61 =	vand.u32 $0x7FFFFFFF, v43;
	[tilespmem:s6+$0x20] =	vst v29;
	(xrf1) =	vunique.msk.u32 $0xffff, v38  }
0x27e: {  	v29 =	vshrl.u32 v24, $0x17;
	[tilespmem:s6+$0x10] =	vst v22;
	v22 =	vshrl.u32 v25, $0x17;
	v25 =	vshrl.u32 v40, $0x17  }
0x27f: {  	[tilespmem:s6+$0xFFFFFFE0] =	vst v23;
	v58 =	vshrl.u32 v27, $0x17;
	v44 =	vshrl.u32 v42, $0x17;
	(xrf1) =	vunique.msk.u32 $0xffff, v25  }
0x280: {  	v60 =	vand.u32 $0x80, v33;
	v30 =	vand.u32 $0x80, v30;
	v63 =	vand.u32 $0x80, v47;
	(xrf1) =	vunique.msk.u32 $0xffff, v58  }
0x281: {  	v37 =	vld [tilespmem:s9+$0x20];
	[tilespmem:s6+$0x30] =	vst v40;
	v41 =	vand.u32 $0x80, v41;
	v47 =	vshrl.u32 v39, $0x17;
	v28 =	vand.u32 $0x7F, v28  }
0x282: {  	v48 =	vld [tilespmem:s9+$0xFFFFFFE0];
	v46 =	vand.u32 $0x7F, v35;
	v23 =	vand.u32 $0x7F, v38;
	v22 =	vand.u32 $0x80, v22;
	_, v49, vm2 =	vpop (xrf1);
	(xrf1) =	vunique.msk.u32 $0xffff, v44  }
0x283: {  	s0 =	simm.s32 $0x80C0;
	v24 =	vld [tilespmem:s9+$0x10];
	[tilespmem:s6+$0x0] =	vst v27;
	v59 =	vand.u32 $0x7F, v25;
	v45 =	vand.u32 $0x7F, v58;
	v27 =	vand.u32 $0x80, v29  }
0x284: {  	v33 =	vld [tilespmem:s9+$0xFFFFFFD0];
	[tilespmem:s0+$0xFFFFFFC0] =	vst v61;
	v29 =	vand.u32 $0x80, v34;
	v34 =	vshrl.u32 v61, $0x17;
	v31 =	vand.u32 $0x7F, v31  }
0x285: {  	[tilespmem:s6+$0xFFFFFFD0] =	vst v36;
	v22 =	vor.u32 v22, v23;
	v62 =	vor.u32 v29, v28;
	v29 =	vld [tilespmem:s9+$0x0];
	v26 =	vand.u32 $0x7F, v26;
	_, v50, vm1 =	vpop (xrf1)  }
0x286: {  	v51 =	vor.u32 v60, v31;
	v31 =	vand.u32 $0x7FFFFFFF, v37;
	v26 =	vor.u32 v27, v26;
	v27 =	vld [tilespmem:s9+$0x30];
	(xrf1) =	vunique.msk.u32 $0xffff, v34  }
0x287: {  	[tilespmem:s6+$0xFFFFFFF0] =	vst v42;
	v23 =	vshrl.u32 v37, $0x17;
	v28 =	vand.u32 $0x7F, v34;
	v40 =	vshrl.u32 v31, $0x17;
	v38 =	vld [tilespmem:s9+$0xFFFFFFF0]  }
0x288: {  	v36 =	vor.u32 v63, v45;
	v41 =	vor.u32 v41, v46;
	v37 =	vor.u32 v30, v59;
	(xrf1) =	vunique.msk.u32 $0xffff, v40  }
0x289: {  	s31 =	sshll.u32 s29, $0x4;
	[tilespmem:s0+$0x20] =	vst v31;
	v35 =	vand.u32 $0x7F, v44;
	v31 =	vshrl.u32 v48, $0x17;
	v32 =	vand.u32 $0x7FFFFFFF, v24;
	_, v34, vm0 =	vpop (xrf1)  }
0x28a: {  	s29 =	sand.u32 $0x70, s31;
	v30 =	vshrl.u32 v33, $0x17;
	v25 =	vshrl.u32 v43, $0x17;
	v44 =	vand.u32 $0x7FFFFFFF, v48;
	[tilespmem:v62+s15+$0x0] =	vst.idx.add.s32.msk vm2, v49;
	_, v43, vm2 =	vpop (xrf1)  }
0x28b: {  	s30 =	simm.s32 $0x8;
	s3 =	simm.s32 $0x80C0;
	s9 =	simm.s32 $0x2140;
	v42 =	vand.u32 $0x7FFFFFFF, v29;
	v46 =	vand.u32 $0x7FFFFFFF, v27;
	v45 =	vshrl.u32 v44, $0x17;
	[tilespmem:v51+s15+$0x0] =	vst.idx.add.s32.msk vm1, v50;
	_, v39, vm1 =	vpop (xrf1)  }
.LBB2_13:
0x28c: {  	v48 =	vld [tilespmem:s9+$0x20];
	s30 =	sadd.s32 $0x8, s30;
	v49 =	vand.u32 $0x7FFFFFFF, v33;
	v50 =	vand.u32 $0x7FFFFFFF, v38;
	[tilespmem:s0+$0x10] =	vst v32;
	v40 =	vand.u32 $0x7F, v40;
	v51 =	vmovc v38  }
0x28d: {  	v38 =	vld [tilespmem:s9+$0x10];
	p0 =	slt.u32 s30, $0x1F8;
	v33 =	vshrl.u32 v49, $0x17;
	[tilespmem:s0+$0xFFFFFFE0] =	vst v44;
	v44 =	vand.u32 $0x7F, v45;
	(xrf1) =	vunique.msk.u32 $0xffff, v45;
	_, v45, vm4 =	vpop (xrf1)  }
0x28e: {  	v32 =	vshrl.u32 v32, $0x17;
	v24 =	vshrl.u32 v24, $0x17;
	v52 =	vld [tilespmem:s9+$0xFFFFFFE0];
	[tilespmem:s0+$0x30] =	vst v46;
	(xrf1) =	vunique.msk.u32 $0xffff, v33;
	_, v53, vm5 =	vpop (xrf1)  }
0x28f: {  	v56 =	vand.u32 $0x7F, v32;
	v24 =	vand.u32 $0x80, v24;
	v55 =	vand.u32 $0x7F, v33;
	v54 =	vld [tilespmem:s9+$0xFFFFFFC0];
	(xrf1) =	vunique.msk.u32 $0xffff, v32  }
0x290: {  	v58 =	vshrl.u32 v46, $0x17;
	v56 =	vor.u32 v24, v56;
	v32 =	vand.u32 $0x80, v47;
	v33 =	vld [tilespmem:s9+$0xFFFFFFD0];
	[tilespmem:s0+$0x0] =	vst v42;
	_, v46, vm3 =	vpop (xrf1)  }
0x291: {  	v47 =	vand.u32 $0x7F, v58;
	v42 =	vshrl.u32 v42, $0x17;
	(xrf1) =	vunique.msk.u32 $0xffff, v58;
	[tilespmem:v41+s15+$0x0] =	vst.idx.add.s32.msk vm2, v43  }
0x292: {  	s0 =	sadd.s32 $0x80, s0;
	v35 =	vor.u32 v32, v35;
	v41 =	vshrl.u32 v48, $0x17;
	v57 =	vand.u32 $0x7F, v42;
	v43 =	vld [tilespmem:s9+$0x30];
	(xrf1) =	vunique.msk.u32 $0xffff, v42;
	v24 =	vmovc v38  }
0x293: {  	v31 =	vand.u32 $0x80, v31;
	v58 =	vshrl.u32 v29, $0x17;
	v42 =	vshrl.u32 v50, $0x17;
	[tilespmem:v37+s15+$0x0] =	vst.idx.add.s32.msk vm4, v45  }
0x294: {  	v37 =	vand.u32 $0x80, v23;
	v29 =	vshrl.u32 v54, $0x17;
	_, v59, vm2 =	vpop (xrf1);
	(xrf1) =	vunique.msk.u32 $0xffff, v42;
	[tilespmem:v36+s15+$0x0] =	vst.idx.add.s32.msk vm5, v53  }
0x295: {  	v27 =	vshrl.u32 v27, $0x17;
	v32 =	vand.u32 $0x7FFFFFFF, v24;
	v23 =	vmovc v41;
	v36 =	vand.u32 $0x80, v25;
	[tilespmem:v26+s15+$0x0] =	vst.idx.add.s32.msk vm0, v34;
	v25 =	vmovc v29  }
0x296: {  	v29 =	vand.u32 $0x7FFFFFFF, v54;
	v26 =	vor.u32 v31, v44;
	v34 =	vand.u32 $0x80, v27;
	_, v53, vm4 =	vpop (xrf1);
	[tilespmem:v22+s15+$0x0] =	vst.idx.add.s32.msk vm1, v39  }
0x297: {  	v54 =	vor.u32 v37, v40;
	v38 =	vshrl.u32 v29, $0x17;
	v39 =	vor.u32 v36, v28;
	v22 =	vmovc v56;
	[tilespmem:s0+$0xFFFFFFC0] =	vst v29;
	v29 =	vld [tilespmem:s9+$0x0]  }
0x298: {  	v31 =	vand.u32 $0x7FFFFFFF, v48;
	v28 =	vand.u32 $0x7F, v38;
	v27 =	vmovc v43;
	(xrf1) =	vunique.msk.u32 $0xffff, v38;
	[tilespmem:v35+s15+$0x0] =	vst.idx.add.s32.msk vm3, v46  }
.Ltmp5:
0x299: {  	v40 =	vshrl.u32 v31, $0x17;
	v36 =	vand.u32 $0x80, v58;
	v35 =	vand.u32 $0x7F, v42;
	v38 =	vld [tilespmem:s9+$0xFFFFFFF0];
	[tilespmem:s0+$0x20] =	vst v31;
	(pc) =	sbr.rel @p0 .LBB2_13-.Ltmp5, $4  }
0x29a: {  	v37 =	vor.u32 v34, v47;
	v31 =	vshrl.u32 v52, $0x17;
	(xrf1) =	vunique.msk.u32 $0xffff, v40;
	[tilespmem:s3+$0xFFFFFFD0] =	vst v49  }
0x29b: {  	v41 =	vand.u32 $0x80, v30;
	v44 =	vand.u32 $0x7FFFFFFF, v52;
	v36 =	vor.u32 v36, v57;
	[tilespmem:s3+$0xFFFFFFF0] =	vst v50;
	_, v34, vm0 =	vpop (xrf1);
	s3 =	smov.u32 s0  }
0x29c: {  	v41 =	vor.u32 v41, v55;
	v30 =	vshrl.u32 v33, $0x17;
	v45 =	vshrl.u32 v44, $0x17;
	[tilespmem:v39+s15+$0x0] =	vst.idx.add.s32.msk vm2, v59;
	_, v43, vm2 =	vpop (xrf1)  }
0x29d: {  	v47 =	vshrl.u32 v51, $0x17;
	v46 =	vand.u32 $0x7FFFFFFF, v27;
	s9 =	sadd.s32 $0x80, s9;
	v42 =	vand.u32 $0x7FFFFFFF, v29;
	[tilespmem:v54+s15+$0x0] =	vst.idx.add.s32.msk vm4, v53;
	_, v39, vm1 =	vpop (xrf1)  }
0x29e: {  	v33 =	vand.u32 $0x7FFFFFFF, v33  }
0x29f: {  	(xrf1) =	vunique.msk.u32 $0xffff, v45;
	v48 =	vshrl.u32 v33, $0x17  }
0x2a0: {  	v49 =	vshrl.u32 v32, $0x17;
	(xrf1) =	vunique.msk.u32 $0xffff, v48  }
0x2a1: {  	v50 =	vshrl.u32 v46, $0x17;
	(xrf1) =	vunique.msk.u32 $0xffff, v49  }
0x2a2: {  	v51 =	vshrl.u32 v42, $0x17;
	v52 =	vand.u32 $0x7FFFFFFF, v38;
	(xrf1) =	vunique.msk.u32 $0xffff, v50  }
0x2a3: {  	v53 =	vshrl.u32 v52, $0x17;
	(xrf1) =	vunique.msk.u32 $0xffff, v51  }
0x2a4: {  	_, v54, vm3 =	vpop (xrf1);
	(xrf1) =	vunique.msk.u32 $0xffff, v53  }
0x2a5: {  	[tilespmem:v41+s15+$0x0] =	vst.idx.add.s32.msk vm2, v43  }
0x2a6: {  	[tilespmem:s0+$0x10] =	vst v32  }
0x2a7: {  	[tilespmem:s0+$0xFFFFFFE0] =	vst v44  }
0x2a8: {  	[tilespmem:s0+$0x30] =	vst v46  }
0x2a9: {  	v62 =	vand.u32 $0x80, v47;
	[tilespmem:s0+$0x0] =	vst v42;
	_, v55, vm4 =	vpop (xrf1)  }
0x2aa: {  	v25 =	vand.u32 $0x80, v25;
	v46 =	vand.u32 $0x7F, v45;
	v24 =	vshrl.u32 v24, $0x17;
	[tilespmem:v26+s15+$0x0] =	vst.idx.add.s32.msk vm0, v34;
	_, v61, vm5 =	vpop (xrf1)  }
0x2ab: {  	[tilespmem:v22+s15+$0x0] =	vst.idx.add.s32.msk vm1, v39;
	v35 =	vor.u32 v62, v35;
	v25 =	vor.u32 v25, v28;
	v28 =	vand.u32 $0x7F, v40;
	_, v63, vm6 =	vpop (xrf1)  }
0x2ac: {  	v23 =	vand.u32 $0x80, v23;
	v27 =	vshrl.u32 v27, $0x17;
	v29 =	vshrl.u32 v29, $0x17;
	[tilespmem:v37+s15+$0x0] =	vst.idx.add.s32.msk vm3, v54;
	_, v37, vm3 =	vpop (xrf1)  }
0x2ad: {  	v31 =	vand.u32 $0x80, v31;
	v56 =	vshrl.u32 v38, $0x17;
	[tilespmem:s3+$0xFFFFFFD0] =	vst v33;
	v22 =	vor.u32 v23, v28;
	_, v47, vm14 =	vpop (xrf1)  }
0x2ae: {  	v31 =	vor.u32 v31, v46;
	[tilespmem:s3+$0xFFFFFFF0] =	vst v52;
	v48 =	vand.u32 $0x7F, v48;
	v23 =	vand.u32 $0x80, v30;
	_, v26, vm0 =	vpop (xrf1)  }
0x2af: {  	v24 =	vand.u32 $0x80, v24;
	v23 =	vor.u32 v23, v48;
	[tilespmem:v36+s15+$0x0] =	vst.idx.add.s32.msk vm4, v55;
	v55 =	vand.u32 $0x7F, v49;
	_, v28, vm15 =	vpop (xrf1)  }
0x2b0: {  	v27 =	vand.u32 $0x80, v27;
	v50 =	vand.u32 $0x7F, v50;
	v24 =	vor.u32 v24, v55;
	[tilespmem:v35+s15+$0x0] =	vst.idx.add.s32.msk vm5, v61;
	_, v30, vm8 =	vpop (xrf1)  }
0x2b1: {  	v29 =	vand.u32 $0x80, v29;
	v27 =	vor.u32 v27, v50;
	v54 =	vand.u32 $0x7F, v51;
	[tilespmem:v25+s15+$0x0] =	vst.idx.add.s32.msk vm6, v63;
	_, v25, vm9 =	vpop (xrf1)  }
0x2b2: {  	v57 =	vand.u32 $0x7F, v53;
	v29 =	vor.u32 v29, v54;
	[tilespmem:v22+s15+$0x0] =	vst.idx.add.s32.msk vm3, v37;
	v22 =	vand.u32 $0x80, v56;
	_, v58, vm10 =	vpop (xrf1)  }
0x2b3: {  	v22 =	vor.u32 v22, v57;
	[tilespmem:v31+s15+$0x0] =	vst.idx.add.s32.msk vm14, v47  }
0x2b4: {  	[tilespmem:v23+s15+$0x0] =	vst.idx.add.s32.msk vm0, v26  }
0x2b5: {  	[tilespmem:v24+s15+$0x0] =	vst.idx.add.s32.msk vm15, v28  }
0x2b6: {  	[tilespmem:v27+s15+$0x0] =	vst.idx.add.s32.msk vm8, v30  }
0x2b7: {  	[tilespmem:v29+s15+$0x0] =	vst.idx.add.s32.msk vm9, v25  }
0x2b8: {  	[tilespmem:v22+s15+$0x0] =	vst.idx.add.s32.msk vm10, v58  }
0x2b9: {  	v22 =	vld.idx.msk [tilespmem:v0+s15+$0x0], $0xffff  }
0x2ba: {  	v23 =	vld.idx.msk [tilespmem:v2+s15+$0x0], $0xffff  }
0x2bb: {  	v24 =	vld.idx.msk [tilespmem:v3+s15+$0x0], $0xffff  }
0x2bc: {  	v25 =	vld.idx.msk [tilespmem:v4+s15+$0x0], $0xffff  }
0x2bd: {  	v26 =	vld.idx.msk [tilespmem:v5+s15+$0x0], $0xffff  }
0x2be: {  	v27 =	vld.idx.msk [tilespmem:v6+s15+$0x0], $0xffff  }
0x2bf: {  	v22 =	vadd.s32 v22, v23;
	v23 =	vld.idx.msk [tilespmem:v7+s15+$0x0], $0xffff  }
0x2c0: {  	v22 =	vadd.s32 v24, v22;
	v24 =	vld.idx.msk [tilespmem:v8+s15+$0x0], $0xffff  }
0x2c1: {  	v22 =	vadd.s32 v25, v22;
	v25 =	vld.idx.msk [tilespmem:v9+s15+$0x0], $0xffff  }
0x2c2: {  	v22 =	vadd.s32 v26, v22;
	v26 =	vld.idx.msk [tilespmem:v10+s15+$0x0], $0xffff  }
0x2c3: {  	v22 =	vadd.s32 v27, v22;
	v27 =	vld.idx.msk [tilespmem:v11+s15+$0x0], $0xffff  }
0x2c4: {  	v22 =	vadd.s32 v23, v22;
	v23 =	vld.idx.msk [tilespmem:v12+s15+$0x0], $0xffff  }
0x2c5: {  	v22 =	vadd.s32 v24, v22;
	v24 =	vld.idx.msk [tilespmem:v13+s15+$0x0], $0xffff  }
0x2c6: {  	v22 =	vadd.s32 v25, v22;
	v25 =	vld.idx.msk [tilespmem:v14+s15+$0x0], $0xffff  }
0x2c7: {  	v22 =	vadd.s32 v26, v22;
	v26 =	vld.idx.msk [tilespmem:v15+s15+$0x0], $0xffff  }
0x2c8: {  	v22 =	vadd.s32 v27, v22;
	v27 =	vld.idx.msk [tilespmem:v16+s15+$0x0], $0xffff  }
0x2c9: {  	v22 =	vadd.s32 v23, v22  }
0x2ca: {  	v22 =	vadd.s32 v24, v22  }
0x2cb: {  	v22 =	vadd.s32 v25, v22  }
0x2cc: {  	v22 =	vadd.s32 v26, v22  }
0x2cd: {  	v22 =	vadd.s32 v27, v22  }
0x2ce: {  	v23 =	vperm.xlane v22, v17;
	_ =	sdelay $0x1  }
0x2cf: {  	(xrf0) =	vadd.scan.msk.s32 $0xffff, v23;
	_ =	sdelay $0x5  }
0x2d0: {  	v23, _, _ =	vpop (xrf0)  }
0x2d1: {  	v23 =	vperm.xlane v23, v17;
	_ =	sdelay $0x1  }
0x2d2: {  	v22 =	vsub.s32 v23, v22  }
0x2d3: {  	vm12 =	vge.s32 v23, v21;
	vm11 =	vlt.s32 v22, v21;
	v22 =	vshll.u32 v22, $0x4  }
0x2d4: {  	vm0 =	vmand vm12, vm11;
	v22 =	vxor.u32 v18, v22  }
0x2d5: {  	v22 =	vnsel vm0, $0x7FFFFFFF, v22  }
0x2d6: {  	(xrf0) =	vmax.scan.msk.u32 $0xffff, v22;
	_ =	sdelay $0x5  }
0x2d7: {  	v22, _, _ =	vpop (xrf0)  }
0x2d8: {  	(v2sf) =	vpush v22, $0xF;
	_ =	sdelay $0xe  }
0x2d9: {  	s9 =	spop (v2sf)  }
0x2da: {  	s31 =	sshll.u32 s9, $0x4  }
0x2db: {  	s4 =	sand.u32 $0xF0, s31  }
0x2dc: {  	v22 =	vld [tilespmem:s4+$0xA080];
	_ =	sdelay $0x4  }
0x2dd: {  	v23 =	vperm.xlane v22, v17;
	_ =	sdelay $0x1  }
0x2de: {  	(xrf0) =	vadd.scan.msk.s32 $0xffff, v23;
	_ =	sdelay $0x5  }
0x2df: {  	v23, _, _ =	vpop (xrf0)  }
0x2e0: {  	s0 =	sshra.s32 s9, $0x4;
	v23 =	vperm.xlane v23, v17  }
0x2e1: {  	s0 =	sxor.u32 $0xF8000000, s0  }
0x2e2: {  	s0 =	ssub.s32 s25, s0;
	v22 =	vsub.s32 v23, v22  }
0x2e3: {  	vm14 =	vge.s32 v23, s0;
	vm13 =	vlt.s32 v22, s0;
	v22 =	vshll.u32 v22, $0x4  }
0x2e4: {  	vm0 =	vmand vm13, vm14;
	v22 =	vxor.u32 v18, v22  }
0x2e5: {  	v22 =	vnsel vm0, $0x7FFFFFFF, v22  }
0x2e6: {  	(xrf0) =	vmax.scan.msk.u32 $0xffff, v22;
	_ =	sdelay $0x5  }
0x2e7: {  	v22, _, _ =	vpop (xrf0)  }
0x2e8: {  	(v2sf) =	vpush v22, $0xF;
	_ =	sdelay $0x7  }
0x2e9: {  	s6 =	simm.s32 $0x8040  }
0x2ea: {  	v30 =	vld [tilespmem:s6+$0x0]  }
0x2eb: {  	v32 =	vld [tilespmem:s6+$0x10]  }
0x2ec: {  	v60 =	vld [tilespmem:s6+$0x20]  }
0x2ed: {  	v36 =	vld [tilespmem:s6+$0xFFFFFFC0]  }
0x2ee: {  	v24 =	vld [tilespmem:s6+$0xFFFFFFD0]  }
0x2ef: {  	v23 =	vld [tilespmem:s6+$0x30]  }
0x2f0: {  	v25 =	vld [tilespmem:s6+$0xFFFFFFE0];
	s3 =	spop (v2sf)  }
0x2f1: {  	s9 =	sand.u32 $0xF, s3  }
0x2f2: {  	v31 =	vshra.s32 v30, $0xF;
	v26 =	vld [tilespmem:s6+$0xFFFFFFF0];
	s4 =	sor.u32 s4, s9  }
0x2f3: {  	v33 =	vshra.s32 v32, $0xF;
	v32 =	vshra.s32 v60, $0xF;
	v63 =	vshra.s32 v36, $0xF;
	s30 =	sshll.u32 s4, $0x8  }
0x2f4: {  	v43 =	vand.u32 $0x7F, v63;
	v23 =	vshra.s32 v23, $0xF;
	v22 =	vmov s30  }
0x2f5: {  	v59 =	vshra.s32 v24, $0xF;
	v61 =	vshra.s32 v25, $0xF;
	v24 =	vsub.s32 v23, v22  }
0x2f6: {  	v23 =	vand.u32 $0x7F, v23;
	vm15 =	vlt.u32 v24, $0x100;
	v24 =	vand.u32 $0xFFFFFF80, v24  }
0x2f7: {  	v42 =	vand.u32 $0x7F, v59;
	v29 =	vshra.s32 v26, $0xF;
	v62 =	vor.u32 v23, v24  }
0x2f8: {  	v41 =	vand.u32 $0x7F, v61;
	v28 =	vsub.s32 v59, v22;
	v27 =	vsub.s32 v61, v22  }
0x2f9: {  	v25 =	vsub.s32 v29, v22;
	v26 =	vsub.s32 v32, v22;
	v39 =	vsub.s32 v63, v22  }
0x2fa: {  	v35 =	vand.u32 $0xFFFFFF80, v28;
	v37 =	vand.u32 $0xFFFFFF80, v27;
	v38 =	vand.u32 $0xFFFFFF80, v25  }
0x2fb: {  	v40 =	vand.u32 $0xFFFFFF80, v39;
	v23 =	vsub.s32 v31, v22;
	v24 =	vsub.s32 v33, v22  }
0x2fc: {  	s9 =	simm.s32 $0x0;
	s4 =	simm.s32 $0x80C0;
	v30 =	vand.u32 $0xFFFFFF80, v26;
	v36 =	vand.u32 $0xFFFFFF80, v23;
	v34 =	vand.u32 $0xFFFFFF80, v24;
	[tilespmem:v62+s16+$0x0] =	vst.idx.add.s32.msk vm15, v19  }
.LBB2_15:
0x2fd: {  	v44 =	vld [tilespmem:s4+$0x30];
	s9 =	sadd.s32 $0x8, s9;
	v29 =	vand.u32 $0x7F, v29;
	v31 =	vand.u32 $0x7F, v31;
	v33 =	vand.u32 $0x7F, v33  }
0x2fe: {  	vm5 =	vlt.u32 v39, $0x100;
	v39 =	vor.u32 v43, v40;
	v32 =	vand.u32 $0x7F, v32;
	v45 =	vld [tilespmem:s4+$0xFFFFFFD0];
	p0 =	slt.u32 s9, $0x1F8  }
0x2ff: {  	vm6 =	vlt.u32 v28, $0x100;
	v35 =	vor.u32 v42, v35;
	vm4 =	vlt.u32 v27, $0x100;
	v40 =	vld [tilespmem:s4+$0xFFFFFFE0]  }
0x300: {  	v37 =	vor.u32 v41, v37;
	vm3 =	vlt.u32 v25, $0x100;
	v38 =	vor.u32 v29, v38;
	v27 =	vld [tilespmem:s4+$0xFFFFFFF0]  }
0x301: {  	vm2 =	vlt.u32 v23, $0x100;
	vm1 =	vlt.u32 v24, $0x100;
	v36 =	vor.u32 v31, v36;
	v25 =	vld [tilespmem:s4+$0x0]  }
0x302: {  	vm0 =	vlt.u32 v26, $0x100;
	v41 =	vor.u32 v33, v34;
	v24 =	vld [tilespmem:s4+$0x10];
	v23 =	vshra.s32 v44, $0xF  }
0x303: {  	v44 =	vor.u32 v32, v30;
	v42 =	vshra.s32 v45, $0xF;
	v26 =	vld [tilespmem:s4+$0x20];
	v28 =	vsub.s32 v23, v22  }
0x304: {  	v23 =	vand.u32 $0x7F, v23;
	v30 =	vld [tilespmem:s4+$0xFFFFFFC0];
	vm7 =	vlt.u32 v28, $0x100;
	v28 =	vand.u32 $0xFFFFFF80, v28  }
0x305: {  	v45 =	vshra.s32 v40, $0xF;
	v29 =	vshra.s32 v27, $0xF;
	v34 =	vor.u32 v23, v28;
	[tilespmem:v39+s16+$0x0] =	vst.idx.add.s32.msk vm5, v19  }
0x306: {  	v28 =	vsub.s32 v42, v22;
	v27 =	vsub.s32 v45, v22;
	v31 =	vshra.s32 v25, $0xF;
	[tilespmem:v35+s16+$0x0] =	vst.idx.add.s32.msk vm6, v19  }
0x307: {  	v25 =	vsub.s32 v29, v22;
	v23 =	vsub.s32 v31, v22;
	v33 =	vshra.s32 v24, $0xF;
	[tilespmem:v37+s16+$0x0] =	vst.idx.add.s32.msk vm4, v19  }
.Ltmp6:
0x308: {  	v35 =	vand.u32 $0xFFFFFF80, v28;
	v24 =	vsub.s32 v33, v22;
	v32 =	vshra.s32 v26, $0xF;
	[tilespmem:v38+s16+$0x0] =	vst.idx.add.s32.msk vm3, v19;
	(pc) =	sbr.rel @p0 .LBB2_15-.Ltmp6, $4  }
0x309: {  	v37 =	vand.u32 $0xFFFFFF80, v27;
	v43 =	vshra.s32 v30, $0xF;
	v26 =	vsub.s32 v32, v22;
	[tilespmem:v36+s16+$0x0] =	vst.idx.add.s32.msk vm2, v19  }
0x30a: {  	v38 =	vand.u32 $0xFFFFFF80, v25;
	v36 =	vand.u32 $0xFFFFFF80, v23;
	v39 =	vsub.s32 v43, v22;
	[tilespmem:v34+s16+$0x0] =	vst.idx.add.s32.msk vm7, v19  }
0x30b: {  	v34 =	vand.u32 $0xFFFFFF80, v24;
	v30 =	vand.u32 $0xFFFFFF80, v26;
	v40 =	vand.u32 $0xFFFFFF80, v39;
	[tilespmem:v41+s16+$0x0] =	vst.idx.add.s32.msk vm1, v19  }
0x30c: {  	s4 =	sadd.s32 $0x80, s4;
	v42 =	vand.u32 $0x7F, v42;
	v43 =	vand.u32 $0x7F, v43;
	v41 =	vand.u32 $0x7F, v45;
	[tilespmem:v44+s16+$0x0] =	vst.idx.add.s32.msk vm0, v19  }
0x30d: {  	vm0 =	vlt.u32 v39, $0x100  }
0x30e: {  	v22 =	vor.u32 v43, v40;
	vm1 =	vlt.u32 v28, $0x100  }
0x30f: {  	v28 =	vor.u32 v42, v35;
	vm2 =	vlt.u32 v27, $0x100  }
0x310: {  	v27 =	vand.u32 $0x7F, v29;
	v29 =	vor.u32 v41, v37;
	vm3 =	vlt.u32 v25, $0x100  }
0x311: {  	v25 =	vand.u32 $0x7F, v31;
	vm4 =	vlt.u32 v23, $0x100;
	v27 =	vor.u32 v27, v38  }
0x312: {  	v23 =	vand.u32 $0x7F, v33;
	vm5 =	vlt.u32 v24, $0x100;
	v25 =	vor.u32 v25, v36  }
0x313: {  	v24 =	vand.u32 $0x7F, v32;
	vm6 =	vlt.u32 v26, $0x100;
	v23 =	vor.u32 v23, v34;
	[tilespmem:v22+s16+$0x0] =	vst.idx.add.s32.msk vm0, v19  }
0x314: {  	v22 =	vor.u32 v24, v30;
	[tilespmem:v28+s16+$0x0] =	vst.idx.add.s32.msk vm1, v19  }
0x315: {  	[tilespmem:v29+s16+$0x0] =	vst.idx.add.s32.msk vm2, v19  }
0x316: {  	[tilespmem:v27+s16+$0x0] =	vst.idx.add.s32.msk vm3, v19  }
0x317: {  	[tilespmem:v25+s16+$0x0] =	vst.idx.add.s32.msk vm4, v19  }
0x318: {  	[tilespmem:v23+s16+$0x0] =	vst.idx.add.s32.msk vm5, v19  }
0x319: {  	[tilespmem:v22+s16+$0x0] =	vst.idx.add.s32.msk vm6, v19  }
0x31a: {  	v22 =	vld.idx.msk [tilespmem:v0+s16+$0x0], $0xffff  }
0x31b: {  	v23 =	vld.idx.msk [tilespmem:v2+s16+$0x0], $0xffff  }
0x31c: {  	v24 =	vld.idx.msk [tilespmem:v3+s16+$0x0], $0xffff  }
0x31d: {  	v25 =	vld.idx.msk [tilespmem:v4+s16+$0x0], $0xffff  }
0x31e: {  	v26 =	vld.idx.msk [tilespmem:v5+s16+$0x0], $0xffff  }
0x31f: {  	v27 =	vld.idx.msk [tilespmem:v6+s16+$0x0], $0xffff  }
0x320: {  	v22 =	vadd.s32 v22, v23;
	v23 =	vld.idx.msk [tilespmem:v7+s16+$0x0], $0xffff  }
0x321: {  	v22 =	vadd.s32 v24, v22;
	v24 =	vld.idx.msk [tilespmem:v8+s16+$0x0], $0xffff  }
0x322: {  	v22 =	vadd.s32 v25, v22;
	v25 =	vld.idx.msk [tilespmem:v9+s16+$0x0], $0xffff  }
0x323: {  	v22 =	vadd.s32 v26, v22;
	v26 =	vld.idx.msk [tilespmem:v10+s16+$0x0], $0xffff  }
0x324: {  	v22 =	vadd.s32 v27, v22;
	v27 =	vld.idx.msk [tilespmem:v11+s16+$0x0], $0xffff  }
0x325: {  	v22 =	vadd.s32 v23, v22;
	v23 =	vld.idx.msk [tilespmem:v12+s16+$0x0], $0xffff  }
0x326: {  	v22 =	vadd.s32 v24, v22;
	v24 =	vld.idx.msk [tilespmem:v13+s16+$0x0], $0xffff  }
0x327: {  	v22 =	vadd.s32 v25, v22;
	v25 =	vld.idx.msk [tilespmem:v14+s16+$0x0], $0xffff  }
0x328: {  	v22 =	vadd.s32 v26, v22;
	v26 =	vld.idx.msk [tilespmem:v15+s16+$0x0], $0xffff  }
0x329: {  	v22 =	vadd.s32 v27, v22;
	v27 =	vld.idx.msk [tilespmem:v16+s16+$0x0], $0xffff  }
0x32a: {  	v22 =	vadd.s32 v23, v22  }
0x32b: {  	v22 =	vadd.s32 v24, v22  }
0x32c: {  	v22 =	vadd.s32 v25, v22  }
0x32d: {  	v22 =	vadd.s32 v26, v22  }
0x32e: {  	v22 =	vadd.s32 v27, v22  }
0x32f: {  	v23 =	vperm.xlane v22, v17;
	_ =	sdelay $0x1  }
0x330: {  	(xrf0) =	vadd.scan.msk.s32 $0xffff, v23;
	_ =	sdelay $0x5  }
0x331: {  	v23, _, _ =	vpop (xrf0)  }
0x332: {  	s3 =	sshra.s32 s3, $0x4;
	v23 =	vperm.xlane v23, v17  }
0x333: {  	s3 =	sxor.u32 $0xF8000000, s3  }
0x334: {  	s0 =	ssub.s32 s0, s3;
	v22 =	vsub.s32 v23, v22  }
0x335: {  	vm12 =	vge.s32 v23, s0;
	vm11 =	vlt.s32 v22, s0;
	v22 =	vshll.u32 v22, $0x4  }
0x336: {  	vm0 =	vmand vm12, vm11;
	v22 =	vxor.u32 v18, v22  }
0x337: {  	v22 =	vnsel vm0, $0x7FFFFFFF, v22  }
0x338: {  	(xrf0) =	vmax.scan.msk.u32 $0xffff, v22;
	_ =	sdelay $0x5  }
0x339: {  	v22, _, _ =	vpop (xrf0)  }
0x33a: {  	(v2sf) =	vpush v22, $0xF;
	_ =	sdelay $0xe  }
0x33b: {  	s31 =	spop (v2sf)  }
0x33c: {  	s4 =	sshll.u32 s31, $0x4  }
0x33d: {  	s4 =	sand.u32 $0xF0, s4  }
0x33e: {  	v22 =	vld [tilespmem:s4+$0xA180];
	_ =	sdelay $0x4  }
0x33f: {  	v23 =	vperm.xlane v22, v17;
	_ =	sdelay $0x1  }
0x340: {  	(xrf0) =	vadd.scan.msk.s32 $0xffff, v23;
	_ =	sdelay $0x5  }
0x341: {  	v23, _, _ =	vpop (xrf0)  }
0x342: {  	s3 =	sshra.s32 s31, $0x4;
	v23 =	vperm.xlane v23, v17  }
0x343: {  	s3 =	sxor.u32 $0xF8000000, s3  }
0x344: {  	s0 =	ssub.s32 s0, s3;
	v22 =	vsub.s32 v23, v22  }
0x345: {  	vm14 =	vge.s32 v23, s0;
	vm13 =	vlt.s32 v22, s0;
	v22 =	vshll.u32 v22, $0x4  }
0x346: {  	vm0 =	vmand vm13, vm14;
	v22 =	vxor.u32 v18, v22  }
0x347: {  	v22 =	vnsel vm0, $0x7FFFFFFF, v22  }
0x348: {  	(xrf0) =	vmax.scan.msk.u32 $0xffff, v22;
	_ =	sdelay $0x5  }
0x349: {  	v22, _, _ =	vpop (xrf0)  }
0x34a: {  	(v2sf) =	vpush v22, $0xF;
	_ =	sdelay $0x8  }
0x34b: {  	s6 =	simm.s32 $0x8040  }
0x34c: {  	v30 =	vld [tilespmem:s6+$0x0]  }
0x34d: {  	v58 =	vld [tilespmem:s6+$0x10]  }
0x34e: {  	v60 =	vld [tilespmem:s6+$0x20]  }
0x34f: {  	v61 =	vld [tilespmem:s6+$0xFFFFFFC0]  }
0x350: {  	v24 =	vld [tilespmem:s6+$0xFFFFFFD0]  }
0x351: {  	v23 =	vld [tilespmem:s6+$0x30];
	s3 =	spop (v2sf)  }
0x352: {  	v25 =	vld [tilespmem:s6+$0xFFFFFFE0];
	s9 =	sand.u32 $0xF, s3  }
0x353: {  	s9 =	sor.u32 s30, s9  }
0x354: {  	v31 =	vshra.s32 v30, $0x7;
	v26 =	vld [tilespmem:s6+$0xFFFFFFF0];
	s4 =	sor.u32 s4, s9  }
0x355: {  	v33 =	vshra.s32 v58, $0x7;
	v32 =	vshra.s32 v60, $0x7;
	v63 =	vshra.s32 v61, $0x7;
	s30 =	sshll.u32 s4, $0x8  }
0x356: {  	v43 =	vand.u32 $0x7F, v63;
	v23 =	vshra.s32 v23, $0x7;
	v22 =	vmov s30  }
0x357: {  	v59 =	vshra.s32 v24, $0x7;
	v44 =	vshra.s32 v25, $0x7;
	v24 =	vsub.s32 v23, v22  }
0x358: {  	v23 =	vand.u32 $0x7F, v23;
	vm15 =	vlt.u32 v24, $0x100;
	v24 =	vand.u32 $0xFFFFFF80, v24  }
0x359: {  	v42 =	vand.u32 $0x7F, v59;
	v29 =	vshra.s32 v26, $0x7;
	v62 =	vor.u32 v23, v24  }
0x35a: {  	v41 =	vand.u32 $0x7F, v44;
	v28 =	vsub.s32 v59, v22;
	v27 =	vsub.s32 v44, v22  }
0x35b: {  	v25 =	vsub.s32 v29, v22;
	v26 =	vsub.s32 v32, v22;
	v39 =	vsub.s32 v63, v22  }
0x35c: {  	v35 =	vand.u32 $0xFFFFFF80, v28;
	v37 =	vand.u32 $0xFFFFFF80, v27;
	v38 =	vand.u32 $0xFFFFFF80, v25  }
0x35d: {  	v40 =	vand.u32 $0xFFFFFF80, v39;
	v23 =	vsub.s32 v31, v22;
	v24 =	vsub.s32 v33, v22  }
0x35e: {  	s9 =	simm.s32 $0x0;
	s4 =	simm.s32 $0x80C0;
	v30 =	vand.u32 $0xFFFFFF80, v26;
	v36 =	vand.u32 $0xFFFFFF80, v23;
	v34 =	vand.u32 $0xFFFFFF80, v24;
	[tilespmem:v62+s17+$0x0] =	vst.idx.add.s32.msk vm15, v19  }
.LBB2_17:
0x35f: {  	v44 =	vld [tilespmem:s4+$0x30];
	s9 =	sadd.s32 $0x8, s9;
	v29 =	vand.u32 $0x7F, v29;
	v31 =	vand.u32 $0x7F, v31;
	v33 =	vand.u32 $0x7F, v33  }
0x360: {  	vm5 =	vlt.u32 v39, $0x100;
	v39 =	vor.u32 v43, v40;
	v32 =	vand.u32 $0x7F, v32;
	v45 =	vld [tilespmem:s4+$0xFFFFFFD0];
	p0 =	slt.u32 s9, $0x1F8  }
0x361: {  	vm6 =	vlt.u32 v28, $0x100;
	v35 =	vor.u32 v42, v35;
	vm4 =	vlt.u32 v27, $0x100;
	v40 =	vld [tilespmem:s4+$0xFFFFFFE0]  }
0x362: {  	v37 =	vor.u32 v41, v37;
	vm3 =	vlt.u32 v25, $0x100;
	v38 =	vor.u32 v29, v38;
	v27 =	vld [tilespmem:s4+$0xFFFFFFF0]  }
0x363: {  	vm2 =	vlt.u32 v23, $0x100;
	vm1 =	vlt.u32 v24, $0x100;
	v36 =	vor.u32 v31, v36;
	v25 =	vld [tilespmem:s4+$0x0]  }
0x364: {  	vm0 =	vlt.u32 v26, $0x100;
	v41 =	vor.u32 v33, v34;
	v24 =	vld [tilespmem:s4+$0x10];
	v23 =	vshra.s32 v44, $0x7  }
0x365: {  	v44 =	vor.u32 v32, v30;
	v42 =	vshra.s32 v45, $0x7;
	v26 =	vld [tilespmem:s4+$0x20];
	v28 =	vsub.s32 v23, v22  }
0x366: {  	v23 =	vand.u32 $0x7F, v23;
	v30 =	vld [tilespmem:s4+$0xFFFFFFC0];
	vm7 =	vlt.u32 v28, $0x100;
	v28 =	vand.u32 $0xFFFFFF80, v28  }
0x367: {  	v45 =	vshra.s32 v40, $0x7;
	v29 =	vshra.s32 v27, $0x7;
	v34 =	vor.u32 v23, v28;
	[tilespmem:v39+s17+$0x0] =	vst.idx.add.s32.msk vm5, v19  }
0x368: {  	v28 =	vsub.s32 v42, v22;
	v27 =	vsub.s32 v45, v22;
	v31 =	vshra.s32 v25, $0x7;
	[tilespmem:v35+s17+$0x0] =	vst.idx.add.s32.msk vm6, v19  }
0x369: {  	v25 =	vsub.s32 v29, v22;
	v23 =	vsub.s32 v31, v22;
	v33 =	vshra.s32 v24, $0x7;
	[tilespmem:v37+s17+$0x0] =	vst.idx.add.s32.msk vm4, v19  }
.Ltmp7:
0x36a: {  	v35 =	vand.u32 $0xFFFFFF80, v28;
	v24 =	vsub.s32 v33, v22;
	v32 =	vshra.s32 v26, $0x7;
	[tilespmem:v38+s17+$0x0] =	vst.idx.add.s32.msk vm3, v19;
	(pc) =	sbr.rel @p0 .LBB2_17-.Ltmp7, $4  }
0x36b: {  	v37 =	vand.u32 $0xFFFFFF80, v27;
	v43 =	vshra.s32 v30, $0x7;
	v26 =	vsub.s32 v32, v22;
	[tilespmem:v36+s17+$0x0] =	vst.idx.add.s32.msk vm2, v19  }
0x36c: {  	v38 =	vand.u32 $0xFFFFFF80, v25;
	v36 =	vand.u32 $0xFFFFFF80, v23;
	v39 =	vsub.s32 v43, v22;
	[tilespmem:v34+s17+$0x0] =	vst.idx.add.s32.msk vm7, v19  }
0x36d: {  	v34 =	vand.u32 $0xFFFFFF80, v24;
	v30 =	vand.u32 $0xFFFFFF80, v26;
	v40 =	vand.u32 $0xFFFFFF80, v39;
	[tilespmem:v41+s17+$0x0] =	vst.idx.add.s32.msk vm1, v19  }
0x36e: {  	s4 =	sadd.s32 $0x80, s4;
	v42 =	vand.u32 $0x7F, v42;
	v43 =	vand.u32 $0x7F, v43;
	v41 =	vand.u32 $0x7F, v45;
	[tilespmem:v44+s17+$0x0] =	vst.idx.add.s32.msk vm0, v19  }
0x36f: {  	vm0 =	vlt.u32 v39, $0x100  }
0x370: {  	v22 =	vor.u32 v43, v40;
	vm1 =	vlt.u32 v28, $0x100  }
0x371: {  	v28 =	vor.u32 v42, v35;
	vm2 =	vlt.u32 v27, $0x100  }
0x372: {  	v27 =	vand.u32 $0x7F, v29;
	v29 =	vor.u32 v41, v37;
	vm3 =	vlt.u32 v25, $0x100  }
0x373: {  	v25 =	vand.u32 $0x7F, v31;
	vm4 =	vlt.u32 v23, $0x100;
	v27 =	vor.u32 v27, v38  }
0x374: {  	v23 =	vand.u32 $0x7F, v33;
	vm5 =	vlt.u32 v24, $0x100;
	v25 =	vor.u32 v25, v36  }
0x375: {  	v24 =	vand.u32 $0x7F, v32;
	vm6 =	vlt.u32 v26, $0x100;
	v23 =	vor.u32 v23, v34;
	[tilespmem:v22+s17+$0x0] =	vst.idx.add.s32.msk vm0, v19  }
0x376: {  	v22 =	vor.u32 v24, v30;
	[tilespmem:v28+s17+$0x0] =	vst.idx.add.s32.msk vm1, v19  }
0x377: {  	[tilespmem:v29+s17+$0x0] =	vst.idx.add.s32.msk vm2, v19  }
0x378: {  	[tilespmem:v27+s17+$0x0] =	vst.idx.add.s32.msk vm3, v19  }
0x379: {  	[tilespmem:v25+s17+$0x0] =	vst.idx.add.s32.msk vm4, v19  }
0x37a: {  	[tilespmem:v23+s17+$0x0] =	vst.idx.add.s32.msk vm5, v19  }
0x37b: {  	[tilespmem:v22+s17+$0x0] =	vst.idx.add.s32.msk vm6, v19  }
0x37c: {  	v22 =	vld.idx.msk [tilespmem:v0+s17+$0x0], $0xffff  }
0x37d: {  	v23 =	vld.idx.msk [tilespmem:v2+s17+$0x0], $0xffff  }
0x37e: {  	v24 =	vld.idx.msk [tilespmem:v3+s17+$0x0], $0xffff  }
0x37f: {  	v25 =	vld.idx.msk [tilespmem:v4+s17+$0x0], $0xffff  }
0x380: {  	v26 =	vld.idx.msk [tilespmem:v5+s17+$0x0], $0xffff  }
0x381: {  	v27 =	vld.idx.msk [tilespmem:v6+s17+$0x0], $0xffff  }
0x382: {  	v22 =	vadd.s32 v22, v23;
	v23 =	vld.idx.msk [tilespmem:v7+s17+$0x0], $0xffff  }
0x383: {  	v22 =	vadd.s32 v24, v22;
	v24 =	vld.idx.msk [tilespmem:v8+s17+$0x0], $0xffff  }
0x384: {  	v22 =	vadd.s32 v25, v22;
	v25 =	vld.idx.msk [tilespmem:v9+s17+$0x0], $0xffff  }
0x385: {  	v22 =	vadd.s32 v26, v22;
	v26 =	vld.idx.msk [tilespmem:v10+s17+$0x0], $0xffff  }
0x386: {  	v22 =	vadd.s32 v27, v22;
	v27 =	vld.idx.msk [tilespmem:v11+s17+$0x0], $0xffff  }
0x387: {  	v22 =	vadd.s32 v23, v22;
	v23 =	vld.idx.msk [tilespmem:v12+s17+$0x0], $0xffff  }
0x388: {  	v22 =	vadd.s32 v24, v22;
	v24 =	vld.idx.msk [tilespmem:v13+s17+$0x0], $0xffff  }
0x389: {  	v22 =	vadd.s32 v25, v22;
	v25 =	vld.idx.msk [tilespmem:v14+s17+$0x0], $0xffff  }
0x38a: {  	v22 =	vadd.s32 v26, v22;
	v26 =	vld.idx.msk [tilespmem:v15+s17+$0x0], $0xffff  }
0x38b: {  	v22 =	vadd.s32 v27, v22;
	v27 =	vld.idx.msk [tilespmem:v16+s17+$0x0], $0xffff  }
0x38c: {  	v22 =	vadd.s32 v23, v22  }
0x38d: {  	v22 =	vadd.s32 v24, v22  }
0x38e: {  	v22 =	vadd.s32 v25, v22  }
0x38f: {  	v22 =	vadd.s32 v26, v22  }
0x390: {  	v22 =	vadd.s32 v27, v22  }
0x391: {  	v23 =	vperm.xlane v22, v17;
	_ =	sdelay $0x1  }
0x392: {  	(xrf0) =	vadd.scan.msk.s32 $0xffff, v23;
	_ =	sdelay $0x5  }
0x393: {  	v23, _, _ =	vpop (xrf0)  }
0x394: {  	s3 =	sshra.s32 s3, $0x4;
	v23 =	vperm.xlane v23, v17  }
0x395: {  	s3 =	sxor.u32 $0xF8000000, s3  }
0x396: {  	s0 =	ssub.s32 s0, s3;
	v22 =	vsub.s32 v23, v22  }
0x397: {  	vm1 =	vge.s32 v23, s0;
	vm0 =	vlt.s32 v22, s0;
	v22 =	vshll.u32 v22, $0x4  }
0x398: {  	vm0 =	vmand vm1, vm0;
	v22 =	vxor.u32 v18, v22  }
0x399: {  	v22 =	vnsel vm0, $0x7FFFFFFF, v22  }
0x39a: {  	(xrf0) =	vmax.scan.msk.u32 $0xffff, v22;
	_ =	sdelay $0x5  }
0x39b: {  	v22, _, _ =	vpop (xrf0)  }
0x39c: {  	(v2sf) =	vpush v22, $0xF;
	_ =	sdelay $0xe  }
0x39d: {  	s31 =	spop (v2sf)  }
0x39e: {  	s4 =	sshll.u32 s31, $0x4  }
0x39f: {  	s4 =	sand.u32 $0xF0, s4  }
0x3a0: {  	v22 =	vld [tilespmem:s4+$0xA280];
	_ =	sdelay $0x4  }
0x3a1: {  	v23 =	vperm.xlane v22, v17;
	_ =	sdelay $0x1  }
0x3a2: {  	(xrf0) =	vadd.scan.msk.s32 $0xffff, v23;
	_ =	sdelay $0x5  }
0x3a3: {  	v23, _, _ =	vpop (xrf0)  }
0x3a4: {  	s3 =	sshra.s32 s31, $0x4;
	v23 =	vperm.xlane v23, v17  }
0x3a5: {  	s3 =	sxor.u32 $0xF8000000, s3  }
0x3a6: {  	s0 =	ssub.s32 s0, s3;
	v22 =	vsub.s32 v23, v22  }
0x3a7: {  	vm1 =	vge.s32 v23, s0;
	vm0 =	vlt.s32 v22, s0;
	v22 =	vshll.u32 v22, $0x4  }
0x3a8: {  	vm0 =	vmand vm0, vm1;
	v22 =	vxor.u32 v18, v22  }
0x3a9: {  	v22 =	vnsel vm0, $0x7FFFFFFF, v22  }
0x3aa: {  	(xrf0) =	vmax.scan.msk.u32 $0xffff, v22;
	_ =	sdelay $0x5  }
0x3ab: {  	v22, _, _ =	vpop (xrf0)  }
0x3ac: {  	(v2sf) =	vpush v22, $0xF;
	_ =	sdelay $0x8  }
0x3ad: {  	s6 =	simm.s32 $0x8040  }
0x3ae: {  	v30 =	vld [tilespmem:s6+$0xFFFFFFF0]  }
0x3af: {  	v54 =	vld [tilespmem:s6+$0x0]  }
0x3b0: {  	v55 =	vld [tilespmem:s6+$0x10]  }
0x3b1: {  	v57 =	vld [tilespmem:s6+$0x20]  }
0x3b2: {  	v25 =	vld [tilespmem:s6+$0xFFFFFFD0]  }
0x3b3: {  	v26 =	vld [tilespmem:s6+$0xFFFFFFE0];
	s3 =	spop (v2sf)  }
0x3b4: {  	v23 =	vld [tilespmem:s6+$0x30];
	s9 =	sand.u32 $0xF, s3  }
0x3b5: {  	s9 =	sor.u32 s30, s9  }
0x3b6: {  	s4 =	sor.u32 s4, s9  }
0x3b7: {  	v56 =	vld [tilespmem:s6+$0xFFFFFFC0];
	v35 =	vand.u32 $0x7F, v30;
	v38 =	vand.u32 $0x7F, v54;
	s30 =	sshll.u32 s4, $0x7  }
0x3b8: {  	v36 =	vand.u32 $0x7F, v55;
	v37 =	vand.u32 $0x7F, v57;
	v22 =	vmov s30  }
0x3b9: {  	v62 =	vand.u32 $0x7F, v25;
	v33 =	vand.u32 $0x7F, v26;
	v24 =	vsub.s32 v23, v22  }
0x3ba: {  	v23 =	vand.u32 $0x7F, v23;
	v58 =	vsub.s32 v25, v22;
	v59 =	vsub.s32 v26, v22  }
0x3bb: {  	v25 =	vsub.s32 v54, v22;
	vm1 =	vlt.u32 v24, $0x80;
	v24 =	vand.u32 $0xFFFFFF80, v24  }
0x3bc: {  	v29 =	vsub.s32 v55, v22;
	v44 =	vsub.s32 v56, v22;
	v60 =	vor.u32 v23, v24  }
0x3bd: {  	v31 =	vsub.s32 v57, v22;
	v26 =	vand.u32 $0x7F, v56;
	v61 =	vand.u32 $0xFFFFFF80, v58  }
0x3be: {  	v28 =	vand.u32 $0xFFFFFF80, v25;
	v63 =	vand.u32 $0xFFFFFF80, v44;
	v34 =	vand.u32 $0xFFFFFF80, v31  }
0x3bf: {  	vm0 =	vlt.u32 v44, $0x80;
	vm2 =	vlt.u32 v58, $0x80;
	v23 =	vand.u32 $0xFFFFFF80, v59  }
0x3c0: {  	v24 =	vsub.s32 v30, v22;
	v30 =	vand.u32 $0xFFFFFF80, v29;
	v26 =	vor.u32 v26, v63  }
0x3c1: {  	s9 =	simm.s32 $0x80C0;
	s4 =	simm.s32 $0x0;
	v32 =	vor.u32 v62, v61;
	v27 =	vand.u32 $0xFFFFFF80, v24;
	[tilespmem:v60+s18+$0x0] =	vst.idx.add.s32.msk vm1, v19;
	vm1 =	vlt.u32 v59, $0x80  }
.LBB2_19:
0x3c2: {  	v39 =	vld [tilespmem:s9+$0x30];
	s4 =	sadd.s32 $0x8, s4;
	v40 =	vor.u32 v33, v23;
	vm6 =	vlt.u32 v24, $0x80;
	v41 =	vor.u32 v35, v27  }
0x3c3: {  	vm5 =	vlt.u32 v25, $0x80;
	v42 =	vor.u32 v38, v28;
	vm4 =	vlt.u32 v29, $0x80;
	v27 =	vld [tilespmem:s9+$0xFFFFFFD0];
	p0 =	slt.u32 s4, $0x1F8  }
0x3c4: {  	v43 =	vor.u32 v36, v30;
	vm3 =	vlt.u32 v31, $0x80;
	v44 =	vor.u32 v37, v34;
	v28 =	vld [tilespmem:s9+$0xFFFFFFE0]  }
0x3c5: {  	v30 =	vld [tilespmem:s9+$0xFFFFFFF0]  }
0x3c6: {  	v36 =	vld [tilespmem:s9+$0x0]  }
0x3c7: {  	v37 =	vld [tilespmem:s9+$0x10];
	v23 =	vsub.s32 v39, v22  }
0x3c8: {  	v24 =	vand.u32 $0x7F, v39;
	v45 =	vld [tilespmem:s9+$0x20];
	vm7 =	vlt.u32 v23, $0x80;
	v23 =	vand.u32 $0xFFFFFF80, v23  }
0x3c9: {  	v39 =	vsub.s32 v27, v22;
	v34 =	vld [tilespmem:s9+$0xFFFFFFC0];
	v46 =	vsub.s32 v28, v22;
	v38 =	vor.u32 v24, v23  }
0x3ca: {  	v47 =	vand.u32 $0xFFFFFF80, v39;
	v23 =	vand.u32 $0xFFFFFF80, v46;
	v24 =	vsub.s32 v30, v22;
	[tilespmem:v26+s18+$0x0] =	vst.idx.add.s32.msk vm0, v19  }
0x3cb: {  	v48 =	vand.u32 $0x7F, v27;
	v27 =	vand.u32 $0xFFFFFF80, v24;
	v25 =	vsub.s32 v36, v22;
	[tilespmem:v32+s18+$0x0] =	vst.idx.add.s32.msk vm2, v19  }
0x3cc: {  	v33 =	vand.u32 $0x7F, v28;
	v28 =	vand.u32 $0xFFFFFF80, v25;
	v29 =	vsub.s32 v37, v22;
	[tilespmem:v40+s18+$0x0] =	vst.idx.add.s32.msk vm1, v19  }
.Ltmp8:
0x3cd: {  	v35 =	vand.u32 $0x7F, v30;
	v30 =	vand.u32 $0xFFFFFF80, v29;
	v31 =	vsub.s32 v45, v22;
	[tilespmem:v41+s18+$0x0] =	vst.idx.add.s32.msk vm6, v19;
	(pc) =	sbr.rel @p0 .LBB2_19-.Ltmp8, $4  }
0x3ce: {  	v26 =	vsub.s32 v34, v22;
	v32 =	vand.u32 $0x7F, v34;
	v34 =	vand.u32 $0xFFFFFF80, v31;
	[tilespmem:v38+s18+$0x0] =	vst.idx.add.s32.msk vm7, v19  }
0x3cf: {  	v38 =	vand.u32 $0x7F, v36;
	v36 =	vand.u32 $0x7F, v37;
	v40 =	vand.u32 $0xFFFFFF80, v26;
	[tilespmem:v42+s18+$0x0] =	vst.idx.add.s32.msk vm5, v19  }
0x3d0: {  	v37 =	vand.u32 $0x7F, v45;
	vm0 =	vlt.u32 v26, $0x80;
	v26 =	vor.u32 v32, v40;
	[tilespmem:v43+s18+$0x0] =	vst.idx.add.s32.msk vm4, v19  }
0x3d1: {  	s9 =	sadd.s32 $0x80, s9;
	vm2 =	vlt.u32 v39, $0x80;
	vm1 =	vlt.u32 v46, $0x80;
	v32 =	vor.u32 v48, v47;
	[tilespmem:v44+s18+$0x0] =	vst.idx.add.s32.msk vm3, v19  }
0x3d2: {  	_ =	sdelay $0x1  }
0x3d3: {  	v22 =	vor.u32 v33, v23;
	vm3 =	vlt.u32 v24, $0x80  }
0x3d4: {  	v23 =	vor.u32 v35, v27;
	vm4 =	vlt.u32 v25, $0x80  }
0x3d5: {  	v24 =	vor.u32 v38, v28;
	vm5 =	vlt.u32 v29, $0x80  }
0x3d6: {  	v25 =	vor.u32 v36, v30;
	vm6 =	vlt.u32 v31, $0x80;
	[tilespmem:v26+s18+$0x0] =	vst.idx.add.s32.msk vm0, v19  }
0x3d7: {  	v26 =	vor.u32 v37, v34;
	[tilespmem:v32+s18+$0x0] =	vst.idx.add.s32.msk vm2, v19  }
0x3d8: {  	[tilespmem:v22+s18+$0x0] =	vst.idx.add.s32.msk vm1, v19  }
0x3d9: {  	[tilespmem:v23+s18+$0x0] =	vst.idx.add.s32.msk vm3, v19  }
0x3da: {  	[tilespmem:v24+s18+$0x0] =	vst.idx.add.s32.msk vm4, v19  }
0x3db: {  	[tilespmem:v25+s18+$0x0] =	vst.idx.add.s32.msk vm5, v19  }
0x3dc: {  	[tilespmem:v26+s18+$0x0] =	vst.idx.add.s32.msk vm6, v19  }
0x3dd: {  	v22 =	vld.idx.msk [tilespmem:v0+s18+$0x0], $0xffff  }
0x3de: {  	v23 =	vld.idx.msk [tilespmem:v2+s18+$0x0], $0xffff  }
0x3df: {  	v24 =	vld.idx.msk [tilespmem:v3+s18+$0x0], $0xffff  }
0x3e0: {  	v25 =	vld.idx.msk [tilespmem:v4+s18+$0x0], $0xffff  }
0x3e1: {  	v26 =	vld.idx.msk [tilespmem:v5+s18+$0x0], $0xffff  }
0x3e2: {  	v27 =	vld.idx.msk [tilespmem:v6+s18+$0x0], $0xffff  }
0x3e3: {  	v22 =	vadd.s32 v22, v23;
	v23 =	vld.idx.msk [tilespmem:v7+s18+$0x0], $0xffff  }
0x3e4: {  	v22 =	vadd.s32 v24, v22;
	v24 =	vld.idx.msk [tilespmem:v8+s18+$0x0], $0xffff  }
0x3e5: {  	v22 =	vadd.s32 v25, v22;
	v25 =	vld.idx.msk [tilespmem:v9+s18+$0x0], $0xffff  }
0x3e6: {  	v22 =	vadd.s32 v26, v22;
	v26 =	vld.idx.msk [tilespmem:v10+s18+$0x0], $0xffff  }
0x3e7: {  	v22 =	vadd.s32 v27, v22;
	v27 =	vld.idx.msk [tilespmem:v11+s18+$0x0], $0xffff  }
0x3e8: {  	v22 =	vadd.s32 v23, v22;
	v23 =	vld.idx.msk [tilespmem:v12+s18+$0x0], $0xffff  }
0x3e9: {  	v22 =	vadd.s32 v24, v22;
	v24 =	vld.idx.msk [tilespmem:v13+s18+$0x0], $0xffff  }
0x3ea: {  	v22 =	vadd.s32 v25, v22;
	v25 =	vld.idx.msk [tilespmem:v14+s18+$0x0], $0xffff  }
0x3eb: {  	v22 =	vadd.s32 v26, v22;
	v26 =	vld.idx.msk [tilespmem:v15+s18+$0x0], $0xffff  }
0x3ec: {  	v22 =	vadd.s32 v27, v22;
	v27 =	vld.idx.msk [tilespmem:v16+s18+$0x0], $0xffff  }
0x3ed: {  	v22 =	vadd.s32 v23, v22  }
0x3ee: {  	v22 =	vadd.s32 v24, v22  }
0x3ef: {  	v22 =	vadd.s32 v25, v22  }
0x3f0: {  	v22 =	vadd.s32 v26, v22  }
0x3f1: {  	v22 =	vadd.s32 v27, v22  }
0x3f2: {  	v23 =	vperm.xlane v22, v17;
	_ =	sdelay $0x1  }
0x3f3: {  	(xrf0) =	vadd.scan.msk.s32 $0xffff, v23;
	_ =	sdelay $0x5  }
0x3f4: {  	v23, _, _ =	vpop (xrf0)  }
0x3f5: {  	s3 =	sshra.s32 s3, $0x4;
	v23 =	vperm.xlane v23, v17  }
0x3f6: {  	s3 =	sxor.u32 $0xF8000000, s3  }
0x3f7: {  	s0 =	ssub.s32 s0, s3;
	v22 =	vsub.s32 v23, v22  }
0x3f8: {  	vm1 =	vge.s32 v23, s0;
	vm0 =	vlt.s32 v22, s0;
	v22 =	vshll.u32 v22, $0x4  }
0x3f9: {  	vm0 =	vmand vm1, vm0;
	v22 =	vxor.u32 v18, v22  }
0x3fa: {  	v22 =	vnsel vm0, $0x7FFFFFFF, v22  }
0x3fb: {  	(xrf0) =	vmax.scan.msk.u32 $0xffff, v22;
	_ =	sdelay $0x5  }
0x3fc: {  	v22, _, _ =	vpop (xrf0)  }
0x3fd: {  	(v2sf) =	vpush v22, $0xF;
	_ =	sdelay $0xe  }
0x3fe: {  	s9 =	spop (v2sf)  }
0x3ff: {  	s4 =	sshll.u32 s9, $0x4  }
0x400: {  	s4 =	sand.u32 $0xF0, s4  }
0x401: {  	v22 =	vld [tilespmem:s4+$0xA380];
	_ =	sdelay $0x4  }
0x402: {  	v23 =	vperm.xlane v22, v17;
	_ =	sdelay $0x1  }
0x403: {  	(xrf0) =	vadd.scan.msk.s32 $0xffff, v23;
	_ =	sdelay $0x5  }
0x404: {  	v23, _, _ =	vpop (xrf0)  }
0x405: {  	s3 =	sshra.s32 s9, $0x4;
	v23 =	vperm.xlane v23, v17  }
0x406: {  	s3 =	sxor.u32 $0xF8000000, s3  }
0x407: {  	s0 =	ssub.s32 s0, s3;
	v22 =	vsub.s32 v23, v22  }
0x408: {  	vm1 =	vge.s32 v23, s0;
	vm0 =	vlt.s32 v22, s0;
	v22 =	vshll.u32 v22, $0x4  }
0x409: {  	vm0 =	vmand vm0, vm1;
	v22 =	vxor.u32 v18, v22  }
0x40a: {  	v22 =	vnsel vm0, $0x7FFFFFFF, v22  }
0x40b: {  	(xrf0) =	vmax.scan.msk.u32 $0xffff, v22;
	_ =	sdelay $0x5  }
0x40c: {  	v22, _, _ =	vpop (xrf0)  }
0x40d: {  	(v2sf) =	vpush v22, $0xF;
	_ =	sdelay $0xd  }
0x40e: {  	s6 =	simm.s32 $0x8040  }
0x40f: {  	v25 =	vld [tilespmem:s6+$0x30];
	s31 =	spop (v2sf)  }
0x410: {  	v27 =	vld [tilespmem:s6+$0xFFFFFFD0];
	s0 =	sand.u32 $0xF, s31  }
0x411: {  	v29 =	vld [tilespmem:s6+$0xFFFFFFE0];
	s0 =	sor.u32 s30, s0  }
0x412: {  	v26 =	vld [tilespmem:s6+$0xFFFFFFF0];
	s0 =	sor.u32 s4, s0  }
0x413: {  	v24 =	vld [tilespmem:s6+$0x0];
	v22 =	vmov s0  }
0x414: {  	v23 =	vld [tilespmem:s6+$0x10];
	vm0 =	vlt.s32 v25, v22  }
0x415: {  	s0 =	simm.s32 $0x6040;
	vm1 =	vlt.s32 v27, v22;
	v25 =	vld [tilespmem:s6+$0x20];
	v30 =	vsel vm0, $0x0, v20  }
0x416: {  	s3 =	simm.s32 $0x0;
	s4 =	simm.s32 $0x80C0;
	v27 =	vld [tilespmem:s6+$0xFFFFFFC0];
	v28 =	vsel vm1, $0x0, v20;
	vm0 =	vlt.s32 v29, v22;
	[tilespmem:s0+$0x30] =	vst v30  }
.LBB2_21:
0x417: {  	v29 =	vld [tilespmem:s4+$0x30];
	s3 =	sadd.s32 $0x8, s3;
	[tilespmem:s0+$0xFFFFFFD0] =	vst v28;
	v28 =	vsel vm0, $0x0, v20;
	vm0 =	vlt.s32 v26, v22  }
0x418: {  	v30 =	vld [tilespmem:s4+$0xFFFFFFD0];
	p0 =	slt.u32 s3, $0x1F8;
	[tilespmem:s0+$0xFFFFFFE0] =	vst v28;
	v26 =	vsel vm0, $0x0, v20;
	vm0 =	vlt.s32 v24, v22  }
0x419: {  	v31 =	vld [tilespmem:s4+$0xFFFFFFE0];
	[tilespmem:s0+$0xFFFFFFF0] =	vst v26;
	v24 =	vsel vm0, $0x0, v20;
	vm0 =	vlt.s32 v23, v22  }
.Ltmp9:
0x41a: {  	v26 =	vld [tilespmem:s4+$0xFFFFFFF0];
	[tilespmem:s0+$0x0] =	vst v24;
	v23 =	vsel vm0, $0x0, v20;
	vm0 =	vlt.s32 v25, v22;
	(pc) =	sbr.rel @p0 .LBB2_21-.Ltmp9, $4  }
0x41b: {  	v24 =	vld [tilespmem:s4+$0x0];
	vm1 =	vlt.s32 v27, v22;
	[tilespmem:s0+$0x10] =	vst v23;
	v25 =	vsel vm0, $0x0, v20  }
0x41c: {  	v23 =	vld [tilespmem:s4+$0x10];
	vm0 =	vlt.s32 v29, v22;
	v27 =	vsel vm1, $0x0, v20;
	[tilespmem:s0+$0x20] =	vst v25  }
0x41d: {  	vm1 =	vlt.s32 v30, v22;
	v25 =	vld [tilespmem:s4+$0x20];
	v29 =	vsel vm0, $0x0, v20;
	[tilespmem:s0+$0xFFFFFFC0] =	vst v27;
	s0 =	sadd.s32 $0x80, s0  }
0x41e: {  	v27 =	vld [tilespmem:s4+$0xFFFFFFC0];
	v28 =	vsel vm1, $0x0, v20;
	vm0 =	vlt.s32 v31, v22;
	[tilespmem:s0+$0x30] =	vst v29;
	s4 =	sadd.s32 $0x80, s4  }
0x41f: {  	[tilespmem:s0+$0xFFFFFFD0] =	vst v28;
	v63 =	vsel vm0, $0x0, v20;
	vm12 =	vlt.s32 v26, v22  }
0x420: {  	s26 =	sadd.s32 $0x1, s26;
	[tilespmem:s0+$0xFFFFFFE0] =	vst v63;
	v26 =	vsel vm12, $0x0, v20;
	vm13 =	vlt.s32 v24, v22  }
0x421: {  	p0 =	sne.s32 s26, $0x40;
	[tilespmem:s0+$0xFFFFFFF0] =	vst v26;
	v24 =	vsel vm13, $0x0, v20;
	vm14 =	vlt.s32 v23, v22  }
.Ltmp10:
0x422: {  	[tilespmem:s0+$0x0] =	vst v24;
	v23 =	vsel vm14, $0x0, v20;
	vm15 =	vlt.s32 v25, v22;
	(pc) =	sbr.rel @p0 .LBB2_2-.Ltmp10, $4  }
0x423: {  	vm1 =	vlt.s32 v27, v22;
	[tilespmem:s0+$0x10] =	vst v23;
	v22 =	vsel vm15, $0x0, v20  }
0x424: {  	s3 =	sadd.s32 s2, s29;
	v23 =	vsel vm1, $0x0, v20;
	[tilespmem:s0+$0x20] =	vst v22  }
0x425: {  	s31 =	sadd.s32 s28, s3;
	[tilespmem:s0+$0xFFFFFFC0] =	vst v23  }
0x426: {  	[hbm4b:s31+s11] =	stream.strided.scatter [tilespmem:s21], [sflag:$0x4], $0x2000, s12, s11, $0x38;
	[tilespmem:$0xA480] =	vst v63  }
0x427: {  	s24 =	sadd.s32 $0x1, s24  }
0x428: {  	_ =	swait.ge [sflag:s22], $0x2000;
	p0 =	sne.s32 s24, s8  }
.Ltmp11:
0x429: {  	[sflag:s22] =	ssyncset.done $0x0;
	(pc) =	sbr.rel @p0 .LBB2_1-.Ltmp11, $4  }
0x42a: {  	[sflag:s22] =	ssyncadd.s32 $0xFFFFE000  }
0x42b: {  	_ =	swait.ge [sflag:s23], $0x2000  }
0x42c: {  	[sflag:s23] =	ssyncset.done $0x0  }
0x42d: {  	[sflag:s23] =	ssyncadd.s32 $0xFFFFE000  }
0x42e: {  	_ =	sfence.sel $0x180000  }
0x42f: {  	[bflag:$0x0] =	sbarrier.arrive $0xFFFF  }
0x430: {  	_ =	strace $0x90000047  }
0x431: {  	s0 =	stileid.u32;
	[bflag:$0x2] =	sbarrier.arrive $0xFFFF  }
0x432: {  	p0 =	sne.s32 s0, $0x0;
	s0 =	rddreg [dreg:$0x3]  }
0x433: {  	s0 =	sadd.s32 @!p0 $0x100000, s0  }
0x434: {  	[sflag:s0] =	ssyncadd.tile.s32 @!p0 $0x1;
	_ =	shalt  }
.Lfunc_end2:
_tile_overlayer_lowered:
.L_overlay_start_2:
0x435: {  	(tag) =	ssettag $0x2  }
0x436: {  	s0 =	rddreg [dreg:$0x0];
	s2 =	stileid.u32  }
0x437: {  	s1 =	rddreg [dreg:$0x1];
	p0 =	sne.s32 s2, $0x0  }
0x438: {  	s3 =	rddreg [dreg:$0x2];
	[bflag:$0x3] =	sbarrier.arrive $0xFFFF;
	s2 =	simm.s32 @!p0 $0x1C05  }
0x439: {  	[timem:s3], [sflag:s2] =	dma.local @!p0 [hbm:s0], s1  }
0x43a: {  	s0 =	simm.s32 @!p0 $0x5  }
0x43b: {  	_ =	swait.ge @!p0 [sflag:s0], s1  }
0x43c: {  	s1 =	ssub.s32 @!p0 $0x0, s1;
	[sflag:s0] =	ssyncset.done @!p0 $0x0  }
0x43d: {  	[sflag:s0] =	ssyncadd.s32 @!p0 s1  }
0x43e: {  	[bflag:$0x3] =	sbarrier.arrive $0xFFFF  }
0x43f: {  	_ =	shalt  }

</sc_bundles>
